<compile_context>
chip_gen: v7x
topology: tpu7x:2x2x1
jax: 0.10.2.dev20260603
libtpu: 0.0.44.dev20260713+nightly
codegen_flags: <defaults>
</compile_context>

<pallas_src>
import functools

import jax
import jax.numpy as jnp
from jax import lax
from jax.experimental import pallas as pl
from jax.experimental.pallas import tpu as pltpu
from jax.experimental.pallas import tpu_sc as plsc

_N = 10000
_E = 320000
_D = 128
_DH = _D // 2
_CL = 16
_NC = 2
_NS = 16
_CHUNK = 128
_CH = 157
_EPT = _CH * _CHUNK
_N_PAD = 10240
_ZROWS = 128
_RPT = _N_PAD // _NS

_sc_mesh = plsc.VectorSubcoreMesh(core_axis_name="c", subcore_axis_name="s")


@functools.partial(
    pl.kernel,
    out_type=[
        jax.ShapeDtypeStruct((_NC, _N_PAD, _DH), jnp.float32),
        jax.ShapeDtypeStruct((_NC, _N_PAD, _CL), jnp.float32),
    ],
    mesh=_sc_mesh,
    scratch_types=[
        pltpu.VMEM((_CH, _CHUNK), jnp.int32),
        pltpu.VMEM((_CH, _CHUNK), jnp.int32),
        pltpu.VMEM((_CHUNK, _DH), jnp.float32),
        pltpu.VMEM((_ZROWS, _DH), jnp.float32),
        pltpu.VMEM((_CHUNK, _CL), jnp.float32),
        pltpu.VMEM((_ZROWS, _CL), jnp.float32),
        pltpu.VMEM_SHARED((_N_PAD, _DH), jnp.float32),
        pltpu.VMEM_SHARED((_N_PAD, _CL), jnp.float32),
        pltpu.SemaphoreType.DMA,
    ],
    compiler_params=pltpu.CompilerParams(use_tc_tiling_on_sc=False),
)
def _sc_segment_sums(feat, srcr, dstr, out_sum, out_cnt,
                     idx_s, idx_d, rows, zbuf, ones, zbuf_c,
                     accum, cacc, sem):
    cid = lax.axis_index("c")
    sid = lax.axis_index("s")

    def init_row(i, c):
        for j in range(_DH // 16):
            zbuf[i, pl.ds(j * 16, 16)] = jnp.zeros((16,), jnp.float32)
        zbuf_c[i, :] = jnp.zeros((16,), jnp.float32)
        ones[i, :] = jnp.ones((16,), jnp.float32)
        return c

    lax.fori_loop(0, _ZROWS, init_row, 0)

    base = sid * _RPT
    for k in range(_RPT // _ZROWS):
        pltpu.sync_copy(zbuf, accum.at[pl.ds(base + k * _ZROWS, _ZROWS)])
        pltpu.sync_copy(zbuf_c, cacc.at[pl.ds(base + k * _ZROWS, _ZROWS)])
    plsc.subcore_barrier()

    pltpu.sync_copy(srcr.at[sid], idx_s)
    pltpu.sync_copy(dstr.at[sid], idx_d)

    def remap_row(j, c):
        for l in range(_CHUNK // 16):
            v = idx_s[j, pl.ds(l * 16, 16)]
            idx_s[j, pl.ds(l * 16, 16)] = v * 2 + cid
        return c

    lax.fori_loop(0, _CH, remap_row, 0)

    def edge_chunk(j, c):
        pltpu.async_copy(feat.at[idx_s.at[j]], rows, sem).wait()
        pltpu.sync_copy(rows, accum.at[idx_d.at[j]], add=True)

        @pl.when(cid == lax.rem(j, 2))
        def _():
            pltpu.sync_copy(ones, cacc.at[idx_d.at[j]], add=True)

        return c

    lax.fori_loop(0, _CH, edge_chunk, 0)
    plsc.subcore_barrier()

    pltpu.sync_copy(accum.at[pl.ds(base, _RPT)],
                    out_sum.at[cid, pl.ds(base, _RPT)])
    pltpu.sync_copy(cacc.at[pl.ds(base, _RPT)],
                    out_cnt.at[cid, pl.ds(base, _RPT)])


def _segment_sums(feat, edges):
    pad = _NS * _EPT - _E
    src = jnp.concatenate([edges[0], jnp.zeros((pad,), jnp.int32)])
    dst = jnp.concatenate([edges[1], jnp.full((pad,), _N, jnp.int32)])
    src = src.reshape(_NS, _CH, _CHUNK)
    dst = dst.reshape(_NS, _CH, _CHUNK)
    return _sc_segment_sums(feat.reshape(2 * _N, _DH), src, dst)


def _tc_layer1(x, hbar2, sh, ch, sd, cd, w, b, bn):
    grid = (_N // bn,)

    def body(x_ref, hb2_ref, sh_ref, ch_ref, sd_ref, cd_ref, w_ref, b_ref,
             h_ref, d2_ref):
        cnt_h = jnp.maximum(ch_ref[0, :, :1] + ch_ref[1, :, :1], 1.0)
        cnt_d = jnp.maximum(cd_ref[0, :, :1] + cd_ref[1, :, :1], 1.0)
        sh = jnp.concatenate([sh_ref[0], sh_ref[1]], axis=1)
        sd = jnp.concatenate([sd_ref[0], sd_ref[1]], axis=1)
        hn = sh / cnt_h + sd / cnt_d
        z = jnp.concatenate([x_ref[...], hn], axis=1)
        h = jnp.dot(z, w_ref[...], preferred_element_type=jnp.float32)
        h = jnp.maximum(h + b_ref[...], 0.0)
        h_ref[...] = h
        d2_ref[...] = h - hb2_ref[...]

    row = lambda i: (i, 0)
    half = lambda i: (0, i, 0)
    fixed = lambda i: (0, 0)
    return pl.pallas_call(
        body,
        grid=grid,
        in_specs=[
            pl.BlockSpec((bn, _D), row),
            pl.BlockSpec((bn, _D), row),
            pl.BlockSpec((_NC, bn, _DH), half),
            pl.BlockSpec((_NC, bn, _CL), half),
            pl.BlockSpec((_NC, bn, _DH), half),
            pl.BlockSpec((_NC, bn, _CL), half),
            pl.BlockSpec((2 * _D, _D), fixed),
            pl.BlockSpec((1, _D), fixed),
        ],
        out_specs=[
            pl.BlockSpec((bn, _D), row),
            pl.BlockSpec((bn, _D), row),
        ],
        out_shape=[
            jax.ShapeDtypeStruct((_N, _D), jnp.float32),
            jax.ShapeDtypeStruct((_N, _D), jnp.float32),
        ],
    )(x, hbar2, sh, ch, sd, cd, w, b)


def _tc_layer2(h, sh, ch, sd, cd, w, b, bn, d_out):
    grid = (_N // bn,)

    def body(h_ref, sh_ref, ch_ref, sd_ref, cd_ref, w_ref, b_ref, o_ref):
        cnt_h = jnp.maximum(ch_ref[0, :, :1] + ch_ref[1, :, :1], 1.0)
        cnt_d = jnp.maximum(cd_ref[0, :, :1] + cd_ref[1, :, :1], 1.0)
        sh = jnp.concatenate([sh_ref[0], sh_ref[1]], axis=1)
        sd = jnp.concatenate([sd_ref[0], sd_ref[1]], axis=1)
        hn = sh / cnt_h + sd / cnt_d
        z = jnp.concatenate([h_ref[...], hn], axis=1)
        o = jnp.dot(z, w_ref[...], preferred_element_type=jnp.float32)
        o_ref[...] = jnp.maximum(o + b_ref[...], 0.0)

    row = lambda i: (i, 0)
    half = lambda i: (0, i, 0)
    fixed = lambda i: (0, 0)
    return pl.pallas_call(
        body,
        grid=grid,
        in_specs=[
            pl.BlockSpec((bn, _D), row),
            pl.BlockSpec((_NC, bn, _DH), half),
            pl.BlockSpec((_NC, bn, _CL), half),
            pl.BlockSpec((_NC, bn, _DH), half),
            pl.BlockSpec((_NC, bn, _CL), half),
            pl.BlockSpec((2 * _D, d_out), fixed),
            pl.BlockSpec((1, d_out), fixed),
        ],
        out_specs=pl.BlockSpec((bn, d_out), row),
        out_shape=jax.ShapeDtypeStruct((_N, d_out), jnp.float32),
    )(h, sh, ch, sd, cd, w, b)


def kernel(x, hbar1, hbar2, edge_hist_1, edge_samp_1, edge_hist_2,
           edge_samp_2, W1, b1, W2, b2):
    sh1, ch1 = _segment_sums(hbar1, edge_hist_1)
    sd1, cd1 = _segment_sums(x - hbar1, edge_samp_1)
    sh2, ch2 = _segment_sums(hbar2, edge_hist_2)
    h, d2 = _tc_layer1(x, hbar2, sh1, ch1, sd1, cd1,
                       W1, b1.reshape(1, -1), bn=2000)
    sd2, cd2 = _segment_sums(d2, edge_samp_2)
    return _tc_layer2(h, sh2, ch2, sd2, cd2,
                      W2, b2.reshape(1, -1), bn=2000, d_out=64)

# --- scband reference (transcript-rebuilt; emitter-appended) ---
"""Pipeline reference for scband-sage-86285892977010 (READ-ONLY COPY).

The authoritative reference and input builder live on the scoring server;
editing this copy changes nothing except your own understanding.
"""

import jax, jax.numpy as jnp
import numpy as np

N = 10000
E = 320000
D_IN = 128
D_HID = 128
D_OUT = 64


def setup_inputs(seed: int = 0) -> dict:
    key = jax.random.key(seed)
    ks = jax.random.split(key, 12)
    x = jax.random.normal(ks[0], (N, D_IN), dtype=jnp.float32)
    hbar1 = jax.random.normal(ks[1], (N, D_IN), dtype=jnp.float32)
    hbar2 = jax.random.normal(ks[2], (N, D_HID), dtype=jnp.float32)
    edge_hist_1 = jax.random.randint(ks[3], (2, E), 0, N, dtype=jnp.int32)
    edge_samp_1 = jax.random.randint(ks[4], (2, E), 0, N, dtype=jnp.int32)
    edge_hist_2 = jax.random.randint(ks[5], (2, E), 0, N, dtype=jnp.int32)
    edge_samp_2 = jax.random.randint(ks[6], (2, E), 0, N, dtype=jnp.int32)
    # Learned params: layer l is Linear(in*2, out); store as [2*in, out] + bias
    W1 = jax.random.normal(ks[7], (2 * D_IN, D_HID), dtype=jnp.float32) * 0.05
    b1 = jnp.zeros((D_HID,), dtype=jnp.float32)
    W2 = jax.random.normal(ks[8], (2 * D_HID, D_OUT), dtype=jnp.float32) * 0.05
    b2 = jnp.zeros((D_OUT,), dtype=jnp.float32)
    return {
        "x": x, "hbar1": hbar1, "hbar2": hbar2,
        "edge_hist_1": edge_hist_1, "edge_samp_1": edge_samp_1,
        "edge_hist_2": edge_hist_2, "edge_samp_2": edge_samp_2,
        "W1": W1, "b1": b1, "W2": W2, "b2": b2,
    }


def _mean_agg(feat, src, dst, n):
    # copy_u -> mean aggregation: gather source features, scatter-add by dst, divide by in-degree
    msg = jnp.take(feat, src, axis=0)
    s = jax.ops.segment_sum(msg, dst, num_segments=n)
    cnt = jax.ops.segment_sum(jnp.ones((dst.shape[0],), dtype=feat.dtype), dst, num_segments=n)
    return s / jnp.maximum(cnt, 1.0)[:, None]


def _sage_cv_layer(h, hbar, edge_hist, edge_samp, W, b, n):
    # history etype: mean of hbar over history edges
    hbar_new = _mean_agg(hbar, edge_hist[0], edge_hist[1], n)
    # sampled etype: mean of (h - hbar) over sampled edges
    hdelta_new = _mean_agg(h - hbar, edge_samp[0], edge_samp[1], n)
    h_neigh = hbar_new + hdelta_new
    return jax.nn.relu(jnp.concatenate([h, h_neigh], axis=1) @ W + b)


def reference(x, hbar1, hbar2, edge_hist_1, edge_samp_1, edge_hist_2, edge_samp_2, W1, b1, W2, b2):
    h = _sage_cv_layer(x, hbar1, edge_hist_1, edge_samp_1, W1, b1, N)
    h = _sage_cv_layer(h, hbar2, edge_hist_2, edge_samp_2, W2, b2, N)
    return h

if __name__ == "__main__":
    import jax
    _d = setup_inputs()
    print(jax.jit(kernel)(*tuple(_d.values())))

</pallas_src>

<mosaic_0001>
#map = affine_map<(d0, d1) -> (0, 0)>
#map1 = affine_map<(d0, d1) -> (0, 0, 0)>
module attributes {stable_mosaic.version = 14 : i64} {
  func.func @_sc_segment_sums(%arg0: i32, %arg1: i32, %arg2: memref<20000x64xf32, #tpu.memory_space<hbm>>, %arg3: memref<16x157x128xi32, #tpu.memory_space<hbm>>, %arg4: memref<16x157x128xi32, #tpu.memory_space<hbm>>, %arg5: memref<2x10240x64xf32, #tpu.memory_space<hbm>>, %arg6: memref<2x10240x16xf32, #tpu.memory_space<hbm>>, %arg7: memref<157x128xi32, #tpu.memory_space<vmem>>, %arg8: memref<157x128xi32, #tpu.memory_space<vmem>>, %arg9: memref<128x64xf32, #tpu.memory_space<vmem>>, %arg10: memref<128x64xf32, #tpu.memory_space<vmem>>, %arg11: memref<128x16xf32, #tpu.memory_space<vmem>>, %arg12: memref<128x16xf32, #tpu.memory_space<vmem>>, %arg13: memref<10240x64xf32, #tpu.memory_space<vmem_shared>>, %arg14: memref<10240x16xf32, #tpu.memory_space<vmem_shared>>, %arg15: memref<!tpu.dma_semaphore, #tpu.memory_space<semaphore_mem>>) attributes {dimension_semantics = [#tpu.dimension_semantics<core_parallel>, #tpu.dimension_semantics<subcore_parallel>], iteration_bounds = array<i64: 2, 16>, scalar_prefetch = 0 : i64, scratch_operands = 9 : i64, tpu.core_type = #tpu.core_type<sc_vector_subcore>, window_params = [{transform_indices = #map}, {transform_indices = #map1}, {transform_indices = #map1}, {transform_indices = #map1}, {transform_indices = #map1}]} {
    %scan3A = arith.constant 0 : i32
    %scan3A_0 = arith.constant 0 : i32
    %scan3A_1 = arith.constant 128 : i32
    %scan3A_2 = arith.addi %scan3A_0, %scan3A_1 : i32
    %scan3A_3 = arith.constant 1 : i32
    scf.for %scan3A_38 = %scan3A_0 to %scan3A_2 step %scan3A_3  : i32 {
      %broadcast_in_dim3A = arith.constant 0.000000e+00 : f32
      %broadcast_in_dim3A_39 = vector.broadcast %broadcast_in_dim3A : f32 to vector<16xf32>
      %swap3A = arith.index_cast %scan3A_38 : i32 to index
      %swap3A_40 = arith.constant 0 : index
      %swap3A_41 = tpu.vector_load %arg10[%swap3A, %swap3A_40] {strides = array<i32>} : memref<128x64xf32, #tpu.memory_space<vmem>>, vector<1x16xf32>,
      %swap3A_42 = vector.shape_cast %swap3A_41 : vector<1x16xf32> to vector<16xf32>
      %swap3A_43 = vector.shape_cast %broadcast_in_dim3A_39 : vector<16xf32> to vector<1x16xf32>
      tpu.vector_store %arg10[%swap3A, %swap3A_40], %swap3A_43 {strides = array<i32>} : memref<128x64xf32, #tpu.memory_space<vmem>>, vector<1x16xf32>,
      %broadcast_in_dim3A_44 = arith.constant 0.000000e+00 : f32
      %broadcast_in_dim3A_45 = vector.broadcast %broadcast_in_dim3A_44 : f32 to vector<16xf32>
      %swap3A_46 = arith.index_cast %scan3A_38 : i32 to index
      %swap3A_47 = arith.constant 16 : index
      %swap3A_48 = tpu.vector_load %arg10[%swap3A_46, %swap3A_47] {strides = array<i32>} : memref<128x64xf32, #tpu.memory_space<vmem>>, vector<1x16xf32>,
      %swap3A_49 = vector.shape_cast %swap3A_48 : vector<1x16xf32> to vector<16xf32>
      %swap3A_50 = vector.shape_cast %broadcast_in_dim3A_45 : vector<16xf32> to vector<1x16xf32>
      tpu.vector_store %arg10[%swap3A_46, %swap3A_47], %swap3A_50 {strides = array<i32>} : memref<128x64xf32, #tpu.memory_space<vmem>>, vector<1x16xf32>,
      %broadcast_in_dim3A_51 = arith.constant 0.000000e+00 : f32
      %broadcast_in_dim3A_52 = vector.broadcast %broadcast_in_dim3A_51 : f32 to vector<16xf32>
      %swap3A_53 = arith.index_cast %scan3A_38 : i32 to index
      %swap3A_54 = arith.constant 32 : index
      %swap3A_55 = tpu.vector_load %arg10[%swap3A_53, %swap3A_54] {strides = array<i32>} : memref<128x64xf32, #tpu.memory_space<vmem>>, vector<1x16xf32>,
      %swap3A_56 = vector.shape_cast %swap3A_55 : vector<1x16xf32> to vector<16xf32>
      %swap3A_57 = vector.shape_cast %broadcast_in_dim3A_52 : vector<16xf32> to vector<1x16xf32>
      tpu.vector_store %arg10[%swap3A_53, %swap3A_54], %swap3A_57 {strides = array<i32>} : memref<128x64xf32, #tpu.memory_space<vmem>>, vector<1x16xf32>,
      %broadcast_in_dim3A_58 = arith.constant 0.000000e+00 : f32
      %broadcast_in_dim3A_59 = vector.broadcast %broadcast_in_dim3A_58 : f32 to vector<16xf32>
      %swap3A_60 = arith.index_cast %scan3A_38 : i32 to index
      %swap3A_61 = arith.constant 48 : index
      %swap3A_62 = tpu.vector_load %arg10[%swap3A_60, %swap3A_61] {strides = array<i32>} : memref<128x64xf32, #tpu.memory_space<vmem>>, vector<1x16xf32>,
      %swap3A_63 = vector.shape_cast %swap3A_62 : vector<1x16xf32> to vector<16xf32>
      %swap3A_64 = vector.shape_cast %broadcast_in_dim3A_59 : vector<16xf32> to vector<1x16xf32>
      tpu.vector_store %arg10[%swap3A_60, %swap3A_61], %swap3A_64 {strides = array<i32>} : memref<128x64xf32, #tpu.memory_space<vmem>>, vector<1x16xf32>,
      %broadcast_in_dim3A_65 = arith.constant 0.000000e+00 : f32
      %broadcast_in_dim3A_66 = vector.broadcast %broadcast_in_dim3A_65 : f32 to vector<16xf32>
      %swap3A_67 = arith.index_cast %scan3A_38 : i32 to index
      %swap3A_68 = arith.constant 0 : index
      %swap3A_69 = tpu.vector_load %arg12[%swap3A_67, %swap3A_68] {strides = array<i32>} : memref<128x16xf32, #tpu.memory_space<vmem>>, vector<1x16xf32>,
      %swap3A_70 = vector.shape_cast %swap3A_69 : vector<1x16xf32> to vector<16xf32>
      %swap3A_71 = vector.shape_cast %broadcast_in_dim3A_66 : vector<16xf32> to vector<1x16xf32>
      tpu.vector_store %arg12[%swap3A_67, %swap3A_68], %swap3A_71 {strides = array<i32>} : memref<128x16xf32, #tpu.memory_space<vmem>>, vector<1x16xf32>,
      %broadcast_in_dim3A_72 = arith.constant 1.000000e+00 : f32
      %broadcast_in_dim3A_73 = vector.broadcast %broadcast_in_dim3A_72 : f32 to vector<16xf32>
      %swap3A_74 = arith.index_cast %scan3A_38 : i32 to index
      %swap3A_75 = arith.constant 0 : index
      %swap3A_76 = tpu.vector_load %arg11[%swap3A_74, %swap3A_75] {strides = array<i32>} : memref<128x16xf32, #tpu.memory_space<vmem>>, vector<1x16xf32>,
      %swap3A_77 = vector.shape_cast %swap3A_76 : vector<1x16xf32> to vector<16xf32>
      %swap3A_78 = vector.shape_cast %broadcast_in_dim3A_73 : vector<16xf32> to vector<1x16xf32>
      tpu.vector_store %arg11[%swap3A_74, %swap3A_75], %swap3A_78 {strides = array<i32>} : memref<128x16xf32, #tpu.memory_space<vmem>>, vector<1x16xf32>,
    }
    %scan3A_4 = arith.constant 128 : i32
    %mul3A = arith.constant 640 : i32
    %mul3A_5 = arith.muli %arg1, %mul3A : i32
    %add3A = arith.constant 0 : i32
    %add3A_6 = arith.addi %mul3A_5, %add3A : i32
    "tpu.region"() ({
      %run_scoped3A = tpu.sem_alloc : memref<!tpu.dma_semaphore, #tpu.memory_space<semaphore_mem>>
      %dma_start3A = arith.constant 0 : i32
      %dma_start3A_38 = tpu.memref_slice %arg13[%add3A_6, %dma_start3A] : memref<10240x64xf32, #tpu.memory_space<vmem_shared>> -> memref<128x64xf32, #tpu.memory_space<vmem_shared>>
      %dma_start3A_39 = arith.constant 0 : i32
      %dma_start3A_40 = tpu.memref_slice %arg13[%add3A_6, %dma_start3A_39] : memref<10240x64xf32, #tpu.memory_space<vmem_shared>> -> memref<128x64xf32, #tpu.memory_space<vmem_shared>>
      tpu.enqueue_dma source(%arg10 : memref<128x64xf32, #tpu.memory_space<vmem>>) target(%dma_start3A_40 : memref<128x64xf32, #tpu.memory_space<vmem_shared>>) target_semaphore(%run_scoped3A : memref<!tpu.dma_semaphore, #tpu.memory_space<semaphore_mem>>)
      %dma_wait3A = arith.constant 0 : i32
      %dma_wait3A_41 = tpu.memref_slice %arg13[%add3A_6, %dma_wait3A] : memref<10240x64xf32, #tpu.memory_space<vmem_shared>> -> memref<128x64xf32, #tpu.memory_space<vmem_shared>>
      %dma_wait3A_42 = arith.constant 0 : i32
      %dma_wait3A_43 = tpu.memref_slice %arg13[%add3A_6, %dma_wait3A_42] : memref<10240x64xf32, #tpu.memory_space<vmem_shared>> -> memref<128x64xf32, #tpu.memory_space<vmem_shared>>
      tpu.wait_dma2 semaphore(%run_scoped3A : memref<!tpu.dma_semaphore, #tpu.memory_space<semaphore_mem>>) src(%arg10 : memref<128x64xf32, #tpu.memory_space<vmem>>) dst(%dma_wait3A_43 : memref<128x64xf32, #tpu.memory_space<vmem_shared>>)
      tpu.yield
    }) : () -> ()
    %add3A_7 = arith.constant 0 : i32
    %add3A_8 = arith.addi %mul3A_5, %add3A_7 : i32
    "tpu.region"() ({
      %run_scoped3A = tpu.sem_alloc : memref<!tpu.dma_semaphore, #tpu.memory_space<semaphore_mem>>
      %dma_start3A = arith.constant 0 : i32
      %dma_start3A_38 = tpu.memref_slice %arg14[%add3A_8, %dma_start3A] : memref<10240x16xf32, #tpu.memory_space<vmem_shared>> -> memref<128x16xf32, #tpu.memory_space<vmem_shared>>
      %dma_start3A_39 = arith.constant 0 : i32
      %dma_start3A_40 = tpu.memref_slice %arg14[%add3A_8, %dma_start3A_39] : memref<10240x16xf32, #tpu.memory_space<vmem_shared>> -> memref<128x16xf32, #tpu.memory_space<vmem_shared>>
      tpu.enqueue_dma source(%arg12 : memref<128x16xf32, #tpu.memory_space<vmem>>) target(%dma_start3A_40 : memref<128x16xf32, #tpu.memory_space<vmem_shared>>) target_semaphore(%run_scoped3A : memref<!tpu.dma_semaphore, #tpu.memory_space<semaphore_mem>>)
      %dma_wait3A = arith.constant 0 : i32
      %dma_wait3A_41 = tpu.memref_slice %arg14[%add3A_8, %dma_wait3A] : memref<10240x16xf32, #tpu.memory_space<vmem_shared>> -> memref<128x16xf32, #tpu.memory_space<vmem_shared>>
      %dma_wait3A_42 = arith.constant 0 : i32
      %dma_wait3A_43 = tpu.memref_slice %arg14[%add3A_8, %dma_wait3A_42] : memref<10240x16xf32, #tpu.memory_space<vmem_shared>> -> memref<128x16xf32, #tpu.memory_space<vmem_shared>>
      tpu.wait_dma2 semaphore(%run_scoped3A : memref<!tpu.dma_semaphore, #tpu.memory_space<semaphore_mem>>) src(%arg12 : memref<128x16xf32, #tpu.memory_space<vmem>>) dst(%dma_wait3A_43 : memref<128x16xf32, #tpu.memory_space<vmem_shared>>)
      tpu.yield
    }) : () -> ()
    %add3A_9 = arith.constant 128 : i32
    %add3A_10 = arith.addi %mul3A_5, %add3A_9 : i32
    "tpu.region"() ({
      %run_scoped3A = tpu.sem_alloc : memref<!tpu.dma_semaphore, #tpu.memory_space<semaphore_mem>>
      %dma_start3A = arith.constant 0 : i32
      %dma_start3A_38 = tpu.memref_slice %arg13[%add3A_10, %dma_start3A] : memref<10240x64xf32, #tpu.memory_space<vmem_shared>> -> memref<128x64xf32, #tpu.memory_space<vmem_shared>>
      %dma_start3A_39 = arith.constant 0 : i32
      %dma_start3A_40 = tpu.memref_slice %arg13[%add3A_10, %dma_start3A_39] : memref<10240x64xf32, #tpu.memory_space<vmem_shared>> -> memref<128x64xf32, #tpu.memory_space<vmem_shared>>
      tpu.enqueue_dma source(%arg10 : memref<128x64xf32, #tpu.memory_space<vmem>>) target(%dma_start3A_40 : memref<128x64xf32, #tpu.memory_space<vmem_shared>>) target_semaphore(%run_scoped3A : memref<!tpu.dma_semaphore, #tpu.memory_space<semaphore_mem>>)
      %dma_wait3A = arith.constant 0 : i32
      %dma_wait3A_41 = tpu.memref_slice %arg13[%add3A_10, %dma_wait3A] : memref<10240x64xf32, #tpu.memory_space<vmem_shared>> -> memref<128x64xf32, #tpu.memory_space<vmem_shared>>
      %dma_wait3A_42 = arith.constant 0 : i32
      %dma_wait3A_43 = tpu.memref_slice %arg13[%add3A_10, %dma_wait3A_42] : memref<10240x64xf32, #tpu.memory_space<vmem_shared>> -> memref<128x64xf32, #tpu.memory_space<vmem_shared>>
      tpu.wait_dma2 semaphore(%run_scoped3A : memref<!tpu.dma_semaphore, #tpu.memory_space<semaphore_mem>>) src(%arg10 : memref<128x64xf32, #tpu.memory_space<vmem>>) dst(%dma_wait3A_43 : memref<128x64xf32, #tpu.memory_space<vmem_shared>>)
      tpu.yield
    }) : () -> ()
    %add3A_11 = arith.constant 128 : i32
    %add3A_12 = arith.addi %mul3A_5, %add3A_11 : i32
    "tpu.region"() ({
      %run_scoped3A = tpu.sem_alloc : memref<!tpu.dma_semaphore, #tpu.memory_space<semaphore_mem>>
      %dma_start3A = arith.constant 0 : i32
      %dma_start3A_38 = tpu.memref_slice %arg14[%add3A_12, %dma_start3A] : memref<10240x16xf32, #tpu.memory_space<vmem_shared>> -> memref<128x16xf32, #tpu.memory_space<vmem_shared>>
      %dma_start3A_39 = arith.constant 0 : i32
      %dma_start3A_40 = tpu.memref_slice %arg14[%add3A_12, %dma_start3A_39] : memref<10240x16xf32, #tpu.memory_space<vmem_shared>> -> memref<128x16xf32, #tpu.memory_space<vmem_shared>>
      tpu.enqueue_dma source(%arg12 : memref<128x16xf32, #tpu.memory_space<vmem>>) target(%dma_start3A_40 : memref<128x16xf32, #tpu.memory_space<vmem_shared>>) target_semaphore(%run_scoped3A : memref<!tpu.dma_semaphore, #tpu.memory_space<semaphore_mem>>)
      %dma_wait3A = arith.constant 0 : i32
      %dma_wait3A_41 = tpu.memref_slice %arg14[%add3A_12, %dma_wait3A] : memref<10240x16xf32, #tpu.memory_space<vmem_shared>> -> memref<128x16xf32, #tpu.memory_space<vmem_shared>>
      %dma_wait3A_42 = arith.constant 0 : i32
      %dma_wait3A_43 = tpu.memref_slice %arg14[%add3A_12, %dma_wait3A_42] : memref<10240x16xf32, #tpu.memory_space<vmem_shared>> -> memref<128x16xf32, #tpu.memory_space<vmem_shared>>
      tpu.wait_dma2 semaphore(%run_scoped3A : memref<!tpu.dma_semaphore, #tpu.memory_space<semaphore_mem>>) src(%arg12 : memref<128x16xf32, #tpu.memory_space<vmem>>) dst(%dma_wait3A_43 : memref<128x16xf32, #tpu.memory_space<vmem_shared>>)
      tpu.yield
    }) : () -> ()
    %add3A_13 = arith.constant 256 : i32
    %add3A_14 = arith.addi %mul3A_5, %add3A_13 : i32
    "tpu.region"() ({
      %run_scoped3A = tpu.sem_alloc : memref<!tpu.dma_semaphore, #tpu.memory_space<semaphore_mem>>
      %dma_start3A = arith.constant 0 : i32
      %dma_start3A_38 = tpu.memref_slice %arg13[%add3A_14, %dma_start3A] : memref<10240x64xf32, #tpu.memory_space<vmem_shared>> -> memref<128x64xf32, #tpu.memory_space<vmem_shared>>
      %dma_start3A_39 = arith.constant 0 : i32
      %dma_start3A_40 = tpu.memref_slice %arg13[%add3A_14, %dma_start3A_39] : memref<10240x64xf32, #tpu.memory_space<vmem_shared>> -> memref<128x64xf32, #tpu.memory_space<vmem_shared>>
      tpu.enqueue_dma source(%arg10 : memref<128x64xf32, #tpu.memory_space<vmem>>) target(%dma_start3A_40 : memref<128x64xf32, #tpu.memory_space<vmem_shared>>) target_semaphore(%run_scoped3A : memref<!tpu.dma_semaphore, #tpu.memory_space<semaphore_mem>>)
      %dma_wait3A = arith.constant 0 : i32
      %dma_wait3A_41 = tpu.memref_slice %arg13[%add3A_14, %dma_wait3A] : memref<10240x64xf32, #tpu.memory_space<vmem_shared>> -> memref<128x64xf32, #tpu.memory_space<vmem_shared>>
      %dma_wait3A_42 = arith.constant 0 : i32
      %dma_wait3A_43 = tpu.memref_slice %arg13[%add3A_14, %dma_wait3A_42] : memref<10240x64xf32, #tpu.memory_space<vmem_shared>> -> memref<128x64xf32, #tpu.memory_space<vmem_shared>>
      tpu.wait_dma2 semaphore(%run_scoped3A : memref<!tpu.dma_semaphore, #tpu.memory_space<semaphore_mem>>) src(%arg10 : memref<128x64xf32, #tpu.memory_space<vmem>>) dst(%dma_wait3A_43 : memref<128x64xf32, #tpu.memory_space<vmem_shared>>)
      tpu.yield
    }) : () -> ()
    %add3A_15 = arith.constant 256 : i32
    %add3A_16 = arith.addi %mul3A_5, %add3A_15 : i32
    "tpu.region"() ({
      %run_scoped3A = tpu.sem_alloc : memref<!tpu.dma_semaphore, #tpu.memory_space<semaphore_mem>>
      %dma_start3A = arith.constant 0 : i32
      %dma_start3A_38 = tpu.memref_slice %arg14[%add3A_16, %dma_start3A] : memref<10240x16xf32, #tpu.memory_space<vmem_shared>> -> memref<128x16xf32, #tpu.memory_space<vmem_shared>>
      %dma_start3A_39 = arith.constant 0 : i32
      %dma_start3A_40 = tpu.memref_slice %arg14[%add3A_16, %dma_start3A_39] : memref<10240x16xf32, #tpu.memory_space<vmem_shared>> -> memref<128x16xf32, #tpu.memory_space<vmem_shared>>
      tpu.enqueue_dma source(%arg12 : memref<128x16xf32, #tpu.memory_space<vmem>>) target(%dma_start3A_40 : memref<128x16xf32, #tpu.memory_space<vmem_shared>>) target_semaphore(%run_scoped3A : memref<!tpu.dma_semaphore, #tpu.memory_space<semaphore_mem>>)
      %dma_wait3A = arith.constant 0 : i32
      %dma_wait3A_41 = tpu.memref_slice %arg14[%add3A_16, %dma_wait3A] : memref<10240x16xf32, #tpu.memory_space<vmem_shared>> -> memref<128x16xf32, #tpu.memory_space<vmem_shared>>
      %dma_wait3A_42 = arith.constant 0 : i32
      %dma_wait3A_43 = tpu.memref_slice %arg14[%add3A_16, %dma_wait3A_42] : memref<10240x16xf32, #tpu.memory_space<vmem_shared>> -> memref<128x16xf32, #tpu.memory_space<vmem_shared>>
      tpu.wait_dma2 semaphore(%run_scoped3A : memref<!tpu.dma_semaphore, #tpu.memory_space<semaphore_mem>>) src(%arg12 : memref<128x16xf32, #tpu.memory_space<vmem>>) dst(%dma_wait3A_43 : memref<128x16xf32, #tpu.memory_space<vmem_shared>>)
      tpu.yield
    }) : () -> ()
    %add3A_17 = arith.constant 384 : i32
    %add3A_18 = arith.addi %mul3A_5, %add3A_17 : i32
    "tpu.region"() ({
      %run_scoped3A = tpu.sem_alloc : memref<!tpu.dma_semaphore, #tpu.memory_space<semaphore_mem>>
      %dma_start3A = arith.constant 0 : i32
      %dma_start3A_38 = tpu.memref_slice %arg13[%add3A_18, %dma_start3A] : memref<10240x64xf32, #tpu.memory_space<vmem_shared>> -> memref<128x64xf32, #tpu.memory_space<vmem_shared>>
      %dma_start3A_39 = arith.constant 0 : i32
      %dma_start3A_40 = tpu.memref_slice %arg13[%add3A_18, %dma_start3A_39] : memref<10240x64xf32, #tpu.memory_space<vmem_shared>> -> memref<128x64xf32, #tpu.memory_space<vmem_shared>>
      tpu.enqueue_dma source(%arg10 : memref<128x64xf32, #tpu.memory_space<vmem>>) target(%dma_start3A_40 : memref<128x64xf32, #tpu.memory_space<vmem_shared>>) target_semaphore(%run_scoped3A : memref<!tpu.dma_semaphore, #tpu.memory_space<semaphore_mem>>)
      %dma_wait3A = arith.constant 0 : i32
      %dma_wait3A_41 = tpu.memref_slice %arg13[%add3A_18, %dma_wait3A] : memref<10240x64xf32, #tpu.memory_space<vmem_shared>> -> memref<128x64xf32, #tpu.memory_space<vmem_shared>>
      %dma_wait3A_42 = arith.constant 0 : i32
      %dma_wait3A_43 = tpu.memref_slice %arg13[%add3A_18, %dma_wait3A_42] : memref<10240x64xf32, #tpu.memory_space<vmem_shared>> -> memref<128x64xf32, #tpu.memory_space<vmem_shared>>
      tpu.wait_dma2 semaphore(%run_scoped3A : memref<!tpu.dma_semaphore, #tpu.memory_space<semaphore_mem>>) src(%arg10 : memref<128x64xf32, #tpu.memory_space<vmem>>) dst(%dma_wait3A_43 : memref<128x64xf32, #tpu.memory_space<vmem_shared>>)
      tpu.yield
    }) : () -> ()
    %add3A_19 = arith.constant 384 : i32
    %add3A_20 = arith.addi %mul3A_5, %add3A_19 : i32
    "tpu.region"() ({
      %run_scoped3A = tpu.sem_alloc : memref<!tpu.dma_semaphore, #tpu.memory_space<semaphore_mem>>
      %dma_start3A = arith.constant 0 : i32
      %dma_start3A_38 = tpu.memref_slice %arg14[%add3A_20, %dma_start3A] : memref<10240x16xf32, #tpu.memory_space<vmem_shared>> -> memref<128x16xf32, #tpu.memory_space<vmem_shared>>
      %dma_start3A_39 = arith.constant 0 : i32
      %dma_start3A_40 = tpu.memref_slice %arg14[%add3A_20, %dma_start3A_39] : memref<10240x16xf32, #tpu.memory_space<vmem_shared>> -> memref<128x16xf32, #tpu.memory_space<vmem_shared>>
      tpu.enqueue_dma source(%arg12 : memref<128x16xf32, #tpu.memory_space<vmem>>) target(%dma_start3A_40 : memref<128x16xf32, #tpu.memory_space<vmem_shared>>) target_semaphore(%run_scoped3A : memref<!tpu.dma_semaphore, #tpu.memory_space<semaphore_mem>>)
      %dma_wait3A = arith.constant 0 : i32
      %dma_wait3A_41 = tpu.memref_slice %arg14[%add3A_20, %dma_wait3A] : memref<10240x16xf32, #tpu.memory_space<vmem_shared>> -> memref<128x16xf32, #tpu.memory_space<vmem_shared>>
      %dma_wait3A_42 = arith.constant 0 : i32
      %dma_wait3A_43 = tpu.memref_slice %arg14[%add3A_20, %dma_wait3A_42] : memref<10240x16xf32, #tpu.memory_space<vmem_shared>> -> memref<128x16xf32, #tpu.memory_space<vmem_shared>>
      tpu.wait_dma2 semaphore(%run_scoped3A : memref<!tpu.dma_semaphore, #tpu.memory_space<semaphore_mem>>) src(%arg12 : memref<128x16xf32, #tpu.memory_space<vmem>>) dst(%dma_wait3A_43 : memref<128x16xf32, #tpu.memory_space<vmem_shared>>)
      tpu.yield
    }) : () -> ()
    %add3A_21 = arith.constant 512 : i32
    %add3A_22 = arith.addi %mul3A_5, %add3A_21 : i32
    "tpu.region"() ({
      %run_scoped3A = tpu.sem_alloc : memref<!tpu.dma_semaphore, #tpu.memory_space<semaphore_mem>>
      %dma_start3A = arith.constant 0 : i32
      %dma_start3A_38 = tpu.memref_slice %arg13[%add3A_22, %dma_start3A] : memref<10240x64xf32, #tpu.memory_space<vmem_shared>> -> memref<128x64xf32, #tpu.memory_space<vmem_shared>>
      %dma_start3A_39 = arith.constant 0 : i32
      %dma_start3A_40 = tpu.memref_slice %arg13[%add3A_22, %dma_start3A_39] : memref<10240x64xf32, #tpu.memory_space<vmem_shared>> -> memref<128x64xf32, #tpu.memory_space<vmem_shared>>
      tpu.enqueue_dma source(%arg10 : memref<128x64xf32, #tpu.memory_space<vmem>>) target(%dma_start3A_40 : memref<128x64xf32, #tpu.memory_space<vmem_shared>>) target_semaphore(%run_scoped3A : memref<!tpu.dma_semaphore, #tpu.memory_space<semaphore_mem>>)
      %dma_wait3A = arith.constant 0 : i32
      %dma_wait3A_41 = tpu.memref_slice %arg13[%add3A_22, %dma_wait3A] : memref<10240x64xf32, #tpu.memory_space<vmem_shared>> -> memref<128x64xf32, #tpu.memory_space<vmem_shared>>
      %dma_wait3A_42 = arith.constant 0 : i32
      %dma_wait3A_43 = tpu.memref_slice %arg13[%add3A_22, %dma_wait3A_42] : memref<10240x64xf32, #tpu.memory_space<vmem_shared>> -> memref<128x64xf32, #tpu.memory_space<vmem_shared>>
      tpu.wait_dma2 semaphore(%run_scoped3A : memref<!tpu.dma_semaphore, #tpu.memory_space<semaphore_mem>>) src(%arg10 : memref<128x64xf32, #tpu.memory_space<vmem>>) dst(%dma_wait3A_43 : memref<128x64xf32, #tpu.memory_space<vmem_shared>>)
      tpu.yield
    }) : () -> ()
    %add3A_23 = arith.constant 512 : i32
    %add3A_24 = arith.addi %mul3A_5, %add3A_23 : i32
    "tpu.region"() ({
      %run_scoped3A = tpu.sem_alloc : memref<!tpu.dma_semaphore, #tpu.memory_space<semaphore_mem>>
      %dma_start3A = arith.constant 0 : i32
      %dma_start3A_38 = tpu.memref_slice %arg14[%add3A_24, %dma_start3A] : memref<10240x16xf32, #tpu.memory_space<vmem_shared>> -> memref<128x16xf32, #tpu.memory_space<vmem_shared>>
      %dma_start3A_39 = arith.constant 0 : i32
      %dma_start3A_40 = tpu.memref_slice %arg14[%add3A_24, %dma_start3A_39] : memref<10240x16xf32, #tpu.memory_space<vmem_shared>> -> memref<128x16xf32, #tpu.memory_space<vmem_shared>>
      tpu.enqueue_dma source(%arg12 : memref<128x16xf32, #tpu.memory_space<vmem>>) target(%dma_start3A_40 : memref<128x16xf32, #tpu.memory_space<vmem_shared>>) target_semaphore(%run_scoped3A : memref<!tpu.dma_semaphore, #tpu.memory_space<semaphore_mem>>)
      %dma_wait3A = arith.constant 0 : i32
      %dma_wait3A_41 = tpu.memref_slice %arg14[%add3A_24, %dma_wait3A] : memref<10240x16xf32, #tpu.memory_space<vmem_shared>> -> memref<128x16xf32, #tpu.memory_space<vmem_shared>>
      %dma_wait3A_42 = arith.constant 0 : i32
      %dma_wait3A_43 = tpu.memref_slice %arg14[%add3A_24, %dma_wait3A_42] : memref<10240x16xf32, #tpu.memory_space<vmem_shared>> -> memref<128x16xf32, #tpu.memory_space<vmem_shared>>
      tpu.wait_dma2 semaphore(%run_scoped3A : memref<!tpu.dma_semaphore, #tpu.memory_space<semaphore_mem>>) src(%arg12 : memref<128x16xf32, #tpu.memory_space<vmem>>) dst(%dma_wait3A_43 : memref<128x16xf32, #tpu.memory_space<vmem_shared>>)
      tpu.yield
    }) : () -> ()
    %barrier3A = arith.constant 0 : index
    tpu.barrier barrier_id(%barrier3A)
    "tpu.region"() ({
      %run_scoped3A = tpu.sem_alloc : memref<!tpu.dma_semaphore, #tpu.memory_space<semaphore_mem>>
      %dma_start3A = arith.constant 0 : i32
      %dma_start3A_38 = arith.constant 0 : i32
      %dma_start3A_39 = tpu.memref_slice %arg3[%arg1, %dma_start3A, %dma_start3A_38] : memref<16x157x128xi32, #tpu.memory_space<hbm>> -> memref<1x157x128xi32, #tpu.memory_space<hbm>>
      %dma_start3A_40 = tpu.memref_squeeze %dma_start3A_39 : memref<1x157x128xi32, #tpu.memory_space<hbm>> -> memref<157x128xi32, #tpu.memory_space<hbm>>
      %dma_start3A_41 = arith.constant 0 : i32
      %dma_start3A_42 = arith.constant 0 : i32
      %dma_start3A_43 = tpu.memref_slice %arg3[%arg1, %dma_start3A_41, %dma_start3A_42] : memref<16x157x128xi32, #tpu.memory_space<hbm>> -> memref<1x157x128xi32, #tpu.memory_space<hbm>>
      %dma_start3A_44 = tpu.memref_squeeze %dma_start3A_43 : memref<1x157x128xi32, #tpu.memory_space<hbm>> -> memref<157x128xi32, #tpu.memory_space<hbm>>
      tpu.enqueue_dma source(%dma_start3A_44 : memref<157x128xi32, #tpu.memory_space<hbm>>) target(%arg7 : memref<157x128xi32, #tpu.memory_space<vmem>>) target_semaphore(%run_scoped3A : memref<!tpu.dma_semaphore, #tpu.memory_space<semaphore_mem>>)
      %dma_wait3A = arith.constant 0 : i32
      %dma_wait3A_45 = arith.constant 0 : i32
      %dma_wait3A_46 = tpu.memref_slice %arg3[%arg1, %dma_wait3A, %dma_wait3A_45] : memref<16x157x128xi32, #tpu.memory_space<hbm>> -> memref<1x157x128xi32, #tpu.memory_space<hbm>>
      %dma_wait3A_47 = tpu.memref_squeeze %dma_wait3A_46 : memref<1x157x128xi32, #tpu.memory_space<hbm>> -> memref<157x128xi32, #tpu.memory_space<hbm>>
      %dma_wait3A_48 = arith.constant 0 : i32
      %dma_wait3A_49 = arith.constant 0 : i32
      %dma_wait3A_50 = tpu.memref_slice %arg3[%arg1, %dma_wait3A_48, %dma_wait3A_49] : memref<16x157x128xi32, #tpu.memory_space<hbm>> -> memref<1x157x128xi32, #tpu.memory_space<hbm>>
      %dma_wait3A_51 = tpu.memref_squeeze %dma_wait3A_50 : memref<1x157x128xi32, #tpu.memory_space<hbm>> -> memref<157x128xi32, #tpu.memory_space<hbm>>
      tpu.wait_dma2 semaphore(%run_scoped3A : memref<!tpu.dma_semaphore, #tpu.memory_space<semaphore_mem>>) src(%dma_wait3A_51 : memref<157x128xi32, #tpu.memory_space<hbm>>) dst(%arg7 : memref<157x128xi32, #tpu.memory_space<vmem>>)
      tpu.yield
    }) : () -> ()
    "tpu.region"() ({
      %run_scoped3A = tpu.sem_alloc : memref<!tpu.dma_semaphore, #tpu.memory_space<semaphore_mem>>
      %dma_start3A = arith.constant 0 : i32
      %dma_start3A_38 = arith.constant 0 : i32
      %dma_start3A_39 = tpu.memref_slice %arg4[%arg1, %dma_start3A, %dma_start3A_38] : memref<16x157x128xi32, #tpu.memory_space<hbm>> -> memref<1x157x128xi32, #tpu.memory_space<hbm>>
      %dma_start3A_40 = tpu.memref_squeeze %dma_start3A_39 : memref<1x157x128xi32, #tpu.memory_space<hbm>> -> memref<157x128xi32, #tpu.memory_space<hbm>>
      %dma_start3A_41 = arith.constant 0 : i32
      %dma_start3A_42 = arith.constant 0 : i32
      %dma_start3A_43 = tpu.memref_slice %arg4[%arg1, %dma_start3A_41, %dma_start3A_42] : memref<16x157x128xi32, #tpu.memory_space<hbm>> -> memref<1x157x128xi32, #tpu.memory_space<hbm>>
      %dma_start3A_44 = tpu.memref_squeeze %dma_start3A_43 : memref<1x157x128xi32, #tpu.memory_space<hbm>> -> memref<157x128xi32, #tpu.memory_space<hbm>>
      tpu.enqueue_dma source(%dma_start3A_44 : memref<157x128xi32, #tpu.memory_space<hbm>>) target(%arg8 : memref<157x128xi32, #tpu.memory_space<vmem>>) target_semaphore(%run_scoped3A : memref<!tpu.dma_semaphore, #tpu.memory_space<semaphore_mem>>)
      %dma_wait3A = arith.constant 0 : i32
      %dma_wait3A_45 = arith.constant 0 : i32
      %dma_wait3A_46 = tpu.memref_slice %arg4[%arg1, %dma_wait3A, %dma_wait3A_45] : memref<16x157x128xi32, #tpu.memory_space<hbm>> -> memref<1x157x128xi32, #tpu.memory_space<hbm>>
      %dma_wait3A_47 = tpu.memref_squeeze %dma_wait3A_46 : memref<1x157x128xi32, #tpu.memory_space<hbm>> -> memref<157x128xi32, #tpu.memory_space<hbm>>
      %dma_wait3A_48 = arith.constant 0 : i32
      %dma_wait3A_49 = arith.constant 0 : i32
      %dma_wait3A_50 = tpu.memref_slice %arg4[%arg1, %dma_wait3A_48, %dma_wait3A_49] : memref<16x157x128xi32, #tpu.memory_space<hbm>> -> memref<1x157x128xi32, #tpu.memory_space<hbm>>
      %dma_wait3A_51 = tpu.memref_squeeze %dma_wait3A_50 : memref<1x157x128xi32, #tpu.memory_space<hbm>> -> memref<157x128xi32, #tpu.memory_space<hbm>>
      tpu.wait_dma2 semaphore(%run_scoped3A : memref<!tpu.dma_semaphore, #tpu.memory_space<semaphore_mem>>) src(%dma_wait3A_51 : memref<157x128xi32, #tpu.memory_space<hbm>>) dst(%arg8 : memref<157x128xi32, #tpu.memory_space<vmem>>)
      tpu.yield
    }) : () -> ()
    %scan3A_25 = arith.constant 0 : i32
    %scan3A_26 = arith.constant 0 : i32
    %scan3A_27 = arith.constant 157 : i32
    %scan3A_28 = arith.addi %scan3A_26, %scan3A_27 : i32
    %scan3A_29 = arith.constant 1 : i32
    scf.for %scan3A_38 = %scan3A_26 to %scan3A_28 step %scan3A_29  : i32 {
      %get3A = arith.index_cast %scan3A_38 : i32 to index
      %get3A_39 = arith.constant 0 : index
      %get3A_40 = tpu.vector_load %arg7[%get3A, %get3A_39] {strides = array<i32>} : memref<157x128xi32, #tpu.memory_space<vmem>>, vector<1x16xi32>,
      %get3A_41 = vector.shape_cast %get3A_40 : vector<1x16xi32> to vector<16xi32>
      %mul3A_42 = arith.constant 2 : i32
      %mul3A_43 = vector.broadcast %mul3A_42 : i32 to vector<16xi32>
      %mul3A_44 = arith.muli %get3A_41, %mul3A_43 : vector<16xi32>
      %add3A_45 = vector.broadcast %arg0 : i32 to vector<16xi32>
      %add3A_46 = arith.addi %mul3A_44, %add3A_45 : vector<16xi32>
      %swap3A = arith.index_cast %scan3A_38 : i32 to index
      %swap3A_47 = arith.constant 0 : index
      %swap3A_48 = tpu.vector_load %arg7[%swap3A, %swap3A_47] {strides = array<i32>} : memref<157x128xi32, #tpu.memory_space<vmem>>, vector<1x16xi32>,
      %swap3A_49 = vector.shape_cast %swap3A_48 : vector<1x16xi32> to vector<16xi32>
      %swap3A_50 = vector.shape_cast %add3A_46 : vector<16xi32> to vector<1x16xi32>
      tpu.vector_store %arg7[%swap3A, %swap3A_47], %swap3A_50 {strides = array<i32>} : memref<157x128xi32, #tpu.memory_space<vmem>>, vector<1x16xi32>,
      %get3A_51 = arith.index_cast %scan3A_38 : i32 to index
      %get3A_52 = arith.constant 16 : index
      %get3A_53 = tpu.vector_load %arg7[%get3A_51, %get3A_52] {strides = array<i32>} : memref<157x128xi32, #tpu.memory_space<vmem>>, vector<1x16xi32>,
      %get3A_54 = vector.shape_cast %get3A_53 : vector<1x16xi32> to vector<16xi32>
      %mul3A_55 = arith.constant 2 : i32
      %mul3A_56 = vector.broadcast %mul3A_55 : i32 to vector<16xi32>
      %mul3A_57 = arith.muli %get3A_54, %mul3A_56 : vector<16xi32>
      %add3A_58 = vector.broadcast %arg0 : i32 to vector<16xi32>
      %add3A_59 = arith.addi %mul3A_57, %add3A_58 : vector<16xi32>
      %swap3A_60 = arith.index_cast %scan3A_38 : i32 to index
      %swap3A_61 = arith.constant 16 : index
      %swap3A_62 = tpu.vector_load %arg7[%swap3A_60, %swap3A_61] {strides = array<i32>} : memref<157x128xi32, #tpu.memory_space<vmem>>, vector<1x16xi32>,
      %swap3A_63 = vector.shape_cast %swap3A_62 : vector<1x16xi32> to vector<16xi32>
      %swap3A_64 = vector.shape_cast %add3A_59 : vector<16xi32> to vector<1x16xi32>
      tpu.vector_store %arg7[%swap3A_60, %swap3A_61], %swap3A_64 {strides = array<i32>} : memref<157x128xi32, #tpu.memory_space<vmem>>, vector<1x16xi32>,
      %get3A_65 = arith.index_cast %scan3A_38 : i32 to index
      %get3A_66 = arith.constant 32 : index
      %get3A_67 = tpu.vector_load %arg7[%get3A_65, %get3A_66] {strides = array<i32>} : memref<157x128xi32, #tpu.memory_space<vmem>>, vector<1x16xi32>,
      %get3A_68 = vector.shape_cast %get3A_67 : vector<1x16xi32> to vector<16xi32>
      %mul3A_69 = arith.constant 2 : i32
      %mul3A_70 = vector.broadcast %mul3A_69 : i32 to vector<16xi32>
      %mul3A_71 = arith.muli %get3A_68, %mul3A_70 : vector<16xi32>
      %add3A_72 = vector.broadcast %arg0 : i32 to vector<16xi32>
      %add3A_73 = arith.addi %mul3A_71, %add3A_72 : vector<16xi32>
      %swap3A_74 = arith.index_cast %scan3A_38 : i32 to index
      %swap3A_75 = arith.constant 32 : index
      %swap3A_76 = tpu.vector_load %arg7[%swap3A_74, %swap3A_75] {strides = array<i32>} : memref<157x128xi32, #tpu.memory_space<vmem>>, vector<1x16xi32>,
      %swap3A_77 = vector.shape_cast %swap3A_76 : vector<1x16xi32> to vector<16xi32>
      %swap3A_78 = vector.shape_cast %add3A_73 : vector<16xi32> to vector<1x16xi32>
      tpu.vector_store %arg7[%swap3A_74, %swap3A_75], %swap3A_78 {strides = array<i32>} : memref<157x128xi32, #tpu.memory_space<vmem>>, vector<1x16xi32>,
      %get3A_79 = arith.index_cast %scan3A_38 : i32 to index
      %get3A_80 = arith.constant 48 : index
      %get3A_81 = tpu.vector_load %arg7[%get3A_79, %get3A_80] {strides = array<i32>} : memref<157x128xi32, #tpu.memory_space<vmem>>, vector<1x16xi32>,
      %get3A_82 = vector.shape_cast %get3A_81 : vector<1x16xi32> to vector<16xi32>
      %mul3A_83 = arith.constant 2 : i32
      %mul3A_84 = vector.broadcast %mul3A_83 : i32 to vector<16xi32>
      %mul3A_85 = arith.muli %get3A_82, %mul3A_84 : vector<16xi32>
      %add3A_86 = vector.broadcast %arg0 : i32 to vector<16xi32>
      %add3A_87 = arith.addi %mul3A_85, %add3A_86 : vector<16xi32>
      %swap3A_88 = arith.index_cast %scan3A_38 : i32 to index
      %swap3A_89 = arith.constant 48 : index
      %swap3A_90 = tpu.vector_load %arg7[%swap3A_88, %swap3A_89] {strides = array<i32>} : memref<157x128xi32, #tpu.memory_space<vmem>>, vector<1x16xi32>,
      %swap3A_91 = vector.shape_cast %swap3A_90 : vector<1x16xi32> to vector<16xi32>
      %swap3A_92 = vector.shape_cast %add3A_87 : vector<16xi32> to vector<1x16xi32>
      tpu.vector_store %arg7[%swap3A_88, %swap3A_89], %swap3A_92 {strides = array<i32>} : memref<157x128xi32, #tpu.memory_space<vmem>>, vector<1x16xi32>,
      %get3A_93 = arith.index_cast %scan3A_38 : i32 to index
      %get3A_94 = arith.constant 64 : index
      %get3A_95 = tpu.vector_load %arg7[%get3A_93, %get3A_94] {strides = array<i32>} : memref<157x128xi32, #tpu.memory_space<vmem>>, vector<1x16xi32>,
      %get3A_96 = vector.shape_cast %get3A_95 : vector<1x16xi32> to vector<16xi32>
      %mul3A_97 = arith.constant 2 : i32
      %mul3A_98 = vector.broadcast %mul3A_97 : i32 to vector<16xi32>
      %mul3A_99 = arith.muli %get3A_96, %mul3A_98 : vector<16xi32>
      %add3A_100 = vector.broadcast %arg0 : i32 to vector<16xi32>
      %add3A_101 = arith.addi %mul3A_99, %add3A_100 : vector<16xi32>
      %swap3A_102 = arith.index_cast %scan3A_38 : i32 to index
      %swap3A_103 = arith.constant 64 : index
      %swap3A_104 = tpu.vector_load %arg7[%swap3A_102, %swap3A_103] {strides = array<i32>} : memref<157x128xi32, #tpu.memory_space<vmem>>, vector<1x16xi32>,
      %swap3A_105 = vector.shape_cast %swap3A_104 : vector<1x16xi32> to vector<16xi32>
      %swap3A_106 = vector.shape_cast %add3A_101 : vector<16xi32> to vector<1x16xi32>
      tpu.vector_store %arg7[%swap3A_102, %swap3A_103], %swap3A_106 {strides = array<i32>} : memref<157x128xi32, #tpu.memory_space<vmem>>, vector<1x16xi32>,
      %get3A_107 = arith.index_cast %scan3A_38 : i32 to index
      %get3A_108 = arith.constant 80 : index
      %get3A_109 = tpu.vector_load %arg7[%get3A_107, %get3A_108] {strides = array<i32>} : memref<157x128xi32, #tpu.memory_space<vmem>>, vector<1x16xi32>,
      %get3A_110 = vector.shape_cast %get3A_109 : vector<1x16xi32> to vector<16xi32>
      %mul3A_111 = arith.constant 2 : i32
      %mul3A_112 = vector.broadcast %mul3A_111 : i32 to vector<16xi32>
      %mul3A_113 = arith.muli %get3A_110, %mul3A_112 : vector<16xi32>
      %add3A_114 = vector.broadcast %arg0 : i32 to vector<16xi32>
      %add3A_115 = arith.addi %mul3A_113, %add3A_114 : vector<16xi32>
      %swap3A_116 = arith.index_cast %scan3A_38 : i32 to index
      %swap3A_117 = arith.constant 80 : index
      %swap3A_118 = tpu.vector_load %arg7[%swap3A_116, %swap3A_117] {strides = array<i32>} : memref<157x128xi32, #tpu.memory_space<vmem>>, vector<1x16xi32>,
      %swap3A_119 = vector.shape_cast %swap3A_118 : vector<1x16xi32> to vector<16xi32>
      %swap3A_120 = vector.shape_cast %add3A_115 : vector<16xi32> to vector<1x16xi32>
      tpu.vector_store %arg7[%swap3A_116, %swap3A_117], %swap3A_120 {strides = array<i32>} : memref<157x128xi32, #tpu.memory_space<vmem>>, vector<1x16xi32>,
      %get3A_121 = arith.index_cast %scan3A_38 : i32 to index
      %get3A_122 = arith.constant 96 : index
      %get3A_123 = tpu.vector_load %arg7[%get3A_121, %get3A_122] {strides = array<i32>} : memref<157x128xi32, #tpu.memory_space<vmem>>, vector<1x16xi32>,
      %get3A_124 = vector.shape_cast %get3A_123 : vector<1x16xi32> to vector<16xi32>
      %mul3A_125 = arith.constant 2 : i32
      %mul3A_126 = vector.broadcast %mul3A_125 : i32 to vector<16xi32>
      %mul3A_127 = arith.muli %get3A_124, %mul3A_126 : vector<16xi32>
      %add3A_128 = vector.broadcast %arg0 : i32 to vector<16xi32>
      %add3A_129 = arith.addi %mul3A_127, %add3A_128 : vector<16xi32>
      %swap3A_130 = arith.index_cast %scan3A_38 : i32 to index
      %swap3A_131 = arith.constant 96 : index
      %swap3A_132 = tpu.vector_load %arg7[%swap3A_130, %swap3A_131] {strides = array<i32>} : memref<157x128xi32, #tpu.memory_space<vmem>>, vector<1x16xi32>,
      %swap3A_133 = vector.shape_cast %swap3A_132 : vector<1x16xi32> to vector<16xi32>
      %swap3A_134 = vector.shape_cast %add3A_129 : vector<16xi32> to vector<1x16xi32>
      tpu.vector_store %arg7[%swap3A_130, %swap3A_131], %swap3A_134 {strides = array<i32>} : memref<157x128xi32, #tpu.memory_space<vmem>>, vector<1x16xi32>,
      %get3A_135 = arith.index_cast %scan3A_38 : i32 to index
      %get3A_136 = arith.constant 112 : index
      %get3A_137 = tpu.vector_load %arg7[%get3A_135, %get3A_136] {strides = array<i32>} : memref<157x128xi32, #tpu.memory_space<vmem>>, vector<1x16xi32>,
      %get3A_138 = vector.shape_cast %get3A_137 : vector<1x16xi32> to vector<16xi32>
      %mul3A_139 = arith.constant 2 : i32
      %mul3A_140 = vector.broadcast %mul3A_139 : i32 to vector<16xi32>
      %mul3A_141 = arith.muli %get3A_138, %mul3A_140 : vector<16xi32>
      %add3A_142 = vector.broadcast %arg0 : i32 to vector<16xi32>
      %add3A_143 = arith.addi %mul3A_141, %add3A_142 : vector<16xi32>
      %swap3A_144 = arith.index_cast %scan3A_38 : i32 to index
      %swap3A_145 = arith.constant 112 : index
      %swap3A_146 = tpu.vector_load %arg7[%swap3A_144, %swap3A_145] {strides = array<i32>} : memref<157x128xi32, #tpu.memory_space<vmem>>, vector<1x16xi32>,
      %swap3A_147 = vector.shape_cast %swap3A_146 : vector<1x16xi32> to vector<16xi32>
      %swap3A_148 = vector.shape_cast %add3A_143 : vector<16xi32> to vector<1x16xi32>
      tpu.vector_store %arg7[%swap3A_144, %swap3A_145], %swap3A_148 {strides = array<i32>} : memref<157x128xi32, #tpu.memory_space<vmem>>, vector<1x16xi32>,
    }
    %scan3A_30 = arith.constant 157 : i32
    %scan3A_31 = arith.constant 0 : i32
    %scan3A_32 = arith.constant 0 : i32
    %scan3A_33 = arith.constant 157 : i32
    %scan3A_34 = arith.addi %scan3A_32, %scan3A_33 : i32
    %scan3A_35 = arith.constant 1 : i32
    scf.for %scan3A_38 = %scan3A_32 to %scan3A_34 step %scan3A_35  : i32 {
      %dma_start3A = arith.constant 0 : i32
      %dma_start3A_39 = tpu.memref_slice %arg7[%scan3A_38, %dma_start3A] : memref<157x128xi32, #tpu.memory_space<vmem>> -> memref<1x128xi32, #tpu.memory_space<vmem>>
      %dma_start3A_40 = tpu.memref_squeeze %dma_start3A_39 : memref<1x128xi32, #tpu.memory_space<vmem>> -> memref<128xi32, #tpu.memory_space<vmem>>
      %dma_start3A_41 = arith.constant 0 : i32
      %dma_start3A_42 = arith.constant 0 : i32
      %dma_start3A_43 = tpu.memref_slice %arg2[%dma_start3A_41, %dma_start3A_42] : memref<20000x64xf32, #tpu.memory_space<hbm>> -> memref<20000x64xf32, #tpu.memory_space<hbm>>
      tpu.enqueue_indirect_dma source(%dma_start3A_43 : memref<20000x64xf32, #tpu.memory_space<hbm>>) target(%arg9 : memref<128x64xf32, #tpu.memory_space<vmem>>) offsets(%dma_start3A_40 : memref<128xi32, #tpu.memory_space<vmem>>) semaphore(%arg15 : memref<!tpu.dma_semaphore, #tpu.memory_space<semaphore_mem>>)
      %dma_wait3A = arith.constant 0 : i32
      %dma_wait3A_44 = tpu.memref_slice %arg7[%scan3A_38, %dma_wait3A] : memref<157x128xi32, #tpu.memory_space<vmem>> -> memref<1x128xi32, #tpu.memory_space<vmem>>
      %dma_wait3A_45 = tpu.memref_squeeze %dma_wait3A_44 : memref<1x128xi32, #tpu.memory_space<vmem>> -> memref<128xi32, #tpu.memory_space<vmem>>
      %dma_wait3A_46 = arith.constant 0 : i32
      %dma_wait3A_47 = arith.constant 0 : i32
      %dma_wait3A_48 = tpu.memref_slice %arg2[%dma_wait3A_46, %dma_wait3A_47] : memref<20000x64xf32, #tpu.memory_space<hbm>> -> memref<20000x64xf32, #tpu.memory_space<hbm>>
      tpu.wait_indirect_dma semaphore(%arg15 : memref<!tpu.dma_semaphore, #tpu.memory_space<semaphore_mem>>) src(%dma_wait3A_48 : memref<20000x64xf32, #tpu.memory_space<hbm>>) dst(%arg9 : memref<128x64xf32, #tpu.memory_space<vmem>>)
      "tpu.region"() ({
        %run_scoped3A = tpu.sem_alloc : memref<!tpu.dma_semaphore, #tpu.memory_space<semaphore_mem>>
        %dma_start3A_51 = arith.constant 0 : i32
        %dma_start3A_52 = tpu.memref_slice %arg8[%scan3A_38, %dma_start3A_51] : memref<157x128xi32, #tpu.memory_space<vmem>> -> memref<1x128xi32, #tpu.memory_space<vmem>>
        %dma_start3A_53 = tpu.memref_squeeze %dma_start3A_52 : memref<1x128xi32, #tpu.memory_space<vmem>> -> memref<128xi32, #tpu.memory_space<vmem>>
        %dma_start3A_54 = arith.constant 0 : i32
        %dma_start3A_55 = arith.constant 0 : i32
        %dma_start3A_56 = tpu.memref_slice %arg13[%dma_start3A_54, %dma_start3A_55] : memref<10240x64xf32, #tpu.memory_space<vmem_shared>> -> memref<10240x64xf32, #tpu.memory_space<vmem_shared>>
        tpu.enqueue_indirect_dma source(%arg9 : memref<128x64xf32, #tpu.memory_space<vmem>>) target(%dma_start3A_56 : memref<10240x64xf32, #tpu.memory_space<vmem_shared>>) offsets(%dma_start3A_53 : memref<128xi32, #tpu.memory_space<vmem>>) semaphore(%run_scoped3A : memref<!tpu.dma_semaphore, #tpu.memory_space<semaphore_mem>>) {add = true}
        %dma_wait3A_57 = arith.constant 0 : i32
        %dma_wait3A_58 = tpu.memref_slice %arg8[%scan3A_38, %dma_wait3A_57] : memref<157x128xi32, #tpu.memory_space<vmem>> -> memref<1x128xi32, #tpu.memory_space<vmem>>
        %dma_wait3A_59 = tpu.memref_squeeze %dma_wait3A_58 : memref<1x128xi32, #tpu.memory_space<vmem>> -> memref<128xi32, #tpu.memory_space<vmem>>
        %dma_wait3A_60 = arith.constant 0 : i32
        %dma_wait3A_61 = arith.constant 0 : i32
        %dma_wait3A_62 = tpu.memref_slice %arg13[%dma_wait3A_60, %dma_wait3A_61] : memref<10240x64xf32, #tpu.memory_space<vmem_shared>> -> memref<10240x64xf32, #tpu.memory_space<vmem_shared>>
        tpu.wait_indirect_dma semaphore(%run_scoped3A : memref<!tpu.dma_semaphore, #tpu.memory_space<semaphore_mem>>) src(%arg9 : memref<128x64xf32, #tpu.memory_space<vmem>>) dst(%dma_wait3A_62 : memref<10240x64xf32, #tpu.memory_space<vmem_shared>>)
        tpu.yield
      }) : () -> ()
      %rem3A = arith.constant 2 : i32
      %rem3A_49 = arith.remsi %scan3A_38, %rem3A : i32
      %eq3A = arith.cmpi eq, %arg0, %rem3A_49 : i32
      %convert_element_type3A = arith.extui %eq3A : i1 to i32
      %cond3A = arith.constant 0 : i32
      %cond3A_50 = arith.cmpi ne, %convert_element_type3A, %cond3A : i32
      scf.if %cond3A_50 {
        "tpu.region"() ({
          %run_scoped3A = tpu.sem_alloc : memref<!tpu.dma_semaphore, #tpu.memory_space<semaphore_mem>>
          %dma_start3A_51 = arith.constant 0 : i32
          %dma_start3A_52 = tpu.memref_slice %arg8[%scan3A_38, %dma_start3A_51] : memref<157x128xi32, #tpu.memory_space<vmem>> -> memref<1x128xi32, #tpu.memory_space<vmem>>
          %dma_start3A_53 = tpu.memref_squeeze %dma_start3A_52 : memref<1x128xi32, #tpu.memory_space<vmem>> -> memref<128xi32, #tpu.memory_space<vmem>>
          %dma_start3A_54 = arith.constant 0 : i32
          %dma_start3A_55 = arith.constant 0 : i32
          %dma_start3A_56 = tpu.memref_slice %arg14[%dma_start3A_54, %dma_start3A_55] : memref<10240x16xf32, #tpu.memory_space<vmem_shared>> -> memref<10240x16xf32, #tpu.memory_space<vmem_shared>>
          tpu.enqueue_indirect_dma source(%arg11 : memref<128x16xf32, #tpu.memory_space<vmem>>) target(%dma_start3A_56 : memref<10240x16xf32, #tpu.memory_space<vmem_shared>>) offsets(%dma_start3A_53 : memref<128xi32, #tpu.memory_space<vmem>>) semaphore(%run_scoped3A : memref<!tpu.dma_semaphore, #tpu.memory_space<semaphore_mem>>) {add = true}
          %dma_wait3A_57 = arith.constant 0 : i32
          %dma_wait3A_58 = tpu.memref_slice %arg8[%scan3A_38, %dma_wait3A_57] : memref<157x128xi32, #tpu.memory_space<vmem>> -> memref<1x128xi32, #tpu.memory_space<vmem>>
          %dma_wait3A_59 = tpu.memref_squeeze %dma_wait3A_58 : memref<1x128xi32, #tpu.memory_space<vmem>> -> memref<128xi32, #tpu.memory_space<vmem>>
          %dma_wait3A_60 = arith.constant 0 : i32
          %dma_wait3A_61 = arith.constant 0 : i32
          %dma_wait3A_62 = tpu.memref_slice %arg14[%dma_wait3A_60, %dma_wait3A_61] : memref<10240x16xf32, #tpu.memory_space<vmem_shared>> -> memref<10240x16xf32, #tpu.memory_space<vmem_shared>>
          tpu.wait_indirect_dma semaphore(%run_scoped3A : memref<!tpu.dma_semaphore, #tpu.memory_space<semaphore_mem>>) src(%arg11 : memref<128x16xf32, #tpu.memory_space<vmem>>) dst(%dma_wait3A_62 : memref<10240x16xf32, #tpu.memory_space<vmem_shared>>)
          tpu.yield
        }) : () -> ()
      } else {
      }
    }
    %scan3A_36 = arith.constant 157 : i32
    %barrier3A_37 = arith.constant 0 : index
    tpu.barrier barrier_id(%barrier3A_37)
    "tpu.region"() ({
      %run_scoped3A = tpu.sem_alloc : memref<!tpu.dma_semaphore, #tpu.memory_space<semaphore_mem>>
      %dma_start3A = arith.constant 0 : i32
      %dma_start3A_38 = tpu.memref_slice %arg5[%arg0, %mul3A_5, %dma_start3A] : memref<2x10240x64xf32, #tpu.memory_space<hbm>> -> memref<1x640x64xf32, #tpu.memory_space<hbm>>
      %dma_start3A_39 = tpu.memref_squeeze %dma_start3A_38 : memref<1x640x64xf32, #tpu.memory_space<hbm>> -> memref<640x64xf32, #tpu.memory_space<hbm>>
      %dma_start3A_40 = arith.constant 0 : i32
      %dma_start3A_41 = tpu.memref_slice %arg13[%mul3A_5, %dma_start3A_40] : memref<10240x64xf32, #tpu.memory_space<vmem_shared>> -> memref<640x64xf32, #tpu.memory_space<vmem_shared>>
      tpu.enqueue_dma source(%dma_start3A_41 : memref<640x64xf32, #tpu.memory_space<vmem_shared>>) target(%dma_start3A_39 : memref<640x64xf32, #tpu.memory_space<hbm>>) target_semaphore(%run_scoped3A : memref<!tpu.dma_semaphore, #tpu.memory_space<semaphore_mem>>)
      %dma_wait3A = arith.constant 0 : i32
      %dma_wait3A_42 = tpu.memref_slice %arg5[%arg0, %mul3A_5, %dma_wait3A] : memref<2x10240x64xf32, #tpu.memory_space<hbm>> -> memref<1x640x64xf32, #tpu.memory_space<hbm>>
      %dma_wait3A_43 = tpu.memref_squeeze %dma_wait3A_42 : memref<1x640x64xf32, #tpu.memory_space<hbm>> -> memref<640x64xf32, #tpu.memory_space<hbm>>
      %dma_wait3A_44 = arith.constant 0 : i32
      %dma_wait3A_45 = tpu.memref_slice %arg13[%mul3A_5, %dma_wait3A_44] : memref<10240x64xf32, #tpu.memory_space<vmem_shared>> -> memref<640x64xf32, #tpu.memory_space<vmem_shared>>
      tpu.wait_dma2 semaphore(%run_scoped3A : memref<!tpu.dma_semaphore, #tpu.memory_space<semaphore_mem>>) src(%dma_wait3A_45 : memref<640x64xf32, #tpu.memory_space<vmem_shared>>) dst(%dma_wait3A_43 : memref<640x64xf32, #tpu.memory_space<hbm>>)
      tpu.yield
    }) : () -> ()
    "tpu.region"() ({
      %run_scoped3A = tpu.sem_alloc : memref<!tpu.dma_semaphore, #tpu.memory_space<semaphore_mem>>
      %dma_start3A = arith.constant 0 : i32
      %dma_start3A_38 = tpu.memref_slice %arg6[%arg0, %mul3A_5, %dma_start3A] : memref<2x10240x16xf32, #tpu.memory_space<hbm>> -> memref<1x640x16xf32, #tpu.memory_space<hbm>>
      %dma_start3A_39 = tpu.memref_squeeze %dma_start3A_38 : memref<1x640x16xf32, #tpu.memory_space<hbm>> -> memref<640x16xf32, #tpu.memory_space<hbm>>
      %dma_start3A_40 = arith.constant 0 : i32
      %dma_start3A_41 = tpu.memref_slice %arg14[%mul3A_5, %dma_start3A_40] : memref<10240x16xf32, #tpu.memory_space<vmem_shared>> -> memref<640x16xf32, #tpu.memory_space<vmem_shared>>
      tpu.enqueue_dma source(%dma_start3A_41 : memref<640x16xf32, #tpu.memory_space<vmem_shared>>) target(%dma_start3A_39 : memref<640x16xf32, #tpu.memory_space<hbm>>) target_semaphore(%run_scoped3A : memref<!tpu.dma_semaphore, #tpu.memory_space<semaphore_mem>>)
      %dma_wait3A = arith.constant 0 : i32
      %dma_wait3A_42 = tpu.memref_slice %arg6[%arg0, %mul3A_5, %dma_wait3A] : memref<2x10240x16xf32, #tpu.memory_space<hbm>> -> memref<1x640x16xf32, #tpu.memory_space<hbm>>
      %dma_wait3A_43 = tpu.memref_squeeze %dma_wait3A_42 : memref<1x640x16xf32, #tpu.memory_space<hbm>> -> memref<640x16xf32, #tpu.memory_space<hbm>>
      %dma_wait3A_44 = arith.constant 0 : i32
      %dma_wait3A_45 = tpu.memref_slice %arg14[%mul3A_5, %dma_wait3A_44] : memref<10240x16xf32, #tpu.memory_space<vmem_shared>> -> memref<640x16xf32, #tpu.memory_space<vmem_shared>>
      tpu.wait_dma2 semaphore(%run_scoped3A : memref<!tpu.dma_semaphore, #tpu.memory_space<semaphore_mem>>) src(%dma_wait3A_45 : memref<640x16xf32, #tpu.memory_space<vmem_shared>>) dst(%dma_wait3A_43 : memref<640x16xf32, #tpu.memory_space<hbm>>)
      tpu.yield
    }) : () -> ()
    return
  }
}

#map = affine_map<(d0, d1) -> (0, 0)>
#map1 = affine_map<(d0, d1) -> (0, 0, 0)>
module attributes {stable_mosaic.version = 14 : i64} {
  func.func @_sc_segment_sums(%arg0: i32, %arg1: i32, %arg2: memref<20000x64xf32, #tpu.memory_space<hbm>>, %arg3: memref<16x157x128xi32, #tpu.memory_space<hbm>>, %arg4: memref<16x157x128xi32, #tpu.memory_space<hbm>>, %arg5: memref<2x10240x64xf32, #tpu.memory_space<hbm>>, %arg6: memref<2x10240x16xf32, #tpu.memory_space<hbm>>, %arg7: memref<157x128xi32, #tpu.memory_space<vmem>>, %arg8: memref<157x128xi32, #tpu.memory_space<vmem>>, %arg9: memref<128x64xf32, #tpu.memory_space<vmem>>, %arg10: memref<128x64xf32, #tpu.memory_space<vmem>>, %arg11: memref<128x16xf32, #tpu.memory_space<vmem>>, %arg12: memref<128x16xf32, #tpu.memory_space<vmem>>, %arg13: memref<10240x64xf32, #tpu.memory_space<vmem_shared>>, %arg14: memref<10240x16xf32, #tpu.memory_space<vmem_shared>>, %arg15: memref<!tpu.dma_semaphore, #tpu.memory_space<semaphore_mem>>) attributes {dimension_semantics = [#tpu.dimension_semantics<core_parallel>, #tpu.dimension_semantics<subcore_parallel>], iteration_bounds = array<i64: 2, 16>, scalar_prefetch = 0 : i64, scratch_operands = 9 : i64, tpu.core_type = #tpu.core_type<sc_vector_subcore>, window_params = [{transform_indices = #map}, {transform_indices = #map1}, {transform_indices = #map1}, {transform_indices = #map1}, {transform_indices = #map1}]} {
    %scan3A = arith.constant 0 : i32
    %scan3A_0 = arith.constant 0 : i32
    %scan3A_1 = arith.constant 128 : i32
    %scan3A_2 = arith.addi %scan3A_0, %scan3A_1 : i32
    %scan3A_3 = arith.constant 1 : i32
    scf.for %scan3A_38 = %scan3A_0 to %scan3A_2 step %scan3A_3  : i32 {
      %broadcast_in_dim3A = arith.constant 0.000000e+00 : f32
      %broadcast_in_dim3A_39 = vector.broadcast %broadcast_in_dim3A : f32 to vector<16xf32>
      %swap3A = arith.index_cast %scan3A_38 : i32 to index
      %swap3A_40 = arith.constant 0 : index
      %swap3A_41 = tpu.vector_load %arg10[%swap3A, %swap3A_40] {strides = array<i32>} : memref<128x64xf32, #tpu.memory_space<vmem>>, vector<1x16xf32>,
      %swap3A_42 = vector.shape_cast %swap3A_41 : vector<1x16xf32> to vector<16xf32>
      %swap3A_43 = vector.shape_cast %broadcast_in_dim3A_39 : vector<16xf32> to vector<1x16xf32>
      tpu.vector_store %arg10[%swap3A, %swap3A_40], %swap3A_43 {strides = array<i32>} : memref<128x64xf32, #tpu.memory_space<vmem>>, vector<1x16xf32>,
      %broadcast_in_dim3A_44 = arith.constant 0.000000e+00 : f32
      %broadcast_in_dim3A_45 = vector.broadcast %broadcast_in_dim3A_44 : f32 to vector<16xf32>
      %swap3A_46 = arith.index_cast %scan3A_38 : i32 to index
      %swap3A_47 = arith.constant 16 : index
      %swap3A_48 = tpu.vector_load %arg10[%swap3A_46, %swap3A_47] {strides = array<i32>} : memref<128x64xf32, #tpu.memory_space<vmem>>, vector<1x16xf32>,
      %swap3A_49 = vector.shape_cast %swap3A_48 : vector<1x16xf32> to vector<16xf32>
      %swap3A_50 = vector.shape_cast %broadcast_in_dim3A_45 : vector<16xf32> to vector<1x16xf32>
      tpu.vector_store %arg10[%swap3A_46, %swap3A_47], %swap3A_50 {strides = array<i32>} : memref<128x64xf32, #tpu.memory_space<vmem>>, vector<1x16xf32>,
      %broadcast_in_dim3A_51 = arith.constant 0.000000e+00 : f32
      %broadcast_in_dim3A_52 = vector.broadcast %broadcast_in_dim3A_51 : f32 to vector<16xf32>
      %swap3A_53 = arith.index_cast %scan3A_38 : i32 to index
      %swap3A_54 = arith.constant 32 : index
      %swap3A_55 = tpu.vector_load %arg10[%swap3A_53, %swap3A_54] {strides = array<i32>} : memref<128x64xf32, #tpu.memory_space<vmem>>, vector<1x16xf32>,
      %swap3A_56 = vector.shape_cast %swap3A_55 : vector<1x16xf32> to vector<16xf32>
      %swap3A_57 = vector.shape_cast %broadcast_in_dim3A_52 : vector<16xf32> to vector<1x16xf32>
      tpu.vector_store %arg10[%swap3A_53, %swap3A_54], %swap3A_57 {strides = array<i32>} : memref<128x64xf32, #tpu.memory_space<vmem>>, vector<1x16xf32>,
      %broadcast_in_dim3A_58 = arith.constant 0.000000e+00 : f32
      %broadcast_in_dim3A_59 = vector.broadcast %broadcast_in_dim3A_58 : f32 to vector<16xf32>
      %swap3A_60 = arith.index_cast %scan3A_38 : i32 to index
      %swap3A_61 = arith.constant 48 : index
      %swap3A_62 = tpu.vector_load %arg10[%swap3A_60, %swap3A_61] {strides = array<i32>} : memref<128x64xf32, #tpu.memory_space<vmem>>, vector<1x16xf32>,
      %swap3A_63 = vector.shape_cast %swap3A_62 : vector<1x16xf32> to vector<16xf32>
      %swap3A_64 = vector.shape_cast %broadcast_in_dim3A_59 : vector<16xf32> to vector<1x16xf32>
      tpu.vector_store %arg10[%swap3A_60, %swap3A_61], %swap3A_64 {strides = array<i32>} : memref<128x64xf32, #tpu.memory_space<vmem>>, vector<1x16xf32>,
      %broadcast_in_dim3A_65 = arith.constant 0.000000e+00 : f32
      %broadcast_in_dim3A_66 = vector.broadcast %broadcast_in_dim3A_65 : f32 to vector<16xf32>
      %swap3A_67 = arith.index_cast %scan3A_38 : i32 to index
      %swap3A_68 = arith.constant 0 : index
      %swap3A_69 = tpu.vector_load %arg12[%swap3A_67, %swap3A_68] {strides = array<i32>} : memref<128x16xf32, #tpu.memory_space<vmem>>, vector<1x16xf32>,
      %swap3A_70 = vector.shape_cast %swap3A_69 : vector<1x16xf32> to vector<16xf32>
      %swap3A_71 = vector.shape_cast %broadcast_in_dim3A_66 : vector<16xf32> to vector<1x16xf32>
      tpu.vector_store %arg12[%swap3A_67, %swap3A_68], %swap3A_71 {strides = array<i32>} : memref<128x16xf32, #tpu.memory_space<vmem>>, vector<1x16xf32>,
      %broadcast_in_dim3A_72 = arith.constant 1.000000e+00 : f32
      %broadcast_in_dim3A_73 = vector.broadcast %broadcast_in_dim3A_72 : f32 to vector<16xf32>
      %swap3A_74 = arith.index_cast %scan3A_38 : i32 to index
      %swap3A_75 = arith.constant 0 : index
      %swap3A_76 = tpu.vector_load %arg11[%swap3A_74, %swap3A_75] {strides = array<i32>} : memref<128x16xf32, #tpu.memory_space<vmem>>, vector<1x16xf32>,
      %swap3A_77 = vector.shape_cast %swap3A_76 : vector<1x16xf32> to vector<16xf32>
      %swap3A_78 = vector.shape_cast %broadcast_in_dim3A_73 : vector<16xf32> to vector<1x16xf32>
      tpu.vector_store %arg11[%swap3A_74, %swap3A_75], %swap3A_78 {strides = array<i32>} : memref<128x16xf32, #tpu.memory_space<vmem>>, vector<1x16xf32>,
    }
    %scan3A_4 = arith.constant 128 : i32
    %mul3A = arith.constant 640 : i32
    %mul3A_5 = arith.muli %arg1, %mul3A : i32
    %add3A = arith.constant 0 : i32
    %add3A_6 = arith.addi %mul3A_5, %add3A : i32
    "tpu.region"() ({
      %run_scoped3A = tpu.sem_alloc : memref<!tpu.dma_semaphore, #tpu.memory_space<semaphore_mem>>
      %dma_start3A = arith.constant 0 : i32
      %dma_start3A_38 = tpu.memref_slice %arg13[%add3A_6, %dma_start3A] : memref<10240x64xf32, #tpu.memory_space<vmem_shared>> -> memref<128x64xf32, #tpu.memory_space<vmem_shared>>
      %dma_start3A_39 = arith.constant 0 : i32
      %dma_start3A_40 = tpu.memref_slice %arg13[%add3A_6, %dma_start3A_39] : memref<10240x64xf32, #tpu.memory_space<vmem_shared>> -> memref<128x64xf32, #tpu.memory_space<vmem_shared>>
      tpu.enqueue_dma source(%arg10 : memref<128x64xf32, #tpu.memory_space<vmem>>) target(%dma_start3A_40 : memref<128x64xf32, #tpu.memory_space<vmem_shared>>) target_semaphore(%run_scoped3A : memref<!tpu.dma_semaphore, #tpu.memory_space<semaphore_mem>>)
      %dma_wait3A = arith.constant 0 : i32
      %dma_wait3A_41 = tpu.memref_slice %arg13[%add3A_6, %dma_wait3A] : memref<10240x64xf32, #tpu.memory_space<vmem_shared>> -> memref<128x64xf32, #tpu.memory_space<vmem_shared>>
      %dma_wait3A_42 = arith.constant 0 : i32
      %dma_wait3A_43 = tpu.memref_slice %arg13[%add3A_6, %dma_wait3A_42] : memref<10240x64xf32, #tpu.memory_space<vmem_shared>> -> memref<128x64xf32, #tpu.memory_space<vmem_shared>>
      tpu.wait_dma2 semaphore(%run_scoped3A : memref<!tpu.dma_semaphore, #tpu.memory_space<semaphore_mem>>) src(%arg10 : memref<128x64xf32, #tpu.memory_space<vmem>>) dst(%dma_wait3A_43 : memref<128x64xf32, #tpu.memory_space<vmem_shared>>)
      tpu.yield
    }) : () -> ()
    %add3A_7 = arith.constant 0 : i32
    %add3A_8 = arith.addi %mul3A_5, %add3A_7 : i32
    "tpu.region"() ({
      %run_scoped3A = tpu.sem_alloc : memref<!tpu.dma_semaphore, #tpu.memory_space<semaphore_mem>>
      %dma_start3A = arith.constant 0 : i32
      %dma_start3A_38 = tpu.memref_slice %arg14[%add3A_8, %dma_start3A] : memref<10240x16xf32, #tpu.memory_space<vmem_shared>> -> memref<128x16xf32, #tpu.memory_space<vmem_shared>>
      %dma_start3A_39 = arith.constant 0 : i32
      %dma_start3A_40 = tpu.memref_slice %arg14[%add3A_8, %dma_start3A_39] : memref<10240x16xf32, #tpu.memory_space<vmem_shared>> -> memref<128x16xf32, #tpu.memory_space<vmem_shared>>
      tpu.enqueue_dma source(%arg12 : memref<128x16xf32, #tpu.memory_space<vmem>>) target(%dma_start3A_40 : memref<128x16xf32, #tpu.memory_space<vmem_shared>>) target_semaphore(%run_scoped3A : memref<!tpu.dma_semaphore, #tpu.memory_space<semaphore_mem>>)
      %dma_wait3A = arith.constant 0 : i32
      %dma_wait3A_41 = tpu.memref_slice %arg14[%add3A_8, %dma_wait3A] : memref<10240x16xf32, #tpu.memory_space<vmem_shared>> -> memref<128x16xf32, #tpu.memory_space<vmem_shared>>
      %dma_wait3A_42 = arith.constant 0 : i32
      %dma_wait3A_43 = tpu.memref_slice %arg14[%add3A_8, %dma_wait3A_42] : memref<10240x16xf32, #tpu.memory_space<vmem_shared>> -> memref<128x16xf32, #tpu.memory_space<vmem_shared>>
      tpu.wait_dma2 semaphore(%run_scoped3A : memref<!tpu.dma_semaphore, #tpu.memory_space<semaphore_mem>>) src(%arg12 : memref<128x16xf32, #tpu.memory_space<vmem>>) dst(%dma_wait3A_43 : memref<128x16xf32, #tpu.memory_space<vmem_shared>>)
      tpu.yield
    }) : () -> ()
    %add3A_9 = arith.constant 128 : i32
    %add3A_10 = arith.addi %mul3A_5, %add3A_9 : i32
    "tpu.region"() ({
      %run_scoped3A = tpu.sem_alloc : memref<!tpu.dma_semaphore, #tpu.memory_space<semaphore_mem>>
      %dma_start3A = arith.constant 0 : i32
      %dma_start3A_38 = tpu.memref_slice %arg13[%add3A_10, %dma_start3A] : memref<10240x64xf32, #tpu.memory_space<vmem_shared>> -> memref<128x64xf32, #tpu.memory_space<vmem_shared>>
      %dma_start3A_39 = arith.constant 0 : i32
      %dma_start3A_40 = tpu.memref_slice %arg13[%add3A_10, %dma_start3A_39] : memref<10240x64xf32, #tpu.memory_space<vmem_shared>> -> memref<128x64xf32, #tpu.memory_space<vmem_shared>>
      tpu.enqueue_dma source(%arg10 : memref<128x64xf32, #tpu.memory_space<vmem>>) target(%dma_start3A_40 : memref<128x64xf32, #tpu.memory_space<vmem_shared>>) target_semaphore(%run_scoped3A : memref<!tpu.dma_semaphore, #tpu.memory_space<semaphore_mem>>)
      %dma_wait3A = arith.constant 0 : i32
      %dma_wait3A_41 = tpu.memref_slice %arg13[%add3A_10, %dma_wait3A] : memref<10240x64xf32, #tpu.memory_space<vmem_shared>> -> memref<128x64xf32, #tpu.memory_space<vmem_shared>>
      %dma_wait3A_42 = arith.constant 0 : i32
      %dma_wait3A_43 = tpu.memref_slice %arg13[%add3A_10, %dma_wait3A_42] : memref<10240x64xf32, #tpu.memory_space<vmem_shared>> -> memref<128x64xf32, #tpu.memory_space<vmem_shared>>
      tpu.wait_dma2 semaphore(%run_scoped3A : memref<!tpu.dma_semaphore, #tpu.memory_space<semaphore_mem>>) src(%arg10 : memref<128x64xf32, #tpu.memory_space<vmem>>) dst(%dma_wait3A_43 : memref<128x64xf32, #tpu.memory_space<vmem_shared>>)
      tpu.yield
    }) : () -> ()
    %add3A_11 = arith.constant 128 : i32
    %add3A_12 = arith.addi %mul3A_5, %add3A_11 : i32
    "tpu.region"() ({
      %run_scoped3A = tpu.sem_alloc : memref<!tpu.dma_semaphore, #tpu.memory_space<semaphore_mem>>
      %dma_start3A = arith.constant 0 : i32
      %dma_start3A_38 = tpu.memref_slice %arg14[%add3A_12, %dma_start3A] : memref<10240x16xf32, #tpu.memory_space<vmem_shared>> -> memref<128x16xf32, #tpu.memory_space<vmem_shared>>
      %dma_start3A_39 = arith.constant 0 : i32
      %dma_start3A_40 = tpu.memref_slice %arg14[%add3A_12, %dma_start3A_39] : memref<10240x16xf32, #tpu.memory_space<vmem_shared>> -> memref<128x16xf32, #tpu.memory_space<vmem_shared>>
      tpu.enqueue_dma source(%arg12 : memref<128x16xf32, #tpu.memory_space<vmem>>) target(%dma_start3A_40 : memref<128x16xf32, #tpu.memory_space<vmem_shared>>) target_semaphore(%run_scoped3A : memref<!tpu.dma_semaphore, #tpu.memory_space<semaphore_mem>>)
      %dma_wait3A = arith.constant 0 : i32
      %dma_wait3A_41 = tpu.memref_slice %arg14[%add3A_12, %dma_wait3A] : memref<10240x16xf32, #tpu.memory_space<vmem_shared>> -> memref<128x16xf32, #tpu.memory_space<vmem_shared>>
      %dma_wait3A_42 = arith.constant 0 : i32
      %dma_wait3A_43 = tpu.memref_slice %arg14[%add3A_12, %dma_wait3A_42] : memref<10240x16xf32, #tpu.memory_space<vmem_shared>> -> memref<128x16xf32, #tpu.memory_space<vmem_shared>>
      tpu.wait_dma2 semaphore(%run_scoped3A : memref<!tpu.dma_semaphore, #tpu.memory_space<semaphore_mem>>) src(%arg12 : memref<128x16xf32, #tpu.memory_space<vmem>>) dst(%dma_wait3A_43 : memref<128x16xf32, #tpu.memory_space<vmem_shared>>)
      tpu.yield
    }) : () -> ()
    %add3A_13 = arith.constant 256 : i32
    %add3A_14 = arith.addi %mul3A_5, %add3A_13 : i32
    "tpu.region"() ({
      %run_scoped3A = tpu.sem_alloc : memref<!tpu.dma_semaphore, #tpu.memory_space<semaphore_mem>>
      %dma_start3A = arith.constant 0 : i32
      %dma_start3A_38 = tpu.memref_slice %arg13[%add3A_14, %dma_start3A] : memref<10240x64xf32, #tpu.memory_space<vmem_shared>> -> memref<128x64xf32, #tpu.memory_space<vmem_shared>>
      %dma_start3A_39 = arith.constant 0 : i32
      %dma_start3A_40 = tpu.memref_slice %arg13[%add3A_14, %dma_start3A_39] : memref<10240x64xf32, #tpu.memory_space<vmem_shared>> -> memref<128x64xf32, #tpu.memory_space<vmem_shared>>
      tpu.enqueue_dma source(%arg10 : memref<128x64xf32, #tpu.memory_space<vmem>>) target(%dma_start3A_40 : memref<128x64xf32, #tpu.memory_space<vmem_shared>>) target_semaphore(%run_scoped3A : memref<!tpu.dma_semaphore, #tpu.memory_space<semaphore_mem>>)
      %dma_wait3A = arith.constant 0 : i32
      %dma_wait3A_41 = tpu.memref_slice %arg13[%add3A_14, %dma_wait3A] : memref<10240x64xf32, #tpu.memory_space<vmem_shared>> -> memref<128x64xf32, #tpu.memory_space<vmem_shared>>
      %dma_wait3A_42 = arith.constant 0 : i32
      %dma_wait3A_43 = tpu.memref_slice %arg13[%add3A_14, %dma_wait3A_42] : memref<10240x64xf32, #tpu.memory_space<vmem_shared>> -> memref<128x64xf32, #tpu.memory_space<vmem_shared>>
      tpu.wait_dma2 semaphore(%run_scoped3A : memref<!tpu.dma_semaphore, #tpu.memory_space<semaphore_mem>>) src(%arg10 : memref<128x64xf32, #tpu.memory_space<vmem>>) dst(%dma_wait3A_43 : memref<128x64xf32, #tpu.memory_space<vmem_shared>>)
      tpu.yield
    }) : () -> ()
    %add3A_15 = arith.constant 256 : i32
    %add3A_16 = arith.addi %mul3A_5, %add3A_15 : i32
    "tpu.region"() ({
      %run_scoped3A = tpu.sem_alloc : memref<!tpu.dma_semaphore, #tpu.memory_space<semaphore_mem>>
      %dma_start3A = arith.constant 0 : i32
      %dma_start3A_38 = tpu.memref_slice %arg14[%add3A_16, %dma_start3A] : memref<10240x16xf32, #tpu.memory_space<vmem_shared>> -> memref<128x16xf32, #tpu.memory_space<vmem_shared>>
      %dma_start3A_39 = arith.constant 0 : i32
      %dma_start3A_40 = tpu.memref_slice %arg14[%add3A_16, %dma_start3A_39] : memref<10240x16xf32, #tpu.memory_space<vmem_shared>> -> memref<128x16xf32, #tpu.memory_space<vmem_shared>>
      tpu.enqueue_dma source(%arg12 : memref<128x16xf32, #tpu.memory_space<vmem>>) target(%dma_start3A_40 : memref<128x16xf32, #tpu.memory_space<vmem_shared>>) target_semaphore(%run_scoped3A : memref<!tpu.dma_semaphore, #tpu.memory_space<semaphore_mem>>)
      %dma_wait3A = arith.constant 0 : i32
      %dma_wait3A_41 = tpu.memref_slice %arg14[%add3A_16, %dma_wait3A] : memref<10240x16xf32, #tpu.memory_space<vmem_shared>> -> memref<128x16xf32, #tpu.memory_space<vmem_shared>>
      %dma_wait3A_42 = arith.constant 0 : i32
      %dma_wait3A_43 = tpu.memref_slice %arg14[%add3A_16, %dma_wait3A_42] : memref<10240x16xf32, #tpu.memory_space<vmem_shared>> -> memref<128x16xf32, #tpu.memory_space<vmem_shared>>
      tpu.wait_dma2 semaphore(%run_scoped3A : memref<!tpu.dma_semaphore, #tpu.memory_space<semaphore_mem>>) src(%arg12 : memref<128x16xf32, #tpu.memory_space<vmem>>) dst(%dma_wait3A_43 : memref<128x16xf32, #tpu.memory_space<vmem_shared>>)
      tpu.yield
    }) : () -> ()
    %add3A_17 = arith.constant 384 : i32
    %add3A_18 = arith.addi %mul3A_5, %add3A_17 : i32
    "tpu.region"() ({
      %run_scoped3A = tpu.sem_alloc : memref<!tpu.dma_semaphore, #tpu.memory_space<semaphore_mem>>
      %dma_start3A = arith.constant 0 : i32
      %dma_start3A_38 = tpu.memref_slice %arg13[%add3A_18, %dma_start3A] : memref<10240x64xf32, #tpu.memory_space<vmem_shared>> -> memref<128x64xf32, #tpu.memory_space<vmem_shared>>
      %dma_start3A_39 = arith.constant 0 : i32
      %dma_start3A_40 = tpu.memref_slice %arg13[%add3A_18, %dma_start3A_39] : memref<10240x64xf32, #tpu.memory_space<vmem_shared>> -> memref<128x64xf32, #tpu.memory_space<vmem_shared>>
      tpu.enqueue_dma source(%arg10 : memref<128x64xf32, #tpu.memory_space<vmem>>) target(%dma_start3A_40 : memref<128x64xf32, #tpu.memory_space<vmem_shared>>) target_semaphore(%run_scoped3A : memref<!tpu.dma_semaphore, #tpu.memory_space<semaphore_mem>>)
      %dma_wait3A = arith.constant 0 : i32
      %dma_wait3A_41 = tpu.memref_slice %arg13[%add3A_18, %dma_wait3A] : memref<10240x64xf32, #tpu.memory_space<vmem_shared>> -> memref<128x64xf32, #tpu.memory_space<vmem_shared>>
      %dma_wait3A_42 = arith.constant 0 : i32
      %dma_wait3A_43 = tpu.memref_slice %arg13[%add3A_18, %dma_wait3A_42] : memref<10240x64xf32, #tpu.memory_space<vmem_shared>> -> memref<128x64xf32, #tpu.memory_space<vmem_shared>>
      tpu.wait_dma2 semaphore(%run_scoped3A : memref<!tpu.dma_semaphore, #tpu.memory_space<semaphore_mem>>) src(%arg10 : memref<128x64xf32, #tpu.memory_space<vmem>>) dst(%dma_wait3A_43 : memref<128x64xf32, #tpu.memory_space<vmem_shared>>)
      tpu.yield
    }) : () -> ()
    %add3A_19 = arith.constant 384 : i32
    %add3A_20 = arith.addi %mul3A_5, %add3A_19 : i32
    "tpu.region"() ({
      %run_scoped3A = tpu.sem_alloc : memref<!tpu.dma_semaphore, #tpu.memory_space<semaphore_mem>>
      %dma_start3A = arith.constant 0 : i32
      %dma_start3A_38 = tpu.memref_slice %arg14[%add3A_20, %dma_start3A] : memref<10240x16xf32, #tpu.memory_space<vmem_shared>> -> memref<128x16xf32, #tpu.memory_space<vmem_shared>>
      %dma_start3A_39 = arith.constant 0 : i32
      %dma_start3A_40 = tpu.memref_slice %arg14[%add3A_20, %dma_start3A_39] : memref<10240x16xf32, #tpu.memory_space<vmem_shared>> -> memref<128x16xf32, #tpu.memory_space<vmem_shared>>
      tpu.enqueue_dma source(%arg12 : memref<128x16xf32, #tpu.memory_space<vmem>>) target(%dma_start3A_40 : memref<128x16xf32, #tpu.memory_space<vmem_shared>>) target_semaphore(%run_scoped3A : memref<!tpu.dma_semaphore, #tpu.memory_space<semaphore_mem>>)
      %dma_wait3A = arith.constant 0 : i32
      %dma_wait3A_41 = tpu.memref_slice %arg14[%add3A_20, %dma_wait3A] : memref<10240x16xf32, #tpu.memory_space<vmem_shared>> -> memref<128x16xf32, #tpu.memory_space<vmem_shared>>
      %dma_wait3A_42 = arith.constant 0 : i32
      %dma_wait3A_43 = tpu.memref_slice %arg14[%add3A_20, %dma_wait3A_42] : memref<10240x16xf32, #tpu.memory_space<vmem_shared>> -> memref<128x16xf32, #tpu.memory_space<vmem_shared>>
      tpu.wait_dma2 semaphore(%run_scoped3A : memref<!tpu.dma_semaphore, #tpu.memory_space<semaphore_mem>>) src(%arg12 : memref<128x16xf32, #tpu.memory_space<vmem>>) dst(%dma_wait3A_43 : memref<128x16xf32, #tpu.memory_space<vmem_shared>>)
      tpu.yield
    }) : () -> ()
    %add3A_21 = arith.constant 512 : i32
    %add3A_22 = arith.addi %mul3A_5, %add3A_21 : i32
    "tpu.region"() ({
      %run_scoped3A = tpu.sem_alloc : memref<!tpu.dma_semaphore, #tpu.memory_space<semaphore_mem>>
      %dma_start3A = arith.constant 0 : i32
      %dma_start3A_38 = tpu.memref_slice %arg13[%add3A_22, %dma_start3A] : memref<10240x64xf32, #tpu.memory_space<vmem_shared>> -> memref<128x64xf32, #tpu.memory_space<vmem_shared>>
      %dma_start3A_39 = arith.constant 0 : i32
      %dma_start3A_40 = tpu.memref_slice %arg13[%add3A_22, %dma_start3A_39] : memref<10240x64xf32, #tpu.memory_space<vmem_shared>> -> memref<128x64xf32, #tpu.memory_space<vmem_shared>>
      tpu.enqueue_dma source(%arg10 : memref<128x64xf32, #tpu.memory_space<vmem>>) target(%dma_start3A_40 : memref<128x64xf32, #tpu.memory_space<vmem_shared>>) target_semaphore(%run_scoped3A : memref<!tpu.dma_semaphore, #tpu.memory_space<semaphore_mem>>)
      %dma_wait3A = arith.constant 0 : i32
      %dma_wait3A_41 = tpu.memref_slice %arg13[%add3A_22, %dma_wait3A] : memref<10240x64xf32, #tpu.memory_space<vmem_shared>> -> memref<128x64xf32, #tpu.memory_space<vmem_shared>>
      %dma_wait3A_42 = arith.constant 0 : i32
      %dma_wait3A_43 = tpu.memref_slice %arg13[%add3A_22, %dma_wait3A_42] : memref<10240x64xf32, #tpu.memory_space<vmem_shared>> -> memref<128x64xf32, #tpu.memory_space<vmem_shared>>
      tpu.wait_dma2 semaphore(%run_scoped3A : memref<!tpu.dma_semaphore, #tpu.memory_space<semaphore_mem>>) src(%arg10 : memref<128x64xf32, #tpu.memory_space<vmem>>) dst(%dma_wait3A_43 : memref<128x64xf32, #tpu.memory_space<vmem_shared>>)
      tpu.yield
    }) : () -> ()
    %add3A_23 = arith.constant 512 : i32
    %add3A_24 = arith.addi %mul3A_5, %add3A_23 : i32
    "tpu.region"() ({
      %run_scoped3A = tpu.sem_alloc : memref<!tpu.dma_semaphore, #tpu.memory_space<semaphore_mem>>
      %dma_start3A = arith.constant 0 : i32
      %dma_start3A_38 = tpu.memref_slice %arg14[%add3A_24, %dma_start3A] : memref<10240x16xf32, #tpu.memory_space<vmem_shared>> -> memref<128x16xf32, #tpu.memory_space<vmem_shared>>
      %dma_start3A_39 = arith.constant 0 : i32
      %dma_start3A_40 = tpu.memref_slice %arg14[%add3A_24, %dma_start3A_39] : memref<10240x16xf32, #tpu.memory_space<vmem_shared>> -> memref<128x16xf32, #tpu.memory_space<vmem_shared>>
      tpu.enqueue_dma source(%arg12 : memref<128x16xf32, #tpu.memory_space<vmem>>) target(%dma_start3A_40 : memref<128x16xf32, #tpu.memory_space<vmem_shared>>) target_semaphore(%run_scoped3A : memref<!tpu.dma_semaphore, #tpu.memory_space<semaphore_mem>>)
      %dma_wait3A = arith.constant 0 : i32
      %dma_wait3A_41 = tpu.memref_slice %arg14[%add3A_24, %dma_wait3A] : memref<10240x16xf32, #tpu.memory_space<vmem_shared>> -> memref<128x16xf32, #tpu.memory_space<vmem_shared>>
      %dma_wait3A_42 = arith.constant 0 : i32
      %dma_wait3A_43 = tpu.memref_slice %arg14[%add3A_24, %dma_wait3A_42] : memref<10240x16xf32, #tpu.memory_space<vmem_shared>> -> memref<128x16xf32, #tpu.memory_space<vmem_shared>>
      tpu.wait_dma2 semaphore(%run_scoped3A : memref<!tpu.dma_semaphore, #tpu.memory_space<semaphore_mem>>) src(%arg12 : memref<128x16xf32, #tpu.memory_space<vmem>>) dst(%dma_wait3A_43 : memref<128x16xf32, #tpu.memory_space<vmem_shared>>)
      tpu.yield
    }) : () -> ()
    %barrier3A = arith.constant 0 : index
    tpu.barrier barrier_id(%barrier3A)
    "tpu.region"() ({
      %run_scoped3A = tpu.sem_alloc : memref<!tpu.dma_semaphore, #tpu.memory_space<semaphore_mem>>
      %dma_start3A = arith.constant 0 : i32
      %dma_start3A_38 = arith.constant 0 : i32
      %dma_start3A_39 = tpu.memref_slice %arg3[%arg1, %dma_start3A, %dma_start3A_38] : memref<16x157x128xi32, #tpu.memory_space<hbm>> -> memref<1x157x128xi32, #tpu.memory_space<hbm>>
      %dma_start3A_40 = tpu.memref_squeeze %dma_start3A_39 : memref<1x157x128xi32, #tpu.memory_space<hbm>> -> memref<157x128xi32, #tpu.memory_space<hbm>>
      %dma_start3A_41 = arith.constant 0 : i32
      %dma_start3A_42 = arith.constant 0 : i32
      %dma_start3A_43 = tpu.memref_slice %arg3[%arg1, %dma_start3A_41, %dma_start3A_42] : memref<16x157x128xi32, #tpu.memory_space<hbm>> -> memref<1x157x128xi32, #tpu.memory_space<hbm>>
      %dma_start3A_44 = tpu.memref_squeeze %dma_start3A_43 : memref<1x157x128xi32, #tpu.memory_space<hbm>> -> memref<157x128xi32, #tpu.memory_space<hbm>>
      tpu.enqueue_dma source(%dma_start3A_44 : memref<157x128xi32, #tpu.memory_space<hbm>>) target(%arg7 : memref<157x128xi32, #tpu.memory_space<vmem>>) target_semaphore(%run_scoped3A : memref<!tpu.dma_semaphore, #tpu.memory_space<semaphore_mem>>)
      %dma_wait3A = arith.constant 0 : i32
      %dma_wait3A_45 = arith.constant 0 : i32
      %dma_wait3A_46 = tpu.memref_slice %arg3[%arg1, %dma_wait3A, %dma_wait3A_45] : memref<16x157x128xi32, #tpu.memory_space<hbm>> -> memref<1x157x128xi32, #tpu.memory_space<hbm>>
      %dma_wait3A_47 = tpu.memref_squeeze %dma_wait3A_46 : memref<1x157x128xi32, #tpu.memory_space<hbm>> -> memref<157x128xi32, #tpu.memory_space<hbm>>
      %dma_wait3A_48 = arith.constant 0 : i32
      %dma_wait3A_49 = arith.constant 0 : i32
      %dma_wait3A_50 = tpu.memref_slice %arg3[%arg1, %dma_wait3A_48, %dma_wait3A_49] : memref<16x157x128xi32, #tpu.memory_space<hbm>> -> memref<1x157x128xi32, #tpu.memory_space<hbm>>
      %dma_wait3A_51 = tpu.memref_squeeze %dma_wait3A_50 : memref<1x157x128xi32, #tpu.memory_space<hbm>> -> memref<157x128xi32, #tpu.memory_space<hbm>>
      tpu.wait_dma2 semaphore(%run_scoped3A : memref<!tpu.dma_semaphore, #tpu.memory_space<semaphore_mem>>) src(%dma_wait3A_51 : memref<157x128xi32, #tpu.memory_space<hbm>>) dst(%arg7 : memref<157x128xi32, #tpu.memory_space<vmem>>)
      tpu.yield
    }) : () -> ()
    "tpu.region"() ({
      %run_scoped3A = tpu.sem_alloc : memref<!tpu.dma_semaphore, #tpu.memory_space<semaphore_mem>>
      %dma_start3A = arith.constant 0 : i32
      %dma_start3A_38 = arith.constant 0 : i32
      %dma_start3A_39 = tpu.memref_slice %arg4[%arg1, %dma_start3A, %dma_start3A_38] : memref<16x157x128xi32, #tpu.memory_space<hbm>> -> memref<1x157x128xi32, #tpu.memory_space<hbm>>
      %dma_start3A_40 = tpu.memref_squeeze %dma_start3A_39 : memref<1x157x128xi32, #tpu.memory_space<hbm>> -> memref<157x128xi32, #tpu.memory_space<hbm>>
      %dma_start3A_41 = arith.constant 0 : i32
      %dma_start3A_42 = arith.constant 0 : i32
      %dma_start3A_43 = tpu.memref_slice %arg4[%arg1, %dma_start3A_41, %dma_start3A_42] : memref<16x157x128xi32, #tpu.memory_space<hbm>> -> memref<1x157x128xi32, #tpu.memory_space<hbm>>
      %dma_start3A_44 = tpu.memref_squeeze %dma_start3A_43 : memref<1x157x128xi32, #tpu.memory_space<hbm>> -> memref<157x128xi32, #tpu.memory_space<hbm>>
      tpu.enqueue_dma source(%dma_start3A_44 : memref<157x128xi32, #tpu.memory_space<hbm>>) target(%arg8 : memref<157x128xi32, #tpu.memory_space<vmem>>) target_semaphore(%run_scoped3A : memref<!tpu.dma_semaphore, #tpu.memory_space<semaphore_mem>>)
      %dma_wait3A = arith.constant 0 : i32
      %dma_wait3A_45 = arith.constant 0 : i32
      %dma_wait3A_46 = tpu.memref_slice %arg4[%arg1, %dma_wait3A, %dma_wait3A_45] : memref<16x157x128xi32, #tpu.memory_space<hbm>> -> memref<1x157x128xi32, #tpu.memory_space<hbm>>
      %dma_wait3A_47 = tpu.memref_squeeze %dma_wait3A_46 : memref<1x157x128xi32, #tpu.memory_space<hbm>> -> memref<157x128xi32, #tpu.memory_space<hbm>>
      %dma_wait3A_48 = arith.constant 0 : i32
      %dma_wait3A_49 = arith.constant 0 : i32
      %dma_wait3A_50 = tpu.memref_slice %arg4[%arg1, %dma_wait3A_48, %dma_wait3A_49] : memref<16x157x128xi32, #tpu.memory_space<hbm>> -> memref<1x157x128xi32, #tpu.memory_space<hbm>>
      %dma_wait3A_51 = tpu.memref_squeeze %dma_wait3A_50 : memref<1x157x128xi32, #tpu.memory_space<hbm>> -> memref<157x128xi32, #tpu.memory_space<hbm>>
      tpu.wait_dma2 semaphore(%run_scoped3A : memref<!tpu.dma_semaphore, #tpu.memory_space<semaphore_mem>>) src(%dma_wait3A_51 : memref<157x128xi32, #tpu.memory_space<hbm>>) dst(%arg8 : memref<157x128xi32, #tpu.memory_space<vmem>>)
      tpu.yield
    }) : () -> ()
    %scan3A_25 = arith.constant 0 : i32
    %scan3A_26 = arith.constant 0 : i32
    %scan3A_27 = arith.constant 157 : i32
    %scan3A_28 = arith.addi %scan3A_26, %scan3A_27 : i32
    %scan3A_29 = arith.constant 1 : i32
    scf.for %scan3A_38 = %scan3A_26 to %scan3A_28 step %scan3A_29  : i32 {
      %get3A = arith.index_cast %scan3A_38 : i32 to index
      %get3A_39 = arith.constant 0 : index
      %get3A_40 = tpu.vector_load %arg7[%get3A, %get3A_39] {strides = array<i32>} : memref<157x128xi32, #tpu.memory_space<vmem>>, vector<1x16xi32>,
      %get3A_41 = vector.shape_cast %get3A_40 : vector<1x16xi32> to vector<16xi32>
      %mul3A_42 = arith.constant 2 : i32
      %mul3A_43 = vector.broadcast %mul3A_42 : i32 to vector<16xi32>
      %mul3A_44 = arith.muli %get3A_41, %mul3A_43 : vector<16xi32>
      %add3A_45 = vector.broadcast %arg0 : i32 to vector<16xi32>
      %add3A_46 = arith.addi %mul3A_44, %add3A_45 : vector<16xi32>
      %swap3A = arith.index_cast %scan3A_38 : i32 to index
      %swap3A_47 = arith.constant 0 : index
      %swap3A_48 = tpu.vector_load %arg7[%swap3A, %swap3A_47] {strides = array<i32>} : memref<157x128xi32, #tpu.memory_space<vmem>>, vector<1x16xi32>,
      %swap3A_49 = vector.shape_cast %swap3A_48 : vector<1x16xi32> to vector<16xi32>
      %swap3A_50 = vector.shape_cast %add3A_46 : vector<16xi32> to vector<1x16xi32>
      tpu.vector_store %arg7[%swap3A, %swap3A_47], %swap3A_50 {strides = array<i32>} : memref<157x128xi32, #tpu.memory_space<vmem>>, vector<1x16xi32>,
      %get3A_51 = arith.index_cast %scan3A_38 : i32 to index
      %get3A_52 = arith.constant 16 : index
      %get3A_53 = tpu.vector_load %arg7[%get3A_51, %get3A_52] {strides = array<i32>} : memref<157x128xi32, #tpu.memory_space<vmem>>, vector<1x16xi32>,
      %get3A_54 = vector.shape_cast %get3A_53 : vector<1x16xi32> to vector<16xi32>
      %mul3A_55 = arith.constant 2 : i32
      %mul3A_56 = vector.broadcast %mul3A_55 : i32 to vector<16xi32>
      %mul3A_57 = arith.muli %get3A_54, %mul3A_56 : vector<16xi32>
      %add3A_58 = vector.broadcast %arg0 : i32 to vector<16xi32>
      %add3A_59 = arith.addi %mul3A_57, %add3A_58 : vector<16xi32>
      %swap3A_60 = arith.index_cast %scan3A_38 : i32 to index
      %swap3A_61 = arith.constant 16 : index
      %swap3A_62 = tpu.vector_load %arg7[%swap3A_60, %swap3A_61] {strides = array<i32>} : memref<157x128xi32, #tpu.memory_space<vmem>>, vector<1x16xi32>,
      %swap3A_63 = vector.shape_cast %swap3A_62 : vector<1x16xi32> to vector<16xi32>
      %swap3A_64 = vector.shape_cast %add3A_59 : vector<16xi32> to vector<1x16xi32>
      tpu.vector_store %arg7[%swap3A_60, %swap3A_61], %swap3A_64 {strides = array<i32>} : memref<157x128xi32, #tpu.memory_space<vmem>>, vector<1x16xi32>,
      %get3A_65 = arith.index_cast %scan3A_38 : i32 to index
      %get3A_66 = arith.constant 32 : index
      %get3A_67 = tpu.vector_load %arg7[%get3A_65, %get3A_66] {strides = array<i32>} : memref<157x128xi32, #tpu.memory_space<vmem>>, vector<1x16xi32>,
      %get3A_68 = vector.shape_cast %get3A_67 : vector<1x16xi32> to vector<16xi32>
      %mul3A_69 = arith.constant 2 : i32
      %mul3A_70 = vector.broadcast %mul3A_69 : i32 to vector<16xi32>
      %mul3A_71 = arith.muli %get3A_68, %mul3A_70 : vector<16xi32>
      %add3A_72 = vector.broadcast %arg0 : i32 to vector<16xi32>
      %add3A_73 = arith.addi %mul3A_71, %add3A_72 : vector<16xi32>
      %swap3A_74 = arith.index_cast %scan3A_38 : i32 to index
      %swap3A_75 = arith.constant 32 : index
      %swap3A_76 = tpu.vector_load %arg7[%swap3A_74, %swap3A_75] {strides = array<i32>} : memref<157x128xi32, #tpu.memory_space<vmem>>, vector<1x16xi32>,
      %swap3A_77 = vector.shape_cast %swap3A_76 : vector<1x16xi32> to vector<16xi32>
      %swap3A_78 = vector.shape_cast %add3A_73 : vector<16xi32> to vector<1x16xi32>
      tpu.vector_store %arg7[%swap3A_74, %swap3A_75], %swap3A_78 {strides = array<i32>} : memref<157x128xi32, #tpu.memory_space<vmem>>, vector<1x16xi32>,
      %get3A_79 = arith.index_cast %scan3A_38 : i32 to index
      %get3A_80 = arith.constant 48 : index
      %get3A_81 = tpu.vector_load %arg7[%get3A_79, %get3A_80] {strides = array<i32>} : memref<157x128xi32, #tpu.memory_space<vmem>>, vector<1x16xi32>,
      %get3A_82 = vector.shape_cast %get3A_81 : vector<1x16xi32> to vector<16xi32>
      %mul3A_83 = arith.constant 2 : i32
      %mul3A_84 = vector.broadcast %mul3A_83 : i32 to vector<16xi32>
      %mul3A_85 = arith.muli %get3A_82, %mul3A_84 : vector<16xi32>
      %add3A_86 = vector.broadcast %arg0 : i32 to vector<16xi32>
      %add3A_87 = arith.addi %mul3A_85, %add3A_86 : vector<16xi32>
      %swap3A_88 = arith.index_cast %scan3A_38 : i32 to index
      %swap3A_89 = arith.constant 48 : index
      %swap3A_90 = tpu.vector_load %arg7[%swap3A_88, %swap3A_89] {strides = array<i32>} : memref<157x128xi32, #tpu.memory_space<vmem>>, vector<1x16xi32>,
      %swap3A_91 = vector.shape_cast %swap3A_90 : vector<1x16xi32> to vector<16xi32>
      %swap3A_92 = vector.shape_cast %add3A_87 : vector<16xi32> to vector<1x16xi32>
      tpu.vector_store %arg7[%swap3A_88, %swap3A_89], %swap3A_92 {strides = array<i32>} : memref<157x128xi32, #tpu.memory_space<vmem>>, vector<1x16xi32>,
      %get3A_93 = arith.index_cast %scan3A_38 : i32 to index
      %get3A_94 = arith.constant 64 : index
      %get3A_95 = tpu.vector_load %arg7[%get3A_93, %get3A_94] {strides = array<i32>} : memref<157x128xi32, #tpu.memory_space<vmem>>, vector<1x16xi32>,
      %get3A_96 = vector.shape_cast %get3A_95 : vector<1x16xi32> to vector<16xi32>
      %mul3A_97 = arith.constant 2 : i32
      %mul3A_98 = vector.broadcast %mul3A_97 : i32 to vector<16xi32>
      %mul3A_99 = arith.muli %get3A_96, %mul3A_98 : vector<16xi32>
      %add3A_100 = vector.broadcast %arg0 : i32 to vector<16xi32>
      %add3A_101 = arith.addi %mul3A_99, %add3A_100 : vector<16xi32>
      %swap3A_102 = arith.index_cast %scan3A_38 : i32 to index
      %swap3A_103 = arith.constant 64 : index
      %swap3A_104 = tpu.vector_load %arg7[%swap3A_102, %swap3A_103] {strides = array<i32>} : memref<157x128xi32, #tpu.memory_space<vmem>>, vector<1x16xi32>,
      %swap3A_105 = vector.shape_cast %swap3A_104 : vector<1x16xi32> to vector<16xi32>
      %swap3A_106 = vector.shape_cast %add3A_101 : vector<16xi32> to vector<1x16xi32>
      tpu.vector_store %arg7[%swap3A_102, %swap3A_103], %swap3A_106 {strides = array<i32>} : memref<157x128xi32, #tpu.memory_space<vmem>>, vector<1x16xi32>,
      %get3A_107 = arith.index_cast %scan3A_38 : i32 to index
      %get3A_108 = arith.constant 80 : index
      %get3A_109 = tpu.vector_load %arg7[%get3A_107, %get3A_108] {strides = array<i32>} : memref<157x128xi32, #tpu.memory_space<vmem>>, vector<1x16xi32>,
      %get3A_110 = vector.shape_cast %get3A_109 : vector<1x16xi32> to vector<16xi32>
      %mul3A_111 = arith.constant 2 : i32
      %mul3A_112 = vector.broadcast %mul3A_111 : i32 to vector<16xi32>
      %mul3A_113 = arith.muli %get3A_110, %mul3A_112 : vector<16xi32>
      %add3A_114 = vector.broadcast %arg0 : i32 to vector<16xi32>
      %add3A_115 = arith.addi %mul3A_113, %add3A_114 : vector<16xi32>
      %swap3A_116 = arith.index_cast %scan3A_38 : i32 to index
      %swap3A_117 = arith.constant 80 : index
      %swap3A_118 = tpu.vector_load %arg7[%swap3A_116, %swap3A_117] {strides = array<i32>} : memref<157x128xi32, #tpu.memory_space<vmem>>, vector<1x16xi32>,
      %swap3A_119 = vector.shape_cast %swap3A_118 : vector<1x16xi32> to vector<16xi32>
      %swap3A_120 = vector.shape_cast %add3A_115 : vector<16xi32> to vector<1x16xi32>
      tpu.vector_store %arg7[%swap3A_116, %swap3A_117], %swap3A_120 {strides = array<i32>} : memref<157x128xi32, #tpu.memory_space<vmem>>, vector<1x16xi32>,
      %get3A_121 = arith.index_cast %scan3A_38 : i32 to index
      %get3A_122 = arith.constant 96 : index
      %get3A_123 = tpu.vector_load %arg7[%get3A_121, %get3A_122] {strides = array<i32>} : memref<157x128xi32, #tpu.memory_space<vmem>>, vector<1x16xi32>,
      %get3A_124 = vector.shape_cast %get3A_123 : vector<1x16xi32> to vector<16xi32>
      %mul3A_125 = arith.constant 2 : i32
      %mul3A_126 = vector.broadcast %mul3A_125 : i32 to vector<16xi32>
      %mul3A_127 = arith.muli %get3A_124, %mul3A_126 : vector<16xi32>
      %add3A_128 = vector.broadcast %arg0 : i32 to vector<16xi32>
      %add3A_129 = arith.addi %mul3A_127, %add3A_128 : vector<16xi32>
      %swap3A_130 = arith.index_cast %scan3A_38 : i32 to index
      %swap3A_131 = arith.constant 96 : index
      %swap3A_132 = tpu.vector_load %arg7[%swap3A_130, %swap3A_131] {strides = array<i32>} : memref<157x128xi32, #tpu.memory_space<vmem>>, vector<1x16xi32>,
      %swap3A_133 = vector.shape_cast %swap3A_132 : vector<1x16xi32> to vector<16xi32>
      %swap3A_134 = vector.shape_cast %add3A_129 : vector<16xi32> to vector<1x16xi32>
      tpu.vector_store %arg7[%swap3A_130, %swap3A_131], %swap3A_134 {strides = array<i32>} : memref<157x128xi32, #tpu.memory_space<vmem>>, vector<1x16xi32>,
      %get3A_135 = arith.index_cast %scan3A_38 : i32 to index
      %get3A_136 = arith.constant 112 : index
      %get3A_137 = tpu.vector_load %arg7[%get3A_135, %get3A_136] {strides = array<i32>} : memref<157x128xi32, #tpu.memory_space<vmem>>, vector<1x16xi32>,
      %get3A_138 = vector.shape_cast %get3A_137 : vector<1x16xi32> to vector<16xi32>
      %mul3A_139 = arith.constant 2 : i32
      %mul3A_140 = vector.broadcast %mul3A_139 : i32 to vector<16xi32>
      %mul3A_141 = arith.muli %get3A_138, %mul3A_140 : vector<16xi32>
      %add3A_142 = vector.broadcast %arg0 : i32 to vector<16xi32>
      %add3A_143 = arith.addi %mul3A_141, %add3A_142 : vector<16xi32>
      %swap3A_144 = arith.index_cast %scan3A_38 : i32 to index
      %swap3A_145 = arith.constant 112 : index
      %swap3A_146 = tpu.vector_load %arg7[%swap3A_144, %swap3A_145] {strides = array<i32>} : memref<157x128xi32, #tpu.memory_space<vmem>>, vector<1x16xi32>,
      %swap3A_147 = vector.shape_cast %swap3A_146 : vector<1x16xi32> to vector<16xi32>
      %swap3A_148 = vector.shape_cast %add3A_143 : vector<16xi32> to vector<1x16xi32>
      tpu.vector_store %arg7[%swap3A_144, %swap3A_145], %swap3A_148 {strides = array<i32>} : memref<157x128xi32, #tpu.memory_space<vmem>>, vector<1x16xi32>,
    }
    %scan3A_30 = arith.constant 157 : i32
    %scan3A_31 = arith.constant 0 : i32
    %scan3A_32 = arith.constant 0 : i32
    %scan3A_33 = arith.constant 157 : i32
    %scan3A_34 = arith.addi %scan3A_32, %scan3A_33 : i32
    %scan3A_35 = arith.constant 1 : i32
    scf.for %scan3A_38 = %scan3A_32 to %scan3A_34 step %scan3A_35  : i32 {
      %dma_start3A = arith.constant 0 : i32
      %dma_start3A_39 = tpu.memref_slice %arg7[%scan3A_38, %dma_start3A] : memref<157x128xi32, #tpu.memory_space<vmem>> -> memref<1x128xi32, #tpu.memory_space<vmem>>
      %dma_start3A_40 = tpu.memref_squeeze %dma_start3A_39 : memref<1x128xi32, #tpu.memory_space<vmem>> -> memref<128xi32, #tpu.memory_space<vmem>>
      %dma_start3A_41 = arith.constant 0 : i32
      %dma_start3A_42 = arith.constant 0 : i32
      %dma_start3A_43 = tpu.memref_slice %arg2[%dma_start3A_41, %dma_start3A_42] : memref<20000x64xf32, #tpu.memory_space<hbm>> -> memref<20000x64xf32, #tpu.memory_space<hbm>>
      tpu.enqueue_indirect_dma source(%dma_start3A_43 : memref<20000x64xf32, #tpu.memory_space<hbm>>) target(%arg9 : memref<128x64xf32, #tpu.memory_space<vmem>>) offsets(%dma_start3A_40 : memref<128xi32, #tpu.memory_space<vmem>>) semaphore(%arg15 : memref<!tpu.dma_semaphore, #tpu.memory_space<semaphore_mem>>)
      %dma_wait3A = arith.constant 0 : i32
      %dma_wait3A_44 = tpu.memref_slice %arg7[%scan3A_38, %dma_wait3A] : memref<157x128xi32, #tpu.memory_space<vmem>> -> memref<1x128xi32, #tpu.memory_space<vmem>>
      %dma_wait3A_45 = tpu.memref_squeeze %dma_wait3A_44 : memref<1x128xi32, #tpu.memory_space<vmem>> -> memref<128xi32, #tpu.memory_space<vmem>>
      %dma_wait3A_46 = arith.constant 0 : i32
      %dma_wait3A_47 = arith.constant 0 : i32
      %dma_wait3A_48 = tpu.memref_slice %arg2[%dma_wait3A_46, %dma_wait3A_47] : memref<20000x64xf32, #tpu.memory_space<hbm>> -> memref<20000x64xf32, #tpu.memory_space<hbm>>
      tpu.wait_indirect_dma semaphore(%arg15 : memref<!tpu.dma_semaphore, #tpu.memory_space<semaphore_mem>>) src(%dma_wait3A_48 : memref<20000x64xf32, #tpu.memory_space<hbm>>) dst(%arg9 : memref<128x64xf32, #tpu.memory_space<vmem>>)
      "tpu.region"() ({
        %run_scoped3A = tpu.sem_alloc : memref<!tpu.dma_semaphore, #tpu.memory_space<semaphore_mem>>
        %dma_start3A_51 = arith.constant 0 : i32
        %dma_start3A_52 = tpu.memref_slice %arg8[%scan3A_38, %dma_start3A_51] : memref<157x128xi32, #tpu.memory_space<vmem>> -> memref<1x128xi32, #tpu.memory_space<vmem>>
        %dma_start3A_53 = tpu.memref_squeeze %dma_start3A_52 : memref<1x128xi32, #tpu.memory_space<vmem>> -> memref<128xi32, #tpu.memory_space<vmem>>
        %dma_start3A_54 = arith.constant 0 : i32
        %dma_start3A_55 = arith.constant 0 : i32
        %dma_start3A_56 = tpu.memref_slice %arg13[%dma_start3A_54, %dma_start3A_55] : memref<10240x64xf32, #tpu.memory_space<vmem_shared>> -> memref<10240x64xf32, #tpu.memory_space<vmem_shared>>
        tpu.enqueue_indirect_dma source(%arg9 : memref<128x64xf32, #tpu.memory_space<vmem>>) target(%dma_start3A_56 : memref<10240x64xf32, #tpu.memory_space<vmem_shared>>) offsets(%dma_start3A_53 : memref<128xi32, #tpu.memory_space<vmem>>) semaphore(%run_scoped3A : memref<!tpu.dma_semaphore, #tpu.memory_space<semaphore_mem>>) {add = true}
        %dma_wait3A_57 = arith.constant 0 : i32
        %dma_wait3A_58 = tpu.memref_slice %arg8[%scan3A_38, %dma_wait3A_57] : memref<157x128xi32, #tpu.memory_space<vmem>> -> memref<1x128xi32, #tpu.memory_space<vmem>>
        %dma_wait3A_59 = tpu.memref_squeeze %dma_wait3A_58 : memref<1x128xi32, #tpu.memory_space<vmem>> -> memref<128xi32, #tpu.memory_space<vmem>>
        %dma_wait3A_60 = arith.constant 0 : i32
        %dma_wait3A_61 = arith.constant 0 : i32
        %dma_wait3A_62 = tpu.memref_slice %arg13[%dma_wait3A_60, %dma_wait3A_61] : memref<10240x64xf32, #tpu.memory_space<vmem_shared>> -> memref<10240x64xf32, #tpu.memory_space<vmem_shared>>
        tpu.wait_indirect_dma semaphore(%run_scoped3A : memref<!tpu.dma_semaphore, #tpu.memory_space<semaphore_mem>>) src(%arg9 : memref<128x64xf32, #tpu.memory_space<vmem>>) dst(%dma_wait3A_62 : memref<10240x64xf32, #tpu.memory_space<vmem_shared>>)
        tpu.yield
      }) : () -> ()
      %rem3A = arith.constant 2 : i32
      %rem3A_49 = arith.remsi %scan3A_38, %rem3A : i32
      %eq3A = arith.cmpi eq, %arg0, %rem3A_49 : i32
      %convert_element_type3A = arith.extui %eq3A : i1 to i32
      %cond3A = arith.constant 0 : i32
      %cond3A_50 = arith.cmpi ne, %convert_element_type3A, %cond3A : i32
      scf.if %cond3A_50 {
        "tpu.region"() ({
          %run_scoped3A = tpu.sem_alloc : memref<!tpu.dma_semaphore, #tpu.memory_space<semaphore_mem>>
          %dma_start3A_51 = arith.constant 0 : i32
          %dma_start3A_52 = tpu.memref_slice %arg8[%scan3A_38, %dma_start3A_51] : memref<157x128xi32, #tpu.memory_space<vmem>> -> memref<1x128xi32, #tpu.memory_space<vmem>>
          %dma_start3A_53 = tpu.memref_squeeze %dma_start3A_52 : memref<1x128xi32, #tpu.memory_space<vmem>> -> memref<128xi32, #tpu.memory_space<vmem>>
          %dma_start3A_54 = arith.constant 0 : i32
          %dma_start3A_55 = arith.constant 0 : i32
          %dma_start3A_56 = tpu.memref_slice %arg14[%dma_start3A_54, %dma_start3A_55] : memref<10240x16xf32, #tpu.memory_space<vmem_shared>> -> memref<10240x16xf32, #tpu.memory_space<vmem_shared>>
          tpu.enqueue_indirect_dma source(%arg11 : memref<128x16xf32, #tpu.memory_space<vmem>>) target(%dma_start3A_56 : memref<10240x16xf32, #tpu.memory_space<vmem_shared>>) offsets(%dma_start3A_53 : memref<128xi32, #tpu.memory_space<vmem>>) semaphore(%run_scoped3A : memref<!tpu.dma_semaphore, #tpu.memory_space<semaphore_mem>>) {add = true}
          %dma_wait3A_57 = arith.constant 0 : i32
          %dma_wait3A_58 = tpu.memref_slice %arg8[%scan3A_38, %dma_wait3A_57] : memref<157x128xi32, #tpu.memory_space<vmem>> -> memref<1x128xi32, #tpu.memory_space<vmem>>
          %dma_wait3A_59 = tpu.memref_squeeze %dma_wait3A_58 : memref<1x128xi32, #tpu.memory_space<vmem>> -> memref<128xi32, #tpu.memory_space<vmem>>
          %dma_wait3A_60 = arith.constant 0 : i32
          %dma_wait3A_61 = arith.constant 0 : i32
          %dma_wait3A_62 = tpu.memref_slice %arg14[%dma_wait3A_60, %dma_wait3A_61] : memref<10240x16xf32, #tpu.memory_space<vmem_shared>> -> memref<10240x16xf32, #tpu.memory_space<vmem_shared>>
          tpu.wait_indirect_dma semaphore(%run_scoped3A : memref<!tpu.dma_semaphore, #tpu.memory_space<semaphore_mem>>) src(%arg11 : memref<128x16xf32, #tpu.memory_space<vmem>>) dst(%dma_wait3A_62 : memref<10240x16xf32, #tpu.memory_space<vmem_shared>>)
          tpu.yield
        }) : () -> ()
      } else {
      }
    }
    %scan3A_36 = arith.constant 157 : i32
    %barrier3A_37 = arith.constant 0 : index
    tpu.barrier barrier_id(%barrier3A_37)
    "tpu.region"() ({
      %run_scoped3A = tpu.sem_alloc : memref<!tpu.dma_semaphore, #tpu.memory_space<semaphore_mem>>
      %dma_start3A = arith.constant 0 : i32
      %dma_start3A_38 = tpu.memref_slice %arg5[%arg0, %mul3A_5, %dma_start3A] : memref<2x10240x64xf32, #tpu.memory_space<hbm>> -> memref<1x640x64xf32, #tpu.memory_space<hbm>>
      %dma_start3A_39 = tpu.memref_squeeze %dma_start3A_38 : memref<1x640x64xf32, #tpu.memory_space<hbm>> -> memref<640x64xf32, #tpu.memory_space<hbm>>
      %dma_start3A_40 = arith.constant 0 : i32
      %dma_start3A_41 = tpu.memref_slice %arg13[%mul3A_5, %dma_start3A_40] : memref<10240x64xf32, #tpu.memory_space<vmem_shared>> -> memref<640x64xf32, #tpu.memory_space<vmem_shared>>
      tpu.enqueue_dma source(%dma_start3A_41 : memref<640x64xf32, #tpu.memory_space<vmem_shared>>) target(%dma_start3A_39 : memref<640x64xf32, #tpu.memory_space<hbm>>) target_semaphore(%run_scoped3A : memref<!tpu.dma_semaphore, #tpu.memory_space<semaphore_mem>>)
      %dma_wait3A = arith.constant 0 : i32
      %dma_wait3A_42 = tpu.memref_slice %arg5[%arg0, %mul3A_5, %dma_wait3A] : memref<2x10240x64xf32, #tpu.memory_space<hbm>> -> memref<1x640x64xf32, #tpu.memory_space<hbm>>
      %dma_wait3A_43 = tpu.memref_squeeze %dma_wait3A_42 : memref<1x640x64xf32, #tpu.memory_space<hbm>> -> memref<640x64xf32, #tpu.memory_space<hbm>>
      %dma_wait3A_44 = arith.constant 0 : i32
      %dma_wait3A_45 = tpu.memref_slice %arg13[%mul3A_5, %dma_wait3A_44] : memref<10240x64xf32, #tpu.memory_space<vmem_shared>> -> memref<640x64xf32, #tpu.memory_space<vmem_shared>>
      tpu.wait_dma2 semaphore(%run_scoped3A : memref<!tpu.dma_semaphore, #tpu.memory_space<semaphore_mem>>) src(%dma_wait3A_45 : memref<640x64xf32, #tpu.memory_space<vmem_shared>>) dst(%dma_wait3A_43 : memref<640x64xf32, #tpu.memory_space<hbm>>)
      tpu.yield
    }) : () -> ()
    "tpu.region"() ({
      %run_scoped3A = tpu.sem_alloc : memref<!tpu.dma_semaphore, #tpu.memory_space<semaphore_mem>>
      %dma_start3A = arith.constant 0 : i32
      %dma_start3A_38 = tpu.memref_slice %arg6[%arg0, %mul3A_5, %dma_start3A] : memref<2x10240x16xf32, #tpu.memory_space<hbm>> -> memref<1x640x16xf32, #tpu.memory_space<hbm>>
      %dma_start3A_39 = tpu.memref_squeeze %dma_start3A_38 : memref<1x640x16xf32, #tpu.memory_space<hbm>> -> memref<640x16xf32, #tpu.memory_space<hbm>>
      %dma_start3A_40 = arith.constant 0 : i32
      %dma_start3A_41 = tpu.memref_slice %arg14[%mul3A_5, %dma_start3A_40] : memref<10240x16xf32, #tpu.memory_space<vmem_shared>> -> memref<640x16xf32, #tpu.memory_space<vmem_shared>>
      tpu.enqueue_dma source(%dma_start3A_41 : memref<640x16xf32, #tpu.memory_space<vmem_shared>>) target(%dma_start3A_39 : memref<640x16xf32, #tpu.memory_space<hbm>>) target_semaphore(%run_scoped3A : memref<!tpu.dma_semaphore, #tpu.memory_space<semaphore_mem>>)
      %dma_wait3A = arith.constant 0 : i32
      %dma_wait3A_42 = tpu.memref_slice %arg6[%arg0, %mul3A_5, %dma_wait3A] : memref<2x10240x16xf32, #tpu.memory_space<hbm>> -> memref<1x640x16xf32, #tpu.memory_space<hbm>>
      %dma_wait3A_43 = tpu.memref_squeeze %dma_wait3A_42 : memref<1x640x16xf32, #tpu.memory_space<hbm>> -> memref<640x16xf32, #tpu.memory_space<hbm>>
      %dma_wait3A_44 = arith.constant 0 : i32
      %dma_wait3A_45 = tpu.memref_slice %arg14[%mul3A_5, %dma_wait3A_44] : memref<10240x16xf32, #tpu.memory_space<vmem_shared>> -> memref<640x16xf32, #tpu.memory_space<vmem_shared>>
      tpu.wait_dma2 semaphore(%run_scoped3A : memref<!tpu.dma_semaphore, #tpu.memory_space<semaphore_mem>>) src(%dma_wait3A_45 : memref<640x16xf32, #tpu.memory_space<vmem_shared>>) dst(%dma_wait3A_43 : memref<640x16xf32, #tpu.memory_space<hbm>>)
      tpu.yield
    }) : () -> ()
    return
  }
}

#map = affine_map<(d0, d1) -> (0, 0)>
#map1 = affine_map<(d0, d1) -> (0, 0, 0)>
module attributes {stable_mosaic.version = 14 : i64} {
  func.func @_sc_segment_sums(%arg0: i32, %arg1: i32, %arg2: memref<20000x64xf32, #tpu.memory_space<hbm>>, %arg3: memref<16x157x128xi32, #tpu.memory_space<hbm>>, %arg4: memref<16x157x128xi32, #tpu.memory_space<hbm>>, %arg5: memref<2x10240x64xf32, #tpu.memory_space<hbm>>, %arg6: memref<2x10240x16xf32, #tpu.memory_space<hbm>>, %arg7: memref<157x128xi32, #tpu.memory_space<vmem>>, %arg8: memref<157x128xi32, #tpu.memory_space<vmem>>, %arg9: memref<128x64xf32, #tpu.memory_space<vmem>>, %arg10: memref<128x64xf32, #tpu.memory_space<vmem>>, %arg11: memref<128x16xf32, #tpu.memory_space<vmem>>, %arg12: memref<128x16xf32, #tpu.memory_space<vmem>>, %arg13: memref<10240x64xf32, #tpu.memory_space<vmem_shared>>, %arg14: memref<10240x16xf32, #tpu.memory_space<vmem_shared>>, %arg15: memref<!tpu.dma_semaphore, #tpu.memory_space<semaphore_mem>>) attributes {dimension_semantics = [#tpu.dimension_semantics<core_parallel>, #tpu.dimension_semantics<subcore_parallel>], iteration_bounds = array<i64: 2, 16>, scalar_prefetch = 0 : i64, scratch_operands = 9 : i64, tpu.core_type = #tpu.core_type<sc_vector_subcore>, window_params = [{transform_indices = #map}, {transform_indices = #map1}, {transform_indices = #map1}, {transform_indices = #map1}, {transform_indices = #map1}]} {
    %scan3A = arith.constant 0 : i32
    %scan3A_0 = arith.constant 0 : i32
    %scan3A_1 = arith.constant 128 : i32
    %scan3A_2 = arith.addi %scan3A_0, %scan3A_1 : i32
    %scan3A_3 = arith.constant 1 : i32
    scf.for %scan3A_38 = %scan3A_0 to %scan3A_2 step %scan3A_3  : i32 {
      %broadcast_in_dim3A = arith.constant 0.000000e+00 : f32
      %broadcast_in_dim3A_39 = vector.broadcast %broadcast_in_dim3A : f32 to vector<16xf32>
      %swap3A = arith.index_cast %scan3A_38 : i32 to index
      %swap3A_40 = arith.constant 0 : index
      %swap3A_41 = tpu.vector_load %arg10[%swap3A, %swap3A_40] {strides = array<i32>} : memref<128x64xf32, #tpu.memory_space<vmem>>, vector<1x16xf32>,
      %swap3A_42 = vector.shape_cast %swap3A_41 : vector<1x16xf32> to vector<16xf32>
      %swap3A_43 = vector.shape_cast %broadcast_in_dim3A_39 : vector<16xf32> to vector<1x16xf32>
      tpu.vector_store %arg10[%swap3A, %swap3A_40], %swap3A_43 {strides = array<i32>} : memref<128x64xf32, #tpu.memory_space<vmem>>, vector<1x16xf32>,
      %broadcast_in_dim3A_44 = arith.constant 0.000000e+00 : f32
      %broadcast_in_dim3A_45 = vector.broadcast %broadcast_in_dim3A_44 : f32 to vector<16xf32>
      %swap3A_46 = arith.index_cast %scan3A_38 : i32 to index
      %swap3A_47 = arith.constant 16 : index
      %swap3A_48 = tpu.vector_load %arg10[%swap3A_46, %swap3A_47] {strides = array<i32>} : memref<128x64xf32, #tpu.memory_space<vmem>>, vector<1x16xf32>,
      %swap3A_49 = vector.shape_cast %swap3A_48 : vector<1x16xf32> to vector<16xf32>
      %swap3A_50 = vector.shape_cast %broadcast_in_dim3A_45 : vector<16xf32> to vector<1x16xf32>
      tpu.vector_store %arg10[%swap3A_46, %swap3A_47], %swap3A_50 {strides = array<i32>} : memref<128x64xf32, #tpu.memory_space<vmem>>, vector<1x16xf32>,
      %broadcast_in_dim3A_51 = arith.constant 0.000000e+00 : f32
      %broadcast_in_dim3A_52 = vector.broadcast %broadcast_in_dim3A_51 : f32 to vector<16xf32>
      %swap3A_53 = arith.index_cast %scan3A_38 : i32 to index
      %swap3A_54 = arith.constant 32 : index
      %swap3A_55 = tpu.vector_load %arg10[%swap3A_53, %swap3A_54] {strides = array<i32>} : memref<128x64xf32, #tpu.memory_space<vmem>>, vector<1x16xf32>,
      %swap3A_56 = vector.shape_cast %swap3A_55 : vector<1x16xf32> to vector<16xf32>
      %swap3A_57 = vector.shape_cast %broadcast_in_dim3A_52 : vector<16xf32> to vector<1x16xf32>
      tpu.vector_store %arg10[%swap3A_53, %swap3A_54], %swap3A_57 {strides = array<i32>} : memref<128x64xf32, #tpu.memory_space<vmem>>, vector<1x16xf32>,
      %broadcast_in_dim3A_58 = arith.constant 0.000000e+00 : f32
      %broadcast_in_dim3A_59 = vector.broadcast %broadcast_in_dim3A_58 : f32 to vector<16xf32>
      %swap3A_60 = arith.index_cast %scan3A_38 : i32 to index
      %swap3A_61 = arith.constant 48 : index
      %swap3A_62 = tpu.vector_load %arg10[%swap3A_60, %swap3A_61] {strides = array<i32>} : memref<128x64xf32, #tpu.memory_space<vmem>>, vector<1x16xf32>,
      %swap3A_63 = vector.shape_cast %swap3A_62 : vector<1x16xf32> to vector<16xf32>
      %swap3A_64 = vector.shape_cast %broadcast_in_dim3A_59 : vector<16xf32> to vector<1x16xf32>
      tpu.vector_store %arg10[%swap3A_60, %swap3A_61], %swap3A_64 {strides = array<i32>} : memref<128x64xf32, #tpu.memory_space<vmem>>, vector<1x16xf32>,
      %broadcast_in_dim3A_65 = arith.constant 0.000000e+00 : f32
      %broadcast_in_dim3A_66 = vector.broadcast %broadcast_in_dim3A_65 : f32 to vector<16xf32>
      %swap3A_67 = arith.index_cast %scan3A_38 : i32 to index
      %swap3A_68 = arith.constant 0 : index
      %swap3A_69 = tpu.vector_load %arg12[%swap3A_67, %swap3A_68] {strides = array<i32>} : memref<128x16xf32, #tpu.memory_space<vmem>>, vector<1x16xf32>,
      %swap3A_70 = vector.shape_cast %swap3A_69 : vector<1x16xf32> to vector<16xf32>
      %swap3A_71 = vector.shape_cast %broadcast_in_dim3A_66 : vector<16xf32> to vector<1x16xf32>
      tpu.vector_store %arg12[%swap3A_67, %swap3A_68], %swap3A_71 {strides = array<i32>} : memref<128x16xf32, #tpu.memory_space<vmem>>, vector<1x16xf32>,
      %broadcast_in_dim3A_72 = arith.constant 1.000000e+00 : f32
      %broadcast_in_dim3A_73 = vector.broadcast %broadcast_in_dim3A_72 : f32 to vector<16xf32>
      %swap3A_74 = arith.index_cast %scan3A_38 : i32 to index
      %swap3A_75 = arith.constant 0 : index
      %swap3A_76 = tpu.vector_load %arg11[%swap3A_74, %swap3A_75] {strides = array<i32>} : memref<128x16xf32, #tpu.memory_space<vmem>>, vector<1x16xf32>,
      %swap3A_77 = vector.shape_cast %swap3A_76 : vector<1x16xf32> to vector<16xf32>
      %swap3A_78 = vector.shape_cast %broadcast_in_dim3A_73 : vector<16xf32> to vector<1x16xf32>
      tpu.vector_store %arg11[%swap3A_74, %swap3A_75], %swap3A_78 {strides = array<i32>} : memref<128x16xf32, #tpu.memory_space<vmem>>, vector<1x16xf32>,
    }
    %scan3A_4 = arith.constant 128 : i32
    %mul3A = arith.constant 640 : i32
    %mul3A_5 = arith.muli %arg1, %mul3A : i32
    %add3A = arith.constant 0 : i32
    %add3A_6 = arith.addi %mul3A_5, %add3A : i32
    "tpu.region"() ({
      %run_scoped3A = tpu.sem_alloc : memref<!tpu.dma_semaphore, #tpu.memory_space<semaphore_mem>>
      %dma_start3A = arith.constant 0 : i32
      %dma_start3A_38 = tpu.memref_slice %arg13[%add3A_6, %dma_start3A] : memref<10240x64xf32, #tpu.memory_space<vmem_shared>> -> memref<128x64xf32, #tpu.memory_space<vmem_shared>>
      %dma_start3A_39 = arith.constant 0 : i32
      %dma_start3A_40 = tpu.memref_slice %arg13[%add3A_6, %dma_start3A_39] : memref<10240x64xf32, #tpu.memory_space<vmem_shared>> -> memref<128x64xf32, #tpu.memory_space<vmem_shared>>
      tpu.enqueue_dma source(%arg10 : memref<128x64xf32, #tpu.memory_space<vmem>>) target(%dma_start3A_40 : memref<128x64xf32, #tpu.memory_space<vmem_shared>>) target_semaphore(%run_scoped3A : memref<!tpu.dma_semaphore, #tpu.memory_space<semaphore_mem>>)
      %dma_wait3A = arith.constant 0 : i32
      %dma_wait3A_41 = tpu.memref_slice %arg13[%add3A_6, %dma_wait3A] : memref<10240x64xf32, #tpu.memory_space<vmem_shared>> -> memref<128x64xf32, #tpu.memory_space<vmem_shared>>
      %dma_wait3A_42 = arith.constant 0 : i32
      %dma_wait3A_43 = tpu.memref_slice %arg13[%add3A_6, %dma_wait3A_42] : memref<10240x64xf32, #tpu.memory_space<vmem_shared>> -> memref<128x64xf32, #tpu.memory_space<vmem_shared>>
      tpu.wait_dma2 semaphore(%run_scoped3A : memref<!tpu.dma_semaphore, #tpu.memory_space<semaphore_mem>>) src(%arg10 : memref<128x64xf32, #tpu.memory_space<vmem>>) dst(%dma_wait3A_43 : memref<128x64xf32, #tpu.memory_space<vmem_shared>>)
      tpu.yield
    }) : () -> ()
    %add3A_7 = arith.constant 0 : i32
    %add3A_8 = arith.addi %mul3A_5, %add3A_7 : i32
    "tpu.region"() ({
      %run_scoped3A = tpu.sem_alloc : memref<!tpu.dma_semaphore, #tpu.memory_space<semaphore_mem>>
      %dma_start3A = arith.constant 0 : i32
      %dma_start3A_38 = tpu.memref_slice %arg14[%add3A_8, %dma_start3A] : memref<10240x16xf32, #tpu.memory_space<vmem_shared>> -> memref<128x16xf32, #tpu.memory_space<vmem_shared>>
      %dma_start3A_39 = arith.constant 0 : i32
      %dma_start3A_40 = tpu.memref_slice %arg14[%add3A_8, %dma_start3A_39] : memref<10240x16xf32, #tpu.memory_space<vmem_shared>> -> memref<128x16xf32, #tpu.memory_space<vmem_shared>>
      tpu.enqueue_dma source(%arg12 : memref<128x16xf32, #tpu.memory_space<vmem>>) target(%dma_start3A_40 : memref<128x16xf32, #tpu.memory_space<vmem_shared>>) target_semaphore(%run_scoped3A : memref<!tpu.dma_semaphore, #tpu.memory_space<semaphore_mem>>)
      %dma_wait3A = arith.constant 0 : i32
      %dma_wait3A_41 = tpu.memref_slice %arg14[%add3A_8, %dma_wait3A] : memref<10240x16xf32, #tpu.memory_space<vmem_shared>> -> memref<128x16xf32, #tpu.memory_space<vmem_shared>>
      %dma_wait3A_42 = arith.constant 0 : i32
      %dma_wait3A_43 = tpu.memref_slice %arg14[%add3A_8, %dma_wait3A_42] : memref<10240x16xf32, #tpu.memory_space<vmem_shared>> -> memref<128x16xf32, #tpu.memory_space<vmem_shared>>
      tpu.wait_dma2 semaphore(%run_scoped3A : memref<!tpu.dma_semaphore, #tpu.memory_space<semaphore_mem>>) src(%arg12 : memref<128x16xf32, #tpu.memory_space<vmem>>) dst(%dma_wait3A_43 : memref<128x16xf32, #tpu.memory_space<vmem_shared>>)
      tpu.yield
    }) : () -> ()
    %add3A_9 = arith.constant 128 : i32
    %add3A_10 = arith.addi %mul3A_5, %add3A_9 : i32
    "tpu.region"() ({
      %run_scoped3A = tpu.sem_alloc : memref<!tpu.dma_semaphore, #tpu.memory_space<semaphore_mem>>
      %dma_start3A = arith.constant 0 : i32
      %dma_start3A_38 = tpu.memref_slice %arg13[%add3A_10, %dma_start3A] : memref<10240x64xf32, #tpu.memory_space<vmem_shared>> -> memref<128x64xf32, #tpu.memory_space<vmem_shared>>
      %dma_start3A_39 = arith.constant 0 : i32
      %dma_start3A_40 = tpu.memref_slice %arg13[%add3A_10, %dma_start3A_39] : memref<10240x64xf32, #tpu.memory_space<vmem_shared>> -> memref<128x64xf32, #tpu.memory_space<vmem_shared>>
      tpu.enqueue_dma source(%arg10 : memref<128x64xf32, #tpu.memory_space<vmem>>) target(%dma_start3A_40 : memref<128x64xf32, #tpu.memory_space<vmem_shared>>) target_semaphore(%run_scoped3A : memref<!tpu.dma_semaphore, #tpu.memory_space<semaphore_mem>>)
      %dma_wait3A = arith.constant 0 : i32
      %dma_wait3A_41 = tpu.memref_slice %arg13[%add3A_10, %dma_wait3A] : memref<10240x64xf32, #tpu.memory_space<vmem_shared>> -> memref<128x64xf32, #tpu.memory_space<vmem_shared>>
      %dma_wait3A_42 = arith.constant 0 : i32
      %dma_wait3A_43 = tpu.memref_slice %arg13[%add3A_10, %dma_wait3A_42] : memref<10240x64xf32, #tpu.memory_space<vmem_shared>> -> memref<128x64xf32, #tpu.memory_space<vmem_shared>>
      tpu.wait_dma2 semaphore(%run_scoped3A : memref<!tpu.dma_semaphore, #tpu.memory_space<semaphore_mem>>) src(%arg10 : memref<128x64xf32, #tpu.memory_space<vmem>>) dst(%dma_wait3A_43 : memref<128x64xf32, #tpu.memory_space<vmem_shared>>)
      tpu.yield
    }) : () -> ()
    %add3A_11 = arith.constant 128 : i32
    %add3A_12 = arith.addi %mul3A_5, %add3A_11 : i32
    "tpu.region"() ({
      %run_scoped3A = tpu.sem_alloc : memref<!tpu.dma_semaphore, #tpu.memory_space<semaphore_mem>>
      %dma_start3A = arith.constant 0 : i32
      %dma_start3A_38 = tpu.memref_slice %arg14[%add3A_12, %dma_start3A] : memref<10240x16xf32, #tpu.memory_space<vmem_shared>> -> memref<128x16xf32, #tpu.memory_space<vmem_shared>>
      %dma_start3A_39 = arith.constant 0 : i32
      %dma_start3A_40 = tpu.memref_slice %arg14[%add3A_12, %dma_start3A_39] : memref<10240x16xf32, #tpu.memory_space<vmem_shared>> -> memref<128x16xf32, #tpu.memory_space<vmem_shared>>
      tpu.enqueue_dma source(%arg12 : memref<128x16xf32, #tpu.memory_space<vmem>>) target(%dma_start3A_40 : memref<128x16xf32, #tpu.memory_space<vmem_shared>>) target_semaphore(%run_scoped3A : memref<!tpu.dma_semaphore, #tpu.memory_space<semaphore_mem>>)
      %dma_wait3A = arith.constant 0 : i32
      %dma_wait3A_41 = tpu.memref_slice %arg14[%add3A_12, %dma_wait3A] : memref<10240x16xf32, #tpu.memory_space<vmem_shared>> -> memref<128x16xf32, #tpu.memory_space<vmem_shared>>
      %dma_wait3A_42 = arith.constant 0 : i32
      %dma_wait3A_43 = tpu.memref_slice %arg14[%add3A_12, %dma_wait3A_42] : memref<10240x16xf32, #tpu.memory_space<vmem_shared>> -> memref<128x16xf32, #tpu.memory_space<vmem_shared>>
      tpu.wait_dma2 semaphore(%run_scoped3A : memref<!tpu.dma_semaphore, #tpu.memory_space<semaphore_mem>>) src(%arg12 : memref<128x16xf32, #tpu.memory_space<vmem>>) dst(%dma_wait3A_43 : memref<128x16xf32, #tpu.memory_space<vmem_shared>>)
      tpu.yield
    }) : () -> ()
    %add3A_13 = arith.constant 256 : i32
    %add3A_14 = arith.addi %mul3A_5, %add3A_13 : i32
    "tpu.region"() ({
      %run_scoped3A = tpu.sem_alloc : memref<!tpu.dma_semaphore, #tpu.memory_space<semaphore_mem>>
      %dma_start3A = arith.constant 0 : i32
      %dma_start3A_38 = tpu.memref_slice %arg13[%add3A_14, %dma_start3A] : memref<10240x64xf32, #tpu.memory_space<vmem_shared>> -> memref<128x64xf32, #tpu.memory_space<vmem_shared>>
      %dma_start3A_39 = arith.constant 0 : i32
      %dma_start3A_40 = tpu.memref_slice %arg13[%add3A_14, %dma_start3A_39] : memref<10240x64xf32, #tpu.memory_space<vmem_shared>> -> memref<128x64xf32, #tpu.memory_space<vmem_shared>>
      tpu.enqueue_dma source(%arg10 : memref<128x64xf32, #tpu.memory_space<vmem>>) target(%dma_start3A_40 : memref<128x64xf32, #tpu.memory_space<vmem_shared>>) target_semaphore(%run_scoped3A : memref<!tpu.dma_semaphore, #tpu.memory_space<semaphore_mem>>)
      %dma_wait3A = arith.constant 0 : i32
      %dma_wait3A_41 = tpu.memref_slice %arg13[%add3A_14, %dma_wait3A] : memref<10240x64xf32, #tpu.memory_space<vmem_shared>> -> memref<128x64xf32, #tpu.memory_space<vmem_shared>>
      %dma_wait3A_42 = arith.constant 0 : i32
      %dma_wait3A_43 = tpu.memref_slice %arg13[%add3A_14, %dma_wait3A_42] : memref<10240x64xf32, #tpu.memory_space<vmem_shared>> -> memref<128x64xf32, #tpu.memory_space<vmem_shared>>
      tpu.wait_dma2 semaphore(%run_scoped3A : memref<!tpu.dma_semaphore, #tpu.memory_space<semaphore_mem>>) src(%arg10 : memref<128x64xf32, #tpu.memory_space<vmem>>) dst(%dma_wait3A_43 : memref<128x64xf32, #tpu.memory_space<vmem_shared>>)
      tpu.yield
    }) : () -> ()
    %add3A_15 = arith.constant 256 : i32
    %add3A_16 = arith.addi %mul3A_5, %add3A_15 : i32
    "tpu.region"() ({
      %run_scoped3A = tpu.sem_alloc : memref<!tpu.dma_semaphore, #tpu.memory_space<semaphore_mem>>
      %dma_start3A = arith.constant 0 : i32
      %dma_start3A_38 = tpu.memref_slice %arg14[%add3A_16, %dma_start3A] : memref<10240x16xf32, #tpu.memory_space<vmem_shared>> -> memref<128x16xf32, #tpu.memory_space<vmem_shared>>
      %dma_start3A_39 = arith.constant 0 : i32
      %dma_start3A_40 = tpu.memref_slice %arg14[%add3A_16, %dma_start3A_39] : memref<10240x16xf32, #tpu.memory_space<vmem_shared>> -> memref<128x16xf32, #tpu.memory_space<vmem_shared>>
      tpu.enqueue_dma source(%arg12 : memref<128x16xf32, #tpu.memory_space<vmem>>) target(%dma_start3A_40 : memref<128x16xf32, #tpu.memory_space<vmem_shared>>) target_semaphore(%run_scoped3A : memref<!tpu.dma_semaphore, #tpu.memory_space<semaphore_mem>>)
      %dma_wait3A = arith.constant 0 : i32
      %dma_wait3A_41 = tpu.memref_slice %arg14[%add3A_16, %dma_wait3A] : memref<10240x16xf32, #tpu.memory_space<vmem_shared>> -> memref<128x16xf32, #tpu.memory_space<vmem_shared>>
      %dma_wait3A_42 = arith.constant 0 : i32
      %dma_wait3A_43 = tpu.memref_slice %arg14[%add3A_16, %dma_wait3A_42] : memref<10240x16xf32, #tpu.memory_space<vmem_shared>> -> memref<128x16xf32, #tpu.memory_space<vmem_shared>>
      tpu.wait_dma2 semaphore(%run_scoped3A : memref<!tpu.dma_semaphore, #tpu.memory_space<semaphore_mem>>) src(%arg12 : memref<128x16xf32, #tpu.memory_space<vmem>>) dst(%dma_wait3A_43 : memref<128x16xf32, #tpu.memory_space<vmem_shared>>)
      tpu.yield
    }) : () -> ()
    %add3A_17 = arith.constant 384 : i32
    %add3A_18 = arith.addi %mul3A_5, %add3A_17 : i32
    "tpu.region"() ({
      %run_scoped3A = tpu.sem_alloc : memref<!tpu.dma_semaphore, #tpu.memory_space<semaphore_mem>>
      %dma_start3A = arith.constant 0 : i32
      %dma_start3A_38 = tpu.memref_slice %arg13[%add3A_18, %dma_start3A] : memref<10240x64xf32, #tpu.memory_space<vmem_shared>> -> memref<128x64xf32, #tpu.memory_space<vmem_shared>>
      %dma_start3A_39 = arith.constant 0 : i32
      %dma_start3A_40 = tpu.memref_slice %arg13[%add3A_18, %dma_start3A_39] : memref<10240x64xf32, #tpu.memory_space<vmem_shared>> -> memref<128x64xf32, #tpu.memory_space<vmem_shared>>
      tpu.enqueue_dma source(%arg10 : memref<128x64xf32, #tpu.memory_space<vmem>>) target(%dma_start3A_40 : memref<128x64xf32, #tpu.memory_space<vmem_shared>>) target_semaphore(%run_scoped3A : memref<!tpu.dma_semaphore, #tpu.memory_space<semaphore_mem>>)
      %dma_wait3A = arith.constant 0 : i32
      %dma_wait3A_41 = tpu.memref_slice %arg13[%add3A_18, %dma_wait3A] : memref<10240x64xf32, #tpu.memory_space<vmem_shared>> -> memref<128x64xf32, #tpu.memory_space<vmem_shared>>
      %dma_wait3A_42 = arith.constant 0 : i32
      %dma_wait3A_43 = tpu.memref_slice %arg13[%add3A_18, %dma_wait3A_42] : memref<10240x64xf32, #tpu.memory_space<vmem_shared>> -> memref<128x64xf32, #tpu.memory_space<vmem_shared>>
      tpu.wait_dma2 semaphore(%run_scoped3A : memref<!tpu.dma_semaphore, #tpu.memory_space<semaphore_mem>>) src(%arg10 : memref<128x64xf32, #tpu.memory_space<vmem>>) dst(%dma_wait3A_43 : memref<128x64xf32, #tpu.memory_space<vmem_shared>>)
      tpu.yield
    }) : () -> ()
    %add3A_19 = arith.constant 384 : i32
    %add3A_20 = arith.addi %mul3A_5, %add3A_19 : i32
    "tpu.region"() ({
      %run_scoped3A = tpu.sem_alloc : memref<!tpu.dma_semaphore, #tpu.memory_space<semaphore_mem>>
      %dma_start3A = arith.constant 0 : i32
      %dma_start3A_38 = tpu.memref_slice %arg14[%add3A_20, %dma_start3A] : memref<10240x16xf32, #tpu.memory_space<vmem_shared>> -> memref<128x16xf32, #tpu.memory_space<vmem_shared>>
      %dma_start3A_39 = arith.constant 0 : i32
      %dma_start3A_40 = tpu.memref_slice %arg14[%add3A_20, %dma_start3A_39] : memref<10240x16xf32, #tpu.memory_space<vmem_shared>> -> memref<128x16xf32, #tpu.memory_space<vmem_shared>>
      tpu.enqueue_dma source(%arg12 : memref<128x16xf32, #tpu.memory_space<vmem>>) target(%dma_start3A_40 : memref<128x16xf32, #tpu.memory_space<vmem_shared>>) target_semaphore(%run_scoped3A : memref<!tpu.dma_semaphore, #tpu.memory_space<semaphore_mem>>)
      %dma_wait3A = arith.constant 0 : i32
      %dma_wait3A_41 = tpu.memref_slice %arg14[%add3A_20, %dma_wait3A] : memref<10240x16xf32, #tpu.memory_space<vmem_shared>> -> memref<128x16xf32, #tpu.memory_space<vmem_shared>>
      %dma_wait3A_42 = arith.constant 0 : i32
      %dma_wait3A_43 = tpu.memref_slice %arg14[%add3A_20, %dma_wait3A_42] : memref<10240x16xf32, #tpu.memory_space<vmem_shared>> -> memref<128x16xf32, #tpu.memory_space<vmem_shared>>
      tpu.wait_dma2 semaphore(%run_scoped3A : memref<!tpu.dma_semaphore, #tpu.memory_space<semaphore_mem>>) src(%arg12 : memref<128x16xf32, #tpu.memory_space<vmem>>) dst(%dma_wait3A_43 : memref<128x16xf32, #tpu.memory_space<vmem_shared>>)
      tpu.yield
    }) : () -> ()
    %add3A_21 = arith.constant 512 : i32
    %add3A_22 = arith.addi %mul3A_5, %add3A_21 : i32
    "tpu.region"() ({
      %run_scoped3A = tpu.sem_alloc : memref<!tpu.dma_semaphore, #tpu.memory_space<semaphore_mem>>
      %dma_start3A = arith.constant 0 : i32
      %dma_start3A_38 = tpu.memref_slice %arg13[%add3A_22, %dma_start3A] : memref<10240x64xf32, #tpu.memory_space<vmem_shared>> -> memref<128x64xf32, #tpu.memory_space<vmem_shared>>
      %dma_start3A_39 = arith.constant 0 : i32
      %dma_start3A_40 = tpu.memref_slice %arg13[%add3A_22, %dma_start3A_39] : memref<10240x64xf32, #tpu.memory_space<vmem_shared>> -> memref<128x64xf32, #tpu.memory_space<vmem_shared>>
      tpu.enqueue_dma source(%arg10 : memref<128x64xf32, #tpu.memory_space<vmem>>) target(%dma_start3A_40 : memref<128x64xf32, #tpu.memory_space<vmem_shared>>) target_semaphore(%run_scoped3A : memref<!tpu.dma_semaphore, #tpu.memory_space<semaphore_mem>>)
      %dma_wait3A = arith.constant 0 : i32
      %dma_wait3A_41 = tpu.memref_slice %arg13[%add3A_22, %dma_wait3A] : memref<10240x64xf32, #tpu.memory_space<vmem_shared>> -> memref<128x64xf32, #tpu.memory_space<vmem_shared>>
      %dma_wait3A_42 = arith.constant 0 : i32
      %dma_wait3A_43 = tpu.memref_slice %arg13[%add3A_22, %dma_wait3A_42] : memref<10240x64xf32, #tpu.memory_space<vmem_shared>> -> memref<128x64xf32, #tpu.memory_space<vmem_shared>>
      tpu.wait_dma2 semaphore(%run_scoped3A : memref<!tpu.dma_semaphore, #tpu.memory_space<semaphore_mem>>) src(%arg10 : memref<128x64xf32, #tpu.memory_space<vmem>>) dst(%dma_wait3A_43 : memref<128x64xf32, #tpu.memory_space<vmem_shared>>)
      tpu.yield
    }) : () -> ()
    %add3A_23 = arith.constant 512 : i32
    %add3A_24 = arith.addi %mul3A_5, %add3A_23 : i32
    "tpu.region"() ({
      %run_scoped3A = tpu.sem_alloc : memref<!tpu.dma_semaphore, #tpu.memory_space<semaphore_mem>>
      %dma_start3A = arith.constant 0 : i32
      %dma_start3A_38 = tpu.memref_slice %arg14[%add3A_24, %dma_start3A] : memref<10240x16xf32, #tpu.memory_space<vmem_shared>> -> memref<128x16xf32, #tpu.memory_space<vmem_shared>>
      %dma_start3A_39 = arith.constant 0 : i32
      %dma_start3A_40 = tpu.memref_slice %arg14[%add3A_24, %dma_start3A_39] : memref<10240x16xf32, #tpu.memory_space<vmem_shared>> -> memref<128x16xf32, #tpu.memory_space<vmem_shared>>
      tpu.enqueue_dma source(%arg12 : memref<128x16xf32, #tpu.memory_space<vmem>>) target(%dma_start3A_40 : memref<128x16xf32, #tpu.memory_space<vmem_shared>>) target_semaphore(%run_scoped3A : memref<!tpu.dma_semaphore, #tpu.memory_space<semaphore_mem>>)
      %dma_wait3A = arith.constant 0 : i32
      %dma_wait3A_41 = tpu.memref_slice %arg14[%add3A_24, %dma_wait3A] : memref<10240x16xf32, #tpu.memory_space<vmem_shared>> -> memref<128x16xf32, #tpu.memory_space<vmem_shared>>
      %dma_wait3A_42 = arith.constant 0 : i32
      %dma_wait3A_43 = tpu.memref_slice %arg14[%add3A_24, %dma_wait3A_42] : memref<10240x16xf32, #tpu.memory_space<vmem_shared>> -> memref<128x16xf32, #tpu.memory_space<vmem_shared>>
      tpu.wait_dma2 semaphore(%run_scoped3A : memref<!tpu.dma_semaphore, #tpu.memory_space<semaphore_mem>>) src(%arg12 : memref<128x16xf32, #tpu.memory_space<vmem>>) dst(%dma_wait3A_43 : memref<128x16xf32, #tpu.memory_space<vmem_shared>>)
      tpu.yield
    }) : () -> ()
    %barrier3A = arith.constant 0 : index
    tpu.barrier barrier_id(%barrier3A)
    "tpu.region"() ({
      %run_scoped3A = tpu.sem_alloc : memref<!tpu.dma_semaphore, #tpu.memory_space<semaphore_mem>>
      %dma_start3A = arith.constant 0 : i32
      %dma_start3A_38 = arith.constant 0 : i32
      %dma_start3A_39 = tpu.memref_slice %arg3[%arg1, %dma_start3A, %dma_start3A_38] : memref<16x157x128xi32, #tpu.memory_space<hbm>> -> memref<1x157x128xi32, #tpu.memory_space<hbm>>
      %dma_start3A_40 = tpu.memref_squeeze %dma_start3A_39 : memref<1x157x128xi32, #tpu.memory_space<hbm>> -> memref<157x128xi32, #tpu.memory_space<hbm>>
      %dma_start3A_41 = arith.constant 0 : i32
      %dma_start3A_42 = arith.constant 0 : i32
      %dma_start3A_43 = tpu.memref_slice %arg3[%arg1, %dma_start3A_41, %dma_start3A_42] : memref<16x157x128xi32, #tpu.memory_space<hbm>> -> memref<1x157x128xi32, #tpu.memory_space<hbm>>
      %dma_start3A_44 = tpu.memref_squeeze %dma_start3A_43 : memref<1x157x128xi32, #tpu.memory_space<hbm>> -> memref<157x128xi32, #tpu.memory_space<hbm>>
      tpu.enqueue_dma source(%dma_start3A_44 : memref<157x128xi32, #tpu.memory_space<hbm>>) target(%arg7 : memref<157x128xi32, #tpu.memory_space<vmem>>) target_semaphore(%run_scoped3A : memref<!tpu.dma_semaphore, #tpu.memory_space<semaphore_mem>>)
      %dma_wait3A = arith.constant 0 : i32
      %dma_wait3A_45 = arith.constant 0 : i32
      %dma_wait3A_46 = tpu.memref_slice %arg3[%arg1, %dma_wait3A, %dma_wait3A_45] : memref<16x157x128xi32, #tpu.memory_space<hbm>> -> memref<1x157x128xi32, #tpu.memory_space<hbm>>
      %dma_wait3A_47 = tpu.memref_squeeze %dma_wait3A_46 : memref<1x157x128xi32, #tpu.memory_space<hbm>> -> memref<157x128xi32, #tpu.memory_space<hbm>>
      %dma_wait3A_48 = arith.constant 0 : i32
      %dma_wait3A_49 = arith.constant 0 : i32
      %dma_wait3A_50 = tpu.memref_slice %arg3[%arg1, %dma_wait3A_48, %dma_wait3A_49] : memref<16x157x128xi32, #tpu.memory_space<hbm>> -> memref<1x157x128xi32, #tpu.memory_space<hbm>>
      %dma_wait3A_51 = tpu.memref_squeeze %dma_wait3A_50 : memref<1x157x128xi32, #tpu.memory_space<hbm>> -> memref<157x128xi32, #tpu.memory_space<hbm>>
      tpu.wait_dma2 semaphore(%run_scoped3A : memref<!tpu.dma_semaphore, #tpu.memory_space<semaphore_mem>>) src(%dma_wait3A_51 : memref<157x128xi32, #tpu.memory_space<hbm>>) dst(%arg7 : memref<157x128xi32, #tpu.memory_space<vmem>>)
      tpu.yield
    }) : () -> ()
    "tpu.region"() ({
      %run_scoped3A = tpu.sem_alloc : memref<!tpu.dma_semaphore, #tpu.memory_space<semaphore_mem>>
      %dma_start3A = arith.constant 0 : i32
      %dma_start3A_38 = arith.constant 0 : i32
      %dma_start3A_39 = tpu.memref_slice %arg4[%arg1, %dma_start3A, %dma_start3A_38] : memref<16x157x128xi32, #tpu.memory_space<hbm>> -> memref<1x157x128xi32, #tpu.memory_space<hbm>>
      %dma_start3A_40 = tpu.memref_squeeze %dma_start3A_39 : memref<1x157x128xi32, #tpu.memory_space<hbm>> -> memref<157x128xi32, #tpu.memory_space<hbm>>
      %dma_start3A_41 = arith.constant 0 : i32
      %dma_start3A_42 = arith.constant 0 : i32
      %dma_start3A_43 = tpu.memref_slice %arg4[%arg1, %dma_start3A_41, %dma_start3A_42] : memref<16x157x128xi32, #tpu.memory_space<hbm>> -> memref<1x157x128xi32, #tpu.memory_space<hbm>>
      %dma_start3A_44 = tpu.memref_squeeze %dma_start3A_43 : memref<1x157x128xi32, #tpu.memory_space<hbm>> -> memref<157x128xi32, #tpu.memory_space<hbm>>
      tpu.enqueue_dma source(%dma_start3A_44 : memref<157x128xi32, #tpu.memory_space<hbm>>) target(%arg8 : memref<157x128xi32, #tpu.memory_space<vmem>>) target_semaphore(%run_scoped3A : memref<!tpu.dma_semaphore, #tpu.memory_space<semaphore_mem>>)
      %dma_wait3A = arith.constant 0 : i32
      %dma_wait3A_45 = arith.constant 0 : i32
      %dma_wait3A_46 = tpu.memref_slice %arg4[%arg1, %dma_wait3A, %dma_wait3A_45] : memref<16x157x128xi32, #tpu.memory_space<hbm>> -> memref<1x157x128xi32, #tpu.memory_space<hbm>>
      %dma_wait3A_47 = tpu.memref_squeeze %dma_wait3A_46 : memref<1x157x128xi32, #tpu.memory_space<hbm>> -> memref<157x128xi32, #tpu.memory_space<hbm>>
      %dma_wait3A_48 = arith.constant 0 : i32
      %dma_wait3A_49 = arith.constant 0 : i32
      %dma_wait3A_50 = tpu.memref_slice %arg4[%arg1, %dma_wait3A_48, %dma_wait3A_49] : memref<16x157x128xi32, #tpu.memory_space<hbm>> -> memref<1x157x128xi32, #tpu.memory_space<hbm>>
      %dma_wait3A_51 = tpu.memref_squeeze %dma_wait3A_50 : memref<1x157x128xi32, #tpu.memory_space<hbm>> -> memref<157x128xi32, #tpu.memory_space<hbm>>
      tpu.wait_dma2 semaphore(%run_scoped3A : memref<!tpu.dma_semaphore, #tpu.memory_space<semaphore_mem>>) src(%dma_wait3A_51 : memref<157x128xi32, #tpu.memory_space<hbm>>) dst(%arg8 : memref<157x128xi32, #tpu.memory_space<vmem>>)
      tpu.yield
    }) : () -> ()
    %scan3A_25 = arith.constant 0 : i32
    %scan3A_26 = arith.constant 0 : i32
    %scan3A_27 = arith.constant 157 : i32
    %scan3A_28 = arith.addi %scan3A_26, %scan3A_27 : i32
    %scan3A_29 = arith.constant 1 : i32
    scf.for %scan3A_38 = %scan3A_26 to %scan3A_28 step %scan3A_29  : i32 {
      %get3A = arith.index_cast %scan3A_38 : i32 to index
      %get3A_39 = arith.constant 0 : index
      %get3A_40 = tpu.vector_load %arg7[%get3A, %get3A_39] {strides = array<i32>} : memref<157x128xi32, #tpu.memory_space<vmem>>, vector<1x16xi32>,
      %get3A_41 = vector.shape_cast %get3A_40 : vector<1x16xi32> to vector<16xi32>
      %mul3A_42 = arith.constant 2 : i32
      %mul3A_43 = vector.broadcast %mul3A_42 : i32 to vector<16xi32>
      %mul3A_44 = arith.muli %get3A_41, %mul3A_43 : vector<16xi32>
      %add3A_45 = vector.broadcast %arg0 : i32 to vector<16xi32>
      %add3A_46 = arith.addi %mul3A_44, %add3A_45 : vector<16xi32>
      %swap3A = arith.index_cast %scan3A_38 : i32 to index
      %swap3A_47 = arith.constant 0 : index
      %swap3A_48 = tpu.vector_load %arg7[%swap3A, %swap3A_47] {strides = array<i32>} : memref<157x128xi32, #tpu.memory_space<vmem>>, vector<1x16xi32>,
      %swap3A_49 = vector.shape_cast %swap3A_48 : vector<1x16xi32> to vector<16xi32>
      %swap3A_50 = vector.shape_cast %add3A_46 : vector<16xi32> to vector<1x16xi32>
      tpu.vector_store %arg7[%swap3A, %swap3A_47], %swap3A_50 {strides = array<i32>} : memref<157x128xi32, #tpu.memory_space<vmem>>, vector<1x16xi32>,
      %get3A_51 = arith.index_cast %scan3A_38 : i32 to index
      %get3A_52 = arith.constant 16 : index
      %get3A_53 = tpu.vector_load %arg7[%get3A_51, %get3A_52] {strides = array<i32>} : memref<157x128xi32, #tpu.memory_space<vmem>>, vector<1x16xi32>,
      %get3A_54 = vector.shape_cast %get3A_53 : vector<1x16xi32> to vector<16xi32>
      %mul3A_55 = arith.constant 2 : i32
      %mul3A_56 = vector.broadcast %mul3A_55 : i32 to vector<16xi32>
      %mul3A_57 = arith.muli %get3A_54, %mul3A_56 : vector<16xi32>
      %add3A_58 = vector.broadcast %arg0 : i32 to vector<16xi32>
      %add3A_59 = arith.addi %mul3A_57, %add3A_58 : vector<16xi32>
      %swap3A_60 = arith.index_cast %scan3A_38 : i32 to index
      %swap3A_61 = arith.constant 16 : index
      %swap3A_62 = tpu.vector_load %arg7[%swap3A_60, %swap3A_61] {strides = array<i32>} : memref<157x128xi32, #tpu.memory_space<vmem>>, vector<1x16xi32>,
      %swap3A_63 = vector.shape_cast %swap3A_62 : vector<1x16xi32> to vector<16xi32>
      %swap3A_64 = vector.shape_cast %add3A_59 : vector<16xi32> to vector<1x16xi32>
      tpu.vector_store %arg7[%swap3A_60, %swap3A_61], %swap3A_64 {strides = array<i32>} : memref<157x128xi32, #tpu.memory_space<vmem>>, vector<1x16xi32>,
      %get3A_65 = arith.index_cast %scan3A_38 : i32 to index
      %get3A_66 = arith.constant 32 : index
      %get3A_67 = tpu.vector_load %arg7[%get3A_65, %get3A_66] {strides = array<i32>} : memref<157x128xi32, #tpu.memory_space<vmem>>, vector<1x16xi32>,
      %get3A_68 = vector.shape_cast %get3A_67 : vector<1x16xi32> to vector<16xi32>
      %mul3A_69 = arith.constant 2 : i32
      %mul3A_70 = vector.broadcast %mul3A_69 : i32 to vector<16xi32>
      %mul3A_71 = arith.muli %get3A_68, %mul3A_70 : vector<16xi32>
      %add3A_72 = vector.broadcast %arg0 : i32 to vector<16xi32>
      %add3A_73 = arith.addi %mul3A_71, %add3A_72 : vector<16xi32>
      %swap3A_74 = arith.index_cast %scan3A_38 : i32 to index
      %swap3A_75 = arith.constant 32 : index
      %swap3A_76 = tpu.vector_load %arg7[%swap3A_74, %swap3A_75] {strides = array<i32>} : memref<157x128xi32, #tpu.memory_space<vmem>>, vector<1x16xi32>,
      %swap3A_77 = vector.shape_cast %swap3A_76 : vector<1x16xi32> to vector<16xi32>
      %swap3A_78 = vector.shape_cast %add3A_73 : vector<16xi32> to vector<1x16xi32>
      tpu.vector_store %arg7[%swap3A_74, %swap3A_75], %swap3A_78 {strides = array<i32>} : memref<157x128xi32, #tpu.memory_space<vmem>>, vector<1x16xi32>,
      %get3A_79 = arith.index_cast %scan3A_38 : i32 to index
      %get3A_80 = arith.constant 48 : index
      %get3A_81 = tpu.vector_load %arg7[%get3A_79, %get3A_80] {strides = array<i32>} : memref<157x128xi32, #tpu.memory_space<vmem>>, vector<1x16xi32>,
      %get3A_82 = vector.shape_cast %get3A_81 : vector<1x16xi32> to vector<16xi32>
      %mul3A_83 = arith.constant 2 : i32
      %mul3A_84 = vector.broadcast %mul3A_83 : i32 to vector<16xi32>
      %mul3A_85 = arith.muli %get3A_82, %mul3A_84 : vector<16xi32>
      %add3A_86 = vector.broadcast %arg0 : i32 to vector<16xi32>
      %add3A_87 = arith.addi %mul3A_85, %add3A_86 : vector<16xi32>
      %swap3A_88 = arith.index_cast %scan3A_38 : i32 to index
      %swap3A_89 = arith.constant 48 : index
      %swap3A_90 = tpu.vector_load %arg7[%swap3A_88, %swap3A_89] {strides = array<i32>} : memref<157x128xi32, #tpu.memory_space<vmem>>, vector<1x16xi32>,
      %swap3A_91 = vector.shape_cast %swap3A_90 : vector<1x16xi32> to vector<16xi32>
      %swap3A_92 = vector.shape_cast %add3A_87 : vector<16xi32> to vector<1x16xi32>
      tpu.vector_store %arg7[%swap3A_88, %swap3A_89], %swap3A_92 {strides = array<i32>} : memref<157x128xi32, #tpu.memory_space<vmem>>, vector<1x16xi32>,
      %get3A_93 = arith.index_cast %scan3A_38 : i32 to index
      %get3A_94 = arith.constant 64 : index
      %get3A_95 = tpu.vector_load %arg7[%get3A_93, %get3A_94] {strides = array<i32>} : memref<157x128xi32, #tpu.memory_space<vmem>>, vector<1x16xi32>,
      %get3A_96 = vector.shape_cast %get3A_95 : vector<1x16xi32> to vector<16xi32>
      %mul3A_97 = arith.constant 2 : i32
      %mul3A_98 = vector.broadcast %mul3A_97 : i32 to vector<16xi32>
      %mul3A_99 = arith.muli %get3A_96, %mul3A_98 : vector<16xi32>
      %add3A_100 = vector.broadcast %arg0 : i32 to vector<16xi32>
      %add3A_101 = arith.addi %mul3A_99, %add3A_100 : vector<16xi32>
      %swap3A_102 = arith.index_cast %scan3A_38 : i32 to index
      %swap3A_103 = arith.constant 64 : index
      %swap3A_104 = tpu.vector_load %arg7[%swap3A_102, %swap3A_103] {strides = array<i32>} : memref<157x128xi32, #tpu.memory_space<vmem>>, vector<1x16xi32>,
      %swap3A_105 = vector.shape_cast %swap3A_104 : vector<1x16xi32> to vector<16xi32>
      %swap3A_106 = vector.shape_cast %add3A_101 : vector<16xi32> to vector<1x16xi32>
      tpu.vector_store %arg7[%swap3A_102, %swap3A_103], %swap3A_106 {strides = array<i32>} : memref<157x128xi32, #tpu.memory_space<vmem>>, vector<1x16xi32>,
      %get3A_107 = arith.index_cast %scan3A_38 : i32 to index
      %get3A_108 = arith.constant 80 : index
      %get3A_109 = tpu.vector_load %arg7[%get3A_107, %get3A_108] {strides = array<i32>} : memref<157x128xi32, #tpu.memory_space<vmem>>, vector<1x16xi32>,
      %get3A_110 = vector.shape_cast %get3A_109 : vector<1x16xi32> to vector<16xi32>
      %mul3A_111 = arith.constant 2 : i32
      %mul3A_112 = vector.broadcast %mul3A_111 : i32 to vector<16xi32>
      %mul3A_113 = arith.muli %get3A_110, %mul3A_112 : vector<16xi32>
      %add3A_114 = vector.broadcast %arg0 : i32 to vector<16xi32>
      %add3A_115 = arith.addi %mul3A_113, %add3A_114 : vector<16xi32>
      %swap3A_116 = arith.index_cast %scan3A_38 : i32 to index
      %swap3A_117 = arith.constant 80 : index
      %swap3A_118 = tpu.vector_load %arg7[%swap3A_116, %swap3A_117] {strides = array<i32>} : memref<157x128xi32, #tpu.memory_space<vmem>>, vector<1x16xi32>,
      %swap3A_119 = vector.shape_cast %swap3A_118 : vector<1x16xi32> to vector<16xi32>
      %swap3A_120 = vector.shape_cast %add3A_115 : vector<16xi32> to vector<1x16xi32>
      tpu.vector_store %arg7[%swap3A_116, %swap3A_117], %swap3A_120 {strides = array<i32>} : memref<157x128xi32, #tpu.memory_space<vmem>>, vector<1x16xi32>,
      %get3A_121 = arith.index_cast %scan3A_38 : i32 to index
      %get3A_122 = arith.constant 96 : index
      %get3A_123 = tpu.vector_load %arg7[%get3A_121, %get3A_122] {strides = array<i32>} : memref<157x128xi32, #tpu.memory_space<vmem>>, vector<1x16xi32>,
      %get3A_124 = vector.shape_cast %get3A_123 : vector<1x16xi32> to vector<16xi32>
      %mul3A_125 = arith.constant 2 : i32
      %mul3A_126 = vector.broadcast %mul3A_125 : i32 to vector<16xi32>
      %mul3A_127 = arith.muli %get3A_124, %mul3A_126 : vector<16xi32>
      %add3A_128 = vector.broadcast %arg0 : i32 to vector<16xi32>
      %add3A_129 = arith.addi %mul3A_127, %add3A_128 : vector<16xi32>
      %swap3A_130 = arith.index_cast %scan3A_38 : i32 to index
      %swap3A_131 = arith.constant 96 : index
      %swap3A_132 = tpu.vector_load %arg7[%swap3A_130, %swap3A_131] {strides = array<i32>} : memref<157x128xi32, #tpu.memory_space<vmem>>, vector<1x16xi32>,
      %swap3A_133 = vector.shape_cast %swap3A_132 : vector<1x16xi32> to vector<16xi32>
      %swap3A_134 = vector.shape_cast %add3A_129 : vector<16xi32> to vector<1x16xi32>
      tpu.vector_store %arg7[%swap3A_130, %swap3A_131], %swap3A_134 {strides = array<i32>} : memref<157x128xi32, #tpu.memory_space<vmem>>, vector<1x16xi32>,
      %get3A_135 = arith.index_cast %scan3A_38 : i32 to index
      %get3A_136 = arith.constant 112 : index
      %get3A_137 = tpu.vector_load %arg7[%get3A_135, %get3A_136] {strides = array<i32>} : memref<157x128xi32, #tpu.memory_space<vmem>>, vector<1x16xi32>,
      %get3A_138 = vector.shape_cast %get3A_137 : vector<1x16xi32> to vector<16xi32>
      %mul3A_139 = arith.constant 2 : i32
      %mul3A_140 = vector.broadcast %mul3A_139 : i32 to vector<16xi32>
      %mul3A_141 = arith.muli %get3A_138, %mul3A_140 : vector<16xi32>
      %add3A_142 = vector.broadcast %arg0 : i32 to vector<16xi32>
      %add3A_143 = arith.addi %mul3A_141, %add3A_142 : vector<16xi32>
      %swap3A_144 = arith.index_cast %scan3A_38 : i32 to index
      %swap3A_145 = arith.constant 112 : index
      %swap3A_146 = tpu.vector_load %arg7[%swap3A_144, %swap3A_145] {strides = array<i32>} : memref<157x128xi32, #tpu.memory_space<vmem>>, vector<1x16xi32>,
      %swap3A_147 = vector.shape_cast %swap3A_146 : vector<1x16xi32> to vector<16xi32>
      %swap3A_148 = vector.shape_cast %add3A_143 : vector<16xi32> to vector<1x16xi32>
      tpu.vector_store %arg7[%swap3A_144, %swap3A_145], %swap3A_148 {strides = array<i32>} : memref<157x128xi32, #tpu.memory_space<vmem>>, vector<1x16xi32>,
    }
    %scan3A_30 = arith.constant 157 : i32
    %scan3A_31 = arith.constant 0 : i32
    %scan3A_32 = arith.constant 0 : i32
    %scan3A_33 = arith.constant 157 : i32
    %scan3A_34 = arith.addi %scan3A_32, %scan3A_33 : i32
    %scan3A_35 = arith.constant 1 : i32
    scf.for %scan3A_38 = %scan3A_32 to %scan3A_34 step %scan3A_35  : i32 {
      %dma_start3A = arith.constant 0 : i32
      %dma_start3A_39 = tpu.memref_slice %arg7[%scan3A_38, %dma_start3A] : memref<157x128xi32, #tpu.memory_space<vmem>> -> memref<1x128xi32, #tpu.memory_space<vmem>>
      %dma_start3A_40 = tpu.memref_squeeze %dma_start3A_39 : memref<1x128xi32, #tpu.memory_space<vmem>> -> memref<128xi32, #tpu.memory_space<vmem>>
      %dma_start3A_41 = arith.constant 0 : i32
      %dma_start3A_42 = arith.constant 0 : i32
      %dma_start3A_43 = tpu.memref_slice %arg2[%dma_start3A_41, %dma_start3A_42] : memref<20000x64xf32, #tpu.memory_space<hbm>> -> memref<20000x64xf32, #tpu.memory_space<hbm>>
      tpu.enqueue_indirect_dma source(%dma_start3A_43 : memref<20000x64xf32, #tpu.memory_space<hbm>>) target(%arg9 : memref<128x64xf32, #tpu.memory_space<vmem>>) offsets(%dma_start3A_40 : memref<128xi32, #tpu.memory_space<vmem>>) semaphore(%arg15 : memref<!tpu.dma_semaphore, #tpu.memory_space<semaphore_mem>>)
      %dma_wait3A = arith.constant 0 : i32
      %dma_wait3A_44 = tpu.memref_slice %arg7[%scan3A_38, %dma_wait3A] : memref<157x128xi32, #tpu.memory_space<vmem>> -> memref<1x128xi32, #tpu.memory_space<vmem>>
      %dma_wait3A_45 = tpu.memref_squeeze %dma_wait3A_44 : memref<1x128xi32, #tpu.memory_space<vmem>> -> memref<128xi32, #tpu.memory_space<vmem>>
      %dma_wait3A_46 = arith.constant 0 : i32
      %dma_wait3A_47 = arith.constant 0 : i32
      %dma_wait3A_48 = tpu.memref_slice %arg2[%dma_wait3A_46, %dma_wait3A_47] : memref<20000x64xf32, #tpu.memory_space<hbm>> -> memref<20000x64xf32, #tpu.memory_space<hbm>>
      tpu.wait_indirect_dma semaphore(%arg15 : memref<!tpu.dma_semaphore, #tpu.memory_space<semaphore_mem>>) src(%dma_wait3A_48 : memref<20000x64xf32, #tpu.memory_space<hbm>>) dst(%arg9 : memref<128x64xf32, #tpu.memory_space<vmem>>)
      "tpu.region"() ({
        %run_scoped3A = tpu.sem_alloc : memref<!tpu.dma_semaphore, #tpu.memory_space<semaphore_mem>>
        %dma_start3A_51 = arith.constant 0 : i32
        %dma_start3A_52 = tpu.memref_slice %arg8[%scan3A_38, %dma_start3A_51] : memref<157x128xi32, #tpu.memory_space<vmem>> -> memref<1x128xi32, #tpu.memory_space<vmem>>
        %dma_start3A_53 = tpu.memref_squeeze %dma_start3A_52 : memref<1x128xi32, #tpu.memory_space<vmem>> -> memref<128xi32, #tpu.memory_space<vmem>>
        %dma_start3A_54 = arith.constant 0 : i32
        %dma_start3A_55 = arith.constant 0 : i32
        %dma_start3A_56 = tpu.memref_slice %arg13[%dma_start3A_54, %dma_start3A_55] : memref<10240x64xf32, #tpu.memory_space<vmem_shared>> -> memref<10240x64xf32, #tpu.memory_space<vmem_shared>>
        tpu.enqueue_indirect_dma source(%arg9 : memref<128x64xf32, #tpu.memory_space<vmem>>) target(%dma_start3A_56 : memref<10240x64xf32, #tpu.memory_space<vmem_shared>>) offsets(%dma_start3A_53 : memref<128xi32, #tpu.memory_space<vmem>>) semaphore(%run_scoped3A : memref<!tpu.dma_semaphore, #tpu.memory_space<semaphore_mem>>) {add = true}
        %dma_wait3A_57 = arith.constant 0 : i32
        %dma_wait3A_58 = tpu.memref_slice %arg8[%scan3A_38, %dma_wait3A_57] : memref<157x128xi32, #tpu.memory_space<vmem>> -> memref<1x128xi32, #tpu.memory_space<vmem>>
        %dma_wait3A_59 = tpu.memref_squeeze %dma_wait3A_58 : memref<1x128xi32, #tpu.memory_space<vmem>> -> memref<128xi32, #tpu.memory_space<vmem>>
        %dma_wait3A_60 = arith.constant 0 : i32
        %dma_wait3A_61 = arith.constant 0 : i32
        %dma_wait3A_62 = tpu.memref_slice %arg13[%dma_wait3A_60, %dma_wait3A_61] : memref<10240x64xf32, #tpu.memory_space<vmem_shared>> -> memref<10240x64xf32, #tpu.memory_space<vmem_shared>>
        tpu.wait_indirect_dma semaphore(%run_scoped3A : memref<!tpu.dma_semaphore, #tpu.memory_space<semaphore_mem>>) src(%arg9 : memref<128x64xf32, #tpu.memory_space<vmem>>) dst(%dma_wait3A_62 : memref<10240x64xf32, #tpu.memory_space<vmem_shared>>)
        tpu.yield
      }) : () -> ()
      %rem3A = arith.constant 2 : i32
      %rem3A_49 = arith.remsi %scan3A_38, %rem3A : i32
      %eq3A = arith.cmpi eq, %arg0, %rem3A_49 : i32
      %convert_element_type3A = arith.extui %eq3A : i1 to i32
      %cond3A = arith.constant 0 : i32
      %cond3A_50 = arith.cmpi ne, %convert_element_type3A, %cond3A : i32
      scf.if %cond3A_50 {
        "tpu.region"() ({
          %run_scoped3A = tpu.sem_alloc : memref<!tpu.dma_semaphore, #tpu.memory_space<semaphore_mem>>
          %dma_start3A_51 = arith.constant 0 : i32
          %dma_start3A_52 = tpu.memref_slice %arg8[%scan3A_38, %dma_start3A_51] : memref<157x128xi32, #tpu.memory_space<vmem>> -> memref<1x128xi32, #tpu.memory_space<vmem>>
          %dma_start3A_53 = tpu.memref_squeeze %dma_start3A_52 : memref<1x128xi32, #tpu.memory_space<vmem>> -> memref<128xi32, #tpu.memory_space<vmem>>
          %dma_start3A_54 = arith.constant 0 : i32
          %dma_start3A_55 = arith.constant 0 : i32
          %dma_start3A_56 = tpu.memref_slice %arg14[%dma_start3A_54, %dma_start3A_55] : memref<10240x16xf32, #tpu.memory_space<vmem_shared>> -> memref<10240x16xf32, #tpu.memory_space<vmem_shared>>
          tpu.enqueue_indirect_dma source(%arg11 : memref<128x16xf32, #tpu.memory_space<vmem>>) target(%dma_start3A_56 : memref<10240x16xf32, #tpu.memory_space<vmem_shared>>) offsets(%dma_start3A_53 : memref<128xi32, #tpu.memory_space<vmem>>) semaphore(%run_scoped3A : memref<!tpu.dma_semaphore, #tpu.memory_space<semaphore_mem>>) {add = true}
          %dma_wait3A_57 = arith.constant 0 : i32
          %dma_wait3A_58 = tpu.memref_slice %arg8[%scan3A_38, %dma_wait3A_57] : memref<157x128xi32, #tpu.memory_space<vmem>> -> memref<1x128xi32, #tpu.memory_space<vmem>>
          %dma_wait3A_59 = tpu.memref_squeeze %dma_wait3A_58 : memref<1x128xi32, #tpu.memory_space<vmem>> -> memref<128xi32, #tpu.memory_space<vmem>>
          %dma_wait3A_60 = arith.constant 0 : i32
          %dma_wait3A_61 = arith.constant 0 : i32
          %dma_wait3A_62 = tpu.memref_slice %arg14[%dma_wait3A_60, %dma_wait3A_61] : memref<10240x16xf32, #tpu.memory_space<vmem_shared>> -> memref<10240x16xf32, #tpu.memory_space<vmem_shared>>
          tpu.wait_indirect_dma semaphore(%run_scoped3A : memref<!tpu.dma_semaphore, #tpu.memory_space<semaphore_mem>>) src(%arg11 : memref<128x16xf32, #tpu.memory_space<vmem>>) dst(%dma_wait3A_62 : memref<10240x16xf32, #tpu.memory_space<vmem_shared>>)
          tpu.yield
        }) : () -> ()
      } else {
      }
    }
    %scan3A_36 = arith.constant 157 : i32
    %barrier3A_37 = arith.constant 0 : index
    tpu.barrier barrier_id(%barrier3A_37)
    "tpu.region"() ({
      %run_scoped3A = tpu.sem_alloc : memref<!tpu.dma_semaphore, #tpu.memory_space<semaphore_mem>>
      %dma_start3A = arith.constant 0 : i32
      %dma_start3A_38 = tpu.memref_slice %arg5[%arg0, %mul3A_5, %dma_start3A] : memref<2x10240x64xf32, #tpu.memory_space<hbm>> -> memref<1x640x64xf32, #tpu.memory_space<hbm>>
      %dma_start3A_39 = tpu.memref_squeeze %dma_start3A_38 : memref<1x640x64xf32, #tpu.memory_space<hbm>> -> memref<640x64xf32, #tpu.memory_space<hbm>>
      %dma_start3A_40 = arith.constant 0 : i32
      %dma_start3A_41 = tpu.memref_slice %arg13[%mul3A_5, %dma_start3A_40] : memref<10240x64xf32, #tpu.memory_space<vmem_shared>> -> memref<640x64xf32, #tpu.memory_space<vmem_shared>>
      tpu.enqueue_dma source(%dma_start3A_41 : memref<640x64xf32, #tpu.memory_space<vmem_shared>>) target(%dma_start3A_39 : memref<640x64xf32, #tpu.memory_space<hbm>>) target_semaphore(%run_scoped3A : memref<!tpu.dma_semaphore, #tpu.memory_space<semaphore_mem>>)
      %dma_wait3A = arith.constant 0 : i32
      %dma_wait3A_42 = tpu.memref_slice %arg5[%arg0, %mul3A_5, %dma_wait3A] : memref<2x10240x64xf32, #tpu.memory_space<hbm>> -> memref<1x640x64xf32, #tpu.memory_space<hbm>>
      %dma_wait3A_43 = tpu.memref_squeeze %dma_wait3A_42 : memref<1x640x64xf32, #tpu.memory_space<hbm>> -> memref<640x64xf32, #tpu.memory_space<hbm>>
      %dma_wait3A_44 = arith.constant 0 : i32
      %dma_wait3A_45 = tpu.memref_slice %arg13[%mul3A_5, %dma_wait3A_44] : memref<10240x64xf32, #tpu.memory_space<vmem_shared>> -> memref<640x64xf32, #tpu.memory_space<vmem_shared>>
      tpu.wait_dma2 semaphore(%run_scoped3A : memref<!tpu.dma_semaphore, #tpu.memory_space<semaphore_mem>>) src(%dma_wait3A_45 : memref<640x64xf32, #tpu.memory_space<vmem_shared>>) dst(%dma_wait3A_43 : memref<640x64xf32, #tpu.memory_space<hbm>>)
      tpu.yield
    }) : () -> ()
    "tpu.region"() ({
      %run_scoped3A = tpu.sem_alloc : memref<!tpu.dma_semaphore, #tpu.memory_space<semaphore_mem>>
      %dma_start3A = arith.constant 0 : i32
      %dma_start3A_38 = tpu.memref_slice %arg6[%arg0, %mul3A_5, %dma_start3A] : memref<2x10240x16xf32, #tpu.memory_space<hbm>> -> memref<1x640x16xf32, #tpu.memory_space<hbm>>
      %dma_start3A_39 = tpu.memref_squeeze %dma_start3A_38 : memref<1x640x16xf32, #tpu.memory_space<hbm>> -> memref<640x16xf32, #tpu.memory_space<hbm>>
      %dma_start3A_40 = arith.constant 0 : i32
      %dma_start3A_41 = tpu.memref_slice %arg14[%mul3A_5, %dma_start3A_40] : memref<10240x16xf32, #tpu.memory_space<vmem_shared>> -> memref<640x16xf32, #tpu.memory_space<vmem_shared>>
      tpu.enqueue_dma source(%dma_start3A_41 : memref<640x16xf32, #tpu.memory_space<vmem_shared>>) target(%dma_start3A_39 : memref<640x16xf32, #tpu.memory_space<hbm>>) target_semaphore(%run_scoped3A : memref<!tpu.dma_semaphore, #tpu.memory_space<semaphore_mem>>)
      %dma_wait3A = arith.constant 0 : i32
      %dma_wait3A_42 = tpu.memref_slice %arg6[%arg0, %mul3A_5, %dma_wait3A] : memref<2x10240x16xf32, #tpu.memory_space<hbm>> -> memref<1x640x16xf32, #tpu.memory_space<hbm>>
      %dma_wait3A_43 = tpu.memref_squeeze %dma_wait3A_42 : memref<1x640x16xf32, #tpu.memory_space<hbm>> -> memref<640x16xf32, #tpu.memory_space<hbm>>
      %dma_wait3A_44 = arith.constant 0 : i32
      %dma_wait3A_45 = tpu.memref_slice %arg14[%mul3A_5, %dma_wait3A_44] : memref<10240x16xf32, #tpu.memory_space<vmem_shared>> -> memref<640x16xf32, #tpu.memory_space<vmem_shared>>
      tpu.wait_dma2 semaphore(%run_scoped3A : memref<!tpu.dma_semaphore, #tpu.memory_space<semaphore_mem>>) src(%dma_wait3A_45 : memref<640x16xf32, #tpu.memory_space<vmem_shared>>) dst(%dma_wait3A_43 : memref<640x16xf32, #tpu.memory_space<hbm>>)
      tpu.yield
    }) : () -> ()
    return
  }
}

#map = affine_map<(d0, d1) -> (0, 0)>
#map1 = affine_map<(d0, d1) -> (0, 0, 0)>
module attributes {stable_mosaic.version = 14 : i64} {
  func.func @_sc_segment_sums(%arg0: i32, %arg1: i32, %arg2: memref<20000x64xf32, #tpu.memory_space<hbm>>, %arg3: memref<16x157x128xi32, #tpu.memory_space<hbm>>, %arg4: memref<16x157x128xi32, #tpu.memory_space<hbm>>, %arg5: memref<2x10240x64xf32, #tpu.memory_space<hbm>>, %arg6: memref<2x10240x16xf32, #tpu.memory_space<hbm>>, %arg7: memref<157x128xi32, #tpu.memory_space<vmem>>, %arg8: memref<157x128xi32, #tpu.memory_space<vmem>>, %arg9: memref<128x64xf32, #tpu.memory_space<vmem>>, %arg10: memref<128x64xf32, #tpu.memory_space<vmem>>, %arg11: memref<128x16xf32, #tpu.memory_space<vmem>>, %arg12: memref<128x16xf32, #tpu.memory_space<vmem>>, %arg13: memref<10240x64xf32, #tpu.memory_space<vmem_shared>>, %arg14: memref<10240x16xf32, #tpu.memory_space<vmem_shared>>, %arg15: memref<!tpu.dma_semaphore, #tpu.memory_space<semaphore_mem>>) attributes {dimension_semantics = [#tpu.dimension_semantics<core_parallel>, #tpu.dimension_semantics<subcore_parallel>], iteration_bounds = array<i64: 2, 16>, scalar_prefetch = 0 : i64, scratch_operands = 9 : i64, tpu.core_type = #tpu.core_type<sc_vector_subcore>, window_params = [{transform_indices = #map}, {transform_indices = #map1}, {transform_indices = #map1}, {transform_indices = #map1}, {transform_indices = #map1}]} {
    %scan3A = arith.constant 0 : i32
    %scan3A_0 = arith.constant 0 : i32
    %scan3A_1 = arith.constant 128 : i32
    %scan3A_2 = arith.addi %scan3A_0, %scan3A_1 : i32
    %scan3A_3 = arith.constant 1 : i32
    scf.for %scan3A_38 = %scan3A_0 to %scan3A_2 step %scan3A_3  : i32 {
      %broadcast_in_dim3A = arith.constant 0.000000e+00 : f32
      %broadcast_in_dim3A_39 = vector.broadcast %broadcast_in_dim3A : f32 to vector<16xf32>
      %swap3A = arith.index_cast %scan3A_38 : i32 to index
      %swap3A_40 = arith.constant 0 : index
      %swap3A_41 = tpu.vector_load %arg10[%swap3A, %swap3A_40] {strides = array<i32>} : memref<128x64xf32, #tpu.memory_space<vmem>>, vector<1x16xf32>,
      %swap3A_42 = vector.shape_cast %swap3A_41 : vector<1x16xf32> to vector<16xf32>
      %swap3A_43 = vector.shape_cast %broadcast_in_dim3A_39 : vector<16xf32> to vector<1x16xf32>
      tpu.vector_store %arg10[%swap3A, %swap3A_40], %swap3A_43 {strides = array<i32>} : memref<128x64xf32, #tpu.memory_space<vmem>>, vector<1x16xf32>,
      %broadcast_in_dim3A_44 = arith.constant 0.000000e+00 : f32
      %broadcast_in_dim3A_45 = vector.broadcast %broadcast_in_dim3A_44 : f32 to vector<16xf32>
      %swap3A_46 = arith.index_cast %scan3A_38 : i32 to index
      %swap3A_47 = arith.constant 16 : index
      %swap3A_48 = tpu.vector_load %arg10[%swap3A_46, %swap3A_47] {strides = array<i32>} : memref<128x64xf32, #tpu.memory_space<vmem>>, vector<1x16xf32>,
      %swap3A_49 = vector.shape_cast %swap3A_48 : vector<1x16xf32> to vector<16xf32>
      %swap3A_50 = vector.shape_cast %broadcast_in_dim3A_45 : vector<16xf32> to vector<1x16xf32>
      tpu.vector_store %arg10[%swap3A_46, %swap3A_47], %swap3A_50 {strides = array<i32>} : memref<128x64xf32, #tpu.memory_space<vmem>>, vector<1x16xf32>,
      %broadcast_in_dim3A_51 = arith.constant 0.000000e+00 : f32
      %broadcast_in_dim3A_52 = vector.broadcast %broadcast_in_dim3A_51 : f32 to vector<16xf32>
      %swap3A_53 = arith.index_cast %scan3A_38 : i32 to index
      %swap3A_54 = arith.constant 32 : index
      %swap3A_55 = tpu.vector_load %arg10[%swap3A_53, %swap3A_54] {strides = array<i32>} : memref<128x64xf32, #tpu.memory_space<vmem>>, vector<1x16xf32>,
      %swap3A_56 = vector.shape_cast %swap3A_55 : vector<1x16xf32> to vector<16xf32>
      %swap3A_57 = vector.shape_cast %broadcast_in_dim3A_52 : vector<16xf32> to vector<1x16xf32>
      tpu.vector_store %arg10[%swap3A_53, %swap3A_54], %swap3A_57 {strides = array<i32>} : memref<128x64xf32, #tpu.memory_space<vmem>>, vector<1x16xf32>,
      %broadcast_in_dim3A_58 = arith.constant 0.000000e+00 : f32
      %broadcast_in_dim3A_59 = vector.broadcast %broadcast_in_dim3A_58 : f32 to vector<16xf32>
      %swap3A_60 = arith.index_cast %scan3A_38 : i32 to index
      %swap3A_61 = arith.constant 48 : index
      %swap3A_62 = tpu.vector_load %arg10[%swap3A_60, %swap3A_61] {strides = array<i32>} : memref<128x64xf32, #tpu.memory_space<vmem>>, vector<1x16xf32>,
      %swap3A_63 = vector.shape_cast %swap3A_62 : vector<1x16xf32> to vector<16xf32>
      %swap3A_64 = vector.shape_cast %broadcast_in_dim3A_59 : vector<16xf32> to vector<1x16xf32>
      tpu.vector_store %arg10[%swap3A_60, %swap3A_61], %swap3A_64 {strides = array<i32>} : memref<128x64xf32, #tpu.memory_space<vmem>>, vector<1x16xf32>,
      %broadcast_in_dim3A_65 = arith.constant 0.000000e+00 : f32
      %broadcast_in_dim3A_66 = vector.broadcast %broadcast_in_dim3A_65 : f32 to vector<16xf32>
      %swap3A_67 = arith.index_cast %scan3A_38 : i32 to index
      %swap3A_68 = arith.constant 0 : index
      %swap3A_69 = tpu.vector_load %arg12[%swap3A_67, %swap3A_68] {strides = array<i32>} : memref<128x16xf32, #tpu.memory_space<vmem>>, vector<1x16xf32>,
      %swap3A_70 = vector.shape_cast %swap3A_69 : vector<1x16xf32> to vector<16xf32>
      %swap3A_71 = vector.shape_cast %broadcast_in_dim3A_66 : vector<16xf32> to vector<1x16xf32>
      tpu.vector_store %arg12[%swap3A_67, %swap3A_68], %swap3A_71 {strides = array<i32>} : memref<128x16xf32, #tpu.memory_space<vmem>>, vector<1x16xf32>,
      %broadcast_in_dim3A_72 = arith.constant 1.000000e+00 : f32
      %broadcast_in_dim3A_73 = vector.broadcast %broadcast_in_dim3A_72 : f32 to vector<16xf32>
      %swap3A_74 = arith.index_cast %scan3A_38 : i32 to index
      %swap3A_75 = arith.constant 0 : index
      %swap3A_76 = tpu.vector_load %arg11[%swap3A_74, %swap3A_75] {strides = array<i32>} : memref<128x16xf32, #tpu.memory_space<vmem>>, vector<1x16xf32>,
      %swap3A_77 = vector.shape_cast %swap3A_76 : vector<1x16xf32> to vector<16xf32>
      %swap3A_78 = vector.shape_cast %broadcast_in_dim3A_73 : vector<16xf32> to vector<1x16xf32>
      tpu.vector_store %arg11[%swap3A_74, %swap3A_75], %swap3A_78 {strides = array<i32>} : memref<128x16xf32, #tpu.memory_space<vmem>>, vector<1x16xf32>,
    }
    %scan3A_4 = arith.constant 128 : i32
    %mul3A = arith.constant 640 : i32
    %mul3A_5 = arith.muli %arg1, %mul3A : i32
    %add3A = arith.constant 0 : i32
    %add3A_6 = arith.addi %mul3A_5, %add3A : i32
    "tpu.region"() ({
      %run_scoped3A = tpu.sem_alloc : memref<!tpu.dma_semaphore, #tpu.memory_space<semaphore_mem>>
      %dma_start3A = arith.constant 0 : i32
      %dma_start3A_38 = tpu.memref_slice %arg13[%add3A_6, %dma_start3A] : memref<10240x64xf32, #tpu.memory_space<vmem_shared>> -> memref<128x64xf32, #tpu.memory_space<vmem_shared>>
      %dma_start3A_39 = arith.constant 0 : i32
      %dma_start3A_40 = tpu.memref_slice %arg13[%add3A_6, %dma_start3A_39] : memref<10240x64xf32, #tpu.memory_space<vmem_shared>> -> memref<128x64xf32, #tpu.memory_space<vmem_shared>>
      tpu.enqueue_dma source(%arg10 : memref<128x64xf32, #tpu.memory_space<vmem>>) target(%dma_start3A_40 : memref<128x64xf32, #tpu.memory_space<vmem_shared>>) target_semaphore(%run_scoped3A : memref<!tpu.dma_semaphore, #tpu.memory_space<semaphore_mem>>)
      %dma_wait3A = arith.constant 0 : i32
      %dma_wait3A_41 = tpu.memref_slice %arg13[%add3A_6, %dma_wait3A] : memref<10240x64xf32, #tpu.memory_space<vmem_shared>> -> memref<128x64xf32, #tpu.memory_space<vmem_shared>>
      %dma_wait3A_42 = arith.constant 0 : i32
      %dma_wait3A_43 = tpu.memref_slice %arg13[%add3A_6, %dma_wait3A_42] : memref<10240x64xf32, #tpu.memory_space<vmem_shared>> -> memref<128x64xf32, #tpu.memory_space<vmem_shared>>
      tpu.wait_dma2 semaphore(%run_scoped3A : memref<!tpu.dma_semaphore, #tpu.memory_space<semaphore_mem>>) src(%arg10 : memref<128x64xf32, #tpu.memory_space<vmem>>) dst(%dma_wait3A_43 : memref<128x64xf32, #tpu.memory_space<vmem_shared>>)
      tpu.yield
    }) : () -> ()
    %add3A_7 = arith.constant 0 : i32
    %add3A_8 = arith.addi %mul3A_5, %add3A_7 : i32
    "tpu.region"() ({
      %run_scoped3A = tpu.sem_alloc : memref<!tpu.dma_semaphore, #tpu.memory_space<semaphore_mem>>
      %dma_start3A = arith.constant 0 : i32
      %dma_start3A_38 = tpu.memref_slice %arg14[%add3A_8, %dma_start3A] : memref<10240x16xf32, #tpu.memory_space<vmem_shared>> -> memref<128x16xf32, #tpu.memory_space<vmem_shared>>
      %dma_start3A_39 = arith.constant 0 : i32
      %dma_start3A_40 = tpu.memref_slice %arg14[%add3A_8, %dma_start3A_39] : memref<10240x16xf32, #tpu.memory_space<vmem_shared>> -> memref<128x16xf32, #tpu.memory_space<vmem_shared>>
      tpu.enqueue_dma source(%arg12 : memref<128x16xf32, #tpu.memory_space<vmem>>) target(%dma_start3A_40 : memref<128x16xf32, #tpu.memory_space<vmem_shared>>) target_semaphore(%run_scoped3A : memref<!tpu.dma_semaphore, #tpu.memory_space<semaphore_mem>>)
      %dma_wait3A = arith.constant 0 : i32
      %dma_wait3A_41 = tpu.memref_slice %arg14[%add3A_8, %dma_wait3A] : memref<10240x16xf32, #tpu.memory_space<vmem_shared>> -> memref<128x16xf32, #tpu.memory_space<vmem_shared>>
      %dma_wait3A_42 = arith.constant 0 : i32
      %dma_wait3A_43 = tpu.memref_slice %arg14[%add3A_8, %dma_wait3A_42] : memref<10240x16xf32, #tpu.memory_space<vmem_shared>> -> memref<128x16xf32, #tpu.memory_space<vmem_shared>>
      tpu.wait_dma2 semaphore(%run_scoped3A : memref<!tpu.dma_semaphore, #tpu.memory_space<semaphore_mem>>) src(%arg12 : memref<128x16xf32, #tpu.memory_space<vmem>>) dst(%dma_wait3A_43 : memref<128x16xf32, #tpu.memory_space<vmem_shared>>)
      tpu.yield
    }) : () -> ()
    %add3A_9 = arith.constant 128 : i32
    %add3A_10 = arith.addi %mul3A_5, %add3A_9 : i32
    "tpu.region"() ({
      %run_scoped3A = tpu.sem_alloc : memref<!tpu.dma_semaphore, #tpu.memory_space<semaphore_mem>>
      %dma_start3A = arith.constant 0 : i32
      %dma_start3A_38 = tpu.memref_slice %arg13[%add3A_10, %dma_start3A] : memref<10240x64xf32, #tpu.memory_space<vmem_shared>> -> memref<128x64xf32, #tpu.memory_space<vmem_shared>>
      %dma_start3A_39 = arith.constant 0 : i32
      %dma_start3A_40 = tpu.memref_slice %arg13[%add3A_10, %dma_start3A_39] : memref<10240x64xf32, #tpu.memory_space<vmem_shared>> -> memref<128x64xf32, #tpu.memory_space<vmem_shared>>
      tpu.enqueue_dma source(%arg10 : memref<128x64xf32, #tpu.memory_space<vmem>>) target(%dma_start3A_40 : memref<128x64xf32, #tpu.memory_space<vmem_shared>>) target_semaphore(%run_scoped3A : memref<!tpu.dma_semaphore, #tpu.memory_space<semaphore_mem>>)
      %dma_wait3A = arith.constant 0 : i32
      %dma_wait3A_41 = tpu.memref_slice %arg13[%add3A_10, %dma_wait3A] : memref<10240x64xf32, #tpu.memory_space<vmem_shared>> -> memref<128x64xf32, #tpu.memory_space<vmem_shared>>
      %dma_wait3A_42 = arith.constant 0 : i32
      %dma_wait3A_43 = tpu.memref_slice %arg13[%add3A_10, %dma_wait3A_42] : memref<10240x64xf32, #tpu.memory_space<vmem_shared>> -> memref<128x64xf32, #tpu.memory_space<vmem_shared>>
      tpu.wait_dma2 semaphore(%run_scoped3A : memref<!tpu.dma_semaphore, #tpu.memory_space<semaphore_mem>>) src(%arg10 : memref<128x64xf32, #tpu.memory_space<vmem>>) dst(%dma_wait3A_43 : memref<128x64xf32, #tpu.memory_space<vmem_shared>>)
      tpu.yield
    }) : () -> ()
    %add3A_11 = arith.constant 128 : i32
    %add3A_12 = arith.addi %mul3A_5, %add3A_11 : i32
    "tpu.region"() ({
      %run_scoped3A = tpu.sem_alloc : memref<!tpu.dma_semaphore, #tpu.memory_space<semaphore_mem>>
      %dma_start3A = arith.constant 0 : i32
      %dma_start3A_38 = tpu.memref_slice %arg14[%add3A_12, %dma_start3A] : memref<10240x16xf32, #tpu.memory_space<vmem_shared>> -> memref<128x16xf32, #tpu.memory_space<vmem_shared>>
      %dma_start3A_39 = arith.constant 0 : i32
      %dma_start3A_40 = tpu.memref_slice %arg14[%add3A_12, %dma_start3A_39] : memref<10240x16xf32, #tpu.memory_space<vmem_shared>> -> memref<128x16xf32, #tpu.memory_space<vmem_shared>>
      tpu.enqueue_dma source(%arg12 : memref<128x16xf32, #tpu.memory_space<vmem>>) target(%dma_start3A_40 : memref<128x16xf32, #tpu.memory_space<vmem_shared>>) target_semaphore(%run_scoped3A : memref<!tpu.dma_semaphore, #tpu.memory_space<semaphore_mem>>)
      %dma_wait3A = arith.constant 0 : i32
      %dma_wait3A_41 = tpu.memref_slice %arg14[%add3A_12, %dma_wait3A] : memref<10240x16xf32, #tpu.memory_space<vmem_shared>> -> memref<128x16xf32, #tpu.memory_space<vmem_shared>>
      %dma_wait3A_42 = arith.constant 0 : i32
      %dma_wait3A_43 = tpu.memref_slice %arg14[%add3A_12, %dma_wait3A_42] : memref<10240x16xf32, #tpu.memory_space<vmem_shared>> -> memref<128x16xf32, #tpu.memory_space<vmem_shared>>
      tpu.wait_dma2 semaphore(%run_scoped3A : memref<!tpu.dma_semaphore, #tpu.memory_space<semaphore_mem>>) src(%arg12 : memref<128x16xf32, #tpu.memory_space<vmem>>) dst(%dma_wait3A_43 : memref<128x16xf32, #tpu.memory_space<vmem_shared>>)
      tpu.yield
    }) : () -> ()
    %add3A_13 = arith.constant 256 : i32
    %add3A_14 = arith.addi %mul3A_5, %add3A_13 : i32
    "tpu.region"() ({
      %run_scoped3A = tpu.sem_alloc : memref<!tpu.dma_semaphore, #tpu.memory_space<semaphore_mem>>
      %dma_start3A = arith.constant 0 : i32
      %dma_start3A_38 = tpu.memref_slice %arg13[%add3A_14, %dma_start3A] : memref<10240x64xf32, #tpu.memory_space<vmem_shared>> -> memref<128x64xf32, #tpu.memory_space<vmem_shared>>
      %dma_start3A_39 = arith.constant 0 : i32
      %dma_start3A_40 = tpu.memref_slice %arg13[%add3A_14, %dma_start3A_39] : memref<10240x64xf32, #tpu.memory_space<vmem_shared>> -> memref<128x64xf32, #tpu.memory_space<vmem_shared>>
      tpu.enqueue_dma source(%arg10 : memref<128x64xf32, #tpu.memory_space<vmem>>) target(%dma_start3A_40 : memref<128x64xf32, #tpu.memory_space<vmem_shared>>) target_semaphore(%run_scoped3A : memref<!tpu.dma_semaphore, #tpu.memory_space<semaphore_mem>>)
      %dma_wait3A = arith.constant 0 : i32
      %dma_wait3A_41 = tpu.memref_slice %arg13[%add3A_14, %dma_wait3A] : memref<10240x64xf32, #tpu.memory_space<vmem_shared>> -> memref<128x64xf32, #tpu.memory_space<vmem_shared>>
      %dma_wait3A_42 = arith.constant 0 : i32
      %dma_wait3A_43 = tpu.memref_slice %arg13[%add3A_14, %dma_wait3A_42] : memref<10240x64xf32, #tpu.memory_space<vmem_shared>> -> memref<128x64xf32, #tpu.memory_space<vmem_shared>>
      tpu.wait_dma2 semaphore(%run_scoped3A : memref<!tpu.dma_semaphore, #tpu.memory_space<semaphore_mem>>) src(%arg10 : memref<128x64xf32, #tpu.memory_space<vmem>>) dst(%dma_wait3A_43 : memref<128x64xf32, #tpu.memory_space<vmem_shared>>)
      tpu.yield
    }) : () -> ()
    %add3A_15 = arith.constant 256 : i32
    %add3A_16 = arith.addi %mul3A_5, %add3A_15 : i32
    "tpu.region"() ({
      %run_scoped3A = tpu.sem_alloc : memref<!tpu.dma_semaphore, #tpu.memory_space<semaphore_mem>>
      %dma_start3A = arith.constant 0 : i32
      %dma_start3A_38 = tpu.memref_slice %arg14[%add3A_16, %dma_start3A] : memref<10240x16xf32, #tpu.memory_space<vmem_shared>> -> memref<128x16xf32, #tpu.memory_space<vmem_shared>>
      %dma_start3A_39 = arith.constant 0 : i32
      %dma_start3A_40 = tpu.memref_slice %arg14[%add3A_16, %dma_start3A_39] : memref<10240x16xf32, #tpu.memory_space<vmem_shared>> -> memref<128x16xf32, #tpu.memory_space<vmem_shared>>
      tpu.enqueue_dma source(%arg12 : memref<128x16xf32, #tpu.memory_space<vmem>>) target(%dma_start3A_40 : memref<128x16xf32, #tpu.memory_space<vmem_shared>>) target_semaphore(%run_scoped3A : memref<!tpu.dma_semaphore, #tpu.memory_space<semaphore_mem>>)
      %dma_wait3A = arith.constant 0 : i32
      %dma_wait3A_41 = tpu.memref_slice %arg14[%add3A_16, %dma_wait3A] : memref<10240x16xf32, #tpu.memory_space<vmem_shared>> -> memref<128x16xf32, #tpu.memory_space<vmem_shared>>
      %dma_wait3A_42 = arith.constant 0 : i32
      %dma_wait3A_43 = tpu.memref_slice %arg14[%add3A_16, %dma_wait3A_42] : memref<10240x16xf32, #tpu.memory_space<vmem_shared>> -> memref<128x16xf32, #tpu.memory_space<vmem_shared>>
      tpu.wait_dma2 semaphore(%run_scoped3A : memref<!tpu.dma_semaphore, #tpu.memory_space<semaphore_mem>>) src(%arg12 : memref<128x16xf32, #tpu.memory_space<vmem>>) dst(%dma_wait3A_43 : memref<128x16xf32, #tpu.memory_space<vmem_shared>>)
      tpu.yield
    }) : () -> ()
    %add3A_17 = arith.constant 384 : i32
    %add3A_18 = arith.addi %mul3A_5, %add3A_17 : i32
    "tpu.region"() ({
      %run_scoped3A = tpu.sem_alloc : memref<!tpu.dma_semaphore, #tpu.memory_space<semaphore_mem>>
      %dma_start3A = arith.constant 0 : i32
      %dma_start3A_38 = tpu.memref_slice %arg13[%add3A_18, %dma_start3A] : memref<10240x64xf32, #tpu.memory_space<vmem_shared>> -> memref<128x64xf32, #tpu.memory_space<vmem_shared>>
      %dma_start3A_39 = arith.constant 0 : i32
      %dma_start3A_40 = tpu.memref_slice %arg13[%add3A_18, %dma_start3A_39] : memref<10240x64xf32, #tpu.memory_space<vmem_shared>> -> memref<128x64xf32, #tpu.memory_space<vmem_shared>>
      tpu.enqueue_dma source(%arg10 : memref<128x64xf32, #tpu.memory_space<vmem>>) target(%dma_start3A_40 : memref<128x64xf32, #tpu.memory_space<vmem_shared>>) target_semaphore(%run_scoped3A : memref<!tpu.dma_semaphore, #tpu.memory_space<semaphore_mem>>)
      %dma_wait3A = arith.constant 0 : i32
      %dma_wait3A_41 = tpu.memref_slice %arg13[%add3A_18, %dma_wait3A] : memref<10240x64xf32, #tpu.memory_space<vmem_shared>> -> memref<128x64xf32, #tpu.memory_space<vmem_shared>>
      %dma_wait3A_42 = arith.constant 0 : i32
      %dma_wait3A_43 = tpu.memref_slice %arg13[%add3A_18, %dma_wait3A_42] : memref<10240x64xf32, #tpu.memory_space<vmem_shared>> -> memref<128x64xf32, #tpu.memory_space<vmem_shared>>
      tpu.wait_dma2 semaphore(%run_scoped3A : memref<!tpu.dma_semaphore, #tpu.memory_space<semaphore_mem>>) src(%arg10 : memref<128x64xf32, #tpu.memory_space<vmem>>) dst(%dma_wait3A_43 : memref<128x64xf32, #tpu.memory_space<vmem_shared>>)
      tpu.yield
    }) : () -> ()
    %add3A_19 = arith.constant 384 : i32
    %add3A_20 = arith.addi %mul3A_5, %add3A_19 : i32
    "tpu.region"() ({
      %run_scoped3A = tpu.sem_alloc : memref<!tpu.dma_semaphore, #tpu.memory_space<semaphore_mem>>
      %dma_start3A = arith.constant 0 : i32
      %dma_start3A_38 = tpu.memref_slice %arg14[%add3A_20, %dma_start3A] : memref<10240x16xf32, #tpu.memory_space<vmem_shared>> -> memref<128x16xf32, #tpu.memory_space<vmem_shared>>
      %dma_start3A_39 = arith.constant 0 : i32
      %dma_start3A_40 = tpu.memref_slice %arg14[%add3A_20, %dma_start3A_39] : memref<10240x16xf32, #tpu.memory_space<vmem_shared>> -> memref<128x16xf32, #tpu.memory_space<vmem_shared>>
      tpu.enqueue_dma source(%arg12 : memref<128x16xf32, #tpu.memory_space<vmem>>) target(%dma_start3A_40 : memref<128x16xf32, #tpu.memory_space<vmem_shared>>) target_semaphore(%run_scoped3A : memref<!tpu.dma_semaphore, #tpu.memory_space<semaphore_mem>>)
      %dma_wait3A = arith.constant 0 : i32
      %dma_wait3A_41 = tpu.memref_slice %arg14[%add3A_20, %dma_wait3A] : memref<10240x16xf32, #tpu.memory_space<vmem_shared>> -> memref<128x16xf32, #tpu.memory_space<vmem_shared>>
      %dma_wait3A_42 = arith.constant 0 : i32
      %dma_wait3A_43 = tpu.memref_slice %arg14[%add3A_20, %dma_wait3A_42] : memref<10240x16xf32, #tpu.memory_space<vmem_shared>> -> memref<128x16xf32, #tpu.memory_space<vmem_shared>>
      tpu.wait_dma2 semaphore(%run_scoped3A : memref<!tpu.dma_semaphore, #tpu.memory_space<semaphore_mem>>) src(%arg12 : memref<128x16xf32, #tpu.memory_space<vmem>>) dst(%dma_wait3A_43 : memref<128x16xf32, #tpu.memory_space<vmem_shared>>)
      tpu.yield
    }) : () -> ()
    %add3A_21 = arith.constant 512 : i32
    %add3A_22 = arith.addi %mul3A_5, %add3A_21 : i32
    "tpu.region"() ({
      %run_scoped3A = tpu.sem_alloc : memref<!tpu.dma_semaphore, #tpu.memory_space<semaphore_mem>>
      %dma_start3A = arith.constant 0 : i32
      %dma_start3A_38 = tpu.memref_slice %arg13[%add3A_22, %dma_start3A] : memref<10240x64xf32, #tpu.memory_space<vmem_shared>> -> memref<128x64xf32, #tpu.memory_space<vmem_shared>>
      %dma_start3A_39 = arith.constant 0 : i32
      %dma_start3A_40 = tpu.memref_slice %arg13[%add3A_22, %dma_start3A_39] : memref<10240x64xf32, #tpu.memory_space<vmem_shared>> -> memref<128x64xf32, #tpu.memory_space<vmem_shared>>
      tpu.enqueue_dma source(%arg10 : memref<128x64xf32, #tpu.memory_space<vmem>>) target(%dma_start3A_40 : memref<128x64xf32, #tpu.memory_space<vmem_shared>>) target_semaphore(%run_scoped3A : memref<!tpu.dma_semaphore, #tpu.memory_space<semaphore_mem>>)
      %dma_wait3A = arith.constant 0 : i32
      %dma_wait3A_41 = tpu.memref_slice %arg13[%add3A_22, %dma_wait3A] : memref<10240x64xf32, #tpu.memory_space<vmem_shared>> -> memref<128x64xf32, #tpu.memory_space<vmem_shared>>
      %dma_wait3A_42 = arith.constant 0 : i32
      %dma_wait3A_43 = tpu.memref_slice %arg13[%add3A_22, %dma_wait3A_42] : memref<10240x64xf32, #tpu.memory_space<vmem_shared>> -> memref<128x64xf32, #tpu.memory_space<vmem_shared>>
      tpu.wait_dma2 semaphore(%run_scoped3A : memref<!tpu.dma_semaphore, #tpu.memory_space<semaphore_mem>>) src(%arg10 : memref<128x64xf32, #tpu.memory_space<vmem>>) dst(%dma_wait3A_43 : memref<128x64xf32, #tpu.memory_space<vmem_shared>>)
      tpu.yield
    }) : () -> ()
    %add3A_23 = arith.constant 512 : i32
    %add3A_24 = arith.addi %mul3A_5, %add3A_23 : i32
    "tpu.region"() ({
      %run_scoped3A = tpu.sem_alloc : memref<!tpu.dma_semaphore, #tpu.memory_space<semaphore_mem>>
      %dma_start3A = arith.constant 0 : i32
      %dma_start3A_38 = tpu.memref_slice %arg14[%add3A_24, %dma_start3A] : memref<10240x16xf32, #tpu.memory_space<vmem_shared>> -> memref<128x16xf32, #tpu.memory_space<vmem_shared>>
      %dma_start3A_39 = arith.constant 0 : i32
      %dma_start3A_40 = tpu.memref_slice %arg14[%add3A_24, %dma_start3A_39] : memref<10240x16xf32, #tpu.memory_space<vmem_shared>> -> memref<128x16xf32, #tpu.memory_space<vmem_shared>>
      tpu.enqueue_dma source(%arg12 : memref<128x16xf32, #tpu.memory_space<vmem>>) target(%dma_start3A_40 : memref<128x16xf32, #tpu.memory_space<vmem_shared>>) target_semaphore(%run_scoped3A : memref<!tpu.dma_semaphore, #tpu.memory_space<semaphore_mem>>)
      %dma_wait3A = arith.constant 0 : i32
      %dma_wait3A_41 = tpu.memref_slice %arg14[%add3A_24, %dma_wait3A] : memref<10240x16xf32, #tpu.memory_space<vmem_shared>> -> memref<128x16xf32, #tpu.memory_space<vmem_shared>>
      %dma_wait3A_42 = arith.constant 0 : i32
      %dma_wait3A_43 = tpu.memref_slice %arg14[%add3A_24, %dma_wait3A_42] : memref<10240x16xf32, #tpu.memory_space<vmem_shared>> -> memref<128x16xf32, #tpu.memory_space<vmem_shared>>
      tpu.wait_dma2 semaphore(%run_scoped3A : memref<!tpu.dma_semaphore, #tpu.memory_space<semaphore_mem>>) src(%arg12 : memref<128x16xf32, #tpu.memory_space<vmem>>) dst(%dma_wait3A_43 : memref<128x16xf32, #tpu.memory_space<vmem_shared>>)
      tpu.yield
    }) : () -> ()
    %barrier3A = arith.constant 0 : index
    tpu.barrier barrier_id(%barrier3A)
    "tpu.region"() ({
      %run_scoped3A = tpu.sem_alloc : memref<!tpu.dma_semaphore, #tpu.memory_space<semaphore_mem>>
      %dma_start3A = arith.constant 0 : i32
      %dma_start3A_38 = arith.constant 0 : i32
      %dma_start3A_39 = tpu.memref_slice %arg3[%arg1, %dma_start3A, %dma_start3A_38] : memref<16x157x128xi32, #tpu.memory_space<hbm>> -> memref<1x157x128xi32, #tpu.memory_space<hbm>>
      %dma_start3A_40 = tpu.memref_squeeze %dma_start3A_39 : memref<1x157x128xi32, #tpu.memory_space<hbm>> -> memref<157x128xi32, #tpu.memory_space<hbm>>
      %dma_start3A_41 = arith.constant 0 : i32
      %dma_start3A_42 = arith.constant 0 : i32
      %dma_start3A_43 = tpu.memref_slice %arg3[%arg1, %dma_start3A_41, %dma_start3A_42] : memref<16x157x128xi32, #tpu.memory_space<hbm>> -> memref<1x157x128xi32, #tpu.memory_space<hbm>>
      %dma_start3A_44 = tpu.memref_squeeze %dma_start3A_43 : memref<1x157x128xi32, #tpu.memory_space<hbm>> -> memref<157x128xi32, #tpu.memory_space<hbm>>
      tpu.enqueue_dma source(%dma_start3A_44 : memref<157x128xi32, #tpu.memory_space<hbm>>) target(%arg7 : memref<157x128xi32, #tpu.memory_space<vmem>>) target_semaphore(%run_scoped3A : memref<!tpu.dma_semaphore, #tpu.memory_space<semaphore_mem>>)
      %dma_wait3A = arith.constant 0 : i32
      %dma_wait3A_45 = arith.constant 0 : i32
      %dma_wait3A_46 = tpu.memref_slice %arg3[%arg1, %dma_wait3A, %dma_wait3A_45] : memref<16x157x128xi32, #tpu.memory_space<hbm>> -> memref<1x157x128xi32, #tpu.memory_space<hbm>>
      %dma_wait3A_47 = tpu.memref_squeeze %dma_wait3A_46 : memref<1x157x128xi32, #tpu.memory_space<hbm>> -> memref<157x128xi32, #tpu.memory_space<hbm>>
      %dma_wait3A_48 = arith.constant 0 : i32
      %dma_wait3A_49 = arith.constant 0 : i32
      %dma_wait3A_50 = tpu.memref_slice %arg3[%arg1, %dma_wait3A_48, %dma_wait3A_49] : memref<16x157x128xi32, #tpu.memory_space<hbm>> -> memref<1x157x128xi32, #tpu.memory_space<hbm>>
      %dma_wait3A_51 = tpu.memref_squeeze %dma_wait3A_50 : memref<1x157x128xi32, #tpu.memory_space<hbm>> -> memref<157x128xi32, #tpu.memory_space<hbm>>
      tpu.wait_dma2 semaphore(%run_scoped3A : memref<!tpu.dma_semaphore, #tpu.memory_space<semaphore_mem>>) src(%dma_wait3A_51 : memref<157x128xi32, #tpu.memory_space<hbm>>) dst(%arg7 : memref<157x128xi32, #tpu.memory_space<vmem>>)
      tpu.yield
    }) : () -> ()
    "tpu.region"() ({
      %run_scoped3A = tpu.sem_alloc : memref<!tpu.dma_semaphore, #tpu.memory_space<semaphore_mem>>
      %dma_start3A = arith.constant 0 : i32
      %dma_start3A_38 = arith.constant 0 : i32
      %dma_start3A_39 = tpu.memref_slice %arg4[%arg1, %dma_start3A, %dma_start3A_38] : memref<16x157x128xi32, #tpu.memory_space<hbm>> -> memref<1x157x128xi32, #tpu.memory_space<hbm>>
      %dma_start3A_40 = tpu.memref_squeeze %dma_start3A_39 : memref<1x157x128xi32, #tpu.memory_space<hbm>> -> memref<157x128xi32, #tpu.memory_space<hbm>>
      %dma_start3A_41 = arith.constant 0 : i32
      %dma_start3A_42 = arith.constant 0 : i32
      %dma_start3A_43 = tpu.memref_slice %arg4[%arg1, %dma_start3A_41, %dma_start3A_42] : memref<16x157x128xi32, #tpu.memory_space<hbm>> -> memref<1x157x128xi32, #tpu.memory_space<hbm>>
      %dma_start3A_44 = tpu.memref_squeeze %dma_start3A_43 : memref<1x157x128xi32, #tpu.memory_space<hbm>> -> memref<157x128xi32, #tpu.memory_space<hbm>>
      tpu.enqueue_dma source(%dma_start3A_44 : memref<157x128xi32, #tpu.memory_space<hbm>>) target(%arg8 : memref<157x128xi32, #tpu.memory_space<vmem>>) target_semaphore(%run_scoped3A : memref<!tpu.dma_semaphore, #tpu.memory_space<semaphore_mem>>)
      %dma_wait3A = arith.constant 0 : i32
      %dma_wait3A_45 = arith.constant 0 : i32
      %dma_wait3A_46 = tpu.memref_slice %arg4[%arg1, %dma_wait3A, %dma_wait3A_45] : memref<16x157x128xi32, #tpu.memory_space<hbm>> -> memref<1x157x128xi32, #tpu.memory_space<hbm>>
      %dma_wait3A_47 = tpu.memref_squeeze %dma_wait3A_46 : memref<1x157x128xi32, #tpu.memory_space<hbm>> -> memref<157x128xi32, #tpu.memory_space<hbm>>
      %dma_wait3A_48 = arith.constant 0 : i32
      %dma_wait3A_49 = arith.constant 0 : i32
      %dma_wait3A_50 = tpu.memref_slice %arg4[%arg1, %dma_wait3A_48, %dma_wait3A_49] : memref<16x157x128xi32, #tpu.memory_space<hbm>> -> memref<1x157x128xi32, #tpu.memory_space<hbm>>
      %dma_wait3A_51 = tpu.memref_squeeze %dma_wait3A_50 : memref<1x157x128xi32, #tpu.memory_space<hbm>> -> memref<157x128xi32, #tpu.memory_space<hbm>>
      tpu.wait_dma2 semaphore(%run_scoped3A : memref<!tpu.dma_semaphore, #tpu.memory_space<semaphore_mem>>) src(%dma_wait3A_51 : memref<157x128xi32, #tpu.memory_space<hbm>>) dst(%arg8 : memref<157x128xi32, #tpu.memory_space<vmem>>)
      tpu.yield
    }) : () -> ()
    %scan3A_25 = arith.constant 0 : i32
    %scan3A_26 = arith.constant 0 : i32
    %scan3A_27 = arith.constant 157 : i32
    %scan3A_28 = arith.addi %scan3A_26, %scan3A_27 : i32
    %scan3A_29 = arith.constant 1 : i32
    scf.for %scan3A_38 = %scan3A_26 to %scan3A_28 step %scan3A_29  : i32 {
      %get3A = arith.index_cast %scan3A_38 : i32 to index
      %get3A_39 = arith.constant 0 : index
      %get3A_40 = tpu.vector_load %arg7[%get3A, %get3A_39] {strides = array<i32>} : memref<157x128xi32, #tpu.memory_space<vmem>>, vector<1x16xi32>,
      %get3A_41 = vector.shape_cast %get3A_40 : vector<1x16xi32> to vector<16xi32>
      %mul3A_42 = arith.constant 2 : i32
      %mul3A_43 = vector.broadcast %mul3A_42 : i32 to vector<16xi32>
      %mul3A_44 = arith.muli %get3A_41, %mul3A_43 : vector<16xi32>
      %add3A_45 = vector.broadcast %arg0 : i32 to vector<16xi32>
      %add3A_46 = arith.addi %mul3A_44, %add3A_45 : vector<16xi32>
      %swap3A = arith.index_cast %scan3A_38 : i32 to index
      %swap3A_47 = arith.constant 0 : index
      %swap3A_48 = tpu.vector_load %arg7[%swap3A, %swap3A_47] {strides = array<i32>} : memref<157x128xi32, #tpu.memory_space<vmem>>, vector<1x16xi32>,
      %swap3A_49 = vector.shape_cast %swap3A_48 : vector<1x16xi32> to vector<16xi32>
      %swap3A_50 = vector.shape_cast %add3A_46 : vector<16xi32> to vector<1x16xi32>
      tpu.vector_store %arg7[%swap3A, %swap3A_47], %swap3A_50 {strides = array<i32>} : memref<157x128xi32, #tpu.memory_space<vmem>>, vector<1x16xi32>,
      %get3A_51 = arith.index_cast %scan3A_38 : i32 to index
      %get3A_52 = arith.constant 16 : index
      %get3A_53 = tpu.vector_load %arg7[%get3A_51, %get3A_52] {strides = array<i32>} : memref<157x128xi32, #tpu.memory_space<vmem>>, vector<1x16xi32>,
      %get3A_54 = vector.shape_cast %get3A_53 : vector<1x16xi32> to vector<16xi32>
      %mul3A_55 = arith.constant 2 : i32
      %mul3A_56 = vector.broadcast %mul3A_55 : i32 to vector<16xi32>
      %mul3A_57 = arith.muli %get3A_54, %mul3A_56 : vector<16xi32>
      %add3A_58 = vector.broadcast %arg0 : i32 to vector<16xi32>
      %add3A_59 = arith.addi %mul3A_57, %add3A_58 : vector<16xi32>
      %swap3A_60 = arith.index_cast %scan3A_38 : i32 to index
      %swap3A_61 = arith.constant 16 : index
      %swap3A_62 = tpu.vector_load %arg7[%swap3A_60, %swap3A_61] {strides = array<i32>} : memref<157x128xi32, #tpu.memory_space<vmem>>, vector<1x16xi32>,
      %swap3A_63 = vector.shape_cast %swap3A_62 : vector<1x16xi32> to vector<16xi32>
      %swap3A_64 = vector.shape_cast %add3A_59 : vector<16xi32> to vector<1x16xi32>
      tpu.vector_store %arg7[%swap3A_60, %swap3A_61], %swap3A_64 {strides = array<i32>} : memref<157x128xi32, #tpu.memory_space<vmem>>, vector<1x16xi32>,
      %get3A_65 = arith.index_cast %scan3A_38 : i32 to index
      %get3A_66 = arith.constant 32 : index
      %get3A_67 = tpu.vector_load %arg7[%get3A_65, %get3A_66] {strides = array<i32>} : memref<157x128xi32, #tpu.memory_space<vmem>>, vector<1x16xi32>,
      %get3A_68 = vector.shape_cast %get3A_67 : vector<1x16xi32> to vector<16xi32>
      %mul3A_69 = arith.constant 2 : i32
      %mul3A_70 = vector.broadcast %mul3A_69 : i32 to vector<16xi32>
      %mul3A_71 = arith.muli %get3A_68, %mul3A_70 : vector<16xi32>
      %add3A_72 = vector.broadcast %arg0 : i32 to vector<16xi32>
      %add3A_73 = arith.addi %mul3A_71, %add3A_72 : vector<16xi32>
      %swap3A_74 = arith.index_cast %scan3A_38 : i32 to index
      %swap3A_75 = arith.constant 32 : index
      %swap3A_76 = tpu.vector_load %arg7[%swap3A_74, %swap3A_75] {strides = array<i32>} : memref<157x128xi32, #tpu.memory_space<vmem>>, vector<1x16xi32>,
      %swap3A_77 = vector.shape_cast %swap3A_76 : vector<1x16xi32> to vector<16xi32>
      %swap3A_78 = vector.shape_cast %add3A_73 : vector<16xi32> to vector<1x16xi32>
      tpu.vector_store %arg7[%swap3A_74, %swap3A_75], %swap3A_78 {strides = array<i32>} : memref<157x128xi32, #tpu.memory_space<vmem>>, vector<1x16xi32>,
      %get3A_79 = arith.index_cast %scan3A_38 : i32 to index
      %get3A_80 = arith.constant 48 : index
      %get3A_81 = tpu.vector_load %arg7[%get3A_79, %get3A_80] {strides = array<i32>} : memref<157x128xi32, #tpu.memory_space<vmem>>, vector<1x16xi32>,
      %get3A_82 = vector.shape_cast %get3A_81 : vector<1x16xi32> to vector<16xi32>
      %mul3A_83 = arith.constant 2 : i32
      %mul3A_84 = vector.broadcast %mul3A_83 : i32 to vector<16xi32>
      %mul3A_85 = arith.muli %get3A_82, %mul3A_84 : vector<16xi32>
      %add3A_86 = vector.broadcast %arg0 : i32 to vector<16xi32>
      %add3A_87 = arith.addi %mul3A_85, %add3A_86 : vector<16xi32>
      %swap3A_88 = arith.index_cast %scan3A_38 : i32 to index
      %swap3A_89 = arith.constant 48 : index
      %swap3A_90 = tpu.vector_load %arg7[%swap3A_88, %swap3A_89] {strides = array<i32>} : memref<157x128xi32, #tpu.memory_space<vmem>>, vector<1x16xi32>,
      %swap3A_91 = vector.shape_cast %swap3A_90 : vector<1x16xi32> to vector<16xi32>
      %swap3A_92 = vector.shape_cast %add3A_87 : vector<16xi32> to vector<1x16xi32>
      tpu.vector_store %arg7[%swap3A_88, %swap3A_89], %swap3A_92 {strides = array<i32>} : memref<157x128xi32, #tpu.memory_space<vmem>>, vector<1x16xi32>,
      %get3A_93 = arith.index_cast %scan3A_38 : i32 to index
      %get3A_94 = arith.constant 64 : index
      %get3A_95 = tpu.vector_load %arg7[%get3A_93, %get3A_94] {strides = array<i32>} : memref<157x128xi32, #tpu.memory_space<vmem>>, vector<1x16xi32>,
      %get3A_96 = vector.shape_cast %get3A_95 : vector<1x16xi32> to vector<16xi32>
      %mul3A_97 = arith.constant 2 : i32
      %mul3A_98 = vector.broadcast %mul3A_97 : i32 to vector<16xi32>
      %mul3A_99 = arith.muli %get3A_96, %mul3A_98 : vector<16xi32>
      %add3A_100 = vector.broadcast %arg0 : i32 to vector<16xi32>
      %add3A_101 = arith.addi %mul3A_99, %add3A_100 : vector<16xi32>
      %swap3A_102 = arith.index_cast %scan3A_38 : i32 to index
      %swap3A_103 = arith.constant 64 : index
      %swap3A_104 = tpu.vector_load %arg7[%swap3A_102, %swap3A_103] {strides = array<i32>} : memref<157x128xi32, #tpu.memory_space<vmem>>, vector<1x16xi32>,
      %swap3A_105 = vector.shape_cast %swap3A_104 : vector<1x16xi32> to vector<16xi32>
      %swap3A_106 = vector.shape_cast %add3A_101 : vector<16xi32> to vector<1x16xi32>
      tpu.vector_store %arg7[%swap3A_102, %swap3A_103], %swap3A_106 {strides = array<i32>} : memref<157x128xi32, #tpu.memory_space<vmem>>, vector<1x16xi32>,
      %get3A_107 = arith.index_cast %scan3A_38 : i32 to index
      %get3A_108 = arith.constant 80 : index
      %get3A_109 = tpu.vector_load %arg7[%get3A_107, %get3A_108] {strides = array<i32>} : memref<157x128xi32, #tpu.memory_space<vmem>>, vector<1x16xi32>,
      %get3A_110 = vector.shape_cast %get3A_109 : vector<1x16xi32> to vector<16xi32>
      %mul3A_111 = arith.constant 2 : i32
      %mul3A_112 = vector.broadcast %mul3A_111 : i32 to vector<16xi32>
      %mul3A_113 = arith.muli %get3A_110, %mul3A_112 : vector<16xi32>
      %add3A_114 = vector.broadcast %arg0 : i32 to vector<16xi32>
      %add3A_115 = arith.addi %mul3A_113, %add3A_114 : vector<16xi32>
      %swap3A_116 = arith.index_cast %scan3A_38 : i32 to index
      %swap3A_117 = arith.constant 80 : index
      %swap3A_118 = tpu.vector_load %arg7[%swap3A_116, %swap3A_117] {strides = array<i32>} : memref<157x128xi32, #tpu.memory_space<vmem>>, vector<1x16xi32>,
      %swap3A_119 = vector.shape_cast %swap3A_118 : vector<1x16xi32> to vector<16xi32>
      %swap3A_120 = vector.shape_cast %add3A_115 : vector<16xi32> to vector<1x16xi32>
      tpu.vector_store %arg7[%swap3A_116, %swap3A_117], %swap3A_120 {strides = array<i32>} : memref<157x128xi32, #tpu.memory_space<vmem>>, vector<1x16xi32>,
      %get3A_121 = arith.index_cast %scan3A_38 : i32 to index
      %get3A_122 = arith.constant 96 : index
      %get3A_123 = tpu.vector_load %arg7[%get3A_121, %get3A_122] {strides = array<i32>} : memref<157x128xi32, #tpu.memory_space<vmem>>, vector<1x16xi32>,
      %get3A_124 = vector.shape_cast %get3A_123 : vector<1x16xi32> to vector<16xi32>
      %mul3A_125 = arith.constant 2 : i32
      %mul3A_126 = vector.broadcast %mul3A_125 : i32 to vector<16xi32>
      %mul3A_127 = arith.muli %get3A_124, %mul3A_126 : vector<16xi32>
      %add3A_128 = vector.broadcast %arg0 : i32 to vector<16xi32>
      %add3A_129 = arith.addi %mul3A_127, %add3A_128 : vector<16xi32>
      %swap3A_130 = arith.index_cast %scan3A_38 : i32 to index
      %swap3A_131 = arith.constant 96 : index
      %swap3A_132 = tpu.vector_load %arg7[%swap3A_130, %swap3A_131] {strides = array<i32>} : memref<157x128xi32, #tpu.memory_space<vmem>>, vector<1x16xi32>,
      %swap3A_133 = vector.shape_cast %swap3A_132 : vector<1x16xi32> to vector<16xi32>
      %swap3A_134 = vector.shape_cast %add3A_129 : vector<16xi32> to vector<1x16xi32>
      tpu.vector_store %arg7[%swap3A_130, %swap3A_131], %swap3A_134 {strides = array<i32>} : memref<157x128xi32, #tpu.memory_space<vmem>>, vector<1x16xi32>,
      %get3A_135 = arith.index_cast %scan3A_38 : i32 to index
      %get3A_136 = arith.constant 112 : index
      %get3A_137 = tpu.vector_load %arg7[%get3A_135, %get3A_136] {strides = array<i32>} : memref<157x128xi32, #tpu.memory_space<vmem>>, vector<1x16xi32>,
      %get3A_138 = vector.shape_cast %get3A_137 : vector<1x16xi32> to vector<16xi32>
      %mul3A_139 = arith.constant 2 : i32
      %mul3A_140 = vector.broadcast %mul3A_139 : i32 to vector<16xi32>
      %mul3A_141 = arith.muli %get3A_138, %mul3A_140 : vector<16xi32>
      %add3A_142 = vector.broadcast %arg0 : i32 to vector<16xi32>
      %add3A_143 = arith.addi %mul3A_141, %add3A_142 : vector<16xi32>
      %swap3A_144 = arith.index_cast %scan3A_38 : i32 to index
      %swap3A_145 = arith.constant 112 : index
      %swap3A_146 = tpu.vector_load %arg7[%swap3A_144, %swap3A_145] {strides = array<i32>} : memref<157x128xi32, #tpu.memory_space<vmem>>, vector<1x16xi32>,
      %swap3A_147 = vector.shape_cast %swap3A_146 : vector<1x16xi32> to vector<16xi32>
      %swap3A_148 = vector.shape_cast %add3A_143 : vector<16xi32> to vector<1x16xi32>
      tpu.vector_store %arg7[%swap3A_144, %swap3A_145], %swap3A_148 {strides = array<i32>} : memref<157x128xi32, #tpu.memory_space<vmem>>, vector<1x16xi32>,
    }
    %scan3A_30 = arith.constant 157 : i32
    %scan3A_31 = arith.constant 0 : i32
    %scan3A_32 = arith.constant 0 : i32
    %scan3A_33 = arith.constant 157 : i32
    %scan3A_34 = arith.addi %scan3A_32, %scan3A_33 : i32
    %scan3A_35 = arith.constant 1 : i32
    scf.for %scan3A_38 = %scan3A_32 to %scan3A_34 step %scan3A_35  : i32 {
      %dma_start3A = arith.constant 0 : i32
      %dma_start3A_39 = tpu.memref_slice %arg7[%scan3A_38, %dma_start3A] : memref<157x128xi32, #tpu.memory_space<vmem>> -> memref<1x128xi32, #tpu.memory_space<vmem>>
      %dma_start3A_40 = tpu.memref_squeeze %dma_start3A_39 : memref<1x128xi32, #tpu.memory_space<vmem>> -> memref<128xi32, #tpu.memory_space<vmem>>
      %dma_start3A_41 = arith.constant 0 : i32
      %dma_start3A_42 = arith.constant 0 : i32
      %dma_start3A_43 = tpu.memref_slice %arg2[%dma_start3A_41, %dma_start3A_42] : memref<20000x64xf32, #tpu.memory_space<hbm>> -> memref<20000x64xf32, #tpu.memory_space<hbm>>
      tpu.enqueue_indirect_dma source(%dma_start3A_43 : memref<20000x64xf32, #tpu.memory_space<hbm>>) target(%arg9 : memref<128x64xf32, #tpu.memory_space<vmem>>) offsets(%dma_start3A_40 : memref<128xi32, #tpu.memory_space<vmem>>) semaphore(%arg15 : memref<!tpu.dma_semaphore, #tpu.memory_space<semaphore_mem>>)
      %dma_wait3A = arith.constant 0 : i32
      %dma_wait3A_44 = tpu.memref_slice %arg7[%scan3A_38, %dma_wait3A] : memref<157x128xi32, #tpu.memory_space<vmem>> -> memref<1x128xi32, #tpu.memory_space<vmem>>
      %dma_wait3A_45 = tpu.memref_squeeze %dma_wait3A_44 : memref<1x128xi32, #tpu.memory_space<vmem>> -> memref<128xi32, #tpu.memory_space<vmem>>
      %dma_wait3A_46 = arith.constant 0 : i32
      %dma_wait3A_47 = arith.constant 0 : i32
      %dma_wait3A_48 = tpu.memref_slice %arg2[%dma_wait3A_46, %dma_wait3A_47] : memref<20000x64xf32, #tpu.memory_space<hbm>> -> memref<20000x64xf32, #tpu.memory_space<hbm>>
      tpu.wait_indirect_dma semaphore(%arg15 : memref<!tpu.dma_semaphore, #tpu.memory_space<semaphore_mem>>) src(%dma_wait3A_48 : memref<20000x64xf32, #tpu.memory_space<hbm>>) dst(%arg9 : memref<128x64xf32, #tpu.memory_space<vmem>>)
      "tpu.region"() ({
        %run_scoped3A = tpu.sem_alloc : memref<!tpu.dma_semaphore, #tpu.memory_space<semaphore_mem>>
        %dma_start3A_51 = arith.constant 0 : i32
        %dma_start3A_52 = tpu.memref_slice %arg8[%scan3A_38, %dma_start3A_51] : memref<157x128xi32, #tpu.memory_space<vmem>> -> memref<1x128xi32, #tpu.memory_space<vmem>>
        %dma_start3A_53 = tpu.memref_squeeze %dma_start3A_52 : memref<1x128xi32, #tpu.memory_space<vmem>> -> memref<128xi32, #tpu.memory_space<vmem>>
        %dma_start3A_54 = arith.constant 0 : i32
        %dma_start3A_55 = arith.constant 0 : i32
        %dma_start3A_56 = tpu.memref_slice %arg13[%dma_start3A_54, %dma_start3A_55] : memref<10240x64xf32, #tpu.memory_space<vmem_shared>> -> memref<10240x64xf32, #tpu.memory_space<vmem_shared>>
        tpu.enqueue_indirect_dma source(%arg9 : memref<128x64xf32, #tpu.memory_space<vmem>>) target(%dma_start3A_56 : memref<10240x64xf32, #tpu.memory_space<vmem_shared>>) offsets(%dma_start3A_53 : memref<128xi32, #tpu.memory_space<vmem>>) semaphore(%run_scoped3A : memref<!tpu.dma_semaphore, #tpu.memory_space<semaphore_mem>>) {add = true}
        %dma_wait3A_57 = arith.constant 0 : i32
        %dma_wait3A_58 = tpu.memref_slice %arg8[%scan3A_38, %dma_wait3A_57] : memref<157x128xi32, #tpu.memory_space<vmem>> -> memref<1x128xi32, #tpu.memory_space<vmem>>
        %dma_wait3A_59 = tpu.memref_squeeze %dma_wait3A_58 : memref<1x128xi32, #tpu.memory_space<vmem>> -> memref<128xi32, #tpu.memory_space<vmem>>
        %dma_wait3A_60 = arith.constant 0 : i32
        %dma_wait3A_61 = arith.constant 0 : i32
        %dma_wait3A_62 = tpu.memref_slice %arg13[%dma_wait3A_60, %dma_wait3A_61] : memref<10240x64xf32, #tpu.memory_space<vmem_shared>> -> memref<10240x64xf32, #tpu.memory_space<vmem_shared>>
        tpu.wait_indirect_dma semaphore(%run_scoped3A : memref<!tpu.dma_semaphore, #tpu.memory_space<semaphore_mem>>) src(%arg9 : memref<128x64xf32, #tpu.memory_space<vmem>>) dst(%dma_wait3A_62 : memref<10240x64xf32, #tpu.memory_space<vmem_shared>>)
        tpu.yield
      }) : () -> ()
      %rem3A = arith.constant 2 : i32
      %rem3A_49 = arith.remsi %scan3A_38, %rem3A : i32
      %eq3A = arith.cmpi eq, %arg0, %rem3A_49 : i32
      %convert_element_type3A = arith.extui %eq3A : i1 to i32
      %cond3A = arith.constant 0 : i32
      %cond3A_50 = arith.cmpi ne, %convert_element_type3A, %cond3A : i32
      scf.if %cond3A_50 {
        "tpu.region"() ({
          %run_scoped3A = tpu.sem_alloc : memref<!tpu.dma_semaphore, #tpu.memory_space<semaphore_mem>>
          %dma_start3A_51 = arith.constant 0 : i32
          %dma_start3A_52 = tpu.memref_slice %arg8[%scan3A_38, %dma_start3A_51] : memref<157x128xi32, #tpu.memory_space<vmem>> -> memref<1x128xi32, #tpu.memory_space<vmem>>
          %dma_start3A_53 = tpu.memref_squeeze %dma_start3A_52 : memref<1x128xi32, #tpu.memory_space<vmem>> -> memref<128xi32, #tpu.memory_space<vmem>>
          %dma_start3A_54 = arith.constant 0 : i32
          %dma_start3A_55 = arith.constant 0 : i32
          %dma_start3A_56 = tpu.memref_slice %arg14[%dma_start3A_54, %dma_start3A_55] : memref<10240x16xf32, #tpu.memory_space<vmem_shared>> -> memref<10240x16xf32, #tpu.memory_space<vmem_shared>>
          tpu.enqueue_indirect_dma source(%arg11 : memref<128x16xf32, #tpu.memory_space<vmem>>) target(%dma_start3A_56 : memref<10240x16xf32, #tpu.memory_space<vmem_shared>>) offsets(%dma_start3A_53 : memref<128xi32, #tpu.memory_space<vmem>>) semaphore(%run_scoped3A : memref<!tpu.dma_semaphore, #tpu.memory_space<semaphore_mem>>) {add = true}
          %dma_wait3A_57 = arith.constant 0 : i32
          %dma_wait3A_58 = tpu.memref_slice %arg8[%scan3A_38, %dma_wait3A_57] : memref<157x128xi32, #tpu.memory_space<vmem>> -> memref<1x128xi32, #tpu.memory_space<vmem>>
          %dma_wait3A_59 = tpu.memref_squeeze %dma_wait3A_58 : memref<1x128xi32, #tpu.memory_space<vmem>> -> memref<128xi32, #tpu.memory_space<vmem>>
          %dma_wait3A_60 = arith.constant 0 : i32
          %dma_wait3A_61 = arith.constant 0 : i32
          %dma_wait3A_62 = tpu.memref_slice %arg14[%dma_wait3A_60, %dma_wait3A_61] : memref<10240x16xf32, #tpu.memory_space<vmem_shared>> -> memref<10240x16xf32, #tpu.memory_space<vmem_shared>>
          tpu.wait_indirect_dma semaphore(%run_scoped3A : memref<!tpu.dma_semaphore, #tpu.memory_space<semaphore_mem>>) src(%arg11 : memref<128x16xf32, #tpu.memory_space<vmem>>) dst(%dma_wait3A_62 : memref<10240x16xf32, #tpu.memory_space<vmem_shared>>)
          tpu.yield
        }) : () -> ()
      } else {
      }
    }
    %scan3A_36 = arith.constant 157 : i32
    %barrier3A_37 = arith.constant 0 : index
    tpu.barrier barrier_id(%barrier3A_37)
    "tpu.region"() ({
      %run_scoped3A = tpu.sem_alloc : memref<!tpu.dma_semaphore, #tpu.memory_space<semaphore_mem>>
      %dma_start3A = arith.constant 0 : i32
      %dma_start3A_38 = tpu.memref_slice %arg5[%arg0, %mul3A_5, %dma_start3A] : memref<2x10240x64xf32, #tpu.memory_space<hbm>> -> memref<1x640x64xf32, #tpu.memory_space<hbm>>
      %dma_start3A_39 = tpu.memref_squeeze %dma_start3A_38 : memref<1x640x64xf32, #tpu.memory_space<hbm>> -> memref<640x64xf32, #tpu.memory_space<hbm>>
      %dma_start3A_40 = arith.constant 0 : i32
      %dma_start3A_41 = tpu.memref_slice %arg13[%mul3A_5, %dma_start3A_40] : memref<10240x64xf32, #tpu.memory_space<vmem_shared>> -> memref<640x64xf32, #tpu.memory_space<vmem_shared>>
      tpu.enqueue_dma source(%dma_start3A_41 : memref<640x64xf32, #tpu.memory_space<vmem_shared>>) target(%dma_start3A_39 : memref<640x64xf32, #tpu.memory_space<hbm>>) target_semaphore(%run_scoped3A : memref<!tpu.dma_semaphore, #tpu.memory_space<semaphore_mem>>)
      %dma_wait3A = arith.constant 0 : i32
      %dma_wait3A_42 = tpu.memref_slice %arg5[%arg0, %mul3A_5, %dma_wait3A] : memref<2x10240x64xf32, #tpu.memory_space<hbm>> -> memref<1x640x64xf32, #tpu.memory_space<hbm>>
      %dma_wait3A_43 = tpu.memref_squeeze %dma_wait3A_42 : memref<1x640x64xf32, #tpu.memory_space<hbm>> -> memref<640x64xf32, #tpu.memory_space<hbm>>
      %dma_wait3A_44 = arith.constant 0 : i32
      %dma_wait3A_45 = tpu.memref_slice %arg13[%mul3A_5, %dma_wait3A_44] : memref<10240x64xf32, #tpu.memory_space<vmem_shared>> -> memref<640x64xf32, #tpu.memory_space<vmem_shared>>
      tpu.wait_dma2 semaphore(%run_scoped3A : memref<!tpu.dma_semaphore, #tpu.memory_space<semaphore_mem>>) src(%dma_wait3A_45 : memref<640x64xf32, #tpu.memory_space<vmem_shared>>) dst(%dma_wait3A_43 : memref<640x64xf32, #tpu.memory_space<hbm>>)
      tpu.yield
    }) : () -> ()
    "tpu.region"() ({
      %run_scoped3A = tpu.sem_alloc : memref<!tpu.dma_semaphore, #tpu.memory_space<semaphore_mem>>
      %dma_start3A = arith.constant 0 : i32
      %dma_start3A_38 = tpu.memref_slice %arg6[%arg0, %mul3A_5, %dma_start3A] : memref<2x10240x16xf32, #tpu.memory_space<hbm>> -> memref<1x640x16xf32, #tpu.memory_space<hbm>>
      %dma_start3A_39 = tpu.memref_squeeze %dma_start3A_38 : memref<1x640x16xf32, #tpu.memory_space<hbm>> -> memref<640x16xf32, #tpu.memory_space<hbm>>
      %dma_start3A_40 = arith.constant 0 : i32
      %dma_start3A_41 = tpu.memref_slice %arg14[%mul3A_5, %dma_start3A_40] : memref<10240x16xf32, #tpu.memory_space<vmem_shared>> -> memref<640x16xf32, #tpu.memory_space<vmem_shared>>
      tpu.enqueue_dma source(%dma_start3A_41 : memref<640x16xf32, #tpu.memory_space<vmem_shared>>) target(%dma_start3A_39 : memref<640x16xf32, #tpu.memory_space<hbm>>) target_semaphore(%run_scoped3A : memref<!tpu.dma_semaphore, #tpu.memory_space<semaphore_mem>>)
      %dma_wait3A = arith.constant 0 : i32
      %dma_wait3A_42 = tpu.memref_slice %arg6[%arg0, %mul3A_5, %dma_wait3A] : memref<2x10240x16xf32, #tpu.memory_space<hbm>> -> memref<1x640x16xf32, #tpu.memory_space<hbm>>
      %dma_wait3A_43 = tpu.memref_squeeze %dma_wait3A_42 : memref<1x640x16xf32, #tpu.memory_space<hbm>> -> memref<640x16xf32, #tpu.memory_space<hbm>>
      %dma_wait3A_44 = arith.constant 0 : i32
      %dma_wait3A_45 = tpu.memref_slice %arg14[%mul3A_5, %dma_wait3A_44] : memref<10240x16xf32, #tpu.memory_space<vmem_shared>> -> memref<640x16xf32, #tpu.memory_space<vmem_shared>>
      tpu.wait_dma2 semaphore(%run_scoped3A : memref<!tpu.dma_semaphore, #tpu.memory_space<semaphore_mem>>) src(%dma_wait3A_45 : memref<640x16xf32, #tpu.memory_space<vmem_shared>>) dst(%dma_wait3A_43 : memref<640x16xf32, #tpu.memory_space<hbm>>)
      tpu.yield
    }) : () -> ()
    return
  }
}

module attributes {stable_mosaic.version = 14 : i64} {
  func.func @body(%arg0: i32, %arg1: memref<2000x128xf32, #tpu.memory_space<vmem>>, %arg2: memref<2000x128xf32, #tpu.memory_space<vmem>>, %arg3: memref<2x2000x64xf32, #tpu.memory_space<vmem>>, %arg4: memref<2x2000x16xf32, #tpu.memory_space<vmem>>, %arg5: memref<2x2000x64xf32, #tpu.memory_space<vmem>>, %arg6: memref<2x2000x16xf32, #tpu.memory_space<vmem>>, %arg7: memref<256x128xf32, #tpu.memory_space<vmem>>, %arg8: memref<1x128xf32, #tpu.memory_space<vmem>>, %arg9: memref<2000x128xf32, #tpu.memory_space<vmem>>, %arg10: memref<2000x128xf32, #tpu.memory_space<vmem>>) attributes {dimension_semantics = [#tpu.dimension_semantics<arbitrary>], iteration_bounds = array<i64: 5>, scalar_prefetch = 0 : i64, scratch_operands = 0 : i64, tpu.core_type = #tpu.core_type<tc>, window_params = [{transform_indices = @transform_0, window_bounds = array<i64: 2000, 128>}, {transform_indices = @transform_1, window_bounds = array<i64: 2000, 128>}, {transform_indices = @transform_2, window_bounds = array<i64: 2, 2000, 64>}, {transform_indices = @transform_3, window_bounds = array<i64: 2, 2000, 16>}, {transform_indices = @transform_4, window_bounds = array<i64: 2, 2000, 64>}, {transform_indices = @transform_5, window_bounds = array<i64: 2, 2000, 16>}, {pipeline_mode = #tpu.pipeline_mode<synchronous>, transform_indices = @transform_6, window_bounds = array<i64: 256, 128>}, {pipeline_mode = #tpu.pipeline_mode<synchronous>, transform_indices = @transform_7, window_bounds = array<i64: 1, 128>}, {transform_indices = @transform_8, window_bounds = array<i64: 2000, 128>}, {transform_indices = @transform_9, window_bounds = array<i64: 2000, 128>}]} {
    %get3A = arith.constant 0 : index
    %get3A_0 = arith.constant 0 : index
    %get3A_1 = arith.constant 0 : index
    %get3A_2 = vector.load %arg4[%get3A, %get3A_0, %get3A_1] : memref<2x2000x16xf32, #tpu.memory_space<vmem>>, vector<1x2000x1xf32>
    %get3A_3 = vector.shape_cast %get3A_2 : vector<1x2000x1xf32> to vector<2000x1xf32>
    %get3A_4 = arith.constant 1 : index
    %get3A_5 = arith.constant 0 : index
    %get3A_6 = arith.constant 0 : index
    %get3A_7 = vector.load %arg4[%get3A_4, %get3A_5, %get3A_6] : memref<2x2000x16xf32, #tpu.memory_space<vmem>>, vector<1x2000x1xf32>
    %get3A_8 = vector.shape_cast %get3A_7 : vector<1x2000x1xf32> to vector<2000x1xf32>
    %add3A = arith.addf %get3A_3, %get3A_8 : vector<2000x1xf32>
    %max3A = arith.constant 1.000000e+00 : f32
    %max3A_9 = vector.broadcast %max3A : f32 to vector<2000x1xf32>
    %max3A_10 = arith.maximumf %add3A, %max3A_9 : vector<2000x1xf32>
    %get3A_11 = arith.constant 0 : index
    %get3A_12 = arith.constant 0 : index
    %get3A_13 = arith.constant 0 : index
    %get3A_14 = vector.load %arg6[%get3A_11, %get3A_12, %get3A_13] : memref<2x2000x16xf32, #tpu.memory_space<vmem>>, vector<1x2000x1xf32>
    %get3A_15 = vector.shape_cast %get3A_14 : vector<1x2000x1xf32> to vector<2000x1xf32>
    %get3A_16 = arith.constant 1 : index
    %get3A_17 = arith.constant 0 : index
    %get3A_18 = arith.constant 0 : index
    %get3A_19 = vector.load %arg6[%get3A_16, %get3A_17, %get3A_18] : memref<2x2000x16xf32, #tpu.memory_space<vmem>>, vector<1x2000x1xf32>
    %get3A_20 = vector.shape_cast %get3A_19 : vector<1x2000x1xf32> to vector<2000x1xf32>
    %add3A_21 = arith.addf %get3A_15, %get3A_20 : vector<2000x1xf32>
    %max3A_22 = arith.constant 1.000000e+00 : f32
    %max3A_23 = vector.broadcast %max3A_22 : f32 to vector<2000x1xf32>
    %max3A_24 = arith.maximumf %add3A_21, %max3A_23 : vector<2000x1xf32>
    %get3A_25 = arith.constant 0 : index
    %get3A_26 = arith.constant 0 : index
    %get3A_27 = arith.constant 0 : index
    %get3A_28 = vector.load %arg3[%get3A_25, %get3A_26, %get3A_27] : memref<2x2000x64xf32, #tpu.memory_space<vmem>>, vector<1x2000x64xf32>
    %get3A_29 = vector.shape_cast %get3A_28 : vector<1x2000x64xf32> to vector<2000x64xf32>
    %get3A_30 = arith.constant 1 : index
    %get3A_31 = arith.constant 0 : index
    %get3A_32 = arith.constant 0 : index
    %get3A_33 = vector.load %arg3[%get3A_30, %get3A_31, %get3A_32] : memref<2x2000x64xf32, #tpu.memory_space<vmem>>, vector<1x2000x64xf32>
    %get3A_34 = vector.shape_cast %get3A_33 : vector<1x2000x64xf32> to vector<2000x64xf32>
    %concatenate3A = tpu.concatenate %get3A_29, %get3A_34 in 1 : vector<2000x64xf32>, vector<2000x64xf32> -> vector<2000x128xf32>
    %get3A_35 = arith.constant 0 : index
    %get3A_36 = arith.constant 0 : index
    %get3A_37 = arith.constant 0 : index
    %get3A_38 = vector.load %arg5[%get3A_35, %get3A_36, %get3A_37] : memref<2x2000x64xf32, #tpu.memory_space<vmem>>, vector<1x2000x64xf32>
    %get3A_39 = vector.shape_cast %get3A_38 : vector<1x2000x64xf32> to vector<2000x64xf32>
    %get3A_40 = arith.constant 1 : index
    %get3A_41 = arith.constant 0 : index
    %get3A_42 = arith.constant 0 : index
    %get3A_43 = vector.load %arg5[%get3A_40, %get3A_41, %get3A_42] : memref<2x2000x64xf32, #tpu.memory_space<vmem>>, vector<1x2000x64xf32>
    %get3A_44 = vector.shape_cast %get3A_43 : vector<1x2000x64xf32> to vector<2000x64xf32>
    %concatenate3A_45 = tpu.concatenate %get3A_39, %get3A_44 in 1 : vector<2000x64xf32>, vector<2000x64xf32> -> vector<2000x128xf32>
    %div3A = vector.broadcast %max3A_10 : vector<2000x1xf32> to vector<2000x128xf32>
    %div3A_46 = arith.divf %concatenate3A, %div3A : vector<2000x128xf32>
    %div3A_47 = vector.broadcast %max3A_24 : vector<2000x1xf32> to vector<2000x128xf32>
    %div3A_48 = arith.divf %concatenate3A_45, %div3A_47 : vector<2000x128xf32>
    %add3A_49 = arith.addf %div3A_46, %div3A_48 : vector<2000x128xf32>
    %get3A_50 = arith.constant 0 : index
    %get3A_51 = arith.constant 0 : index
    %get3A_52 = vector.load %arg1[%get3A_50, %get3A_51] : memref<2000x128xf32, #tpu.memory_space<vmem>>, vector<2000x128xf32>
    %concatenate3A_53 = tpu.concatenate %get3A_52, %add3A_49 in 1 : vector<2000x128xf32>, vector<2000x128xf32> -> vector<2000x256xf32>
    %get3A_54 = arith.constant 0 : index
    %get3A_55 = arith.constant 0 : index
    %get3A_56 = vector.load %arg7[%get3A_54, %get3A_55] : memref<256x128xf32, #tpu.memory_space<vmem>>, vector<256x128xf32>
    %dot_general3A = arith.constant dense<0.000000e+00> : vector<2000x128xf32>
    %dot_general3A_57 = tpu.matmul %concatenate3A_53, %get3A_56, %dot_general3A {dimension_numbers = #tpu.dot_dimension_numbers<[1], [0], [0], [1], [0, 0, 1, 1], [], []>, transpose_lhs_hint = false} : vector<2000x256xf32>, vector<256x128xf32>, vector<2000x128xf32> -> vector<2000x128xf32>
    %get3A_58 = arith.constant 0 : index
    %get3A_59 = arith.constant 0 : index
    %get3A_60 = vector.load %arg8[%get3A_58, %get3A_59] : memref<1x128xf32, #tpu.memory_space<vmem>>, vector<1x128xf32>
    %add3A_61 = vector.broadcast %get3A_60 : vector<1x128xf32> to vector<2000x128xf32>
    %add3A_62 = arith.addf %dot_general3A_57, %add3A_61 : vector<2000x128xf32>
    %max3A_63 = arith.constant 0.000000e+00 : f32
    %max3A_64 = vector.broadcast %max3A_63 : f32 to vector<2000x128xf32>
    %max3A_65 = arith.maximumf %add3A_62, %max3A_64 : vector<2000x128xf32>
    %swap3A = arith.constant 0 : index
    %swap3A_66 = arith.constant 0 : index
    %swap3A_67 = vector.load %arg9[%swap3A, %swap3A_66] : memref<2000x128xf32, #tpu.memory_space<vmem>>, vector<2000x128xf32>
    tpu.vector_store %arg9[%swap3A, %swap3A_66], %max3A_65 {strides = array<i32>} : memref<2000x128xf32, #tpu.memory_space<vmem>>, vector<2000x128xf32>,
    %get3A_68 = arith.constant 0 : index
    %get3A_69 = arith.constant 0 : index
    %get3A_70 = vector.load %arg2[%get3A_68, %get3A_69] : memref<2000x128xf32, #tpu.memory_space<vmem>>, vector<2000x128xf32>
    %sub3A = arith.subf %max3A_65, %get3A_70 : vector<2000x128xf32>
    %swap3A_71 = arith.constant 0 : index
    %swap3A_72 = arith.constant 0 : index
    %swap3A_73 = vector.load %arg10[%swap3A_71, %swap3A_72] : memref<2000x128xf32, #tpu.memory_space<vmem>>, vector<2000x128xf32>
    tpu.vector_store %arg10[%swap3A_71, %swap3A_72], %sub3A {strides = array<i32>} : memref<2000x128xf32, #tpu.memory_space<vmem>>, vector<2000x128xf32>,
    return
  }
  func.func @transform_0(%arg0: i32) -> (i32, i32) {
    %c0_i32 = arith.constant 0 : i32
    %c0_i32_0 = arith.constant 0 : i32
    return %arg0, %c0_i32 : i32, i32
  }
  func.func @transform_1(%arg0: i32) -> (i32, i32) {
    %c0_i32 = arith.constant 0 : i32
    %c0_i32_0 = arith.constant 0 : i32
    return %arg0, %c0_i32 : i32, i32
  }
  func.func @transform_2(%arg0: i32) -> (i32, i32, i32) {
    %c0_i32 = arith.constant 0 : i32
    %c0_i32_0 = arith.constant 0 : i32
    %c0_i32_1 = arith.constant 0 : i32
    return %c0_i32, %arg0, %c0_i32_0 : i32, i32, i32
  }
  func.func @transform_3(%arg0: i32) -> (i32, i32, i32) {
    %c0_i32 = arith.constant 0 : i32
    %c0_i32_0 = arith.constant 0 : i32
    %c0_i32_1 = arith.constant 0 : i32
    return %c0_i32, %arg0, %c0_i32_0 : i32, i32, i32
  }
  func.func @transform_4(%arg0: i32) -> (i32, i32, i32) {
    %c0_i32 = arith.constant 0 : i32
    %c0_i32_0 = arith.constant 0 : i32
    %c0_i32_1 = arith.constant 0 : i32
    return %c0_i32, %arg0, %c0_i32_0 : i32, i32, i32
  }
  func.func @transform_5(%arg0: i32) -> (i32, i32, i32) {
    %c0_i32 = arith.constant 0 : i32
    %c0_i32_0 = arith.constant 0 : i32
    %c0_i32_1 = arith.constant 0 : i32
    return %c0_i32, %arg0, %c0_i32_0 : i32, i32, i32
  }
  func.func @transform_6(%arg0: i32) -> (i32, i32) {
    %c0_i32 = arith.constant 0 : i32
    %c0_i32_0 = arith.constant 0 : i32
    %c0_i32_1 = arith.constant 0 : i32
    return %c0_i32, %c0_i32_0 : i32, i32
  }
  func.func @transform_7(%arg0: i32) -> (i32, i32) {
    %c0_i32 = arith.constant 0 : i32
    %c0_i32_0 = arith.constant 0 : i32
    %c0_i32_1 = arith.constant 0 : i32
    return %c0_i32, %c0_i32_0 : i32, i32
  }
  func.func @transform_8(%arg0: i32) -> (i32, i32) {
    %c0_i32 = arith.constant 0 : i32
    %c0_i32_0 = arith.constant 0 : i32
    return %arg0, %c0_i32 : i32, i32
  }
  func.func @transform_9(%arg0: i32) -> (i32, i32) {
    %c0_i32 = arith.constant 0 : i32
    %c0_i32_0 = arith.constant 0 : i32
    return %arg0, %c0_i32 : i32, i32
  }
}

module attributes {stable_mosaic.version = 14 : i64} {
  func.func @body(%arg0: i32, %arg1: memref<2000x128xf32, #tpu.memory_space<vmem>>, %arg2: memref<2x2000x64xf32, #tpu.memory_space<vmem>>, %arg3: memref<2x2000x16xf32, #tpu.memory_space<vmem>>, %arg4: memref<2x2000x64xf32, #tpu.memory_space<vmem>>, %arg5: memref<2x2000x16xf32, #tpu.memory_space<vmem>>, %arg6: memref<256x64xf32, #tpu.memory_space<vmem>>, %arg7: memref<1x64xf32, #tpu.memory_space<vmem>>, %arg8: memref<2000x64xf32, #tpu.memory_space<vmem>>) attributes {dimension_semantics = [#tpu.dimension_semantics<arbitrary>], iteration_bounds = array<i64: 5>, scalar_prefetch = 0 : i64, scratch_operands = 0 : i64, tpu.core_type = #tpu.core_type<tc>, window_params = [{transform_indices = @transform_0, window_bounds = array<i64: 2000, 128>}, {transform_indices = @transform_1, window_bounds = array<i64: 2, 2000, 64>}, {transform_indices = @transform_2, window_bounds = array<i64: 2, 2000, 16>}, {transform_indices = @transform_3, window_bounds = array<i64: 2, 2000, 64>}, {transform_indices = @transform_4, window_bounds = array<i64: 2, 2000, 16>}, {pipeline_mode = #tpu.pipeline_mode<synchronous>, transform_indices = @transform_5, window_bounds = array<i64: 256, 64>}, {pipeline_mode = #tpu.pipeline_mode<synchronous>, transform_indices = @transform_6, window_bounds = array<i64: 1, 64>}, {transform_indices = @transform_7, window_bounds = array<i64: 2000, 64>}]} {
    %get3A = arith.constant 0 : index
    %get3A_0 = arith.constant 0 : index
    %get3A_1 = arith.constant 0 : index
    %get3A_2 = vector.load %arg3[%get3A, %get3A_0, %get3A_1] : memref<2x2000x16xf32, #tpu.memory_space<vmem>>, vector<1x2000x1xf32>
    %get3A_3 = vector.shape_cast %get3A_2 : vector<1x2000x1xf32> to vector<2000x1xf32>
    %get3A_4 = arith.constant 1 : index
    %get3A_5 = arith.constant 0 : index
    %get3A_6 = arith.constant 0 : index
    %get3A_7 = vector.load %arg3[%get3A_4, %get3A_5, %get3A_6] : memref<2x2000x16xf32, #tpu.memory_space<vmem>>, vector<1x2000x1xf32>
    %get3A_8 = vector.shape_cast %get3A_7 : vector<1x2000x1xf32> to vector<2000x1xf32>
    %add3A = arith.addf %get3A_3, %get3A_8 : vector<2000x1xf32>
    %max3A = arith.constant 1.000000e+00 : f32
    %max3A_9 = vector.broadcast %max3A : f32 to vector<2000x1xf32>
    %max3A_10 = arith.maximumf %add3A, %max3A_9 : vector<2000x1xf32>
    %get3A_11 = arith.constant 0 : index
    %get3A_12 = arith.constant 0 : index
    %get3A_13 = arith.constant 0 : index
    %get3A_14 = vector.load %arg5[%get3A_11, %get3A_12, %get3A_13] : memref<2x2000x16xf32, #tpu.memory_space<vmem>>, vector<1x2000x1xf32>
    %get3A_15 = vector.shape_cast %get3A_14 : vector<1x2000x1xf32> to vector<2000x1xf32>
    %get3A_16 = arith.constant 1 : index
    %get3A_17 = arith.constant 0 : index
    %get3A_18 = arith.constant 0 : index
    %get3A_19 = vector.load %arg5[%get3A_16, %get3A_17, %get3A_18] : memref<2x2000x16xf32, #tpu.memory_space<vmem>>, vector<1x2000x1xf32>
    %get3A_20 = vector.shape_cast %get3A_19 : vector<1x2000x1xf32> to vector<2000x1xf32>
    %add3A_21 = arith.addf %get3A_15, %get3A_20 : vector<2000x1xf32>
    %max3A_22 = arith.constant 1.000000e+00 : f32
    %max3A_23 = vector.broadcast %max3A_22 : f32 to vector<2000x1xf32>
    %max3A_24 = arith.maximumf %add3A_21, %max3A_23 : vector<2000x1xf32>
    %get3A_25 = arith.constant 0 : index
    %get3A_26 = arith.constant 0 : index
    %get3A_27 = arith.constant 0 : index
    %get3A_28 = vector.load %arg2[%get3A_25, %get3A_26, %get3A_27] : memref<2x2000x64xf32, #tpu.memory_space<vmem>>, vector<1x2000x64xf32>
    %get3A_29 = vector.shape_cast %get3A_28 : vector<1x2000x64xf32> to vector<2000x64xf32>
    %get3A_30 = arith.constant 1 : index
    %get3A_31 = arith.constant 0 : index
    %get3A_32 = arith.constant 0 : index
    %get3A_33 = vector.load %arg2[%get3A_30, %get3A_31, %get3A_32] : memref<2x2000x64xf32, #tpu.memory_space<vmem>>, vector<1x2000x64xf32>
    %get3A_34 = vector.shape_cast %get3A_33 : vector<1x2000x64xf32> to vector<2000x64xf32>
    %concatenate3A = tpu.concatenate %get3A_29, %get3A_34 in 1 : vector<2000x64xf32>, vector<2000x64xf32> -> vector<2000x128xf32>
    %get3A_35 = arith.constant 0 : index
    %get3A_36 = arith.constant 0 : index
    %get3A_37 = arith.constant 0 : index
    %get3A_38 = vector.load %arg4[%get3A_35, %get3A_36, %get3A_37] : memref<2x2000x64xf32, #tpu.memory_space<vmem>>, vector<1x2000x64xf32>
    %get3A_39 = vector.shape_cast %get3A_38 : vector<1x2000x64xf32> to vector<2000x64xf32>
    %get3A_40 = arith.constant 1 : index
    %get3A_41 = arith.constant 0 : index
    %get3A_42 = arith.constant 0 : index
    %get3A_43 = vector.load %arg4[%get3A_40, %get3A_41, %get3A_42] : memref<2x2000x64xf32, #tpu.memory_space<vmem>>, vector<1x2000x64xf32>
    %get3A_44 = vector.shape_cast %get3A_43 : vector<1x2000x64xf32> to vector<2000x64xf32>
    %concatenate3A_45 = tpu.concatenate %get3A_39, %get3A_44 in 1 : vector<2000x64xf32>, vector<2000x64xf32> -> vector<2000x128xf32>
    %div3A = vector.broadcast %max3A_10 : vector<2000x1xf32> to vector<2000x128xf32>
    %div3A_46 = arith.divf %concatenate3A, %div3A : vector<2000x128xf32>
    %div3A_47 = vector.broadcast %max3A_24 : vector<2000x1xf32> to vector<2000x128xf32>
    %div3A_48 = arith.divf %concatenate3A_45, %div3A_47 : vector<2000x128xf32>
    %add3A_49 = arith.addf %div3A_46, %div3A_48 : vector<2000x128xf32>
    %get3A_50 = arith.constant 0 : index
    %get3A_51 = arith.constant 0 : index
    %get3A_52 = vector.load %arg1[%get3A_50, %get3A_51] : memref<2000x128xf32, #tpu.memory_space<vmem>>, vector<2000x128xf32>
    %concatenate3A_53 = tpu.concatenate %get3A_52, %add3A_49 in 1 : vector<2000x128xf32>, vector<2000x128xf32> -> vector<2000x256xf32>
    %get3A_54 = arith.constant 0 : index
    %get3A_55 = arith.constant 0 : index
    %get3A_56 = vector.load %arg6[%get3A_54, %get3A_55] : memref<256x64xf32, #tpu.memory_space<vmem>>, vector<256x64xf32>
    %dot_general3A = arith.constant dense<0.000000e+00> : vector<2000x64xf32>
    %dot_general3A_57 = tpu.matmul %concatenate3A_53, %get3A_56, %dot_general3A {dimension_numbers = #tpu.dot_dimension_numbers<[1], [0], [0], [1], [0, 0, 1, 1], [], []>, transpose_lhs_hint = false} : vector<2000x256xf32>, vector<256x64xf32>, vector<2000x64xf32> -> vector<2000x64xf32>
    %get3A_58 = arith.constant 0 : index
    %get3A_59 = arith.constant 0 : index
    %get3A_60 = vector.load %arg7[%get3A_58, %get3A_59] : memref<1x64xf32, #tpu.memory_space<vmem>>, vector<1x64xf32>
    %add3A_61 = vector.broadcast %get3A_60 : vector<1x64xf32> to vector<2000x64xf32>
    %add3A_62 = arith.addf %dot_general3A_57, %add3A_61 : vector<2000x64xf32>
    %max3A_63 = arith.constant 0.000000e+00 : f32
    %max3A_64 = vector.broadcast %max3A_63 : f32 to vector<2000x64xf32>
    %max3A_65 = arith.maximumf %add3A_62, %max3A_64 : vector<2000x64xf32>
    %swap3A = arith.constant 0 : index
    %swap3A_66 = arith.constant 0 : index
    %swap3A_67 = vector.load %arg8[%swap3A, %swap3A_66] : memref<2000x64xf32, #tpu.memory_space<vmem>>, vector<2000x64xf32>
    tpu.vector_store %arg8[%swap3A, %swap3A_66], %max3A_65 {strides = array<i32>} : memref<2000x64xf32, #tpu.memory_space<vmem>>, vector<2000x64xf32>,
    return
  }
  func.func @transform_0(%arg0: i32) -> (i32, i32) {
    %c0_i32 = arith.constant 0 : i32
    %c0_i32_0 = arith.constant 0 : i32
    return %arg0, %c0_i32 : i32, i32
  }
  func.func @transform_1(%arg0: i32) -> (i32, i32, i32) {
    %c0_i32 = arith.constant 0 : i32
    %c0_i32_0 = arith.constant 0 : i32
    %c0_i32_1 = arith.constant 0 : i32
    return %c0_i32, %arg0, %c0_i32_0 : i32, i32, i32
  }
  func.func @transform_2(%arg0: i32) -> (i32, i32, i32) {
    %c0_i32 = arith.constant 0 : i32
    %c0_i32_0 = arith.constant 0 : i32
    %c0_i32_1 = arith.constant 0 : i32
    return %c0_i32, %arg0, %c0_i32_0 : i32, i32, i32
  }
  func.func @transform_3(%arg0: i32) -> (i32, i32, i32) {
    %c0_i32 = arith.constant 0 : i32
    %c0_i32_0 = arith.constant 0 : i32
    %c0_i32_1 = arith.constant 0 : i32
    return %c0_i32, %arg0, %c0_i32_0 : i32, i32, i32
  }
  func.func @transform_4(%arg0: i32) -> (i32, i32, i32) {
    %c0_i32 = arith.constant 0 : i32
    %c0_i32_0 = arith.constant 0 : i32
    %c0_i32_1 = arith.constant 0 : i32
    return %c0_i32, %arg0, %c0_i32_0 : i32, i32, i32
  }
  func.func @transform_5(%arg0: i32) -> (i32, i32) {
    %c0_i32 = arith.constant 0 : i32
    %c0_i32_0 = arith.constant 0 : i32
    %c0_i32_1 = arith.constant 0 : i32
    return %c0_i32, %c0_i32_0 : i32, i32
  }
  func.func @transform_6(%arg0: i32) -> (i32, i32) {
    %c0_i32 = arith.constant 0 : i32
    %c0_i32_0 = arith.constant 0 : i32
    %c0_i32_1 = arith.constant 0 : i32
    return %c0_i32, %c0_i32_0 : i32, i32
  }
  func.func @transform_7(%arg0: i32) -> (i32, i32) {
    %c0_i32 = arith.constant 0 : i32
    %c0_i32_0 = arith.constant 0 : i32
    return %arg0, %c0_i32 : i32, i32
  }
}

</mosaic_0001>

<sc_bundles>
// kernel: kernel.11.cloned.1.call-start
scs
__scs_entry_jumppad:
0x0: {  	(pc) =	sbr.rel $0x88, $3  }
0x1: {  	(tag) =	ssettag $0x0;
	lr =	simm.s32 $0x1  }
0x2: {  	[smem:$0x3F96] =	sst lr;
	_ =	strace $0xD0000000  }
0x3: {  	_ = 	snop  }
0x4: {  	_ = 	snop  }
0x5: {  	_ = 	snop  }
0x6: {  	_ = 	snop  }
0x7: {  	_ = 	snop  }
__scs_overlays_trampoline_lowered:
0x8: {  	[smem:$0x3FA5] =	sst s0  }
0x9: {  	[smem:$0x3FA6] =	sst s1  }
0xa: {  	[smem:$0x3FA7] =	sst s2  }
0xb: {  	[smem:$0x3FA8] =	sst s3  }
0xc: {  	[smem:$0x3FA9] =	sst s4  }
0xd: {  	[smem:$0x3FAA] =	sst s5  }
0xe: {  	[smem:$0x3FAB] =	sst s6  }
0xf: {  	[smem:$0x3FAC] =	sst s7  }
0x10: {  	[smem:$0x3FAD] =	sst s8  }
0x11: {  	[smem:$0x3FAE] =	sst s9;
	s0 =	simm.s32 @!p0 $0x0  }
0x12: {  	s1 =	sld [smem:$0x3F94];
	s0 =	simm.s32 @p0 $0x1  }
0x13: {  	[smem:$0x3FAF] =	sst s0;
	s0 =	simm.s32 @!p1 $0x0  }
0x14: {  	s2 =	sld [smem:$0x3F93];
	s0 =	simm.s32 @p1 $0x1  }
0x15: {  	[smem:$0x3FB0] =	sst s0;
	s0 =	simm.s32 @!p2 $0x0  }
0x16: {  	s3 =	sld [smem:$0x3FDB];
	s0 =	simm.s32 @p2 $0x1  }
0x17: {  	s4 =	simm.s32 $0x1BF5;
	[smem:$0x3FB2] =	sst s0  }
0x18: {  	s0 =	sld [smem:$0x3F95];
	_ =	swait.ge [sflag:s4], $0x0  }
0x19: {  	s7 =	sld [smem:$0x3F96]  }
0x1a: {  	s8 =	sadd.s32 $0xFFFFE003, lr  }
0x1b: {  	s9 =	sadd.s32 $0xFFFFFEF7, lr;
	s5 =	simm.s32 $0xFFFFFFFF;
	p2 =	slt.u32 s8, $0xFFFFF086  }
0x1c: {  	p1 =	slt.u32 s9, $0xF7A;
	s5 =	simm.s32 @!p2 $0x0  }
0x1d: {  	s5 =	simm.s32 @p1 $0x1;
	p0 =	seq.s32 s7, s2  }
0x1e: {  	s7 =	smul.u32 @!p0 $0xF7A, s2;
	p2 =	seq.s32 @!p0 s5, $0x0  }
0x1f: {  	s9 =	smul.u32 $0xF7A, s1;
	s8 =	simm.s32 @!p0 $0x1BF5;
	p2 =	por !p2, p0  }
0x20: {  	[sflag:s8] =	ssyncset.s32 @!p0 $0xFFFFF086;
	s6 =	sadd.s32 @!p0 s3, s7;
	s7 =	simm.s32 @!p0 $0x108  }
0x21: {  	s3 =	sadd.s32 s3, s9;
	s6 =	sadd.s32 @!p0 $0x88, s6;
	s7 =	simm.s32 @p2 $0x1082  }
0x22: {  	[simem:s7], [sflag:s8] =	dma.local @!p0 [hbm:s6], $0xF7A  }
0x23: {  	s9 =	sor.u32 $0xD0000000, s2;
	s6 =	simm.s32 $0x108;
	_ =	swait.ge @!p0 [sflag:s8], $0x0  }
0x24: {  	s3 =	sadd.s32 $0x88, s3;
	s6 =	simm.s32 @!p1 $0x1082;
	[sflag:s4] =	ssyncset.s32 $0xFFFFF086  }
0x25: {  	[simem:s6], [sflag:s4] =	dma.local [hbm:s3], $0xF7A  }
0x26: {  	[smem:$0x3F96] =	sst s1;
	(tag) =	ssettag s2;
	_ =	strace s9  }
0x27: {  	s1 =	sld [smem:$0x3FA6]  }
0x28: {  	s2 =	sld [smem:$0x3FA7]  }
0x29: {  	s4 =	sld [smem:$0x3FA9]  }
0x2a: {  	p0 =	seq.s32 s5, $0x0;
	s5 =	sld [smem:$0x3FAA]  }
0x2b: {  	s6 =	sld [smem:$0x3FAB]  }
0x2c: {  	s7 =	sld [smem:$0x3FAC]  }
0x2d: {  	s3 =	simm.s32 $0x108;
	s8 =	sld [smem:$0x3FAD]  }
0x2e: {  	s3 =	simm.s32 @!p0 $0x1082;
	s9 =	sld [smem:$0x3FAE]  }
0x2f: {  	lr =	sadd.s32 s0, s3;
	s0 =	sld [smem:$0x3FA5]  }
0x30: {  	s3 =	sld [smem:$0x3FA8]  }
0x31: {  	[smem:$0x3FB1] =	sst s10  }
0x32: {  	s10 =	sld [smem:$0x3FAF];
	_ =	sdelay $0x3  }
0x33: {  	p0 =	seq.s32 s10, $0x1;
	s10 =	sld [smem:$0x3FB1];
	_ =	sdelay $0x3  }
0x34: {  	[smem:$0x3FB1] =	sst s10  }
0x35: {  	s10 =	sld [smem:$0x3FB0];
	_ =	sdelay $0x3  }
0x36: {  	p1 =	seq.s32 s10, $0x1;
	s10 =	sld [smem:$0x3FB1];
	_ =	sdelay $0x3  }
0x37: {  	[smem:$0x3FB1] =	sst s10  }
0x38: {  	s10 =	sld [smem:$0x3FB2]  }
0x39: {  	_ = 	snop;
	(pc) =	sbr.ind lr, $3  }
0x3a: {  	_ = 	snop  }
0x3b: {  	_ = 	snop  }
0x3c: {  	p2 =	seq.s32 s10, $0x1;
	s10 =	sld [smem:$0x3FB1]  }
0x3d: {  	_ =	shalt  }
0x3e: {  	_ =	shalt  }
0x3f: {  	_ =	shalt  }
0x40: {  	_ =	shalt  }
0x41: {  	_ =	shalt  }
0x42: {  	_ =	shalt  }
0x43: {  	_ =	shalt  }
0x44: {  	_ =	shalt  }
0x45: {  	_ =	shalt  }
0x46: {  	_ =	shalt  }
0x47: {  	_ =	shalt  }
0x48: {  	_ =	shalt  }
0x49: {  	_ =	shalt  }
0x4a: {  	_ =	shalt  }
0x4b: {  	_ =	shalt  }
0x4c: {  	_ =	shalt  }
0x4d: {  	_ =	shalt  }
0x4e: {  	_ =	shalt  }
0x4f: {  	_ =	shalt  }
0x50: {  	_ =	shalt  }
0x51: {  	_ =	shalt  }
0x52: {  	_ =	shalt  }
0x53: {  	_ =	shalt  }
0x54: {  	_ =	shalt  }
0x55: {  	_ =	shalt  }
0x56: {  	_ =	shalt  }
0x57: {  	_ =	shalt  }
0x58: {  	_ =	shalt  }
0x59: {  	_ =	shalt  }
0x5a: {  	_ =	shalt  }
0x5b: {  	_ =	shalt  }
0x5c: {  	_ =	shalt  }
0x5d: {  	_ =	shalt  }
0x5e: {  	_ =	shalt  }
0x5f: {  	_ =	shalt  }
0x60: {  	_ =	shalt  }
0x61: {  	_ =	shalt  }
0x62: {  	_ =	shalt  }
0x63: {  	_ =	shalt  }
0x64: {  	_ =	shalt  }
0x65: {  	_ =	shalt  }
0x66: {  	_ =	shalt  }
0x67: {  	_ =	shalt  }
0x68: {  	_ =	shalt  }
0x69: {  	_ =	shalt  }
0x6a: {  	_ =	shalt  }
0x6b: {  	_ =	shalt  }
0x6c: {  	_ =	shalt  }
0x6d: {  	_ =	shalt  }
0x6e: {  	_ =	shalt  }
0x6f: {  	_ =	shalt  }
0x70: {  	_ =	shalt  }
0x71: {  	_ =	shalt  }
0x72: {  	_ =	shalt  }
0x73: {  	_ =	shalt  }
0x74: {  	_ =	shalt  }
0x75: {  	_ =	shalt  }
0x76: {  	_ =	shalt  }
0x77: {  	_ =	shalt  }
0x78: {  	_ =	shalt  }
0x79: {  	_ =	shalt  }
0x7a: {  	_ =	shalt  }
0x7b: {  	_ =	shalt  }
0x7c: {  	_ =	shalt  }
0x7d: {  	_ =	shalt  }
0x7e: {  	_ =	shalt  }
0x7f: {  	_ =	shalt  }
0x80: {  	_ =	shalt  }
0x81: {  	_ =	shalt  }
0x82: {  	_ =	shalt  }
0x83: {  	_ =	shalt  }
0x84: {  	_ =	shalt  }
0x85: {  	_ =	shalt  }
0x86: {  	_ =	shalt  }
0x87: {  	_ =	shalt  }
.Lfunc_end0:
.L_simem_size_0:
called_computation.1_lowered:
.L_overlay_start_0:
0x88: {  	s2 =	sld [smem:$0x3FD9]  }
0x89: {  	s3 =	sld [smem:$0x3FFE];
	_ =	sdelay $0x1  }
0x8a: {  	s1 =	srdreg.scid  }
0x8b: {  	s0 =	sand.u32 $0x1, s1  }
0x8c: {  	s16 =	sshll.u32 s0, $0xA;
	s2 =	sadd.s32 s3, s2  }
0x8d: {  	s2 =	sadd.s32 s2, s16  }
0x8e: {  	[smem:$0x3FBD] =	sst s2  }
0x8f: {  	_ = 	snop  }
0x90: {  	(tm) =	ssettm $0x1  }
0x91: {  	s17 =	sld [smem:$0x3FFB];
	_ =	sdelay $0x3  }
0x92: {  	_ =	strace s17  }
0x93: {  	s2 =	sld [smem:$0x3FFC];
	_ =	sdelay $0x3  }
0x94: {  	_ =	strace s2  }
0x95: {  	s2 =	sld [smem:$0x3FFD];
	_ =	sdelay $0x3  }
0x96: {  	_ =	strace s2  }
0x97: {  	_ =	strace $0x8FFFFFFF  }
0x98: {  	s18 =	sld [smem:$0x3FDB];
	_ =	sdelay $0x1  }
0x99: {  	s19 =	simm.s32 $_scs_section_size  }
0x9a: {  	s4 =	simm.s32 $_size__tile_overlayer_lowered;
	s5 =	simm.s32 $_tile_overlayer_lowered  }
0x9b: {  	s22 =	simm.s32 $0x1BFF;
	s21 =	sshll.u32 s5, $0x1;
	s2 =	sadd.s32 s19, s18  }
0x9c: {  	s6 =	simm.s32 $0x0;
	s20 =	sshll.u32 s4, $0x1;
	s4 =	sadd.s32 s21, s2  }
0x9d: {  	[timem:s6], [sflag:s22] =	dma.local [hbm:s4], s20  }
0x9e: {  	_ =	swait.ge [sflag:s22], s20  }
0x9f: {  	s3 =	ssub.s32 $0x0, s20;
	[sflag:s22] =	ssyncset.done $0x0  }
0xa0: {  	[sflag:s22] =	ssyncadd.s32 s3;
	_ =	sdelay $0x1  }
0xa1: {  	s23 =	simm.s32 $0x1B8B  }
0xa2: {  	_ =	swait.ge [sflag:s23], $0x1  }
0xa3: {  	[sflag:s23] =	ssyncset.done $0x0  }
0xa4: {  	s25 =	simm.s32 $0x1B8E;
	s24 =	sld [smem:$0x3FFE];
	[sflag:s23] =	ssyncadd.s32 $0xFFFFFFFF  }
0xa5: {  	s26 =	simm.s32 $execute0_lowered;
	[smem:$0x3FD2] =	sst s25  }
0xa6: {  	s4 =	sshll.u32 s26, $0x1;
	_ =	strace $0x80000046;
	[dreg:$0x1] =	wrdreg $0xFFFFFFFF  }
0xa7: {  	s28 =	simm.s32 $_size_execute0_lowered;
	s2 =	sadd.s32 s2, s4;
	[dreg:$0x0] =	wrdreg $0x0  }
0xa8: {  	s4 =	sshll.u32 s28, $0x1;
	[dreg:$0x2] =	wrdreg s2  }
0xa9: {  	[dreg:$0x3] =	wrdreg s4  }
0xaa: {  	[dreg:$0x4] =	wrdreg $0xC0  }
0xab: {  	_ =	task [dreg:s6], $0x5FFFF  }
0xac: {  	[dreg:$0x1] =	wrdreg $0xFFFFFFFF  }
0xad: {  	[dreg:$0x0] =	wrdreg $0x60  }
0xae: {  	[dreg:$0x2] =	wrdreg s24  }
0xaf: {  	[dreg:$0x3] =	wrdreg $0xED000  }
0xb0: {  	[dreg:$0x4] =	wrdreg $0x18D000  }
0xb1: {  	[dreg:$0x5] =	wrdreg $0xB  }
0xb2: {  	_ =	task.clear_ibuf [dreg:s6], $0x6FFFF;
	_ =	strace $0x90000046  }
0xb3: {  	s29 =	simm.s32 $0xB;
	_ =	strace $0x80000048  }
0xb4: {  	_ =	swait.ge [sflag:s29], $0x1  }
0xb5: {  	[sflag:s29] =	ssyncadd.s32 $0xFFFFFFFF  }
0xb6: {  	_ =	strace $0x90000048  }
0xb7: {  	_ =	sfence  }
0xb8: {  	s30 =	sld [smem:$0x0];
	_ =	sdelay $0x2  }
0xb9: {  	s31 =	sshll.u32 s1, $0xD;
	s1 =	sshrl.u32 s1, $0x2  }
0xba: {  	s3 =	sand.u32 $0x4000, s31;
	s1 =	sadd.s32 s1, s30  }
0xbb: {  	s0 =	sor.u32 s3, s0;
	s1 =	sshll.u32 s1, $0x11  }
0xbc: {  	s0 =	sor.u32 s1, s0  }
0xbd: {  	s0 =	sadd.s32 $0x8F2B, s0  }
0xbe: {  	[sflag:s0] =	ssyncadd.remote.s32 $0x1  }
0xbf: {  	_ =	sfence.sel $0xFFFF  }
0xc0: {  	[dreg:$0x0] =	wrdreg $0xFFFFFFFF;
	(pc) =	sbr.abs _section_cstart, $3  }
0xc1: {  	[dreg:$0x1] =	wrdreg $0xFFFFFFFF  }
0xc2: {  	_ =	task.clear_ibuf [dreg:s6], $0x2FFFF;
	_ =	strace $0x9FFFFFFF  }
0xc3: {  	(tm) =	ssettm $0x7FFFFFFF  }
tec
execute0_lowered:
.L_overlay_start_1:
0x0: {  	(tag) =	ssettag $0x1  }
0x1: {  	s0 =	rddreg [dreg:$0x0]  }
0x2: {  	s12 =	stileid.u32;
	s3 =	srdreg.scid  }
0x3: {  	s2 =	rddreg [dreg:$0x1];
	s1 =	smul.u32 $0x9D0, s12  }
0x4: {  	s4 =	rddreg [dreg:$0x2];
	s5 =	simm.s32 $0x0;
	s7 =	smul.u32 $0xA000, s12  }
0x5: {  	s28 =	simm.s32 $0x9D00;
	s29 =	simm.s32 $0x1;
	s9 =	smul.u32 $0x2800, s12  }
0x6: {  	s30 =	simm.s32 $0x3;
	s3 =	sand.u32 $0x1, s3;
	s14 =	smul.u32 $0x280, s12  }
0x7: {  	[smem:$0x7FF] =	sst s5;
	s6 =	sadd.s32 $0x15C00, s0;
	s8 =	smul.u32 $0xA0000, s3  }
0x8: {  	s10 =	smul.u32 $0x28000, s3;
	_ =	strace $0x80000047;
	s11 =	ssub.s32 $0x2, s3  }
0x9: {  	s1 =	sadd.s32 s1, s0;
	s18 =	sshrl.u32 s11, $0x1;
	s20 =	sadd.s32 $0x80, s14  }
0xa: {  	s24 =	sadd.s32 $0x100, s14;
	s15 =	sadd.s32 $0x180, s14;
	s16 =	sadd.s32 $0x200, s14  }
0xb: {  	s8 =	sadd.s32 s7, s8;
	s10 =	sadd.s32 s9, s10;
	s21 =	ssub.s32 s11, s18  }
0xc: {  	s7 =	sadd.s32 s7, s2;
	s22 =	sshll.u32 s20, $0x6;
	s25 =	sshll.u32 s24, $0x6  }
0xd: {  	s13 =	sshll.u32 s24, $0x4;
	s26 =	sshll.u32 s15, $0x6;
	s15 =	sshll.u32 s15, $0x4  }
0xe: {  	s31 =	sshll.u32 s16, $0x6;
	s16 =	sshll.u32 s16, $0x4;
	s17 =	sadd.s32 $0xBE00, s1  }
0xf: {  	s18 =	sadd.s32 $0x2000, s1;
	s24 =	simm.s32 $0xE500;
	s8 =	sshrl.u32 s8, $0x3  }
0x10: {  	s10 =	sshrl.u32 s10, $0x3;
	s11 =	sadd.s32 s25, s2;
	s12 =	sadd.s32 s13, s4  }
0x11: {  	s13 =	sadd.s32 s26, s2;
	s14 =	sadd.s32 s15, s4;
	s15 =	sadd.s32 s31, s2  }
0x12: {  	s16 =	sadd.s32 s16, s4;
	s21 =	smax.u32 s21, $0x1;
	s26 =	simm.s32 $0x80  }
0x13: {  	s19 =	sadd.s32 s8, s0;
	s0 =	sadd.s32 s10, s0;
	s8 =	sadd.s32 s9, s4  }
0x14: {  	s10 =	sshll.u32 s20, $0x4;
	s9 =	sadd.s32 s22, s2;
	s22 =	simm.s32 $0xBD00  }
0x15: {  	[dreg:$0x4] =	wrdreg s9;
	s23 =	sadd.s32 s10, s4;
	s19 =	sadd.s32 $0x46E00, s19  }
0x16: {  	v1 =	vimm.f32 $0.0e+00;
	v2 =	vimm.f32 $1.000000000e+00;
	v0 =	vmov s3;
	s20 =	sadd.s32 $0x3CE00, s0;
	[dreg:$0x5] =	wrdreg s23;
	s23 =	simm.s32 $0x2  }
.LBB2_1:
0x17: {  	s0 =	simm.s32 $0xBD20  }
0x18: {  	[tilespmem:s0+$0xFFFFFFE0] =	vst v1  }
0x19: {  	[tilespmem:s0+$0x10] =	vst v1  }
0x1a: {  	[tilespmem:s0+$0x0] =	vst v1  }
0x1b: {  	s1 =	simm.s32 $0x40;
	s25 =	simm.s32 $0x0;
	[tilespmem:s0+$0xFFFFFFF0] =	vst v1  }
.LBB2_2:
0x1c: {  	p0 =	sne.s32 s1, $0x1FC0  }
0x1d: {  	[tilespmem:s25+$0xE500] =	vst v1;
	s0 =	sadd.s32 $0x40, s0;
	s31 =	smov.u32 s1;
	s1 =	sadd.s32 $0x40, s1  }
.Ltmp0:
0x1e: {  	[tilespmem:s25+$0xDD00] =	vst v2;
	(pc) =	sbr.rel @p0 .LBB2_2-.Ltmp0, $4  }
0x1f: {  	[tilespmem:s0+$0xFFFFFFE0] =	vst v1  }
0x20: {  	[tilespmem:s0+$0x10] =	vst v1  }
0x21: {  	[tilespmem:s0+$0x0] =	vst v1  }
0x22: {  	s25 =	sshra.s32 s31, $0x2;
	[tilespmem:s0+$0xFFFFFFF0] =	vst v1  }
0x23: {  	[tilespmem:s25+$0xE500] =	vst v1  }
0x24: {  	[tilespmem:s25+$0xDD00] =	vst v2  }
0x25: {  	[spmem:s7] =	stream.linear.scatter [tilespmem:s22], [sflag:$0x2], $0x2000, $0x38;
	[tilespmem:$0x1B500] =	vst v63  }
0x26: {  	_ =	swait.ge [sflag:s23], $0x2000  }
0x27: {  	[sflag:s23] =	ssyncset.done $0x0  }
0x28: {  	[sflag:s23] =	ssyncadd.s32 $0xFFFFE000  }
0x29: {  	[spmem:s8] =	stream.linear.scatter [tilespmem:s24], [sflag:$0x2], $0x800, $0x38;
	[tilespmem:$0x1B500] =	vst v63  }
0x2a: {  	_ =	swait.ge [sflag:s23], $0x800  }
0x2b: {  	[sflag:s23] =	ssyncset.done $0x0  }
0x2c: {  	s0 =	rddreg [dreg:$0x4];
	[sflag:s23] =	ssyncadd.s32 $0xFFFFF800  }
0x2d: {  	[spmem:s0] =	stream.linear.scatter [tilespmem:s22], [sflag:$0x2], $0x2000, $0x38;
	[tilespmem:$0x1B500] =	vst v63  }
0x2e: {  	_ =	swait.ge [sflag:s23], $0x2000  }
0x2f: {  	[sflag:s23] =	ssyncset.done $0x0  }
0x30: {  	s10 =	rddreg [dreg:$0x5];
	[sflag:s23] =	ssyncadd.s32 $0xFFFFE000  }
0x31: {  	[spmem:s10] =	stream.linear.scatter [tilespmem:s24], [sflag:$0x2], $0x800, $0x38;
	[tilespmem:$0x1B500] =	vst v63  }
0x32: {  	_ =	swait.ge [sflag:s23], $0x800  }
0x33: {  	[sflag:s23] =	ssyncset.done $0x0  }
0x34: {  	[sflag:s23] =	ssyncadd.s32 $0xFFFFF800  }
0x35: {  	[spmem:s11] =	stream.linear.scatter [tilespmem:s22], [sflag:$0x2], $0x2000, $0x38;
	[tilespmem:$0x1B500] =	vst v63  }
0x36: {  	_ =	swait.ge [sflag:s23], $0x2000  }
0x37: {  	[sflag:s23] =	ssyncset.done $0x0  }
0x38: {  	[sflag:s23] =	ssyncadd.s32 $0xFFFFE000  }
0x39: {  	[spmem:s12] =	stream.linear.scatter [tilespmem:s24], [sflag:$0x2], $0x800, $0x38;
	[tilespmem:$0x1B500] =	vst v63  }
0x3a: {  	_ =	swait.ge [sflag:s23], $0x800  }
0x3b: {  	[sflag:s23] =	ssyncset.done $0x0  }
0x3c: {  	[sflag:s23] =	ssyncadd.s32 $0xFFFFF800  }
0x3d: {  	[spmem:s13] =	stream.linear.scatter [tilespmem:s22], [sflag:$0x2], $0x2000, $0x38;
	[tilespmem:$0x1B500] =	vst v63  }
0x3e: {  	_ =	swait.ge [sflag:s23], $0x2000  }
0x3f: {  	[sflag:s23] =	ssyncset.done $0x0  }
0x40: {  	[sflag:s23] =	ssyncadd.s32 $0xFFFFE000  }
0x41: {  	[spmem:s14] =	stream.linear.scatter [tilespmem:s24], [sflag:$0x2], $0x800, $0x38;
	[tilespmem:$0x1B500] =	vst v63  }
0x42: {  	_ =	swait.ge [sflag:s23], $0x800  }
0x43: {  	[sflag:s23] =	ssyncset.done $0x0  }
0x44: {  	[sflag:s23] =	ssyncadd.s32 $0xFFFFF800  }
0x45: {  	[spmem:s15] =	stream.linear.scatter [tilespmem:s22], [sflag:$0x2], $0x2000, $0x38;
	[tilespmem:$0x1B500] =	vst v63  }
0x46: {  	_ =	swait.ge [sflag:s23], $0x2000  }
0x47: {  	[sflag:s23] =	ssyncset.done $0x0  }
0x48: {  	[sflag:s23] =	ssyncadd.s32 $0xFFFFE000  }
0x49: {  	[spmem:s16] =	stream.linear.scatter [tilespmem:s24], [sflag:$0x2], $0x800, $0x38;
	[tilespmem:$0x1B500] =	vst v63  }
0x4a: {  	_ =	swait.ge [sflag:s23], $0x800  }
0x4b: {  	[sflag:s23] =	ssyncset.done $0x0  }
0x4c: {  	[sflag:s23] =	ssyncadd.s32 $0xFFFFF800  }
0x4d: {  	s31 =	simm.s32 $0x0;
	[bflag:$0x0] =	sbarrier.arrive $0xFFFF  }
0x4e: {  	[tilespmem:s31], [sflag:$0x2] =	stream.linear.gather [hbm4b:s17+s31], $0x4E80, $0x38;
	[tilespmem:$0x1B500] =	vst v63  }
0x4f: {  	_ =	swait.ge [sflag:s23], $0x4E80  }
0x50: {  	[sflag:s23] =	ssyncset.done $0x0  }
0x51: {  	s25 =	simm.s32 $0x4E80;
	[sflag:s23] =	ssyncadd.s32 $0xFFFFB180  }
0x52: {  	[tilespmem:s25], [sflag:$0x2] =	stream.linear.gather [hbm4b:s18+s31], $0x4E80, $0x38;
	[tilespmem:$0x1B500] =	vst v63  }
0x53: {  	_ =	swait.ge [sflag:s23], $0x4E80  }
0x54: {  	[sflag:s23] =	ssyncset.done $0x0  }
0x55: {  	s1 =	simm.s32 $0x0;
	[sflag:s23] =	ssyncadd.s32 $0xFFFFB180  }
0x56: {  	v4 =	vld [tilespmem:s1+$0x0]  }
0x57: {  	v5 =	vld [tilespmem:s1+$0x10]  }
0x58: {  	v7 =	vld [tilespmem:s1+$0x20]  }
0x59: {  	v6 =	vld [tilespmem:s1+$0x30]  }
0x5a: {  	v3 =	vld [tilespmem:s1+$0x40]  }
0x5b: {  	v8 =	vshll.u32 v4, $0x1;
	v4 =	vld [tilespmem:s1+$0x50]  }
0x5c: {  	s0 =	simm.s32 $0x200;
	v9 =	vshll.u32 v5, $0x1;
	v5 =	vld [tilespmem:s1+$0x60];
	v8 =	vor.u32 v0, v8  }
.LBB2_4:
0x5d: {  	s25 =	sshra.s32 s0, $0x2;
	p0 =	sne.s32 s0, $0x13800;
	[tilespmem:s1+$0x0] =	vst v8;
	v8 =	vor.u32 v0, v9;
	v7 =	vshll.u32 v7, $0x1;
	v9 =	vld [tilespmem:s1+$0x70]  }
0x5e: {  	v10 =	vld [tilespmem:s25+$0x0];
	[tilespmem:s1+$0x10] =	vst v8;
	v7 =	vor.u32 v0, v7;
	v6 =	vshll.u32 v6, $0x1  }
0x5f: {  	v11 =	vld [tilespmem:s25+$0x10];
	[tilespmem:s1+$0x20] =	vst v7;
	v6 =	vor.u32 v0, v6;
	v3 =	vshll.u32 v3, $0x1  }
.Ltmp1:
0x60: {  	v7 =	vld [tilespmem:s25+$0x20];
	[tilespmem:s1+$0x30] =	vst v6;
	v3 =	vor.u32 v0, v3;
	v4 =	vshll.u32 v4, $0x1;
	(pc) =	sbr.rel @p0 .LBB2_4-.Ltmp1, $4  }
0x61: {  	v6 =	vld [tilespmem:s25+$0x30];
	[tilespmem:s1+$0x40] =	vst v3;
	v4 =	vor.u32 v0, v4;
	v5 =	vshll.u32 v5, $0x1  }
0x62: {  	v3 =	vld [tilespmem:s25+$0x40];
	[tilespmem:s1+$0x50] =	vst v4;
	v5 =	vor.u32 v0, v5;
	v8 =	vshll.u32 v9, $0x1  }
0x63: {  	v9 =	vshll.u32 v10, $0x1;
	v4 =	vld [tilespmem:s25+$0x50];
	[tilespmem:s1+$0x60] =	vst v5;
	v10 =	vor.u32 v0, v8  }
0x64: {  	s0 =	sadd.s32 $0x200, s0;
	v8 =	vor.u32 v0, v9;
	v9 =	vshll.u32 v11, $0x1;
	v5 =	vld [tilespmem:s25+$0x60];
	[tilespmem:s1+$0x70] =	vst v10;
	s1 =	smov.u32 s25  }
0x65: {  	[tilespmem:s1+$0x0] =	vst v8;
	v60 =	vor.u32 v0, v9;
	v7 =	vshll.u32 v7, $0x1;
	v61 =	vld [tilespmem:s1+$0x70]  }
0x66: {  	[tilespmem:s1+$0x10] =	vst v60;
	v7 =	vor.u32 v0, v7;
	v6 =	vshll.u32 v6, $0x1  }
0x67: {  	[tilespmem:s1+$0x20] =	vst v7;
	v6 =	vor.u32 v0, v6;
	v3 =	vshll.u32 v3, $0x1  }
0x68: {  	[tilespmem:s1+$0x30] =	vst v6;
	v3 =	vor.u32 v0, v3;
	v4 =	vshll.u32 v4, $0x1  }
0x69: {  	[tilespmem:s1+$0x40] =	vst v3;
	v3 =	vor.u32 v0, v4;
	v62 =	vshll.u32 v5, $0x1  }
0x6a: {  	[tilespmem:s1+$0x50] =	vst v3;
	v3 =	vor.u32 v0, v62;
	v63 =	vshll.u32 v61, $0x1  }
0x6b: {  	[tilespmem:s1+$0x60] =	vst v3;
	v3 =	vor.u32 v0, v63  }
0x6c: {  	[tilespmem:s1+$0x70] =	vst v3  }
0x6d: {  	[tilespmem:s28], [sflag:$0x1] =	stream.indirect.gather [hbm4b:s6+s26], $0x40, s31, s26, $0xb8;
	[tilespmem:$0x1B500] =	vst v63  }
0x6e: {  	_ =	swait.ge [sflag:s29], $0x2000  }
0x6f: {  	[sflag:s29] =	ssyncset.done $0x0  }
0x70: {  	s0 =	simm.s32 $0x4E80;
	[sflag:s29] =	ssyncadd.s32 $0xFFFFE000  }
0x71: {  	[spmem:s2] =	stream.indirect.scatter.add.f32 [tilespmem:s28], [sflag:$0x3], $0x40, s0, s26, $0xb8;
	[tilespmem:$0x1B500] =	vst v63  }
0x72: {  	s25 =	sand.u32 $0x1, s31;
	_ =	swait.ge [sflag:s30], $0x2000  }
0x73: {  	p0 =	sne.s32 s3, s25;
	[sflag:s30] =	ssyncset.done $0x0  }
0x74: {  	s25 =	simm.s32 @!p0 $0xDD00;
	s1 =	simm.s32 @!p0 $0x80;
	[sflag:s30] =	ssyncadd.s32 $0xFFFFE000  }
0x75: {  	[spmem:s4] =	stream.indirect.scatter.add.f32 @!p0 [tilespmem:s25], [sflag:$0x2], $0x10, s0, s1, $0xb8;
	[tilespmem:$0x1B500] =	vst v63  }
0x76: {  	s25 =	simm.s32 @!p0 $0x2  }
0x77: {  	s0 =	simm.s32 $0x1;
	s1 =	simm.s32 $0x4F00;
	_ =	swait.ge @!p0 [sflag:s25], $0x800  }
.LBB2_6:
0x78: {  	[sflag:s25] =	ssyncset.done @!p0 $0x0  }
0x79: {  	s31 =	sadd.s32 $0x80, s31;
	s9 =	smov.u32 s0;
	s0 =	sadd.s32 $0x1, s0  }
0x7a: {  	p1 =	sne.s32 s0, $0x9D;
	[sflag:s25] =	ssyncadd.s32 @!p0 $0xFFFFF800  }
0x7b: {  	[tilespmem:s28], [sflag:$0x1] =	stream.indirect.gather [hbm4b:s6+s26], $0x40, s31, s26, $0xb8;
	[tilespmem:$0x1B500] =	vst v63  }
0x7c: {  	_ =	swait.ge [sflag:s29], $0x2000  }
0x7d: {  	[sflag:s29] =	ssyncset.done $0x0  }
0x7e: {  	s9 =	sand.u32 $0x1, s9;
	[sflag:s29] =	ssyncadd.s32 $0xFFFFE000  }
0x7f: {  	[spmem:s2] =	stream.indirect.scatter.add.f32 [tilespmem:s28], [sflag:$0x3], $0x40, s1, s26, $0xb8;
	[tilespmem:$0x1B500] =	vst v63  }
.Ltmp2:
0x80: {  	p0 =	sne.s32 s3, s9;
	_ =	swait.ge [sflag:s30], $0x2000;
	(pc) =	sbr.rel @p1 .LBB2_6-.Ltmp2, $4  }
0x81: {  	s9 =	simm.s32 @!p0 $0x80;
	s10 =	simm.s32 @!p0 $0xDD00;
	[sflag:s30] =	ssyncset.done $0x0  }
0x82: {  	s25 =	simm.s32 @!p0 $0x2;
	[sflag:s30] =	ssyncadd.s32 $0xFFFFE000  }
0x83: {  	[spmem:s4] =	stream.indirect.scatter.add.f32 @!p0 [tilespmem:s10], [sflag:$0x2], $0x10, s1, s9, $0xb8;
	[tilespmem:$0x1B500] =	vst v63  }
0x84: {  	s1 =	sadd.s32 $0x80, s1;
	_ =	swait.ge @!p0 [sflag:s25], $0x800  }
0x85: {  	[sflag:s25] =	ssyncset.done @!p0 $0x0;
	s0 =	stileid.u32  }
0x86: {  	[sflag:s25] =	ssyncadd.s32 @!p0 $0xFFFFF800;
	s0 =	sshll.u32 s0, $0x6  }
0x87: {  	s1 =	sshrl.u32 s7, $0x3;
	[bflag:$0x0] =	sbarrier.arrive $0xFFFF;
	s0 =	sor.u32 $0x1C02, s0  }
0x88: {  	[hbm:s19], [sflag:s0] =	dma.local [spmem:s1], $0x1400  }
0x89: {  	s5 =	sadd.s32 $0x1, s5;
	_ =	swait.ge [sflag:s23], $0x1400  }
0x8a: {  	p0 =	sne.s32 s5, s21;
	[sflag:s23] =	ssyncset.done $0x0  }
.Ltmp3:
0x8b: {  	s31 =	sshrl.u32 s8, $0x3;
	[sflag:s23] =	ssyncadd.s32 $0xFFFFEC00;
	(pc) =	sbr.rel @p0 .LBB2_1-.Ltmp3, $4  }
0x8c: {  	[hbm:s20], [sflag:s0] =	dma.local [spmem:s31], $0x500  }
0x8d: {  	_ =	swait.ge [sflag:s23], $0x500  }
0x8e: {  	[sflag:s23] =	ssyncset.done $0x0  }
0x8f: {  	[sflag:s23] =	ssyncadd.s32 $0xFFFFFB00  }
0x90: {  	_ =	sfence.sel $0x180000  }
0x91: {  	[bflag:$0x0] =	sbarrier.arrive $0xFFFF  }
0x92: {  	_ =	strace $0x90000047  }
0x93: {  	s0 =	stileid.u32;
	[bflag:$0x2] =	sbarrier.arrive $0xFFFF  }
0x94: {  	p0 =	sne.s32 s0, $0x0;
	s0 =	rddreg [dreg:$0x3]  }
0x95: {  	s0 =	sadd.s32 @!p0 $0x100000, s0  }
0x96: {  	[sflag:s0] =	ssyncadd.tile.s32 @!p0 $0x1;
	_ =	shalt  }
.Lfunc_end2:
_tile_overlayer_lowered:
.L_overlay_start_2:
0x97: {  	(tag) =	ssettag $0x2  }
0x98: {  	s0 =	rddreg [dreg:$0x0];
	s2 =	stileid.u32  }
0x99: {  	s1 =	rddreg [dreg:$0x1];
	p0 =	sne.s32 s2, $0x0  }
0x9a: {  	s3 =	rddreg [dreg:$0x2];
	[bflag:$0x3] =	sbarrier.arrive $0xFFFF;
	s2 =	simm.s32 @!p0 $0x1C02  }
0x9b: {  	[timem:s3], [sflag:s2] =	dma.local @!p0 [hbm:s0], s1  }
0x9c: {  	s0 =	simm.s32 @!p0 $0x2  }
0x9d: {  	_ =	swait.ge @!p0 [sflag:s0], s1  }
0x9e: {  	s1 =	ssub.s32 @!p0 $0x0, s1;
	[sflag:s0] =	ssyncset.done @!p0 $0x0  }
0x9f: {  	[sflag:s0] =	ssyncadd.s32 @!p0 s1  }
0xa0: {  	[bflag:$0x3] =	sbarrier.arrive $0xFFFF  }
0xa1: {  	_ =	shalt  }

// kernel: kernel.14.cloned.1.call-start
scs
__scs_entry_jumppad:
0x0: {  	(pc) =	sbr.rel $0x88, $3  }
0x1: {  	(tag) =	ssettag $0x0;
	lr =	simm.s32 $0x1  }
0x2: {  	[smem:$0x3F96] =	sst lr;
	_ =	strace $0xD0000000  }
0x3: {  	_ = 	snop  }
0x4: {  	_ = 	snop  }
0x5: {  	_ = 	snop  }
0x6: {  	_ = 	snop  }
0x7: {  	_ = 	snop  }
__scs_overlays_trampoline_lowered:
0x8: {  	[smem:$0x3FA5] =	sst s0  }
0x9: {  	[smem:$0x3FA6] =	sst s1  }
0xa: {  	[smem:$0x3FA7] =	sst s2  }
0xb: {  	[smem:$0x3FA8] =	sst s3  }
0xc: {  	[smem:$0x3FA9] =	sst s4  }
0xd: {  	[smem:$0x3FAA] =	sst s5  }
0xe: {  	[smem:$0x3FAB] =	sst s6  }
0xf: {  	[smem:$0x3FAC] =	sst s7  }
0x10: {  	[smem:$0x3FAD] =	sst s8  }
0x11: {  	[smem:$0x3FAE] =	sst s9;
	s0 =	simm.s32 @!p0 $0x0  }
0x12: {  	s1 =	sld [smem:$0x3F94];
	s0 =	simm.s32 @p0 $0x1  }
0x13: {  	[smem:$0x3FAF] =	sst s0;
	s0 =	simm.s32 @!p1 $0x0  }
0x14: {  	s2 =	sld [smem:$0x3F93];
	s0 =	simm.s32 @p1 $0x1  }
0x15: {  	[smem:$0x3FB0] =	sst s0;
	s0 =	simm.s32 @!p2 $0x0  }
0x16: {  	s3 =	sld [smem:$0x3FDB];
	s0 =	simm.s32 @p2 $0x1  }
0x17: {  	s4 =	simm.s32 $0x1BF5;
	[smem:$0x3FB2] =	sst s0  }
0x18: {  	s0 =	sld [smem:$0x3F95];
	_ =	swait.ge [sflag:s4], $0x0  }
0x19: {  	s7 =	sld [smem:$0x3F96]  }
0x1a: {  	s8 =	sadd.s32 $0xFFFFE003, lr  }
0x1b: {  	s9 =	sadd.s32 $0xFFFFFEF7, lr;
	s5 =	simm.s32 $0xFFFFFFFF;
	p2 =	slt.u32 s8, $0xFFFFF086  }
0x1c: {  	p1 =	slt.u32 s9, $0xF7A;
	s5 =	simm.s32 @!p2 $0x0  }
0x1d: {  	s5 =	simm.s32 @p1 $0x1;
	p0 =	seq.s32 s7, s2  }
0x1e: {  	s7 =	smul.u32 @!p0 $0xF7A, s2;
	p2 =	seq.s32 @!p0 s5, $0x0  }
0x1f: {  	s9 =	smul.u32 $0xF7A, s1;
	s8 =	simm.s32 @!p0 $0x1BF5;
	p2 =	por !p2, p0  }
0x20: {  	[sflag:s8] =	ssyncset.s32 @!p0 $0xFFFFF086;
	s6 =	sadd.s32 @!p0 s3, s7;
	s7 =	simm.s32 @!p0 $0x108  }
0x21: {  	s3 =	sadd.s32 s3, s9;
	s6 =	sadd.s32 @!p0 $0x88, s6;
	s7 =	simm.s32 @p2 $0x1082  }
0x22: {  	[simem:s7], [sflag:s8] =	dma.local @!p0 [hbm:s6], $0xF7A  }
0x23: {  	s9 =	sor.u32 $0xD0000000, s2;
	s6 =	simm.s32 $0x108;
	_ =	swait.ge @!p0 [sflag:s8], $0x0  }
0x24: {  	s3 =	sadd.s32 $0x88, s3;
	s6 =	simm.s32 @!p1 $0x1082;
	[sflag:s4] =	ssyncset.s32 $0xFFFFF086  }
0x25: {  	[simem:s6], [sflag:s4] =	dma.local [hbm:s3], $0xF7A  }
0x26: {  	[smem:$0x3F96] =	sst s1;
	(tag) =	ssettag s2;
	_ =	strace s9  }
0x27: {  	s1 =	sld [smem:$0x3FA6]  }
0x28: {  	s2 =	sld [smem:$0x3FA7]  }
0x29: {  	s4 =	sld [smem:$0x3FA9]  }
0x2a: {  	p0 =	seq.s32 s5, $0x0;
	s5 =	sld [smem:$0x3FAA]  }
0x2b: {  	s6 =	sld [smem:$0x3FAB]  }
0x2c: {  	s7 =	sld [smem:$0x3FAC]  }
0x2d: {  	s3 =	simm.s32 $0x108;
	s8 =	sld [smem:$0x3FAD]  }
0x2e: {  	s3 =	simm.s32 @!p0 $0x1082;
	s9 =	sld [smem:$0x3FAE]  }
0x2f: {  	lr =	sadd.s32 s0, s3;
	s0 =	sld [smem:$0x3FA5]  }
0x30: {  	s3 =	sld [smem:$0x3FA8]  }
0x31: {  	[smem:$0x3FB1] =	sst s10  }
0x32: {  	s10 =	sld [smem:$0x3FAF];
	_ =	sdelay $0x3  }
0x33: {  	p0 =	seq.s32 s10, $0x1;
	s10 =	sld [smem:$0x3FB1];
	_ =	sdelay $0x3  }
0x34: {  	[smem:$0x3FB1] =	sst s10  }
0x35: {  	s10 =	sld [smem:$0x3FB0];
	_ =	sdelay $0x3  }
0x36: {  	p1 =	seq.s32 s10, $0x1;
	s10 =	sld [smem:$0x3FB1];
	_ =	sdelay $0x3  }
0x37: {  	[smem:$0x3FB1] =	sst s10  }
0x38: {  	s10 =	sld [smem:$0x3FB2]  }
0x39: {  	_ = 	snop;
	(pc) =	sbr.ind lr, $3  }
0x3a: {  	_ = 	snop  }
0x3b: {  	_ = 	snop  }
0x3c: {  	p2 =	seq.s32 s10, $0x1;
	s10 =	sld [smem:$0x3FB1]  }
0x3d: {  	_ =	shalt  }
0x3e: {  	_ =	shalt  }
0x3f: {  	_ =	shalt  }
0x40: {  	_ =	shalt  }
0x41: {  	_ =	shalt  }
0x42: {  	_ =	shalt  }
0x43: {  	_ =	shalt  }
0x44: {  	_ =	shalt  }
0x45: {  	_ =	shalt  }
0x46: {  	_ =	shalt  }
0x47: {  	_ =	shalt  }
0x48: {  	_ =	shalt  }
0x49: {  	_ =	shalt  }
0x4a: {  	_ =	shalt  }
0x4b: {  	_ =	shalt  }
0x4c: {  	_ =	shalt  }
0x4d: {  	_ =	shalt  }
0x4e: {  	_ =	shalt  }
0x4f: {  	_ =	shalt  }
0x50: {  	_ =	shalt  }
0x51: {  	_ =	shalt  }
0x52: {  	_ =	shalt  }
0x53: {  	_ =	shalt  }
0x54: {  	_ =	shalt  }
0x55: {  	_ =	shalt  }
0x56: {  	_ =	shalt  }
0x57: {  	_ =	shalt  }
0x58: {  	_ =	shalt  }
0x59: {  	_ =	shalt  }
0x5a: {  	_ =	shalt  }
0x5b: {  	_ =	shalt  }
0x5c: {  	_ =	shalt  }
0x5d: {  	_ =	shalt  }
0x5e: {  	_ =	shalt  }
0x5f: {  	_ =	shalt  }
0x60: {  	_ =	shalt  }
0x61: {  	_ =	shalt  }
0x62: {  	_ =	shalt  }
0x63: {  	_ =	shalt  }
0x64: {  	_ =	shalt  }
0x65: {  	_ =	shalt  }
0x66: {  	_ =	shalt  }
0x67: {  	_ =	shalt  }
0x68: {  	_ =	shalt  }
0x69: {  	_ =	shalt  }
0x6a: {  	_ =	shalt  }
0x6b: {  	_ =	shalt  }
0x6c: {  	_ =	shalt  }
0x6d: {  	_ =	shalt  }
0x6e: {  	_ =	shalt  }
0x6f: {  	_ =	shalt  }
0x70: {  	_ =	shalt  }
0x71: {  	_ =	shalt  }
0x72: {  	_ =	shalt  }
0x73: {  	_ =	shalt  }
0x74: {  	_ =	shalt  }
0x75: {  	_ =	shalt  }
0x76: {  	_ =	shalt  }
0x77: {  	_ =	shalt  }
0x78: {  	_ =	shalt  }
0x79: {  	_ =	shalt  }
0x7a: {  	_ =	shalt  }
0x7b: {  	_ =	shalt  }
0x7c: {  	_ =	shalt  }
0x7d: {  	_ =	shalt  }
0x7e: {  	_ =	shalt  }
0x7f: {  	_ =	shalt  }
0x80: {  	_ =	shalt  }
0x81: {  	_ =	shalt  }
0x82: {  	_ =	shalt  }
0x83: {  	_ =	shalt  }
0x84: {  	_ =	shalt  }
0x85: {  	_ =	shalt  }
0x86: {  	_ =	shalt  }
0x87: {  	_ =	shalt  }
.Lfunc_end0:
.L_simem_size_0:
called_computation.2_lowered:
.L_overlay_start_0:
0x88: {  	s2 =	sld [smem:$0x3FD9]  }
0x89: {  	s3 =	sld [smem:$0x3FFE];
	_ =	sdelay $0x1  }
0x8a: {  	s1 =	srdreg.scid  }
0x8b: {  	s0 =	sand.u32 $0x1, s1  }
0x8c: {  	s17 =	sshll.u32 s0, $0xA;
	s2 =	sadd.s32 s3, s2  }
0x8d: {  	s2 =	sadd.s32 s2, s17  }
0x8e: {  	[smem:$0x3FBD] =	sst s2  }
0x8f: {  	_ = 	snop  }
0x90: {  	s18 =	sld [smem:$0x3FC7];
	(tm) =	ssettm $0x1  }
0x91: {  	s19 =	sld [smem:$0x3FFB];
	_ =	sdelay $0x3  }
0x92: {  	_ =	strace s19  }
0x93: {  	s2 =	sld [smem:$0x3FFC];
	_ =	sdelay $0x3  }
0x94: {  	_ =	strace s2  }
0x95: {  	s2 =	sld [smem:$0x3FFD];
	_ =	sdelay $0x3  }
0x96: {  	_ =	strace s2  }
0x97: {  	_ =	strace $0x8FFFFFFF  }
0x98: {  	s20 =	sld [smem:$0x3FDB];
	_ =	sdelay $0x1  }
0x99: {  	s4 =	simm.s32 $_scs_section_size  }
0x9a: {  	s5 =	simm.s32 $_size__tile_overlayer_lowered;
	s6 =	simm.s32 $_tile_overlayer_lowered  }
0x9b: {  	s7 =	simm.s32 $0x1BFF;
	s21 =	sshll.u32 s6, $0x1;
	s4 =	sadd.s32 s4, s20  }
0x9c: {  	s22 =	simm.s32 $0x0;
	s5 =	sshll.u32 s5, $0x1;
	s6 =	sadd.s32 s21, s4  }
0x9d: {  	[timem:s22], [sflag:s7] =	dma.local [hbm:s6], s5  }
0x9e: {  	_ =	swait.ge [sflag:s7], s5  }
0x9f: {  	s5 =	ssub.s32 $0x0, s5;
	[sflag:s7] =	ssyncset.done $0x0  }
0xa0: {  	[sflag:s7] =	ssyncadd.s32 s5;
	_ =	sdelay $0x1  }
0xa1: {  	s23 =	simm.s32 $0x1B8B  }
0xa2: {  	_ =	swait.ge [sflag:s23], $0x1  }
0xa3: {  	[sflag:s23] =	ssyncset.done $0x0  }
0xa4: {  	[sflag:s23] =	ssyncadd.s32 $0xFFFFFFFF  }
0xa5: {  	s5 =	sld [smem:$0x0]  }
0xa6: {  	s6 =	sand.u32 $0xFFFFFFFE, s1  }
0xa7: {  	p0 =	sne.s32 s1, s6  }
0xa8: {  	s6 =	sshll.u32 @p0 s6, $0xE  }
0xa9: {  	s6 =	sadd.s32 @p0 $0x11B8D, s6;
	s7 =	sshll.u32 @p0 s5, $0x11  }
0xaa: {  	s6 =	sor.u32 @p0 s7, s6  }
0xab: {  	[sflag:s6] =	ssyncadd.remote.s32 @p0 $0x1;
	_ =	sdelay $0x1  }
0xac: {  	s6 =	simm.s32 @p0 $0x1B8D  }
0xad: {  	_ =	swait.eq @p0 [sflag:s6], $0x1  }
0xae: {  	[sflag:s6] =	ssyncadd.s32 @p0 $0xFFFFFFFF  }
0xaf: {  	s7 =	sshll.u32 @!p0 s1, $0xE  }
0xb0: {  	s7 =	sor.u32 @!p0 $0x4000, s7;
	s6 =	simm.s32 @!p0 $0x1B8D  }
0xb1: {  	s5 =	sshll.u32 @!p0 s5, $0x11;
	s7 =	sadd.s32 @!p0 $0x11B8D, s7;
	_ =	swait.eq @!p0 [sflag:s6], $0x1  }
0xb2: {  	s5 =	sor.u32 @!p0 s5, s7;
	[sflag:s6] =	ssyncadd.s32 @!p0 $0xFFFFFFFF  }
0xb3: {  	s25 =	simm.s32 $0x1B8E;
	s24 =	sld [smem:$0x3FFE];
	[sflag:s5] =	ssyncadd.remote.s32 @!p0 $0x1  }
0xb4: {  	s26 =	simm.s32 $execute0_lowered;
	[smem:$0x3FD2] =	sst s25  }
0xb5: {  	s6 =	sshll.u32 s26, $0x1;
	_ =	strace $0x8000004C;
	[dreg:$0x1] =	wrdreg $0xFFFFFFFF  }
0xb6: {  	s28 =	simm.s32 $_size_execute0_lowered;
	s4 =	sadd.s32 s4, s6;
	[dreg:$0x0] =	wrdreg $0x0  }
0xb7: {  	s6 =	sshll.u32 s28, $0x1;
	[dreg:$0x2] =	wrdreg s4  }
0xb8: {  	[dreg:$0x3] =	wrdreg s6  }
0xb9: {  	[dreg:$0x4] =	wrdreg $0xC0  }
0xba: {  	_ =	task [dreg:s22], $0x5FFFF  }
0xbb: {  	[dreg:$0x1] =	wrdreg $0xFFFFFFFF  }
0xbc: {  	[dreg:$0x0] =	wrdreg $0x60  }
0xbd: {  	[dreg:$0x2] =	wrdreg s18  }
0xbe: {  	[dreg:$0x3] =	wrdreg s24  }
0xbf: {  	[dreg:$0x4] =	wrdreg $0xED000  }
0xc0: {  	[dreg:$0x5] =	wrdreg $0x18D000  }
0xc1: {  	[dreg:$0x6] =	wrdreg $0x9  }
0xc2: {  	_ =	task.clear_ibuf [dreg:s22], $0x7FFFF;
	_ =	strace $0x9000004C  }
0xc3: {  	s29 =	simm.s32 $0x9;
	_ =	strace $0x8000004E  }
0xc4: {  	_ =	swait.ge [sflag:s29], $0x1  }
0xc5: {  	[sflag:s29] =	ssyncadd.s32 $0xFFFFFFFF  }
0xc6: {  	_ =	strace $0x9000004E  }
0xc7: {  	_ =	sfence  }
0xc8: {  	s30 =	sld [smem:$0x0];
	_ =	sdelay $0x2  }
0xc9: {  	s31 =	sshll.u32 s1, $0xD;
	s1 =	sshrl.u32 s1, $0x2  }
0xca: {  	s4 =	sand.u32 $0x4000, s31;
	s1 =	sadd.s32 s1, s30  }
0xcb: {  	s0 =	sor.u32 s4, s0;
	s1 =	sshll.u32 s1, $0x11  }
0xcc: {  	s0 =	sor.u32 s1, s0  }
0xcd: {  	s0 =	sadd.s32 $0x8F2B, s0  }
0xce: {  	[sflag:s0] =	ssyncadd.remote.s32 $0x1  }
0xcf: {  	_ =	sfence.sel $0xFFFF  }
0xd0: {  	[dreg:$0x0] =	wrdreg $0xFFFFFFFF;
	(pc) =	sbr.abs _section_cstart, $3  }
0xd1: {  	[dreg:$0x1] =	wrdreg $0xFFFFFFFF  }
0xd2: {  	_ =	task.clear_ibuf [dreg:s22], $0x2FFFF;
	_ =	strace $0x9FFFFFFF  }
0xd3: {  	(tm) =	ssettm $0x7FFFFFFF  }
tec
execute0_lowered:
.L_overlay_start_1:
0x0: {  	(tag) =	ssettag $0x1  }
0x1: {  	s1 =	rddreg [dreg:$0x0]  }
0x2: {  	s0 =	rddreg [dreg:$0x1]  }
0x3: {  	s12 =	stileid.u32;
	s4 =	srdreg.scid  }
0x4: {  	s3 =	rddreg [dreg:$0x2];
	s2 =	smul.u32 $0x9D0, s12  }
0x5: {  	s5 =	rddreg [dreg:$0x3];
	s7 =	smul.u32 $0xA000, s12  }
0x6: {  	s6 =	simm.s32 $0x0;
	s28 =	simm.s32 $0x9D00;
	s9 =	smul.u32 $0x2800, s12  }
0x7: {  	s29 =	simm.s32 $0x1;
	s4 =	sand.u32 $0x1, s4;
	s14 =	smul.u32 $0x280, s12  }
0x8: {  	s30 =	simm.s32 $0x3;
	[smem:$0x7FF] =	sst s6;
	s8 =	smul.u32 $0xA0000, s4  }
0x9: {  	s10 =	smul.u32 $0x28000, s4;
	_ =	strace $0x8000004D;
	s11 =	ssub.s32 $0x2, s4  }
0xa: {  	s2 =	sadd.s32 s2, s0;
	s18 =	sshrl.u32 s11, $0x1;
	s20 =	sadd.s32 $0x80, s14  }
0xb: {  	s24 =	sadd.s32 $0x100, s14;
	s15 =	sadd.s32 $0x180, s14;
	s16 =	sadd.s32 $0x200, s14  }
0xc: {  	s8 =	sadd.s32 s7, s8;
	s10 =	sadd.s32 s9, s10;
	s21 =	ssub.s32 s11, s18  }
0xd: {  	s7 =	sadd.s32 s7, s3;
	s22 =	sshll.u32 s20, $0x6;
	s25 =	sshll.u32 s24, $0x6  }
0xe: {  	s13 =	sshll.u32 s24, $0x4;
	s26 =	sshll.u32 s15, $0x6;
	s15 =	sshll.u32 s15, $0x4  }
0xf: {  	s31 =	sshll.u32 s16, $0x6;
	s16 =	sshll.u32 s16, $0x4;
	s17 =	sadd.s32 $0xB4800, s2  }
0x10: {  	s18 =	sadd.s32 $0xAAA00, s2;
	s24 =	simm.s32 $0xE500;
	s8 =	sshrl.u32 s8, $0x3  }
0x11: {  	s10 =	sshrl.u32 s10, $0x3;
	s11 =	sadd.s32 s25, s3;
	s12 =	sadd.s32 s13, s5  }
0x12: {  	s13 =	sadd.s32 s26, s3;
	s14 =	sadd.s32 s15, s5;
	s15 =	sadd.s32 s31, s3  }
0x13: {  	s16 =	sadd.s32 s16, s5;
	s21 =	smax.u32 s21, $0x1;
	s26 =	simm.s32 $0x80  }
0x14: {  	s19 =	sadd.s32 s8, s0;
	s0 =	sadd.s32 s10, s0;
	s8 =	sadd.s32 s9, s5  }
0x15: {  	s10 =	sshll.u32 s20, $0x4;
	s9 =	sadd.s32 s22, s3;
	s22 =	simm.s32 $0xBD00  }
0x16: {  	[dreg:$0x5] =	wrdreg s9;
	s23 =	sadd.s32 s10, s5;
	s19 =	sadd.s32 $0xC8600, s19  }
0x17: {  	v1 =	vimm.f32 $0.0e+00;
	v2 =	vimm.f32 $1.000000000e+00;
	v0 =	vmov s4;
	s20 =	sadd.s32 $0xBE600, s0;
	[dreg:$0x6] =	wrdreg s23;
	s23 =	simm.s32 $0x2  }
.LBB2_1:
0x18: {  	s0 =	simm.s32 $0xBD20  }
0x19: {  	[tilespmem:s0+$0xFFFFFFE0] =	vst v1  }
0x1a: {  	[tilespmem:s0+$0x10] =	vst v1  }
0x1b: {  	[tilespmem:s0+$0x0] =	vst v1  }
0x1c: {  	s2 =	simm.s32 $0x40;
	s25 =	simm.s32 $0x0;
	[tilespmem:s0+$0xFFFFFFF0] =	vst v1  }
.LBB2_2:
0x1d: {  	p0 =	sne.s32 s2, $0x1FC0  }
0x1e: {  	[tilespmem:s25+$0xE500] =	vst v1;
	s0 =	sadd.s32 $0x40, s0;
	s31 =	smov.u32 s2;
	s2 =	sadd.s32 $0x40, s2  }
.Ltmp0:
0x1f: {  	[tilespmem:s25+$0xDD00] =	vst v2;
	(pc) =	sbr.rel @p0 .LBB2_2-.Ltmp0, $4  }
0x20: {  	[tilespmem:s0+$0xFFFFFFE0] =	vst v1  }
0x21: {  	[tilespmem:s0+$0x10] =	vst v1  }
0x22: {  	[tilespmem:s0+$0x0] =	vst v1  }
0x23: {  	s25 =	sshra.s32 s31, $0x2;
	[tilespmem:s0+$0xFFFFFFF0] =	vst v1  }
0x24: {  	[tilespmem:s25+$0xE500] =	vst v1  }
0x25: {  	[tilespmem:s25+$0xDD00] =	vst v2  }
0x26: {  	[spmem:s7] =	stream.linear.scatter [tilespmem:s22], [sflag:$0x2], $0x2000, $0x38;
	[tilespmem:$0x1B500] =	vst v63  }
0x27: {  	_ =	swait.ge [sflag:s23], $0x2000  }
0x28: {  	[sflag:s23] =	ssyncset.done $0x0  }
0x29: {  	[sflag:s23] =	ssyncadd.s32 $0xFFFFE000  }
0x2a: {  	[spmem:s8] =	stream.linear.scatter [tilespmem:s24], [sflag:$0x2], $0x800, $0x38;
	[tilespmem:$0x1B500] =	vst v63  }
0x2b: {  	_ =	swait.ge [sflag:s23], $0x800  }
0x2c: {  	[sflag:s23] =	ssyncset.done $0x0  }
0x2d: {  	s0 =	rddreg [dreg:$0x5];
	[sflag:s23] =	ssyncadd.s32 $0xFFFFF800  }
0x2e: {  	[spmem:s0] =	stream.linear.scatter [tilespmem:s22], [sflag:$0x2], $0x2000, $0x38;
	[tilespmem:$0x1B500] =	vst v63  }
0x2f: {  	_ =	swait.ge [sflag:s23], $0x2000  }
0x30: {  	[sflag:s23] =	ssyncset.done $0x0  }
0x31: {  	s10 =	rddreg [dreg:$0x6];
	[sflag:s23] =	ssyncadd.s32 $0xFFFFE000  }
0x32: {  	[spmem:s10] =	stream.linear.scatter [tilespmem:s24], [sflag:$0x2], $0x800, $0x38;
	[tilespmem:$0x1B500] =	vst v63  }
0x33: {  	_ =	swait.ge [sflag:s23], $0x800  }
0x34: {  	[sflag:s23] =	ssyncset.done $0x0  }
0x35: {  	[sflag:s23] =	ssyncadd.s32 $0xFFFFF800  }
0x36: {  	[spmem:s11] =	stream.linear.scatter [tilespmem:s22], [sflag:$0x2], $0x2000, $0x38;
	[tilespmem:$0x1B500] =	vst v63  }
0x37: {  	_ =	swait.ge [sflag:s23], $0x2000  }
0x38: {  	[sflag:s23] =	ssyncset.done $0x0  }
0x39: {  	[sflag:s23] =	ssyncadd.s32 $0xFFFFE000  }
0x3a: {  	[spmem:s12] =	stream.linear.scatter [tilespmem:s24], [sflag:$0x2], $0x800, $0x38;
	[tilespmem:$0x1B500] =	vst v63  }
0x3b: {  	_ =	swait.ge [sflag:s23], $0x800  }
0x3c: {  	[sflag:s23] =	ssyncset.done $0x0  }
0x3d: {  	[sflag:s23] =	ssyncadd.s32 $0xFFFFF800  }
0x3e: {  	[spmem:s13] =	stream.linear.scatter [tilespmem:s22], [sflag:$0x2], $0x2000, $0x38;
	[tilespmem:$0x1B500] =	vst v63  }
0x3f: {  	_ =	swait.ge [sflag:s23], $0x2000  }
0x40: {  	[sflag:s23] =	ssyncset.done $0x0  }
0x41: {  	[sflag:s23] =	ssyncadd.s32 $0xFFFFE000  }
0x42: {  	[spmem:s14] =	stream.linear.scatter [tilespmem:s24], [sflag:$0x2], $0x800, $0x38;
	[tilespmem:$0x1B500] =	vst v63  }
0x43: {  	_ =	swait.ge [sflag:s23], $0x800  }
0x44: {  	[sflag:s23] =	ssyncset.done $0x0  }
0x45: {  	[sflag:s23] =	ssyncadd.s32 $0xFFFFF800  }
0x46: {  	[spmem:s15] =	stream.linear.scatter [tilespmem:s22], [sflag:$0x2], $0x2000, $0x38;
	[tilespmem:$0x1B500] =	vst v63  }
0x47: {  	_ =	swait.ge [sflag:s23], $0x2000  }
0x48: {  	[sflag:s23] =	ssyncset.done $0x0  }
0x49: {  	[sflag:s23] =	ssyncadd.s32 $0xFFFFE000  }
0x4a: {  	[spmem:s16] =	stream.linear.scatter [tilespmem:s24], [sflag:$0x2], $0x800, $0x38;
	[tilespmem:$0x1B500] =	vst v63  }
0x4b: {  	_ =	swait.ge [sflag:s23], $0x800  }
0x4c: {  	[sflag:s23] =	ssyncset.done $0x0  }
0x4d: {  	[sflag:s23] =	ssyncadd.s32 $0xFFFFF800  }
0x4e: {  	s31 =	simm.s32 $0x0;
	[bflag:$0x0] =	sbarrier.arrive $0xFFFF  }
0x4f: {  	[tilespmem:s31], [sflag:$0x2] =	stream.linear.gather [hbm4b:s17+s31], $0x4E80, $0x38;
	[tilespmem:$0x1B500] =	vst v63  }
0x50: {  	_ =	swait.ge [sflag:s23], $0x4E80  }
0x51: {  	[sflag:s23] =	ssyncset.done $0x0  }
0x52: {  	s25 =	simm.s32 $0x4E80;
	[sflag:s23] =	ssyncadd.s32 $0xFFFFB180  }
0x53: {  	[tilespmem:s25], [sflag:$0x2] =	stream.linear.gather [hbm4b:s18+s31], $0x4E80, $0x38;
	[tilespmem:$0x1B500] =	vst v63  }
0x54: {  	_ =	swait.ge [sflag:s23], $0x4E80  }
0x55: {  	[sflag:s23] =	ssyncset.done $0x0  }
0x56: {  	s2 =	simm.s32 $0x0;
	[sflag:s23] =	ssyncadd.s32 $0xFFFFB180  }
0x57: {  	v4 =	vld [tilespmem:s2+$0x0]  }
0x58: {  	v5 =	vld [tilespmem:s2+$0x10]  }
0x59: {  	v7 =	vld [tilespmem:s2+$0x20]  }
0x5a: {  	v6 =	vld [tilespmem:s2+$0x30]  }
0x5b: {  	v3 =	vld [tilespmem:s2+$0x40]  }
0x5c: {  	v8 =	vshll.u32 v4, $0x1;
	v4 =	vld [tilespmem:s2+$0x50]  }
0x5d: {  	s0 =	simm.s32 $0x200;
	v9 =	vshll.u32 v5, $0x1;
	v5 =	vld [tilespmem:s2+$0x60];
	v8 =	vor.u32 v0, v8  }
.LBB2_4:
0x5e: {  	s25 =	sshra.s32 s0, $0x2;
	p0 =	sne.s32 s0, $0x13800;
	[tilespmem:s2+$0x0] =	vst v8;
	v8 =	vor.u32 v0, v9;
	v7 =	vshll.u32 v7, $0x1;
	v9 =	vld [tilespmem:s2+$0x70]  }
0x5f: {  	v10 =	vld [tilespmem:s25+$0x0];
	[tilespmem:s2+$0x10] =	vst v8;
	v7 =	vor.u32 v0, v7;
	v6 =	vshll.u32 v6, $0x1  }
0x60: {  	v11 =	vld [tilespmem:s25+$0x10];
	[tilespmem:s2+$0x20] =	vst v7;
	v6 =	vor.u32 v0, v6;
	v3 =	vshll.u32 v3, $0x1  }
.Ltmp1:
0x61: {  	v7 =	vld [tilespmem:s25+$0x20];
	[tilespmem:s2+$0x30] =	vst v6;
	v3 =	vor.u32 v0, v3;
	v4 =	vshll.u32 v4, $0x1;
	(pc) =	sbr.rel @p0 .LBB2_4-.Ltmp1, $4  }
0x62: {  	v6 =	vld [tilespmem:s25+$0x30];
	[tilespmem:s2+$0x40] =	vst v3;
	v4 =	vor.u32 v0, v4;
	v5 =	vshll.u32 v5, $0x1  }
0x63: {  	v3 =	vld [tilespmem:s25+$0x40];
	[tilespmem:s2+$0x50] =	vst v4;
	v5 =	vor.u32 v0, v5;
	v8 =	vshll.u32 v9, $0x1  }
0x64: {  	v9 =	vshll.u32 v10, $0x1;
	v4 =	vld [tilespmem:s25+$0x50];
	[tilespmem:s2+$0x60] =	vst v5;
	v10 =	vor.u32 v0, v8  }
0x65: {  	s0 =	sadd.s32 $0x200, s0;
	v8 =	vor.u32 v0, v9;
	v9 =	vshll.u32 v11, $0x1;
	v5 =	vld [tilespmem:s25+$0x60];
	[tilespmem:s2+$0x70] =	vst v10;
	s2 =	smov.u32 s25  }
0x66: {  	[tilespmem:s2+$0x0] =	vst v8;
	v60 =	vor.u32 v0, v9;
	v7 =	vshll.u32 v7, $0x1;
	v61 =	vld [tilespmem:s2+$0x70]  }
0x67: {  	[tilespmem:s2+$0x10] =	vst v60;
	v7 =	vor.u32 v0, v7;
	v6 =	vshll.u32 v6, $0x1  }
0x68: {  	[tilespmem:s2+$0x20] =	vst v7;
	v6 =	vor.u32 v0, v6;
	v3 =	vshll.u32 v3, $0x1  }
0x69: {  	[tilespmem:s2+$0x30] =	vst v6;
	v3 =	vor.u32 v0, v3;
	v4 =	vshll.u32 v4, $0x1  }
0x6a: {  	[tilespmem:s2+$0x40] =	vst v3;
	v3 =	vor.u32 v0, v4;
	v62 =	vshll.u32 v5, $0x1  }
0x6b: {  	[tilespmem:s2+$0x50] =	vst v3;
	v3 =	vor.u32 v0, v62;
	v63 =	vshll.u32 v61, $0x1  }
0x6c: {  	[tilespmem:s2+$0x60] =	vst v3;
	v3 =	vor.u32 v0, v63  }
0x6d: {  	[tilespmem:s2+$0x70] =	vst v3  }
0x6e: {  	[tilespmem:s28], [sflag:$0x1] =	stream.indirect.gather [hbm4b:s1+s26], $0x40, s31, s26, $0xb8;
	[tilespmem:$0x1B500] =	vst v63  }
0x6f: {  	_ =	swait.ge [sflag:s29], $0x2000  }
0x70: {  	[sflag:s29] =	ssyncset.done $0x0  }
0x71: {  	s0 =	simm.s32 $0x4E80;
	[sflag:s29] =	ssyncadd.s32 $0xFFFFE000  }
0x72: {  	[spmem:s3] =	stream.indirect.scatter.add.f32 [tilespmem:s28], [sflag:$0x3], $0x40, s0, s26, $0xb8;
	[tilespmem:$0x1B500] =	vst v63  }
0x73: {  	s25 =	sand.u32 $0x1, s31;
	_ =	swait.ge [sflag:s30], $0x2000  }
0x74: {  	p0 =	sne.s32 s4, s25;
	[sflag:s30] =	ssyncset.done $0x0  }
0x75: {  	s25 =	simm.s32 @!p0 $0xDD00;
	s2 =	simm.s32 @!p0 $0x80;
	[sflag:s30] =	ssyncadd.s32 $0xFFFFE000  }
0x76: {  	[spmem:s5] =	stream.indirect.scatter.add.f32 @!p0 [tilespmem:s25], [sflag:$0x2], $0x10, s0, s2, $0xb8;
	[tilespmem:$0x1B500] =	vst v63  }
0x77: {  	s25 =	simm.s32 @!p0 $0x2  }
0x78: {  	s0 =	simm.s32 $0x1;
	s2 =	simm.s32 $0x4F00;
	_ =	swait.ge @!p0 [sflag:s25], $0x800  }
.LBB2_6:
0x79: {  	[sflag:s25] =	ssyncset.done @!p0 $0x0  }
0x7a: {  	s31 =	sadd.s32 $0x80, s31;
	s9 =	smov.u32 s0;
	s0 =	sadd.s32 $0x1, s0  }
0x7b: {  	p1 =	sne.s32 s0, $0x9D;
	[sflag:s25] =	ssyncadd.s32 @!p0 $0xFFFFF800  }
0x7c: {  	[tilespmem:s28], [sflag:$0x1] =	stream.indirect.gather [hbm4b:s1+s26], $0x40, s31, s26, $0xb8;
	[tilespmem:$0x1B500] =	vst v63  }
0x7d: {  	_ =	swait.ge [sflag:s29], $0x2000  }
0x7e: {  	[sflag:s29] =	ssyncset.done $0x0  }
0x7f: {  	s9 =	sand.u32 $0x1, s9;
	[sflag:s29] =	ssyncadd.s32 $0xFFFFE000  }
0x80: {  	[spmem:s3] =	stream.indirect.scatter.add.f32 [tilespmem:s28], [sflag:$0x3], $0x40, s2, s26, $0xb8;
	[tilespmem:$0x1B500] =	vst v63  }
.Ltmp2:
0x81: {  	p0 =	sne.s32 s4, s9;
	_ =	swait.ge [sflag:s30], $0x2000;
	(pc) =	sbr.rel @p1 .LBB2_6-.Ltmp2, $4  }
0x82: {  	s9 =	simm.s32 @!p0 $0x80;
	s10 =	simm.s32 @!p0 $0xDD00;
	[sflag:s30] =	ssyncset.done $0x0  }
0x83: {  	s25 =	simm.s32 @!p0 $0x2;
	[sflag:s30] =	ssyncadd.s32 $0xFFFFE000  }
0x84: {  	[spmem:s5] =	stream.indirect.scatter.add.f32 @!p0 [tilespmem:s10], [sflag:$0x2], $0x10, s2, s9, $0xb8;
	[tilespmem:$0x1B500] =	vst v63  }
0x85: {  	s2 =	sadd.s32 $0x80, s2;
	_ =	swait.ge @!p0 [sflag:s25], $0x800  }
0x86: {  	[sflag:s25] =	ssyncset.done @!p0 $0x0;
	s0 =	stileid.u32  }
0x87: {  	[sflag:s25] =	ssyncadd.s32 @!p0 $0xFFFFF800;
	s0 =	sshll.u32 s0, $0x6  }
0x88: {  	s2 =	sshrl.u32 s7, $0x3;
	[bflag:$0x0] =	sbarrier.arrive $0xFFFF;
	s0 =	sor.u32 $0x1C02, s0  }
0x89: {  	[hbm:s19], [sflag:s0] =	dma.local [spmem:s2], $0x1400  }
0x8a: {  	s6 =	sadd.s32 $0x1, s6;
	_ =	swait.ge [sflag:s23], $0x1400  }
0x8b: {  	p0 =	sne.s32 s6, s21;
	[sflag:s23] =	ssyncset.done $0x0  }
.Ltmp3:
0x8c: {  	s31 =	sshrl.u32 s8, $0x3;
	[sflag:s23] =	ssyncadd.s32 $0xFFFFEC00;
	(pc) =	sbr.rel @p0 .LBB2_1-.Ltmp3, $4  }
0x8d: {  	[hbm:s20], [sflag:s0] =	dma.local [spmem:s31], $0x500  }
0x8e: {  	_ =	swait.ge [sflag:s23], $0x500  }
0x8f: {  	[sflag:s23] =	ssyncset.done $0x0  }
0x90: {  	[sflag:s23] =	ssyncadd.s32 $0xFFFFFB00  }
0x91: {  	_ =	sfence.sel $0x180000  }
0x92: {  	[bflag:$0x0] =	sbarrier.arrive $0xFFFF  }
0x93: {  	_ =	strace $0x9000004D  }
0x94: {  	s0 =	stileid.u32;
	[bflag:$0x2] =	sbarrier.arrive $0xFFFF  }
0x95: {  	p0 =	sne.s32 s0, $0x0;
	s0 =	rddreg [dreg:$0x4]  }
0x96: {  	s0 =	sadd.s32 @!p0 $0x100000, s0  }
0x97: {  	[sflag:s0] =	ssyncadd.tile.s32 @!p0 $0x1;
	_ =	shalt  }
.Lfunc_end2:
_tile_overlayer_lowered:
.L_overlay_start_2:
0x98: {  	(tag) =	ssettag $0x2  }
0x99: {  	s0 =	rddreg [dreg:$0x0];
	s2 =	stileid.u32  }
0x9a: {  	s1 =	rddreg [dreg:$0x1];
	p0 =	sne.s32 s2, $0x0  }
0x9b: {  	s3 =	rddreg [dreg:$0x2];
	[bflag:$0x3] =	sbarrier.arrive $0xFFFF;
	s2 =	simm.s32 @!p0 $0x1C02  }
0x9c: {  	[timem:s3], [sflag:s2] =	dma.local @!p0 [hbm:s0], s1  }
0x9d: {  	s0 =	simm.s32 @!p0 $0x2  }
0x9e: {  	_ =	swait.ge @!p0 [sflag:s0], s1  }
0x9f: {  	s1 =	ssub.s32 @!p0 $0x0, s1;
	[sflag:s0] =	ssyncset.done @!p0 $0x0  }
0xa0: {  	[sflag:s0] =	ssyncadd.s32 @!p0 s1  }
0xa1: {  	[bflag:$0x3] =	sbarrier.arrive $0xFFFF  }
0xa2: {  	_ =	shalt  }

// kernel: kernel.17.cloned.1.call-start
scs
__scs_entry_jumppad:
0x0: {  	(pc) =	sbr.rel $0x88, $3  }
0x1: {  	(tag) =	ssettag $0x0;
	lr =	simm.s32 $0x1  }
0x2: {  	[smem:$0x3F96] =	sst lr;
	_ =	strace $0xD0000000  }
0x3: {  	_ = 	snop  }
0x4: {  	_ = 	snop  }
0x5: {  	_ = 	snop  }
0x6: {  	_ = 	snop  }
0x7: {  	_ = 	snop  }
__scs_overlays_trampoline_lowered:
0x8: {  	[smem:$0x3FA5] =	sst s0  }
0x9: {  	[smem:$0x3FA6] =	sst s1  }
0xa: {  	[smem:$0x3FA7] =	sst s2  }
0xb: {  	[smem:$0x3FA8] =	sst s3  }
0xc: {  	[smem:$0x3FA9] =	sst s4  }
0xd: {  	[smem:$0x3FAA] =	sst s5  }
0xe: {  	[smem:$0x3FAB] =	sst s6  }
0xf: {  	[smem:$0x3FAC] =	sst s7  }
0x10: {  	[smem:$0x3FAD] =	sst s8  }
0x11: {  	[smem:$0x3FAE] =	sst s9;
	s0 =	simm.s32 @!p0 $0x0  }
0x12: {  	s1 =	sld [smem:$0x3F94];
	s0 =	simm.s32 @p0 $0x1  }
0x13: {  	[smem:$0x3FAF] =	sst s0;
	s0 =	simm.s32 @!p1 $0x0  }
0x14: {  	s2 =	sld [smem:$0x3F93];
	s0 =	simm.s32 @p1 $0x1  }
0x15: {  	[smem:$0x3FB0] =	sst s0;
	s0 =	simm.s32 @!p2 $0x0  }
0x16: {  	s3 =	sld [smem:$0x3FDB];
	s0 =	simm.s32 @p2 $0x1  }
0x17: {  	s4 =	simm.s32 $0x1BF5;
	[smem:$0x3FB2] =	sst s0  }
0x18: {  	s0 =	sld [smem:$0x3F95];
	_ =	swait.ge [sflag:s4], $0x0  }
0x19: {  	s7 =	sld [smem:$0x3F96]  }
0x1a: {  	s8 =	sadd.s32 $0xFFFFE003, lr  }
0x1b: {  	s9 =	sadd.s32 $0xFFFFFEF7, lr;
	s5 =	simm.s32 $0xFFFFFFFF;
	p2 =	slt.u32 s8, $0xFFFFF086  }
0x1c: {  	p1 =	slt.u32 s9, $0xF7A;
	s5 =	simm.s32 @!p2 $0x0  }
0x1d: {  	s5 =	simm.s32 @p1 $0x1;
	p0 =	seq.s32 s7, s2  }
0x1e: {  	s7 =	smul.u32 @!p0 $0xF7A, s2;
	p2 =	seq.s32 @!p0 s5, $0x0  }
0x1f: {  	s9 =	smul.u32 $0xF7A, s1;
	s8 =	simm.s32 @!p0 $0x1BF5;
	p2 =	por !p2, p0  }
0x20: {  	[sflag:s8] =	ssyncset.s32 @!p0 $0xFFFFF086;
	s6 =	sadd.s32 @!p0 s3, s7;
	s7 =	simm.s32 @!p0 $0x108  }
0x21: {  	s3 =	sadd.s32 s3, s9;
	s6 =	sadd.s32 @!p0 $0x88, s6;
	s7 =	simm.s32 @p2 $0x1082  }
0x22: {  	[simem:s7], [sflag:s8] =	dma.local @!p0 [hbm:s6], $0xF7A  }
0x23: {  	s9 =	sor.u32 $0xD0000000, s2;
	s6 =	simm.s32 $0x108;
	_ =	swait.ge @!p0 [sflag:s8], $0x0  }
0x24: {  	s3 =	sadd.s32 $0x88, s3;
	s6 =	simm.s32 @!p1 $0x1082;
	[sflag:s4] =	ssyncset.s32 $0xFFFFF086  }
0x25: {  	[simem:s6], [sflag:s4] =	dma.local [hbm:s3], $0xF7A  }
0x26: {  	[smem:$0x3F96] =	sst s1;
	(tag) =	ssettag s2;
	_ =	strace s9  }
0x27: {  	s1 =	sld [smem:$0x3FA6]  }
0x28: {  	s2 =	sld [smem:$0x3FA7]  }
0x29: {  	s4 =	sld [smem:$0x3FA9]  }
0x2a: {  	p0 =	seq.s32 s5, $0x0;
	s5 =	sld [smem:$0x3FAA]  }
0x2b: {  	s6 =	sld [smem:$0x3FAB]  }
0x2c: {  	s7 =	sld [smem:$0x3FAC]  }
0x2d: {  	s3 =	simm.s32 $0x108;
	s8 =	sld [smem:$0x3FAD]  }
0x2e: {  	s3 =	simm.s32 @!p0 $0x1082;
	s9 =	sld [smem:$0x3FAE]  }
0x2f: {  	lr =	sadd.s32 s0, s3;
	s0 =	sld [smem:$0x3FA5]  }
0x30: {  	s3 =	sld [smem:$0x3FA8]  }
0x31: {  	[smem:$0x3FB1] =	sst s10  }
0x32: {  	s10 =	sld [smem:$0x3FAF];
	_ =	sdelay $0x3  }
0x33: {  	p0 =	seq.s32 s10, $0x1;
	s10 =	sld [smem:$0x3FB1];
	_ =	sdelay $0x3  }
0x34: {  	[smem:$0x3FB1] =	sst s10  }
0x35: {  	s10 =	sld [smem:$0x3FB0];
	_ =	sdelay $0x3  }
0x36: {  	p1 =	seq.s32 s10, $0x1;
	s10 =	sld [smem:$0x3FB1];
	_ =	sdelay $0x3  }
0x37: {  	[smem:$0x3FB1] =	sst s10  }
0x38: {  	s10 =	sld [smem:$0x3FB2]  }
0x39: {  	_ = 	snop;
	(pc) =	sbr.ind lr, $3  }
0x3a: {  	_ = 	snop  }
0x3b: {  	_ = 	snop  }
0x3c: {  	p2 =	seq.s32 s10, $0x1;
	s10 =	sld [smem:$0x3FB1]  }
0x3d: {  	_ =	shalt  }
0x3e: {  	_ =	shalt  }
0x3f: {  	_ =	shalt  }
0x40: {  	_ =	shalt  }
0x41: {  	_ =	shalt  }
0x42: {  	_ =	shalt  }
0x43: {  	_ =	shalt  }
0x44: {  	_ =	shalt  }
0x45: {  	_ =	shalt  }
0x46: {  	_ =	shalt  }
0x47: {  	_ =	shalt  }
0x48: {  	_ =	shalt  }
0x49: {  	_ =	shalt  }
0x4a: {  	_ =	shalt  }
0x4b: {  	_ =	shalt  }
0x4c: {  	_ =	shalt  }
0x4d: {  	_ =	shalt  }
0x4e: {  	_ =	shalt  }
0x4f: {  	_ =	shalt  }
0x50: {  	_ =	shalt  }
0x51: {  	_ =	shalt  }
0x52: {  	_ =	shalt  }
0x53: {  	_ =	shalt  }
0x54: {  	_ =	shalt  }
0x55: {  	_ =	shalt  }
0x56: {  	_ =	shalt  }
0x57: {  	_ =	shalt  }
0x58: {  	_ =	shalt  }
0x59: {  	_ =	shalt  }
0x5a: {  	_ =	shalt  }
0x5b: {  	_ =	shalt  }
0x5c: {  	_ =	shalt  }
0x5d: {  	_ =	shalt  }
0x5e: {  	_ =	shalt  }
0x5f: {  	_ =	shalt  }
0x60: {  	_ =	shalt  }
0x61: {  	_ =	shalt  }
0x62: {  	_ =	shalt  }
0x63: {  	_ =	shalt  }
0x64: {  	_ =	shalt  }
0x65: {  	_ =	shalt  }
0x66: {  	_ =	shalt  }
0x67: {  	_ =	shalt  }
0x68: {  	_ =	shalt  }
0x69: {  	_ =	shalt  }
0x6a: {  	_ =	shalt  }
0x6b: {  	_ =	shalt  }
0x6c: {  	_ =	shalt  }
0x6d: {  	_ =	shalt  }
0x6e: {  	_ =	shalt  }
0x6f: {  	_ =	shalt  }
0x70: {  	_ =	shalt  }
0x71: {  	_ =	shalt  }
0x72: {  	_ =	shalt  }
0x73: {  	_ =	shalt  }
0x74: {  	_ =	shalt  }
0x75: {  	_ =	shalt  }
0x76: {  	_ =	shalt  }
0x77: {  	_ =	shalt  }
0x78: {  	_ =	shalt  }
0x79: {  	_ =	shalt  }
0x7a: {  	_ =	shalt  }
0x7b: {  	_ =	shalt  }
0x7c: {  	_ =	shalt  }
0x7d: {  	_ =	shalt  }
0x7e: {  	_ =	shalt  }
0x7f: {  	_ =	shalt  }
0x80: {  	_ =	shalt  }
0x81: {  	_ =	shalt  }
0x82: {  	_ =	shalt  }
0x83: {  	_ =	shalt  }
0x84: {  	_ =	shalt  }
0x85: {  	_ =	shalt  }
0x86: {  	_ =	shalt  }
0x87: {  	_ =	shalt  }
.Lfunc_end0:
.L_simem_size_0:
called_computation.3_lowered:
.L_overlay_start_0:
0x88: {  	s2 =	sld [smem:$0x3FD9]  }
0x89: {  	s3 =	sld [smem:$0x3FFE];
	_ =	sdelay $0x1  }
0x8a: {  	s1 =	srdreg.scid  }
0x8b: {  	s0 =	sand.u32 $0x1, s1  }
0x8c: {  	s17 =	sshll.u32 s0, $0xA;
	s2 =	sadd.s32 s3, s2  }
0x8d: {  	s2 =	sadd.s32 s2, s17  }
0x8e: {  	[smem:$0x3FBD] =	sst s2  }
0x8f: {  	_ = 	snop  }
0x90: {  	s18 =	sld [smem:$0x3FD0];
	(tm) =	ssettm $0x1  }
0x91: {  	s19 =	sld [smem:$0x3FFB];
	_ =	sdelay $0x3  }
0x92: {  	_ =	strace s19  }
0x93: {  	s2 =	sld [smem:$0x3FFC];
	_ =	sdelay $0x3  }
0x94: {  	_ =	strace s2  }
0x95: {  	s2 =	sld [smem:$0x3FFD];
	_ =	sdelay $0x3  }
0x96: {  	_ =	strace s2  }
0x97: {  	_ =	strace $0x8FFFFFFF  }
0x98: {  	s20 =	sld [smem:$0x3FDB];
	_ =	sdelay $0x1  }
0x99: {  	s4 =	simm.s32 $_scs_section_size  }
0x9a: {  	s5 =	simm.s32 $_size__tile_overlayer_lowered;
	s6 =	simm.s32 $_tile_overlayer_lowered  }
0x9b: {  	s7 =	simm.s32 $0x1BFF;
	s21 =	sshll.u32 s6, $0x1;
	s4 =	sadd.s32 s4, s20  }
0x9c: {  	s22 =	simm.s32 $0x0;
	s5 =	sshll.u32 s5, $0x1;
	s6 =	sadd.s32 s21, s4  }
0x9d: {  	[timem:s22], [sflag:s7] =	dma.local [hbm:s6], s5  }
0x9e: {  	_ =	swait.ge [sflag:s7], s5  }
0x9f: {  	s5 =	ssub.s32 $0x0, s5;
	[sflag:s7] =	ssyncset.done $0x0  }
0xa0: {  	[sflag:s7] =	ssyncadd.s32 s5;
	_ =	sdelay $0x1  }
0xa1: {  	s23 =	simm.s32 $0x1B8B  }
0xa2: {  	_ =	swait.ge [sflag:s23], $0x1  }
0xa3: {  	[sflag:s23] =	ssyncset.done $0x0  }
0xa4: {  	[sflag:s23] =	ssyncadd.s32 $0xFFFFFFFF  }
0xa5: {  	s5 =	sld [smem:$0x0]  }
0xa6: {  	s6 =	sand.u32 $0xFFFFFFFE, s1  }
0xa7: {  	p0 =	sne.s32 s1, s6  }
0xa8: {  	s6 =	sshll.u32 @p0 s6, $0xE  }
0xa9: {  	s6 =	sadd.s32 @p0 $0x11B8D, s6;
	s7 =	sshll.u32 @p0 s5, $0x11  }
0xaa: {  	s6 =	sor.u32 @p0 s7, s6  }
0xab: {  	[sflag:s6] =	ssyncadd.remote.s32 @p0 $0x1;
	_ =	sdelay $0x1  }
0xac: {  	s6 =	simm.s32 @p0 $0x1B8D  }
0xad: {  	_ =	swait.eq @p0 [sflag:s6], $0x1  }
0xae: {  	[sflag:s6] =	ssyncadd.s32 @p0 $0xFFFFFFFF  }
0xaf: {  	s7 =	sshll.u32 @!p0 s1, $0xE  }
0xb0: {  	s7 =	sor.u32 @!p0 $0x4000, s7;
	s6 =	simm.s32 @!p0 $0x1B8D  }
0xb1: {  	s5 =	sshll.u32 @!p0 s5, $0x11;
	s7 =	sadd.s32 @!p0 $0x11B8D, s7;
	_ =	swait.eq @!p0 [sflag:s6], $0x1  }
0xb2: {  	s5 =	sor.u32 @!p0 s5, s7;
	[sflag:s6] =	ssyncadd.s32 @!p0 $0xFFFFFFFF  }
0xb3: {  	s25 =	simm.s32 $0x1B8E;
	s24 =	sld [smem:$0x3FFE];
	[sflag:s5] =	ssyncadd.remote.s32 @!p0 $0x1  }
0xb4: {  	s26 =	simm.s32 $execute0_lowered;
	[smem:$0x3FD2] =	sst s25  }
0xb5: {  	s6 =	sshll.u32 s26, $0x1;
	_ =	strace $0x8000004F;
	[dreg:$0x1] =	wrdreg $0xFFFFFFFF  }
0xb6: {  	s28 =	simm.s32 $_size_execute0_lowered;
	s4 =	sadd.s32 s4, s6;
	[dreg:$0x0] =	wrdreg $0x0  }
0xb7: {  	s6 =	sshll.u32 s28, $0x1;
	[dreg:$0x2] =	wrdreg s4  }
0xb8: {  	[dreg:$0x3] =	wrdreg s6  }
0xb9: {  	[dreg:$0x4] =	wrdreg $0xC0  }
0xba: {  	_ =	task [dreg:s22], $0x5FFFF  }
0xbb: {  	[dreg:$0x1] =	wrdreg $0xFFFFFFFF  }
0xbc: {  	[dreg:$0x0] =	wrdreg $0x60  }
0xbd: {  	[dreg:$0x2] =	wrdreg s24  }
0xbe: {  	[dreg:$0x3] =	wrdreg s18  }
0xbf: {  	[dreg:$0x4] =	wrdreg $0xED000  }
0xc0: {  	[dreg:$0x5] =	wrdreg $0x18D000  }
0xc1: {  	[dreg:$0x6] =	wrdreg $0xA  }
0xc2: {  	_ =	task.clear_ibuf [dreg:s22], $0x7FFFF;
	_ =	strace $0x9000004F  }
0xc3: {  	s29 =	simm.s32 $0xA;
	_ =	strace $0x80000051  }
0xc4: {  	_ =	swait.ge [sflag:s29], $0x1  }
0xc5: {  	[sflag:s29] =	ssyncadd.s32 $0xFFFFFFFF  }
0xc6: {  	_ =	strace $0x90000051  }
0xc7: {  	_ =	sfence  }
0xc8: {  	s30 =	sld [smem:$0x0];
	_ =	sdelay $0x2  }
0xc9: {  	s31 =	sshll.u32 s1, $0xD;
	s1 =	sshrl.u32 s1, $0x2  }
0xca: {  	s4 =	sand.u32 $0x4000, s31;
	s1 =	sadd.s32 s1, s30  }
0xcb: {  	s0 =	sor.u32 s4, s0;
	s1 =	sshll.u32 s1, $0x11  }
0xcc: {  	s0 =	sor.u32 s1, s0  }
0xcd: {  	s0 =	sadd.s32 $0x8F2B, s0  }
0xce: {  	[sflag:s0] =	ssyncadd.remote.s32 $0x1  }
0xcf: {  	_ =	sfence.sel $0xFFFF  }
0xd0: {  	[dreg:$0x0] =	wrdreg $0xFFFFFFFF;
	(pc) =	sbr.abs _section_cstart, $3  }
0xd1: {  	[dreg:$0x1] =	wrdreg $0xFFFFFFFF  }
0xd2: {  	_ =	task.clear_ibuf [dreg:s22], $0x2FFFF;
	_ =	strace $0x9FFFFFFF  }
0xd3: {  	(tm) =	ssettm $0x7FFFFFFF  }
tec
execute0_lowered:
.L_overlay_start_1:
0x0: {  	(tag) =	ssettag $0x1  }
0x1: {  	s0 =	rddreg [dreg:$0x0]  }
0x2: {  	s1 =	rddreg [dreg:$0x1]  }
0x3: {  	s2 =	rddreg [dreg:$0x2]  }
0x4: {  	s3 =	rddreg [dreg:$0x3];
	s10 =	stileid.u32  }
0x5: {  	s5 =	srdreg.scid;
	s4 =	simm.s32 $0x0;
	s7 =	smul.u32 $0x9D0, s10  }
0x6: {  	s28 =	simm.s32 $0x9D00;
	s29 =	simm.s32 $0x1;
	s8 =	smul.u32 $0xA000, s10  }
0x7: {  	s30 =	simm.s32 $0x3;
	s5 =	sand.u32 $0x1, s5;
	s13 =	smul.u32 $0x280, s10  }
0x8: {  	[smem:$0x7FF] =	sst s4;
	s6 =	sadd.s32 $0x2000, s0;
	s9 =	smul.u32 $0xA0000, s5  }
0x9: {  	_ =	strace $0x80000050;
	s17 =	ssub.s32 $0x2, s5;
	s18 =	sadd.s32 s7, s0  }
0xa: {  	s19 =	sshrl.u32 s17, $0x1;
	s20 =	sadd.s32 $0x80, s13;
	s25 =	sadd.s32 $0x100, s13  }
0xb: {  	s15 =	sadd.s32 $0x180, s13;
	s16 =	sadd.s32 s8, s9;
	s21 =	ssub.s32 s17, s19  }
0xc: {  	s22 =	sshll.u32 s20, $0x6;
	s11 =	sshll.u32 s20, $0x4;
	s12 =	sshll.u32 s25, $0x6  }
0xd: {  	s14 =	sshll.u32 s25, $0x4;
	s26 =	sshll.u32 s15, $0x6;
	s15 =	sshll.u32 s15, $0x4  }
0xe: {  	s17 =	sadd.s32 $0x200, s13;
	s19 =	smul.u32 $0x28000, s5;
	s7 =	sshrl.u32 s16, $0x3  }
0xf: {  	s16 =	smul.u32 $0x2800, s10;
	s23 =	sadd.s32 s22, s2;
	s24 =	sadd.s32 s11, s3  }
0x10: {  	s11 =	sadd.s32 s12, s2;
	s12 =	sadd.s32 s14, s3;
	s13 =	sadd.s32 s26, s2  }
0x11: {  	s14 =	sadd.s32 s15, s3;
	s31 =	sshll.u32 s17, $0x6;
	s17 =	sshll.u32 s17, $0x4  }
0x12: {  	s21 =	smax.u32 s21, $0x1;
	s22 =	simm.s32 $0xBD00;
	s26 =	simm.s32 $0x80  }
0x13: {  	s0 =	sadd.s32 s7, s0;
	s7 =	sadd.s32 s8, s2;
	[dreg:$0x5] =	wrdreg s23  }
0x14: {  	[dreg:$0x6] =	wrdreg s24;
	s15 =	sadd.s32 s31, s2;
	s23 =	simm.s32 $0x2  }
0x15: {  	s24 =	simm.s32 $0xE500;
	s8 =	sadd.s32 s16, s3;
	s19 =	sadd.s32 s16, s19  }
0x16: {  	s16 =	sadd.s32 s17, s3;
	s17 =	sadd.s32 $0xFA400, s18;
	s20 =	sshrl.u32 s19, $0x3  }
0x17: {  	v1 =	vimm.f32 $0.0e+00;
	v2 =	vimm.f32 $1.000000000e+00;
	v0 =	vmov s5;
	s18 =	sadd.s32 $0xF0600, s18;
	s19 =	sadd.s32 $0x29200, s0;
	s20 =	sadd.s32 s1, s20  }
.LBB2_1:
0x18: {  	s0 =	simm.s32 $0xBD20  }
0x19: {  	[tilespmem:s0+$0xFFFFFFE0] =	vst v1  }
0x1a: {  	[tilespmem:s0+$0x10] =	vst v1  }
0x1b: {  	[tilespmem:s0+$0x0] =	vst v1  }
0x1c: {  	s1 =	simm.s32 $0x40;
	s25 =	simm.s32 $0x0;
	[tilespmem:s0+$0xFFFFFFF0] =	vst v1  }
.LBB2_2:
0x1d: {  	p0 =	sne.s32 s1, $0x1FC0  }
0x1e: {  	[tilespmem:s25+$0xE500] =	vst v1;
	s0 =	sadd.s32 $0x40, s0;
	s31 =	smov.u32 s1;
	s1 =	sadd.s32 $0x40, s1  }
.Ltmp0:
0x1f: {  	[tilespmem:s25+$0xDD00] =	vst v2;
	(pc) =	sbr.rel @p0 .LBB2_2-.Ltmp0, $4  }
0x20: {  	[tilespmem:s0+$0xFFFFFFE0] =	vst v1  }
0x21: {  	[tilespmem:s0+$0x10] =	vst v1  }
0x22: {  	[tilespmem:s0+$0x0] =	vst v1  }
0x23: {  	s25 =	sshra.s32 s31, $0x2;
	[tilespmem:s0+$0xFFFFFFF0] =	vst v1  }
0x24: {  	[tilespmem:s25+$0xE500] =	vst v1  }
0x25: {  	[tilespmem:s25+$0xDD00] =	vst v2  }
0x26: {  	[spmem:s7] =	stream.linear.scatter [tilespmem:s22], [sflag:$0x2], $0x2000, $0x38;
	[tilespmem:$0x1B500] =	vst v63  }
0x27: {  	_ =	swait.ge [sflag:s23], $0x2000  }
0x28: {  	[sflag:s23] =	ssyncset.done $0x0  }
0x29: {  	[sflag:s23] =	ssyncadd.s32 $0xFFFFE000  }
0x2a: {  	[spmem:s8] =	stream.linear.scatter [tilespmem:s24], [sflag:$0x2], $0x800, $0x38;
	[tilespmem:$0x1B500] =	vst v63  }
0x2b: {  	_ =	swait.ge [sflag:s23], $0x800  }
0x2c: {  	[sflag:s23] =	ssyncset.done $0x0  }
0x2d: {  	s0 =	rddreg [dreg:$0x5];
	[sflag:s23] =	ssyncadd.s32 $0xFFFFF800  }
0x2e: {  	[spmem:s0] =	stream.linear.scatter [tilespmem:s22], [sflag:$0x2], $0x2000, $0x38;
	[tilespmem:$0x1B500] =	vst v63  }
0x2f: {  	_ =	swait.ge [sflag:s23], $0x2000  }
0x30: {  	[sflag:s23] =	ssyncset.done $0x0  }
0x31: {  	s10 =	rddreg [dreg:$0x6];
	[sflag:s23] =	ssyncadd.s32 $0xFFFFE000  }
0x32: {  	[spmem:s10] =	stream.linear.scatter [tilespmem:s24], [sflag:$0x2], $0x800, $0x38;
	[tilespmem:$0x1B500] =	vst v63  }
0x33: {  	_ =	swait.ge [sflag:s23], $0x800  }
0x34: {  	[sflag:s23] =	ssyncset.done $0x0  }
0x35: {  	[sflag:s23] =	ssyncadd.s32 $0xFFFFF800  }
0x36: {  	[spmem:s11] =	stream.linear.scatter [tilespmem:s22], [sflag:$0x2], $0x2000, $0x38;
	[tilespmem:$0x1B500] =	vst v63  }
0x37: {  	_ =	swait.ge [sflag:s23], $0x2000  }
0x38: {  	[sflag:s23] =	ssyncset.done $0x0  }
0x39: {  	[sflag:s23] =	ssyncadd.s32 $0xFFFFE000  }
0x3a: {  	[spmem:s12] =	stream.linear.scatter [tilespmem:s24], [sflag:$0x2], $0x800, $0x38;
	[tilespmem:$0x1B500] =	vst v63  }
0x3b: {  	_ =	swait.ge [sflag:s23], $0x800  }
0x3c: {  	[sflag:s23] =	ssyncset.done $0x0  }
0x3d: {  	[sflag:s23] =	ssyncadd.s32 $0xFFFFF800  }
0x3e: {  	[spmem:s13] =	stream.linear.scatter [tilespmem:s22], [sflag:$0x2], $0x2000, $0x38;
	[tilespmem:$0x1B500] =	vst v63  }
0x3f: {  	_ =	swait.ge [sflag:s23], $0x2000  }
0x40: {  	[sflag:s23] =	ssyncset.done $0x0  }
0x41: {  	[sflag:s23] =	ssyncadd.s32 $0xFFFFE000  }
0x42: {  	[spmem:s14] =	stream.linear.scatter [tilespmem:s24], [sflag:$0x2], $0x800, $0x38;
	[tilespmem:$0x1B500] =	vst v63  }
0x43: {  	_ =	swait.ge [sflag:s23], $0x800  }
0x44: {  	[sflag:s23] =	ssyncset.done $0x0  }
0x45: {  	[sflag:s23] =	ssyncadd.s32 $0xFFFFF800  }
0x46: {  	[spmem:s15] =	stream.linear.scatter [tilespmem:s22], [sflag:$0x2], $0x2000, $0x38;
	[tilespmem:$0x1B500] =	vst v63  }
0x47: {  	_ =	swait.ge [sflag:s23], $0x2000  }
0x48: {  	[sflag:s23] =	ssyncset.done $0x0  }
0x49: {  	[sflag:s23] =	ssyncadd.s32 $0xFFFFE000  }
0x4a: {  	[spmem:s16] =	stream.linear.scatter [tilespmem:s24], [sflag:$0x2], $0x800, $0x38;
	[tilespmem:$0x1B500] =	vst v63  }
0x4b: {  	_ =	swait.ge [sflag:s23], $0x800  }
0x4c: {  	[sflag:s23] =	ssyncset.done $0x0  }
0x4d: {  	[sflag:s23] =	ssyncadd.s32 $0xFFFFF800  }
0x4e: {  	s31 =	simm.s32 $0x0;
	[bflag:$0x0] =	sbarrier.arrive $0xFFFF  }
0x4f: {  	[tilespmem:s31], [sflag:$0x2] =	stream.linear.gather [hbm4b:s17+s31], $0x4E80, $0x38;
	[tilespmem:$0x1B500] =	vst v63  }
0x50: {  	_ =	swait.ge [sflag:s23], $0x4E80  }
0x51: {  	[sflag:s23] =	ssyncset.done $0x0  }
0x52: {  	s25 =	simm.s32 $0x4E80;
	[sflag:s23] =	ssyncadd.s32 $0xFFFFB180  }
0x53: {  	[tilespmem:s25], [sflag:$0x2] =	stream.linear.gather [hbm4b:s18+s31], $0x4E80, $0x38;
	[tilespmem:$0x1B500] =	vst v63  }
0x54: {  	_ =	swait.ge [sflag:s23], $0x4E80  }
0x55: {  	[sflag:s23] =	ssyncset.done $0x0  }
0x56: {  	s0 =	simm.s32 $0x0;
	[sflag:s23] =	ssyncadd.s32 $0xFFFFB180  }
0x57: {  	v4 =	vld [tilespmem:s0+$0x0]  }
0x58: {  	v5 =	vld [tilespmem:s0+$0x10]  }
0x59: {  	v7 =	vld [tilespmem:s0+$0x20]  }
0x5a: {  	v6 =	vld [tilespmem:s0+$0x30]  }
0x5b: {  	v3 =	vld [tilespmem:s0+$0x40]  }
0x5c: {  	v8 =	vshll.u32 v4, $0x1;
	v4 =	vld [tilespmem:s0+$0x50]  }
0x5d: {  	s1 =	simm.s32 $0x200;
	v9 =	vshll.u32 v5, $0x1;
	v5 =	vld [tilespmem:s0+$0x60];
	v8 =	vor.u32 v0, v8  }
.LBB2_4:
0x5e: {  	s25 =	sshra.s32 s1, $0x2;
	p0 =	sne.s32 s1, $0x13800;
	[tilespmem:s0+$0x0] =	vst v8;
	v8 =	vor.u32 v0, v9;
	v7 =	vshll.u32 v7, $0x1;
	v9 =	vld [tilespmem:s0+$0x70]  }
0x5f: {  	v10 =	vld [tilespmem:s25+$0x0];
	[tilespmem:s0+$0x10] =	vst v8;
	v7 =	vor.u32 v0, v7;
	v6 =	vshll.u32 v6, $0x1  }
0x60: {  	v11 =	vld [tilespmem:s25+$0x10];
	[tilespmem:s0+$0x20] =	vst v7;
	v6 =	vor.u32 v0, v6;
	v3 =	vshll.u32 v3, $0x1  }
.Ltmp1:
0x61: {  	v7 =	vld [tilespmem:s25+$0x20];
	[tilespmem:s0+$0x30] =	vst v6;
	v3 =	vor.u32 v0, v3;
	v4 =	vshll.u32 v4, $0x1;
	(pc) =	sbr.rel @p0 .LBB2_4-.Ltmp1, $4  }
0x62: {  	v6 =	vld [tilespmem:s25+$0x30];
	[tilespmem:s0+$0x40] =	vst v3;
	v4 =	vor.u32 v0, v4;
	v5 =	vshll.u32 v5, $0x1  }
0x63: {  	v3 =	vld [tilespmem:s25+$0x40];
	[tilespmem:s0+$0x50] =	vst v4;
	v5 =	vor.u32 v0, v5;
	v8 =	vshll.u32 v9, $0x1  }
0x64: {  	v9 =	vshll.u32 v10, $0x1;
	v4 =	vld [tilespmem:s25+$0x50];
	[tilespmem:s0+$0x60] =	vst v5;
	v10 =	vor.u32 v0, v8  }
0x65: {  	s1 =	sadd.s32 $0x200, s1;
	v8 =	vor.u32 v0, v9;
	v9 =	vshll.u32 v11, $0x1;
	v5 =	vld [tilespmem:s25+$0x60];
	[tilespmem:s0+$0x70] =	vst v10;
	s0 =	smov.u32 s25  }
0x66: {  	[tilespmem:s0+$0x0] =	vst v8;
	v60 =	vor.u32 v0, v9;
	v7 =	vshll.u32 v7, $0x1;
	v61 =	vld [tilespmem:s0+$0x70]  }
0x67: {  	[tilespmem:s0+$0x10] =	vst v60;
	v7 =	vor.u32 v0, v7;
	v6 =	vshll.u32 v6, $0x1  }
0x68: {  	[tilespmem:s0+$0x20] =	vst v7;
	v6 =	vor.u32 v0, v6;
	v3 =	vshll.u32 v3, $0x1  }
0x69: {  	[tilespmem:s0+$0x30] =	vst v6;
	v3 =	vor.u32 v0, v3;
	v4 =	vshll.u32 v4, $0x1  }
0x6a: {  	[tilespmem:s0+$0x40] =	vst v3;
	v3 =	vor.u32 v0, v4;
	v62 =	vshll.u32 v5, $0x1  }
0x6b: {  	[tilespmem:s0+$0x50] =	vst v3;
	v3 =	vor.u32 v0, v62;
	v63 =	vshll.u32 v61, $0x1  }
0x6c: {  	[tilespmem:s0+$0x60] =	vst v3;
	v3 =	vor.u32 v0, v63  }
0x6d: {  	[tilespmem:s0+$0x70] =	vst v3  }
0x6e: {  	[tilespmem:s28], [sflag:$0x1] =	stream.indirect.gather [hbm4b:s6+s26], $0x40, s31, s26, $0xb8;
	[tilespmem:$0x1B500] =	vst v63  }
0x6f: {  	_ =	swait.ge [sflag:s29], $0x2000  }
0x70: {  	[sflag:s29] =	ssyncset.done $0x0  }
0x71: {  	s0 =	simm.s32 $0x4E80;
	[sflag:s29] =	ssyncadd.s32 $0xFFFFE000  }
0x72: {  	[spmem:s2] =	stream.indirect.scatter.add.f32 [tilespmem:s28], [sflag:$0x3], $0x40, s0, s26, $0xb8;
	[tilespmem:$0x1B500] =	vst v63  }
0x73: {  	s1 =	sand.u32 $0x1, s31;
	_ =	swait.ge [sflag:s30], $0x2000  }
0x74: {  	p0 =	sne.s32 s5, s1;
	[sflag:s30] =	ssyncset.done $0x0  }
0x75: {  	s1 =	simm.s32 @!p0 $0x80;
	s25 =	simm.s32 @!p0 $0xDD00;
	[sflag:s30] =	ssyncadd.s32 $0xFFFFE000  }
0x76: {  	[spmem:s3] =	stream.indirect.scatter.add.f32 @!p0 [tilespmem:s25], [sflag:$0x2], $0x10, s0, s1, $0xb8;
	[tilespmem:$0x1B500] =	vst v63  }
0x77: {  	s25 =	simm.s32 @!p0 $0x2  }
0x78: {  	s0 =	simm.s32 $0x1;
	s1 =	simm.s32 $0x4F00;
	_ =	swait.ge @!p0 [sflag:s25], $0x800  }
.LBB2_6:
0x79: {  	[sflag:s25] =	ssyncset.done @!p0 $0x0  }
0x7a: {  	s31 =	sadd.s32 $0x80, s31;
	s9 =	smov.u32 s0;
	s0 =	sadd.s32 $0x1, s0  }
0x7b: {  	p1 =	sne.s32 s0, $0x9D;
	[sflag:s25] =	ssyncadd.s32 @!p0 $0xFFFFF800  }
0x7c: {  	[tilespmem:s28], [sflag:$0x1] =	stream.indirect.gather [hbm4b:s6+s26], $0x40, s31, s26, $0xb8;
	[tilespmem:$0x1B500] =	vst v63  }
0x7d: {  	_ =	swait.ge [sflag:s29], $0x2000  }
0x7e: {  	[sflag:s29] =	ssyncset.done $0x0  }
0x7f: {  	s9 =	sand.u32 $0x1, s9;
	[sflag:s29] =	ssyncadd.s32 $0xFFFFE000  }
0x80: {  	[spmem:s2] =	stream.indirect.scatter.add.f32 [tilespmem:s28], [sflag:$0x3], $0x40, s1, s26, $0xb8;
	[tilespmem:$0x1B500] =	vst v63  }
.Ltmp2:
0x81: {  	p0 =	sne.s32 s5, s9;
	_ =	swait.ge [sflag:s30], $0x2000;
	(pc) =	sbr.rel @p1 .LBB2_6-.Ltmp2, $4  }
0x82: {  	s9 =	simm.s32 @!p0 $0x80;
	s10 =	simm.s32 @!p0 $0xDD00;
	[sflag:s30] =	ssyncset.done $0x0  }
0x83: {  	s25 =	simm.s32 @!p0 $0x2;
	[sflag:s30] =	ssyncadd.s32 $0xFFFFE000  }
0x84: {  	[spmem:s3] =	stream.indirect.scatter.add.f32 @!p0 [tilespmem:s10], [sflag:$0x2], $0x10, s1, s9, $0xb8;
	[tilespmem:$0x1B500] =	vst v63  }
0x85: {  	s1 =	sadd.s32 $0x80, s1;
	_ =	swait.ge @!p0 [sflag:s25], $0x800  }
0x86: {  	[sflag:s25] =	ssyncset.done @!p0 $0x0;
	s0 =	stileid.u32  }
0x87: {  	[sflag:s25] =	ssyncadd.s32 @!p0 $0xFFFFF800;
	s0 =	sshll.u32 s0, $0x6  }
0x88: {  	s1 =	sshrl.u32 s7, $0x3;
	[bflag:$0x0] =	sbarrier.arrive $0xFFFF;
	s0 =	sor.u32 $0x1C02, s0  }
0x89: {  	[hbm:s19], [sflag:s0] =	dma.local [spmem:s1], $0x1400  }
0x8a: {  	s4 =	sadd.s32 $0x1, s4;
	_ =	swait.ge [sflag:s23], $0x1400  }
0x8b: {  	p0 =	sne.s32 s4, s21;
	[sflag:s23] =	ssyncset.done $0x0  }
.Ltmp3:
0x8c: {  	s31 =	sshrl.u32 s8, $0x3;
	[sflag:s23] =	ssyncadd.s32 $0xFFFFEC00;
	(pc) =	sbr.rel @p0 .LBB2_1-.Ltmp3, $4  }
0x8d: {  	[hbm:s20], [sflag:s0] =	dma.local [spmem:s31], $0x500  }
0x8e: {  	_ =	swait.ge [sflag:s23], $0x500  }
0x8f: {  	[sflag:s23] =	ssyncset.done $0x0  }
0x90: {  	[sflag:s23] =	ssyncadd.s32 $0xFFFFFB00  }
0x91: {  	_ =	sfence.sel $0x180000  }
0x92: {  	[bflag:$0x0] =	sbarrier.arrive $0xFFFF  }
0x93: {  	_ =	strace $0x90000050  }
0x94: {  	s0 =	stileid.u32;
	[bflag:$0x2] =	sbarrier.arrive $0xFFFF  }
0x95: {  	p0 =	sne.s32 s0, $0x0;
	s0 =	rddreg [dreg:$0x4]  }
0x96: {  	s0 =	sadd.s32 @!p0 $0x100000, s0  }
0x97: {  	[sflag:s0] =	ssyncadd.tile.s32 @!p0 $0x1;
	_ =	shalt  }
.Lfunc_end2:
_tile_overlayer_lowered:
.L_overlay_start_2:
0x98: {  	(tag) =	ssettag $0x2  }
0x99: {  	s0 =	rddreg [dreg:$0x0];
	s2 =	stileid.u32  }
0x9a: {  	s1 =	rddreg [dreg:$0x1];
	p0 =	sne.s32 s2, $0x0  }
0x9b: {  	s3 =	rddreg [dreg:$0x2];
	[bflag:$0x3] =	sbarrier.arrive $0xFFFF;
	s2 =	simm.s32 @!p0 $0x1C02  }
0x9c: {  	[timem:s3], [sflag:s2] =	dma.local @!p0 [hbm:s0], s1  }
0x9d: {  	s0 =	simm.s32 @!p0 $0x2  }
0x9e: {  	_ =	swait.ge @!p0 [sflag:s0], s1  }
0x9f: {  	s1 =	ssub.s32 @!p0 $0x0, s1;
	[sflag:s0] =	ssyncset.done @!p0 $0x0  }
0xa0: {  	[sflag:s0] =	ssyncadd.s32 @!p0 s1  }
0xa1: {  	[bflag:$0x3] =	sbarrier.arrive $0xFFFF  }
0xa2: {  	_ =	shalt  }

// kernel: kernel.8.cloned.1.call-start
scs
__scs_entry_jumppad:
0x0: {  	(pc) =	sbr.rel $0x88, $3  }
0x1: {  	(tag) =	ssettag $0x0;
	lr =	simm.s32 $0x1  }
0x2: {  	[smem:$0x3F96] =	sst lr;
	_ =	strace $0xD0000000  }
0x3: {  	_ = 	snop  }
0x4: {  	_ = 	snop  }
0x5: {  	_ = 	snop  }
0x6: {  	_ = 	snop  }
0x7: {  	_ = 	snop  }
__scs_overlays_trampoline_lowered:
0x8: {  	[smem:$0x3FA5] =	sst s0  }
0x9: {  	[smem:$0x3FA6] =	sst s1  }
0xa: {  	[smem:$0x3FA7] =	sst s2  }
0xb: {  	[smem:$0x3FA8] =	sst s3  }
0xc: {  	[smem:$0x3FA9] =	sst s4  }
0xd: {  	[smem:$0x3FAA] =	sst s5  }
0xe: {  	[smem:$0x3FAB] =	sst s6  }
0xf: {  	[smem:$0x3FAC] =	sst s7  }
0x10: {  	[smem:$0x3FAD] =	sst s8  }
0x11: {  	[smem:$0x3FAE] =	sst s9;
	s0 =	simm.s32 @!p0 $0x0  }
0x12: {  	s1 =	sld [smem:$0x3F94];
	s0 =	simm.s32 @p0 $0x1  }
0x13: {  	[smem:$0x3FAF] =	sst s0;
	s0 =	simm.s32 @!p1 $0x0  }
0x14: {  	s2 =	sld [smem:$0x3F93];
	s0 =	simm.s32 @p1 $0x1  }
0x15: {  	[smem:$0x3FB0] =	sst s0;
	s0 =	simm.s32 @!p2 $0x0  }
0x16: {  	s3 =	sld [smem:$0x3FDB];
	s0 =	simm.s32 @p2 $0x1  }
0x17: {  	s4 =	simm.s32 $0x1BF5;
	[smem:$0x3FB2] =	sst s0  }
0x18: {  	s0 =	sld [smem:$0x3F95];
	_ =	swait.ge [sflag:s4], $0x0  }
0x19: {  	s7 =	sld [smem:$0x3F96]  }
0x1a: {  	s8 =	sadd.s32 $0xFFFFE003, lr  }
0x1b: {  	s9 =	sadd.s32 $0xFFFFFEF7, lr;
	s5 =	simm.s32 $0xFFFFFFFF;
	p2 =	slt.u32 s8, $0xFFFFF086  }
0x1c: {  	p1 =	slt.u32 s9, $0xF7A;
	s5 =	simm.s32 @!p2 $0x0  }
0x1d: {  	s5 =	simm.s32 @p1 $0x1;
	p0 =	seq.s32 s7, s2  }
0x1e: {  	s7 =	smul.u32 @!p0 $0xF7A, s2;
	p2 =	seq.s32 @!p0 s5, $0x0  }
0x1f: {  	s9 =	smul.u32 $0xF7A, s1;
	s8 =	simm.s32 @!p0 $0x1BF5;
	p2 =	por !p2, p0  }
0x20: {  	[sflag:s8] =	ssyncset.s32 @!p0 $0xFFFFF086;
	s6 =	sadd.s32 @!p0 s3, s7;
	s7 =	simm.s32 @!p0 $0x108  }
0x21: {  	s3 =	sadd.s32 s3, s9;
	s6 =	sadd.s32 @!p0 $0x88, s6;
	s7 =	simm.s32 @p2 $0x1082  }
0x22: {  	[simem:s7], [sflag:s8] =	dma.local @!p0 [hbm:s6], $0xF7A  }
0x23: {  	s9 =	sor.u32 $0xD0000000, s2;
	s6 =	simm.s32 $0x108;
	_ =	swait.ge @!p0 [sflag:s8], $0x0  }
0x24: {  	s3 =	sadd.s32 $0x88, s3;
	s6 =	simm.s32 @!p1 $0x1082;
	[sflag:s4] =	ssyncset.s32 $0xFFFFF086  }
0x25: {  	[simem:s6], [sflag:s4] =	dma.local [hbm:s3], $0xF7A  }
0x26: {  	[smem:$0x3F96] =	sst s1;
	(tag) =	ssettag s2;
	_ =	strace s9  }
0x27: {  	s1 =	sld [smem:$0x3FA6]  }
0x28: {  	s2 =	sld [smem:$0x3FA7]  }
0x29: {  	s4 =	sld [smem:$0x3FA9]  }
0x2a: {  	p0 =	seq.s32 s5, $0x0;
	s5 =	sld [smem:$0x3FAA]  }
0x2b: {  	s6 =	sld [smem:$0x3FAB]  }
0x2c: {  	s7 =	sld [smem:$0x3FAC]  }
0x2d: {  	s3 =	simm.s32 $0x108;
	s8 =	sld [smem:$0x3FAD]  }
0x2e: {  	s3 =	simm.s32 @!p0 $0x1082;
	s9 =	sld [smem:$0x3FAE]  }
0x2f: {  	lr =	sadd.s32 s0, s3;
	s0 =	sld [smem:$0x3FA5]  }
0x30: {  	s3 =	sld [smem:$0x3FA8]  }
0x31: {  	[smem:$0x3FB1] =	sst s10  }
0x32: {  	s10 =	sld [smem:$0x3FAF];
	_ =	sdelay $0x3  }
0x33: {  	p0 =	seq.s32 s10, $0x1;
	s10 =	sld [smem:$0x3FB1];
	_ =	sdelay $0x3  }
0x34: {  	[smem:$0x3FB1] =	sst s10  }
0x35: {  	s10 =	sld [smem:$0x3FB0];
	_ =	sdelay $0x3  }
0x36: {  	p1 =	seq.s32 s10, $0x1;
	s10 =	sld [smem:$0x3FB1];
	_ =	sdelay $0x3  }
0x37: {  	[smem:$0x3FB1] =	sst s10  }
0x38: {  	s10 =	sld [smem:$0x3FB2]  }
0x39: {  	_ = 	snop;
	(pc) =	sbr.ind lr, $3  }
0x3a: {  	_ = 	snop  }
0x3b: {  	_ = 	snop  }
0x3c: {  	p2 =	seq.s32 s10, $0x1;
	s10 =	sld [smem:$0x3FB1]  }
0x3d: {  	_ =	shalt  }
0x3e: {  	_ =	shalt  }
0x3f: {  	_ =	shalt  }
0x40: {  	_ =	shalt  }
0x41: {  	_ =	shalt  }
0x42: {  	_ =	shalt  }
0x43: {  	_ =	shalt  }
0x44: {  	_ =	shalt  }
0x45: {  	_ =	shalt  }
0x46: {  	_ =	shalt  }
0x47: {  	_ =	shalt  }
0x48: {  	_ =	shalt  }
0x49: {  	_ =	shalt  }
0x4a: {  	_ =	shalt  }
0x4b: {  	_ =	shalt  }
0x4c: {  	_ =	shalt  }
0x4d: {  	_ =	shalt  }
0x4e: {  	_ =	shalt  }
0x4f: {  	_ =	shalt  }
0x50: {  	_ =	shalt  }
0x51: {  	_ =	shalt  }
0x52: {  	_ =	shalt  }
0x53: {  	_ =	shalt  }
0x54: {  	_ =	shalt  }
0x55: {  	_ =	shalt  }
0x56: {  	_ =	shalt  }
0x57: {  	_ =	shalt  }
0x58: {  	_ =	shalt  }
0x59: {  	_ =	shalt  }
0x5a: {  	_ =	shalt  }
0x5b: {  	_ =	shalt  }
0x5c: {  	_ =	shalt  }
0x5d: {  	_ =	shalt  }
0x5e: {  	_ =	shalt  }
0x5f: {  	_ =	shalt  }
0x60: {  	_ =	shalt  }
0x61: {  	_ =	shalt  }
0x62: {  	_ =	shalt  }
0x63: {  	_ =	shalt  }
0x64: {  	_ =	shalt  }
0x65: {  	_ =	shalt  }
0x66: {  	_ =	shalt  }
0x67: {  	_ =	shalt  }
0x68: {  	_ =	shalt  }
0x69: {  	_ =	shalt  }
0x6a: {  	_ =	shalt  }
0x6b: {  	_ =	shalt  }
0x6c: {  	_ =	shalt  }
0x6d: {  	_ =	shalt  }
0x6e: {  	_ =	shalt  }
0x6f: {  	_ =	shalt  }
0x70: {  	_ =	shalt  }
0x71: {  	_ =	shalt  }
0x72: {  	_ =	shalt  }
0x73: {  	_ =	shalt  }
0x74: {  	_ =	shalt  }
0x75: {  	_ =	shalt  }
0x76: {  	_ =	shalt  }
0x77: {  	_ =	shalt  }
0x78: {  	_ =	shalt  }
0x79: {  	_ =	shalt  }
0x7a: {  	_ =	shalt  }
0x7b: {  	_ =	shalt  }
0x7c: {  	_ =	shalt  }
0x7d: {  	_ =	shalt  }
0x7e: {  	_ =	shalt  }
0x7f: {  	_ =	shalt  }
0x80: {  	_ =	shalt  }
0x81: {  	_ =	shalt  }
0x82: {  	_ =	shalt  }
0x83: {  	_ =	shalt  }
0x84: {  	_ =	shalt  }
0x85: {  	_ =	shalt  }
0x86: {  	_ =	shalt  }
0x87: {  	_ =	shalt  }
.Lfunc_end0:
.L_simem_size_0:
called_computation_lowered:
.L_overlay_start_0:
0x88: {  	s2 =	sld [smem:$0x3FD9]  }
0x89: {  	s3 =	sld [smem:$0x3FFE];
	_ =	sdelay $0x1  }
0x8a: {  	s1 =	srdreg.scid  }
0x8b: {  	s0 =	sand.u32 $0x1, s1  }
0x8c: {  	s17 =	sshll.u32 s0, $0xA;
	s2 =	sadd.s32 s3, s2  }
0x8d: {  	s2 =	sadd.s32 s2, s17  }
0x8e: {  	[smem:$0x3FBD] =	sst s2  }
0x8f: {  	_ = 	snop  }
0x90: {  	s4 =	sld [smem:$0x3FC8]  }
0x91: {  	s18 =	sld [smem:$0x3FD0];
	(tm) =	ssettm $0x1  }
0x92: {  	s19 =	sld [smem:$0x3FFB];
	_ =	sdelay $0x3  }
0x93: {  	_ =	strace s19  }
0x94: {  	s2 =	sld [smem:$0x3FFC];
	_ =	sdelay $0x3  }
0x95: {  	_ =	strace s2  }
0x96: {  	s2 =	sld [smem:$0x3FFD];
	_ =	sdelay $0x3  }
0x97: {  	_ =	strace s2  }
0x98: {  	_ =	strace $0x8FFFFFFF  }
0x99: {  	s20 =	sld [smem:$0x3FDB];
	_ =	sdelay $0x1  }
0x9a: {  	s5 =	simm.s32 $_scs_section_size  }
0x9b: {  	s6 =	simm.s32 $_size__tile_overlayer_lowered;
	s7 =	simm.s32 $_tile_overlayer_lowered  }
0x9c: {  	s8 =	simm.s32 $0x1BFF;
	s21 =	sshll.u32 s7, $0x1;
	s5 =	sadd.s32 s5, s20  }
0x9d: {  	s22 =	simm.s32 $0x0;
	s6 =	sshll.u32 s6, $0x1;
	s7 =	sadd.s32 s21, s5  }
0x9e: {  	[timem:s22], [sflag:s8] =	dma.local [hbm:s7], s6  }
0x9f: {  	_ =	swait.ge [sflag:s8], s6  }
0xa0: {  	s6 =	ssub.s32 $0x0, s6;
	[sflag:s8] =	ssyncset.done $0x0  }
0xa1: {  	[sflag:s8] =	ssyncadd.s32 s6;
	_ =	sdelay $0x1  }
0xa2: {  	s23 =	simm.s32 $0x1B8B  }
0xa3: {  	_ =	swait.ge [sflag:s23], $0x1  }
0xa4: {  	[sflag:s23] =	ssyncset.done $0x0  }
0xa5: {  	[sflag:s23] =	ssyncadd.s32 $0xFFFFFFFF  }
0xa6: {  	s6 =	sld [smem:$0x0]  }
0xa7: {  	s7 =	sand.u32 $0xFFFFFFFE, s1  }
0xa8: {  	p0 =	sne.s32 s1, s7  }
0xa9: {  	s7 =	sshll.u32 @p0 s7, $0xE  }
0xaa: {  	s7 =	sadd.s32 @p0 $0x11B8D, s7;
	s8 =	sshll.u32 @p0 s6, $0x11  }
0xab: {  	s7 =	sor.u32 @p0 s8, s7  }
0xac: {  	[sflag:s7] =	ssyncadd.remote.s32 @p0 $0x1;
	_ =	sdelay $0x1  }
0xad: {  	s7 =	simm.s32 @p0 $0x1B8D  }
0xae: {  	_ =	swait.eq @p0 [sflag:s7], $0x1  }
0xaf: {  	[sflag:s7] =	ssyncadd.s32 @p0 $0xFFFFFFFF  }
0xb0: {  	s8 =	sshll.u32 @!p0 s1, $0xE  }
0xb1: {  	s8 =	sor.u32 @!p0 $0x4000, s8;
	s7 =	simm.s32 @!p0 $0x1B8D  }
0xb2: {  	s6 =	sshll.u32 @!p0 s6, $0x11;
	s8 =	sadd.s32 @!p0 $0x11B8D, s8;
	_ =	swait.eq @!p0 [sflag:s7], $0x1  }
0xb3: {  	s6 =	sor.u32 @!p0 s6, s8;
	[sflag:s7] =	ssyncadd.s32 @!p0 $0xFFFFFFFF  }
0xb4: {  	s25 =	simm.s32 $0x1B8E;
	s24 =	sld [smem:$0x3FFE];
	[sflag:s6] =	ssyncadd.remote.s32 @!p0 $0x1  }
0xb5: {  	s26 =	simm.s32 $execute0_lowered;
	[smem:$0x3FD2] =	sst s25  }
0xb6: {  	s7 =	sshll.u32 s26, $0x1;
	_ =	strace $0x80000049;
	[dreg:$0x1] =	wrdreg $0xFFFFFFFF  }
0xb7: {  	s28 =	simm.s32 $_size_execute0_lowered;
	s5 =	sadd.s32 s5, s7;
	[dreg:$0x0] =	wrdreg $0x0  }
0xb8: {  	s7 =	sshll.u32 s28, $0x1;
	[dreg:$0x2] =	wrdreg s5  }
0xb9: {  	[dreg:$0x3] =	wrdreg s7  }
0xba: {  	[dreg:$0x4] =	wrdreg $0xC0  }
0xbb: {  	_ =	task [dreg:s22], $0x5FFFF  }
0xbc: {  	[dreg:$0x1] =	wrdreg $0xFFFFFFFF  }
0xbd: {  	[dreg:$0x0] =	wrdreg $0x60  }
0xbe: {  	[dreg:$0x2] =	wrdreg s4  }
0xbf: {  	[dreg:$0x3] =	wrdreg s24  }
0xc0: {  	[dreg:$0x4] =	wrdreg s18  }
0xc1: {  	[dreg:$0x5] =	wrdreg $0xED000  }
0xc2: {  	[dreg:$0x6] =	wrdreg $0x18D000  }
0xc3: {  	[dreg:$0x7] =	wrdreg $0xA  }
0xc4: {  	_ =	task.clear_ibuf [dreg:s22], $0x8FFFF;
	_ =	strace $0x90000049  }
0xc5: {  	s29 =	simm.s32 $0xA;
	_ =	strace $0x8000004B  }
0xc6: {  	_ =	swait.ge [sflag:s29], $0x1  }
0xc7: {  	[sflag:s29] =	ssyncadd.s32 $0xFFFFFFFF  }
0xc8: {  	_ =	strace $0x9000004B  }
0xc9: {  	_ =	sfence  }
0xca: {  	s30 =	sld [smem:$0x0];
	_ =	sdelay $0x2  }
0xcb: {  	s31 =	sshll.u32 s1, $0xD;
	s1 =	sshrl.u32 s1, $0x2  }
0xcc: {  	s4 =	sand.u32 $0x4000, s31;
	s1 =	sadd.s32 s1, s30  }
0xcd: {  	s0 =	sor.u32 s4, s0;
	s1 =	sshll.u32 s1, $0x11  }
0xce: {  	s0 =	sor.u32 s1, s0  }
0xcf: {  	s0 =	sadd.s32 $0x8F2B, s0  }
0xd0: {  	[sflag:s0] =	ssyncadd.remote.s32 $0x1  }
0xd1: {  	_ =	sfence.sel $0xFFFF  }
0xd2: {  	[dreg:$0x0] =	wrdreg $0xFFFFFFFF;
	(pc) =	sbr.abs _section_cstart, $3  }
0xd3: {  	[dreg:$0x1] =	wrdreg $0xFFFFFFFF  }
0xd4: {  	_ =	task.clear_ibuf [dreg:s22], $0x2FFFF;
	_ =	strace $0x9FFFFFFF  }
0xd5: {  	(tm) =	ssettm $0x7FFFFFFF  }
tec
execute0_lowered:
.L_overlay_start_1:
0x0: {  	(tag) =	ssettag $0x1  }
0x1: {  	s1 =	rddreg [dreg:$0x0]  }
0x2: {  	s0 =	rddreg [dreg:$0x1]  }
0x3: {  	s3 =	rddreg [dreg:$0x2]  }
0x4: {  	s2 =	rddreg [dreg:$0x3]  }
0x5: {  	s10 =	stileid.u32;
	s5 =	srdreg.scid  }
0x6: {  	s4 =	rddreg [dreg:$0x4];
	s7 =	smul.u32 $0x9D0, s10  }
0x7: {  	s6 =	simm.s32 $0x0;
	s28 =	simm.s32 $0x9D00;
	s8 =	smul.u32 $0xA000, s10  }
0x8: {  	s29 =	simm.s32 $0x1;
	s5 =	sand.u32 $0x1, s5;
	s13 =	smul.u32 $0x280, s10  }
0x9: {  	s30 =	simm.s32 $0x3;
	[smem:$0x7FF] =	sst s6;
	s9 =	smul.u32 $0xA0000, s5  }
0xa: {  	_ =	strace $0x8000004A;
	s17 =	ssub.s32 $0x2, s5;
	s18 =	sadd.s32 s7, s0  }
0xb: {  	s19 =	sshrl.u32 s17, $0x1;
	s20 =	sadd.s32 $0x80, s13;
	s25 =	sadd.s32 $0x100, s13  }
0xc: {  	s15 =	sadd.s32 $0x180, s13;
	s16 =	sadd.s32 s8, s9;
	s21 =	ssub.s32 s17, s19  }
0xd: {  	s22 =	sshll.u32 s20, $0x6;
	s11 =	sshll.u32 s20, $0x4;
	s12 =	sshll.u32 s25, $0x6  }
0xe: {  	s14 =	sshll.u32 s25, $0x4;
	s26 =	sshll.u32 s15, $0x6;
	s15 =	sshll.u32 s15, $0x4  }
0xf: {  	s17 =	sadd.s32 $0x200, s13;
	s19 =	smul.u32 $0x28000, s5;
	s7 =	sshrl.u32 s16, $0x3  }
0x10: {  	s16 =	smul.u32 $0x2800, s10;
	s23 =	sadd.s32 s22, s2;
	s24 =	sadd.s32 s11, s4  }
0x11: {  	s11 =	sadd.s32 s12, s2;
	s12 =	sadd.s32 s14, s4;
	s13 =	sadd.s32 s26, s2  }
0x12: {  	s14 =	sadd.s32 s15, s4;
	s31 =	sshll.u32 s17, $0x6;
	s17 =	sshll.u32 s17, $0x4  }
0x13: {  	s21 =	smax.u32 s21, $0x1;
	s22 =	simm.s32 $0xBD00;
	s26 =	simm.s32 $0x80  }
0x14: {  	s0 =	sadd.s32 s7, s0;
	s7 =	sadd.s32 s8, s2;
	[dreg:$0x6] =	wrdreg s23  }
0x15: {  	[dreg:$0x7] =	wrdreg s24;
	s15 =	sadd.s32 s31, s2;
	s23 =	simm.s32 $0x2  }
0x16: {  	s24 =	simm.s32 $0xE500;
	s8 =	sadd.s32 s16, s4;
	s19 =	sadd.s32 s16, s19  }
0x17: {  	s16 =	sadd.s32 s17, s4;
	s17 =	sadd.s32 $0x78C00, s18;
	s20 =	sshrl.u32 s19, $0x3  }
0x18: {  	v1 =	vimm.f32 $0.0e+00;
	v2 =	vimm.f32 $1.000000000e+00;
	v0 =	vmov s5;
	s18 =	sadd.s32 $0x6EE00, s18;
	s19 =	sadd.s32 $0x82A00, s0;
	s20 =	sadd.s32 s3, s20  }
.LBB2_1:
0x19: {  	s0 =	simm.s32 $0xBD20  }
0x1a: {  	[tilespmem:s0+$0xFFFFFFE0] =	vst v1  }
0x1b: {  	[tilespmem:s0+$0x10] =	vst v1  }
0x1c: {  	[tilespmem:s0+$0x0] =	vst v1  }
0x1d: {  	s3 =	simm.s32 $0x40;
	s25 =	simm.s32 $0x0;
	[tilespmem:s0+$0xFFFFFFF0] =	vst v1  }
.LBB2_2:
0x1e: {  	p0 =	sne.s32 s3, $0x1FC0  }
0x1f: {  	[tilespmem:s25+$0xE500] =	vst v1;
	s0 =	sadd.s32 $0x40, s0;
	s31 =	smov.u32 s3;
	s3 =	sadd.s32 $0x40, s3  }
.Ltmp0:
0x20: {  	[tilespmem:s25+$0xDD00] =	vst v2;
	(pc) =	sbr.rel @p0 .LBB2_2-.Ltmp0, $4  }
0x21: {  	[tilespmem:s0+$0xFFFFFFE0] =	vst v1  }
0x22: {  	[tilespmem:s0+$0x10] =	vst v1  }
0x23: {  	[tilespmem:s0+$0x0] =	vst v1  }
0x24: {  	s25 =	sshra.s32 s31, $0x2;
	[tilespmem:s0+$0xFFFFFFF0] =	vst v1  }
0x25: {  	[tilespmem:s25+$0xE500] =	vst v1  }
0x26: {  	[tilespmem:s25+$0xDD00] =	vst v2  }
0x27: {  	[spmem:s7] =	stream.linear.scatter [tilespmem:s22], [sflag:$0x2], $0x2000, $0x38;
	[tilespmem:$0x1B500] =	vst v63  }
0x28: {  	_ =	swait.ge [sflag:s23], $0x2000  }
0x29: {  	[sflag:s23] =	ssyncset.done $0x0  }
0x2a: {  	[sflag:s23] =	ssyncadd.s32 $0xFFFFE000  }
0x2b: {  	[spmem:s8] =	stream.linear.scatter [tilespmem:s24], [sflag:$0x2], $0x800, $0x38;
	[tilespmem:$0x1B500] =	vst v63  }
0x2c: {  	_ =	swait.ge [sflag:s23], $0x800  }
0x2d: {  	[sflag:s23] =	ssyncset.done $0x0  }
0x2e: {  	s0 =	rddreg [dreg:$0x6];
	[sflag:s23] =	ssyncadd.s32 $0xFFFFF800  }
0x2f: {  	[spmem:s0] =	stream.linear.scatter [tilespmem:s22], [sflag:$0x2], $0x2000, $0x38;
	[tilespmem:$0x1B500] =	vst v63  }
0x30: {  	_ =	swait.ge [sflag:s23], $0x2000  }
0x31: {  	[sflag:s23] =	ssyncset.done $0x0  }
0x32: {  	s10 =	rddreg [dreg:$0x7];
	[sflag:s23] =	ssyncadd.s32 $0xFFFFE000  }
0x33: {  	[spmem:s10] =	stream.linear.scatter [tilespmem:s24], [sflag:$0x2], $0x800, $0x38;
	[tilespmem:$0x1B500] =	vst v63  }
0x34: {  	_ =	swait.ge [sflag:s23], $0x800  }
0x35: {  	[sflag:s23] =	ssyncset.done $0x0  }
0x36: {  	[sflag:s23] =	ssyncadd.s32 $0xFFFFF800  }
0x37: {  	[spmem:s11] =	stream.linear.scatter [tilespmem:s22], [sflag:$0x2], $0x2000, $0x38;
	[tilespmem:$0x1B500] =	vst v63  }
0x38: {  	_ =	swait.ge [sflag:s23], $0x2000  }
0x39: {  	[sflag:s23] =	ssyncset.done $0x0  }
0x3a: {  	[sflag:s23] =	ssyncadd.s32 $0xFFFFE000  }
0x3b: {  	[spmem:s12] =	stream.linear.scatter [tilespmem:s24], [sflag:$0x2], $0x800, $0x38;
	[tilespmem:$0x1B500] =	vst v63  }
0x3c: {  	_ =	swait.ge [sflag:s23], $0x800  }
0x3d: {  	[sflag:s23] =	ssyncset.done $0x0  }
0x3e: {  	[sflag:s23] =	ssyncadd.s32 $0xFFFFF800  }
0x3f: {  	[spmem:s13] =	stream.linear.scatter [tilespmem:s22], [sflag:$0x2], $0x2000, $0x38;
	[tilespmem:$0x1B500] =	vst v63  }
0x40: {  	_ =	swait.ge [sflag:s23], $0x2000  }
0x41: {  	[sflag:s23] =	ssyncset.done $0x0  }
0x42: {  	[sflag:s23] =	ssyncadd.s32 $0xFFFFE000  }
0x43: {  	[spmem:s14] =	stream.linear.scatter [tilespmem:s24], [sflag:$0x2], $0x800, $0x38;
	[tilespmem:$0x1B500] =	vst v63  }
0x44: {  	_ =	swait.ge [sflag:s23], $0x800  }
0x45: {  	[sflag:s23] =	ssyncset.done $0x0  }
0x46: {  	[sflag:s23] =	ssyncadd.s32 $0xFFFFF800  }
0x47: {  	[spmem:s15] =	stream.linear.scatter [tilespmem:s22], [sflag:$0x2], $0x2000, $0x38;
	[tilespmem:$0x1B500] =	vst v63  }
0x48: {  	_ =	swait.ge [sflag:s23], $0x2000  }
0x49: {  	[sflag:s23] =	ssyncset.done $0x0  }
0x4a: {  	[sflag:s23] =	ssyncadd.s32 $0xFFFFE000  }
0x4b: {  	[spmem:s16] =	stream.linear.scatter [tilespmem:s24], [sflag:$0x2], $0x800, $0x38;
	[tilespmem:$0x1B500] =	vst v63  }
0x4c: {  	_ =	swait.ge [sflag:s23], $0x800  }
0x4d: {  	[sflag:s23] =	ssyncset.done $0x0  }
0x4e: {  	[sflag:s23] =	ssyncadd.s32 $0xFFFFF800  }
0x4f: {  	s31 =	simm.s32 $0x0;
	[bflag:$0x0] =	sbarrier.arrive $0xFFFF  }
0x50: {  	[tilespmem:s31], [sflag:$0x2] =	stream.linear.gather [hbm4b:s17+s31], $0x4E80, $0x38;
	[tilespmem:$0x1B500] =	vst v63  }
0x51: {  	_ =	swait.ge [sflag:s23], $0x4E80  }
0x52: {  	[sflag:s23] =	ssyncset.done $0x0  }
0x53: {  	s25 =	simm.s32 $0x4E80;
	[sflag:s23] =	ssyncadd.s32 $0xFFFFB180  }
0x54: {  	[tilespmem:s25], [sflag:$0x2] =	stream.linear.gather [hbm4b:s18+s31], $0x4E80, $0x38;
	[tilespmem:$0x1B500] =	vst v63  }
0x55: {  	_ =	swait.ge [sflag:s23], $0x4E80  }
0x56: {  	[sflag:s23] =	ssyncset.done $0x0  }
0x57: {  	s3 =	simm.s32 $0x0;
	[sflag:s23] =	ssyncadd.s32 $0xFFFFB180  }
0x58: {  	v4 =	vld [tilespmem:s3+$0x0]  }
0x59: {  	v5 =	vld [tilespmem:s3+$0x10]  }
0x5a: {  	v7 =	vld [tilespmem:s3+$0x20]  }
0x5b: {  	v6 =	vld [tilespmem:s3+$0x30]  }
0x5c: {  	v3 =	vld [tilespmem:s3+$0x40]  }
0x5d: {  	v8 =	vshll.u32 v4, $0x1;
	v4 =	vld [tilespmem:s3+$0x50]  }
0x5e: {  	s0 =	simm.s32 $0x200;
	v9 =	vshll.u32 v5, $0x1;
	v5 =	vld [tilespmem:s3+$0x60];
	v8 =	vor.u32 v0, v8  }
.LBB2_4:
0x5f: {  	s25 =	sshra.s32 s0, $0x2;
	p0 =	sne.s32 s0, $0x13800;
	[tilespmem:s3+$0x0] =	vst v8;
	v8 =	vor.u32 v0, v9;
	v7 =	vshll.u32 v7, $0x1;
	v9 =	vld [tilespmem:s3+$0x70]  }
0x60: {  	v10 =	vld [tilespmem:s25+$0x0];
	[tilespmem:s3+$0x10] =	vst v8;
	v7 =	vor.u32 v0, v7;
	v6 =	vshll.u32 v6, $0x1  }
0x61: {  	v11 =	vld [tilespmem:s25+$0x10];
	[tilespmem:s3+$0x20] =	vst v7;
	v6 =	vor.u32 v0, v6;
	v3 =	vshll.u32 v3, $0x1  }
.Ltmp1:
0x62: {  	v7 =	vld [tilespmem:s25+$0x20];
	[tilespmem:s3+$0x30] =	vst v6;
	v3 =	vor.u32 v0, v3;
	v4 =	vshll.u32 v4, $0x1;
	(pc) =	sbr.rel @p0 .LBB2_4-.Ltmp1, $4  }
0x63: {  	v6 =	vld [tilespmem:s25+$0x30];
	[tilespmem:s3+$0x40] =	vst v3;
	v4 =	vor.u32 v0, v4;
	v5 =	vshll.u32 v5, $0x1  }
0x64: {  	v3 =	vld [tilespmem:s25+$0x40];
	[tilespmem:s3+$0x50] =	vst v4;
	v5 =	vor.u32 v0, v5;
	v8 =	vshll.u32 v9, $0x1  }
0x65: {  	v9 =	vshll.u32 v10, $0x1;
	v4 =	vld [tilespmem:s25+$0x50];
	[tilespmem:s3+$0x60] =	vst v5;
	v10 =	vor.u32 v0, v8  }
0x66: {  	s0 =	sadd.s32 $0x200, s0;
	v8 =	vor.u32 v0, v9;
	v9 =	vshll.u32 v11, $0x1;
	v5 =	vld [tilespmem:s25+$0x60];
	[tilespmem:s3+$0x70] =	vst v10;
	s3 =	smov.u32 s25  }
0x67: {  	[tilespmem:s3+$0x0] =	vst v8;
	v60 =	vor.u32 v0, v9;
	v7 =	vshll.u32 v7, $0x1;
	v61 =	vld [tilespmem:s3+$0x70]  }
0x68: {  	[tilespmem:s3+$0x10] =	vst v60;
	v7 =	vor.u32 v0, v7;
	v6 =	vshll.u32 v6, $0x1  }
0x69: {  	[tilespmem:s3+$0x20] =	vst v7;
	v6 =	vor.u32 v0, v6;
	v3 =	vshll.u32 v3, $0x1  }
0x6a: {  	[tilespmem:s3+$0x30] =	vst v6;
	v3 =	vor.u32 v0, v3;
	v4 =	vshll.u32 v4, $0x1  }
0x6b: {  	[tilespmem:s3+$0x40] =	vst v3;
	v3 =	vor.u32 v0, v4;
	v62 =	vshll.u32 v5, $0x1  }
0x6c: {  	[tilespmem:s3+$0x50] =	vst v3;
	v3 =	vor.u32 v0, v62;
	v63 =	vshll.u32 v61, $0x1  }
0x6d: {  	[tilespmem:s3+$0x60] =	vst v3;
	v3 =	vor.u32 v0, v63  }
0x6e: {  	[tilespmem:s3+$0x70] =	vst v3  }
0x6f: {  	[tilespmem:s28], [sflag:$0x1] =	stream.indirect.gather [hbm4b:s1+s26], $0x40, s31, s26, $0xb8;
	[tilespmem:$0x1B500] =	vst v63  }
0x70: {  	_ =	swait.ge [sflag:s29], $0x2000  }
0x71: {  	[sflag:s29] =	ssyncset.done $0x0  }
0x72: {  	s0 =	simm.s32 $0x4E80;
	[sflag:s29] =	ssyncadd.s32 $0xFFFFE000  }
0x73: {  	[spmem:s2] =	stream.indirect.scatter.add.f32 [tilespmem:s28], [sflag:$0x3], $0x40, s0, s26, $0xb8;
	[tilespmem:$0x1B500] =	vst v63  }
0x74: {  	s25 =	sand.u32 $0x1, s31;
	_ =	swait.ge [sflag:s30], $0x2000  }
0x75: {  	p0 =	sne.s32 s5, s25;
	[sflag:s30] =	ssyncset.done $0x0  }
0x76: {  	s25 =	simm.s32 @!p0 $0xDD00;
	s3 =	simm.s32 @!p0 $0x80;
	[sflag:s30] =	ssyncadd.s32 $0xFFFFE000  }
0x77: {  	[spmem:s4] =	stream.indirect.scatter.add.f32 @!p0 [tilespmem:s25], [sflag:$0x2], $0x10, s0, s3, $0xb8;
	[tilespmem:$0x1B500] =	vst v63  }
0x78: {  	s25 =	simm.s32 @!p0 $0x2  }
0x79: {  	s0 =	simm.s32 $0x1;
	s3 =	simm.s32 $0x4F00;
	_ =	swait.ge @!p0 [sflag:s25], $0x800  }
.LBB2_6:
0x7a: {  	[sflag:s25] =	ssyncset.done @!p0 $0x0  }
0x7b: {  	s31 =	sadd.s32 $0x80, s31;
	s9 =	smov.u32 s0;
	s0 =	sadd.s32 $0x1, s0  }
0x7c: {  	p1 =	sne.s32 s0, $0x9D;
	[sflag:s25] =	ssyncadd.s32 @!p0 $0xFFFFF800  }
0x7d: {  	[tilespmem:s28], [sflag:$0x1] =	stream.indirect.gather [hbm4b:s1+s26], $0x40, s31, s26, $0xb8;
	[tilespmem:$0x1B500] =	vst v63  }
0x7e: {  	_ =	swait.ge [sflag:s29], $0x2000  }
0x7f: {  	[sflag:s29] =	ssyncset.done $0x0  }
0x80: {  	s9 =	sand.u32 $0x1, s9;
	[sflag:s29] =	ssyncadd.s32 $0xFFFFE000  }
0x81: {  	[spmem:s2] =	stream.indirect.scatter.add.f32 [tilespmem:s28], [sflag:$0x3], $0x40, s3, s26, $0xb8;
	[tilespmem:$0x1B500] =	vst v63  }
.Ltmp2:
0x82: {  	p0 =	sne.s32 s5, s9;
	_ =	swait.ge [sflag:s30], $0x2000;
	(pc) =	sbr.rel @p1 .LBB2_6-.Ltmp2, $4  }
0x83: {  	s9 =	simm.s32 @!p0 $0x80;
	s10 =	simm.s32 @!p0 $0xDD00;
	[sflag:s30] =	ssyncset.done $0x0  }
0x84: {  	s25 =	simm.s32 @!p0 $0x2;
	[sflag:s30] =	ssyncadd.s32 $0xFFFFE000  }
0x85: {  	[spmem:s4] =	stream.indirect.scatter.add.f32 @!p0 [tilespmem:s10], [sflag:$0x2], $0x10, s3, s9, $0xb8;
	[tilespmem:$0x1B500] =	vst v63  }
0x86: {  	s3 =	sadd.s32 $0x80, s3;
	_ =	swait.ge @!p0 [sflag:s25], $0x800  }
0x87: {  	[sflag:s25] =	ssyncset.done @!p0 $0x0;
	s0 =	stileid.u32  }
0x88: {  	[sflag:s25] =	ssyncadd.s32 @!p0 $0xFFFFF800;
	s0 =	sshll.u32 s0, $0x6  }
0x89: {  	s3 =	sshrl.u32 s7, $0x3;
	[bflag:$0x0] =	sbarrier.arrive $0xFFFF;
	s0 =	sor.u32 $0x1C02, s0  }
0x8a: {  	[hbm:s19], [sflag:s0] =	dma.local [spmem:s3], $0x1400  }
0x8b: {  	s6 =	sadd.s32 $0x1, s6;
	_ =	swait.ge [sflag:s23], $0x1400  }
0x8c: {  	p0 =	sne.s32 s6, s21;
	[sflag:s23] =	ssyncset.done $0x0  }
.Ltmp3:
0x8d: {  	s31 =	sshrl.u32 s8, $0x3;
	[sflag:s23] =	ssyncadd.s32 $0xFFFFEC00;
	(pc) =	sbr.rel @p0 .LBB2_1-.Ltmp3, $4  }
0x8e: {  	[hbm:s20], [sflag:s0] =	dma.local [spmem:s31], $0x500  }
0x8f: {  	_ =	swait.ge [sflag:s23], $0x500  }
0x90: {  	[sflag:s23] =	ssyncset.done $0x0  }
0x91: {  	[sflag:s23] =	ssyncadd.s32 $0xFFFFFB00  }
0x92: {  	_ =	sfence.sel $0x180000  }
0x93: {  	[bflag:$0x0] =	sbarrier.arrive $0xFFFF  }
0x94: {  	_ =	strace $0x9000004A  }
0x95: {  	s0 =	stileid.u32;
	[bflag:$0x2] =	sbarrier.arrive $0xFFFF  }
0x96: {  	p0 =	sne.s32 s0, $0x0;
	s0 =	rddreg [dreg:$0x5]  }
0x97: {  	s0 =	sadd.s32 @!p0 $0x100000, s0  }
0x98: {  	[sflag:s0] =	ssyncadd.tile.s32 @!p0 $0x1;
	_ =	shalt  }
.Lfunc_end2:
_tile_overlayer_lowered:
.L_overlay_start_2:
0x99: {  	(tag) =	ssettag $0x2  }
0x9a: {  	s0 =	rddreg [dreg:$0x0];
	s2 =	stileid.u32  }
0x9b: {  	s1 =	rddreg [dreg:$0x1];
	p0 =	sne.s32 s2, $0x0  }
0x9c: {  	s3 =	rddreg [dreg:$0x2];
	[bflag:$0x3] =	sbarrier.arrive $0xFFFF;
	s2 =	simm.s32 @!p0 $0x1C02  }
0x9d: {  	[timem:s3], [sflag:s2] =	dma.local @!p0 [hbm:s0], s1  }
0x9e: {  	s0 =	simm.s32 @!p0 $0x2  }
0x9f: {  	_ =	swait.ge @!p0 [sflag:s0], s1  }
0xa0: {  	s1 =	ssub.s32 @!p0 $0x0, s1;
	[sflag:s0] =	ssyncset.done @!p0 $0x0  }
0xa1: {  	[sflag:s0] =	ssyncadd.s32 @!p0 s1  }
0xa2: {  	[bflag:$0x3] =	sbarrier.arrive $0xFFFF  }
0xa3: {  	_ =	shalt  }

</sc_bundles>
